<compile_context>
chip_gen: v7x
topology: tpu7x:2x2x1
jax: 0.10.2.dev20260603
libtpu: 0.0.44.dev20260713+nightly
codegen_flags: <defaults>
</compile_context>

<pallas_src>
import functools

import jax
import jax.numpy as jnp
from jax import lax
from jax.experimental import pallas as pl
from jax.experimental.pallas import tpu as pltpu
from jax.experimental.pallas import tpu_sc as plsc

N = 10000
E = 320000
NC = 2
NS = 16
NW = NC * NS
EPT = E // NW
CH = 80
NCH = EPT // CH
NIT = (NCH - 1) // 4
NPAD = 10112
SLAB = NPAD // NS

_mesh = plsc.VectorSubcoreMesh(core_axis_name="c", subcore_axis_name="s")


def _zero_vmem_2d(buf, rows, cols):
    z = jnp.zeros((16,), jnp.float32)

    def body(r, _):
        for cc in range(cols // 16):
            buf[r, pl.ds(cc * 16, 16)] = z
        return 0

    lax.fori_loop(0, rows, body, 0)


def _zero_slab(buf, accs, rbase, rows_total, rows_buf):
    nfull, rem = divmod(rows_total, rows_buf)
    for k in range(nfull):
        pltpu.sync_copy(buf, accs.at[pl.ds(rbase + rows_buf * k, rows_buf)])
    if rem:
        pltpu.sync_copy(buf.at[pl.ds(0, rem)],
                        accs.at[pl.ds(rbase + rows_buf * nfull, rem)])


@functools.partial(
    pl.kernel,
    out_type=jax.ShapeDtypeStruct((NC * NPAD,), jnp.float32),
    mesh=_mesh,
    scratch_types=[
        pltpu.VMEM((CH,), jnp.int32),
        pltpu.VMEM((CH,), jnp.int32),
        pltpu.VMEM((CH,), jnp.int32),
        pltpu.VMEM((CH,), jnp.int32),
        pltpu.VMEM((CH,), jnp.float32),
        pltpu.VMEM((NPAD,), jnp.float32),
        pltpu.VMEM((NS * SLAB,), jnp.float32),
        pltpu.VMEM((SLAB,), jnp.float32),
        pltpu.VMEM_SHARED((NS * NPAD,), jnp.float32),
        pltpu.SemaphoreType.DMA,
        pltpu.SemaphoreType.DMA,
        pltpu.SemaphoreType.DMA,
        pltpu.SemaphoreType.DMA,
    ],
    compiler_params=pltpu.CompilerParams(use_tc_tiling_on_sc=False,
                                         needs_layout_passes=False),
)
def _sc_deg(ei_hbm, deg_hbm,
            d0, d1, d2, d3, ones_v, degloc, mtmp, zslab, stage,
            sd0, sd1, sd2, sd3):
    di = [d0, d1, d2, d3]
    ds = [sd0, sd1, sd2, sd3]
    c = lax.axis_index("c")
    s = lax.axis_index("s")
    ebase = (c * NS + s) * EPT
    one = jnp.ones((16,), jnp.float32)
    z = jnp.zeros((16,), jnp.float32)
    for i in range(CH // 16):
        ones_v[pl.ds(i * 16, 16)] = one

    def zbody(i, _):
        degloc[pl.ds(i * 16, 16)] = z
        return 0

    lax.fori_loop(0, NPAD // 16, zbody, 0)

    def _stage_idx(j, k):
        pltpu.async_copy(ei_hbm.at[pl.ds(E + ebase + k * CH, CH)], di[j], ds[j])

    def _wait_idx(j):
        pltpu.make_async_copy(ei_hbm.at[pl.ds(E + ebase, CH)], di[j], ds[j]).wait()

    for j in range(4):
        _stage_idx(j, j)

    ones16 = jnp.ones((16,), jnp.float32)

    def _count(j):
        for i in range(CH // 16):
            idx16 = di[j][pl.ds(i * 16, 16)]
            plsc.addupdate_scatter(degloc, [idx16], ones16)

    def step(it, _):
        k0 = it * 4
        for j in range(4):
            k = k0 + j
            _wait_idx(j)
            _count(j)

            @pl.when(k + 4 <= NCH - 1)
            def _():
                _stage_idx(j, k + 4)
        return 0

    lax.fori_loop(0, NIT, step, 0)
    _wait_idx(0)
    _count(0)
    pltpu.sync_copy(degloc, stage.at[pl.ds(s * NPAD, NPAD)])
    plsc.subcore_barrier()
    for t in range(NS):
        pltpu.sync_copy(stage.at[pl.ds(t * NPAD + s * SLAB, SLAB)],
                        mtmp.at[pl.ds(t * SLAB, SLAB)])

    def merge(w, _):
        off = w * 16
        acc = mtmp[pl.ds(off, 16)]
        for t in range(1, NS):
            acc = acc + mtmp[pl.ds(t * SLAB + off, 16)]
        zslab[pl.ds(off, 16)] = acc
        return 0

    lax.fori_loop(0, SLAB // 16, merge, 0)
    off = SLAB - 16
    acc = mtmp[pl.ds(off, 16)]
    for t in range(1, NS):
        acc = acc + mtmp[pl.ds(t * SLAB + off, 16)]
    zslab[pl.ds(off, 16)] = acc
    pltpu.sync_copy(zslab, deg_hbm.at[pl.ds(c * NPAD + s * SLAB, SLAB)])


CHA = 128
NFULL = EPT // CHA
TAIL = EPT - NFULL * CHA


def _make_sc_agg(D):
    @functools.partial(
        pl.kernel,
        out_type=jax.ShapeDtypeStruct((NC, NPAD, D), jnp.float32),
        mesh=_mesh,
        scratch_types=[
            pltpu.VMEM((CHA,), jnp.int32),
            pltpu.VMEM((CHA,), jnp.int32),
            pltpu.VMEM((CHA,), jnp.int32),
            pltpu.VMEM((CHA,), jnp.int32),
            pltpu.VMEM((CHA,), jnp.int32),
            pltpu.VMEM((CHA,), jnp.int32),
            pltpu.VMEM((CHA,), jnp.int32),
            pltpu.VMEM((CHA,), jnp.int32),
            pltpu.VMEM((TAIL,), jnp.int32),
            pltpu.VMEM((TAIL,), jnp.int32),
            pltpu.VMEM((CHA, D), jnp.float32),
            pltpu.VMEM((CHA, D), jnp.float32),
            pltpu.VMEM_SHARED((NPAD, D), jnp.float32),
            pltpu.SemaphoreType.DMA,
            pltpu.SemaphoreType.DMA,
            pltpu.SemaphoreType.DMA,
            pltpu.SemaphoreType.DMA,
            pltpu.SemaphoreType.DMA,
            pltpu.SemaphoreType.DMA,
            pltpu.SemaphoreType.DMA,
            pltpu.SemaphoreType.DMA,
            pltpu.SemaphoreType.DMA,
            pltpu.SemaphoreType.DMA,
        ],
        compiler_params=pltpu.CompilerParams(use_tc_tiling_on_sc=False),
    )
    def _sc_agg(h_hbm, ei_hbm, acc_hbm,
                s0, s1, s2, s3, d0, d1, d2, d3, st, dt, b0, b1, accs,
                es0, es1, es2, es3, ds0, ds1, ds2, ds3, g0, g1):
        si = [s0, s1, s2, s3]
        di = [d0, d1, d2, d3]
        bufs = [b0, b1]
        es = [es0, es1, es2, es3]
        ds = [ds0, ds1, ds2, ds3]
        gs = [g0, g1]
        c = lax.axis_index("c")
        s = lax.axis_index("s")
        ebase = (c * NS + s) * EPT
        _zero_vmem_2d(b0, CHA, D)
        rbase = s * SLAB
        _zero_slab(b0, accs, rbase, SLAB, CHA)
        plsc.subcore_barrier()

        def _stage_src(j, k):
            pltpu.async_copy(ei_hbm.at[pl.ds(ebase + k * CHA, CHA)], si[j], es[j])

        def _wait_src(j):
            pltpu.make_async_copy(ei_hbm.at[pl.ds(ebase, CHA)], si[j], es[j]).wait()

        def _stage_dst(j, k):
            pltpu.async_copy(ei_hbm.at[pl.ds(E + ebase + k * CHA, CHA)], di[j], ds[j])

        def _wait_dst(j):
            pltpu.make_async_copy(ei_hbm.at[pl.ds(E + ebase, CHA)], di[j], ds[j]).wait()

        for j in range(4):
            _stage_src(j, j)
            _stage_dst(j, j)
        _wait_src(0)
        pltpu.async_copy(h_hbm.at[s0], b0, g0)
        _wait_src(1)
        pltpu.async_copy(h_hbm.at[s1], b1, g1)

        def step(it, _):
            k0 = it * 4
            for j in range(4):
                k = k0 + j
                p = j % 2
                j2 = (j + 2) % 4
                pltpu.make_async_copy(h_hbm.at[si[j]], bufs[p], gs[p]).wait()
                _wait_dst(j)
                pltpu.sync_copy(bufs[p], accs.at[di[j]], add=True)

                @pl.when(k + 4 <= NFULL - 1)
                def _():
                    _stage_src(j, k + 4)
                    _stage_dst(j, k + 4)

                @pl.when(k + 2 <= NFULL - 1)
                def _():
                    _wait_src(j2)
                    pltpu.async_copy(h_hbm.at[si[j2]], bufs[p], gs[p])
            return 0

        lax.fori_loop(0, NFULL // 4, step, 0)
        for j in range(2):
            pltpu.make_async_copy(h_hbm.at[si[j]], bufs[j], gs[j]).wait()
            _wait_dst(j)
            pltpu.sync_copy(bufs[j], accs.at[di[j]], add=True)
        pltpu.sync_copy(ei_hbm.at[pl.ds(ebase + NFULL * CHA, TAIL)], st)
        pltpu.sync_copy(ei_hbm.at[pl.ds(E + ebase + NFULL * CHA, TAIL)], dt)
        pltpu.async_copy(h_hbm.at[st], b0.at[pl.ds(0, TAIL)], g0).wait()
        pltpu.sync_copy(b0.at[pl.ds(0, TAIL)], accs.at[dt], add=True)
        plsc.subcore_barrier()
        nfull, rem = divmod(SLAB, CHA)
        for k in range(nfull + (1 if rem else 0)):
            rows = CHA if k < nfull else rem
            pltpu.sync_copy(accs.at[pl.ds(rbase + CHA * k, rows)],
                            b0.at[pl.ds(0, rows)])
            pltpu.sync_copy(b0.at[pl.ds(0, rows)],
                            acc_hbm.at[c, pl.ds(rbase + CHA * k, rows)])

    return _sc_agg


_sc_agg128 = _make_sc_agg(128)
_sc_agg64 = _make_sc_agg(64)


def _tc_a1(x_ref, w_ref, u_ref):
    u_ref[...] = jnp.dot(x_ref[...], w_ref[...],
                         preferred_element_type=jnp.float32)


def _tc_a2(u_ref, deg_ref, h1p_ref, dis_ref):
    deg = deg_ref[0] + deg_ref[1] + 1.0
    dis = lax.rsqrt(deg)
    dis_ref[...] = dis
    h1p_ref[pl.ds(0, N)] = u_ref[...] * dis[:N]
    h1p_ref[pl.ds(N, NPAD - N)] = jnp.zeros((NPAD - N, 128), jnp.float32)


def _tc_b(acc_ref, h1p_ref, dis_ref, b1_ref, w2_ref, h2p_ref):
    dis = dis_ref[...]
    tot = acc_ref[0] + acc_ref[1] + h1p_ref[...]
    a1 = jnp.maximum(tot * dis + b1_ref[...], 0.0)
    h2p_ref[...] = jnp.dot(a1, w2_ref[...], preferred_element_type=jnp.float32) * dis


def _tc_c(acc_ref, h2p_ref, dis_ref, b2_ref, out_ref):
    tot = acc_ref[0, pl.ds(0, N)] + acc_ref[1, pl.ds(0, N)] + h2p_ref[pl.ds(0, N)]
    out_ref[...] = tot * dis_ref[pl.ds(0, N)] + b2_ref[...]


@jax.jit
def kernel(x, edge_index, W1, b1, W2, b2):
    ei = edge_index.astype(jnp.int32).reshape(2 * E)

    degf = _sc_deg(ei)

    u1 = pl.pallas_call(
        _tc_a1,
        out_shape=jax.ShapeDtypeStruct((N, 128), jnp.float32),
    )(x, W1)

    h1p, dis = pl.pallas_call(
        _tc_a2,
        out_shape=[
            jax.ShapeDtypeStruct((NPAD, 128), jnp.float32),
            jax.ShapeDtypeStruct((NPAD, 1), jnp.float32),
        ],
    )(u1, degf.reshape(NC, NPAD, 1))

    acc1 = _sc_agg128(h1p, ei)

    h2p = pl.pallas_call(
        _tc_b,
        out_shape=jax.ShapeDtypeStruct((NPAD, 64), jnp.float32),
    )(acc1, h1p, dis, b1.reshape(1, 128), W2)

    acc2 = _sc_agg64(h2p, ei)

    out = pl.pallas_call(
        _tc_c,
        out_shape=jax.ShapeDtypeStruct((N, 64), jnp.float32),
    )(acc2, h2p, dis, b2.reshape(1, 64))

    return out

# --- scband reference (transcript-rebuilt; emitter-appended) ---
"""Pipeline reference for scband-gcnmodel-78297253806422 (READ-ONLY COPY).

The authoritative reference and input builder live on the scoring server;
editing this copy changes nothing except your own understanding.
"""

import jax, jax.numpy as jnp
import numpy as np

N_NODES = 10000


def gcn_conv(x, edge_index, W, b):
    num_nodes = x.shape[0]
    src = edge_index[0]
    dst = edge_index[1]
    # add self loops (PyG GCNConv default)
    loop = jnp.arange(num_nodes, dtype=src.dtype)
    src = jnp.concatenate([src, loop])
    dst = jnp.concatenate([dst, loop])
    # linear transform first (matches PyG: lin then propagate)
    h = x @ W
    # symmetric normalization D^{-1/2} A D^{-1/2}
    ones = jnp.ones(src.shape[0], dtype=x.dtype)
    deg = jnp.zeros(num_nodes, dtype=x.dtype).at[dst].add(ones)
    deg_inv_sqrt = jnp.where(deg > 0, jax.lax.rsqrt(deg), 0.0)
    norm = deg_inv_sqrt[src] * deg_inv_sqrt[dst]
    # gather messages, scale, scatter-add to destinations
    msgs = h[src] * norm[:, None]
    out = jnp.zeros((num_nodes, W.shape[1]), dtype=x.dtype).at[dst].add(msgs)
    return out + b


def setup_inputs(seed: int = 0) -> dict:
    key = jax.random.key(seed)
    k1, k2, k3, k4, k5, k6 = jax.random.split(key, 6)
    x = jax.random.normal(k1, (N_NODES, 128), dtype=jnp.float32)
    edge_index = jax.random.randint(k2, (2, 320000), 0, N_NODES, dtype=jnp.int64)
    # conv1: 128 -> 128 (glorot-style scaling)
    W1 = jax.random.normal(k3, (128, 128), dtype=jnp.float32) * (1.0 / np.sqrt(128.0))
    b1 = jnp.zeros((128,), dtype=jnp.float32)
    # conv2: 128 -> 64
    W2 = jax.random.normal(k4, (128, 64), dtype=jnp.float32) * (1.0 / np.sqrt(128.0))
    b2 = jnp.zeros((64,), dtype=jnp.float32)
    return {"x": x, "edge_index": edge_index, "W1": W1, "b1": b1, "W2": W2, "b2": b2}


def reference(x, edge_index, W1, b1, W2, b2):
    h = gcn_conv(x, edge_index, W1, b1)
    h = jax.nn.relu(h)
    # dropout is identity in eval mode (self.training == False)
    out = gcn_conv(h, edge_index, W2, b2)
    return out

if __name__ == "__main__":
    import jax
    _d = setup_inputs()
    print(jax.jit(kernel)(*tuple(_d.values())))

</pallas_src>

<mosaic_0001>
#map = affine_map<(d0, d1) -> (0, 0)>
#map1 = affine_map<(d0, d1) -> (0)>
#map2 = affine_map<(d0, d1) -> (0, 0, 0)>
module attributes {stable_mosaic.version = 14 : i64} {
  func.func @_sc_agg(%arg0: i32, %arg1: i32, %arg2: memref<10112x128xf32, #tpu.memory_space<hbm>>, %arg3: memref<640000xi32, #tpu.memory_space<hbm>>, %arg4: memref<2x10112x128xf32, #tpu.memory_space<hbm>>, %arg5: memref<128xi32, #tpu.memory_space<vmem>>, %arg6: memref<128xi32, #tpu.memory_space<vmem>>, %arg7: memref<128xi32, #tpu.memory_space<vmem>>, %arg8: memref<128xi32, #tpu.memory_space<vmem>>, %arg9: memref<128xi32, #tpu.memory_space<vmem>>, %arg10: memref<128xi32, #tpu.memory_space<vmem>>, %arg11: memref<128xi32, #tpu.memory_space<vmem>>, %arg12: memref<128xi32, #tpu.memory_space<vmem>>, %arg13: memref<16xi32, #tpu.memory_space<vmem>>, %arg14: memref<16xi32, #tpu.memory_space<vmem>>, %arg15: memref<128x128xf32, #tpu.memory_space<vmem>>, %arg16: memref<128x128xf32, #tpu.memory_space<vmem>>, %arg17: memref<10112x128xf32, #tpu.memory_space<vmem_shared>>, %arg18: memref<!tpu.dma_semaphore, #tpu.memory_space<semaphore_mem>>, %arg19: memref<!tpu.dma_semaphore, #tpu.memory_space<semaphore_mem>>, %arg20: memref<!tpu.dma_semaphore, #tpu.memory_space<semaphore_mem>>, %arg21: memref<!tpu.dma_semaphore, #tpu.memory_space<semaphore_mem>>, %arg22: memref<!tpu.dma_semaphore, #tpu.memory_space<semaphore_mem>>, %arg23: memref<!tpu.dma_semaphore, #tpu.memory_space<semaphore_mem>>, %arg24: memref<!tpu.dma_semaphore, #tpu.memory_space<semaphore_mem>>, %arg25: memref<!tpu.dma_semaphore, #tpu.memory_space<semaphore_mem>>, %arg26: memref<!tpu.dma_semaphore, #tpu.memory_space<semaphore_mem>>, %arg27: memref<!tpu.dma_semaphore, #tpu.memory_space<semaphore_mem>>) attributes {dimension_semantics = [#tpu.dimension_semantics<core_parallel>, #tpu.dimension_semantics<subcore_parallel>], iteration_bounds = array<i64: 2, 16>, scalar_prefetch = 0 : i64, scratch_operands = 23 : i64, tpu.core_type = #tpu.core_type<sc_vector_subcore>, window_params = [{transform_indices = #map}, {transform_indices = #map1}, {transform_indices = #map2}]} {
    %mul3A = arith.constant 16 : i32
    %mul3A_0 = arith.muli %arg0, %mul3A : i32
    %add3A = arith.addi %mul3A_0, %arg1 : i32
    %mul3A_1 = arith.constant 10000 : i32
    %mul3A_2 = arith.muli %add3A, %mul3A_1 : i32
    %broadcast_in_dim3A = arith.constant 0.000000e+00 : f32
    %broadcast_in_dim3A_3 = vector.broadcast %broadcast_in_dim3A : f32 to vector<16xf32>
    %scan3A = arith.constant 0 : i32
    %scan3A_4 = arith.constant 0 : i32
    %scan3A_5 = arith.constant 128 : i32
    %scan3A_6 = arith.addi %scan3A_4, %scan3A_5 : i32
    %scan3A_7 = arith.constant 1 : i32
    %scan3A_8 = scf.for %scan3A_130 = %scan3A_4 to %scan3A_6 step %scan3A_7 iter_args(%scan3A_131 = %scan3A) -> (i32)  : i32 {
      %swap3A = arith.index_cast %scan3A_130 : i32 to index
      %swap3A_132 = arith.constant 0 : index
      %swap3A_133 = tpu.vector_load %arg15[%swap3A, %swap3A_132] {strides = array<i32>} : memref<128x128xf32, #tpu.memory_space<vmem>>, vector<1x16xf32>,
      %swap3A_134 = vector.shape_cast %swap3A_133 : vector<1x16xf32> to vector<16xf32>
      %swap3A_135 = vector.shape_cast %broadcast_in_dim3A_3 : vector<16xf32> to vector<1x16xf32>
      tpu.vector_store %arg15[%swap3A, %swap3A_132], %swap3A_135 {strides = array<i32>} : memref<128x128xf32, #tpu.memory_space<vmem>>, vector<1x16xf32>,
      %swap3A_136 = arith.index_cast %scan3A_130 : i32 to index
      %swap3A_137 = arith.constant 16 : index
      %swap3A_138 = tpu.vector_load %arg15[%swap3A_136, %swap3A_137] {strides = array<i32>} : memref<128x128xf32, #tpu.memory_space<vmem>>, vector<1x16xf32>,
      %swap3A_139 = vector.shape_cast %swap3A_138 : vector<1x16xf32> to vector<16xf32>
      %swap3A_140 = vector.shape_cast %broadcast_in_dim3A_3 : vector<16xf32> to vector<1x16xf32>
      tpu.vector_store %arg15[%swap3A_136, %swap3A_137], %swap3A_140 {strides = array<i32>} : memref<128x128xf32, #tpu.memory_space<vmem>>, vector<1x16xf32>,
      %swap3A_141 = arith.index_cast %scan3A_130 : i32 to index
      %swap3A_142 = arith.constant 32 : index
      %swap3A_143 = tpu.vector_load %arg15[%swap3A_141, %swap3A_142] {strides = array<i32>} : memref<128x128xf32, #tpu.memory_space<vmem>>, vector<1x16xf32>,
      %swap3A_144 = vector.shape_cast %swap3A_143 : vector<1x16xf32> to vector<16xf32>
      %swap3A_145 = vector.shape_cast %broadcast_in_dim3A_3 : vector<16xf32> to vector<1x16xf32>
      tpu.vector_store %arg15[%swap3A_141, %swap3A_142], %swap3A_145 {strides = array<i32>} : memref<128x128xf32, #tpu.memory_space<vmem>>, vector<1x16xf32>,
      %swap3A_146 = arith.index_cast %scan3A_130 : i32 to index
      %swap3A_147 = arith.constant 48 : index
      %swap3A_148 = tpu.vector_load %arg15[%swap3A_146, %swap3A_147] {strides = array<i32>} : memref<128x128xf32, #tpu.memory_space<vmem>>, vector<1x16xf32>,
      %swap3A_149 = vector.shape_cast %swap3A_148 : vector<1x16xf32> to vector<16xf32>
      %swap3A_150 = vector.shape_cast %broadcast_in_dim3A_3 : vector<16xf32> to vector<1x16xf32>
      tpu.vector_store %arg15[%swap3A_146, %swap3A_147], %swap3A_150 {strides = array<i32>} : memref<128x128xf32, #tpu.memory_space<vmem>>, vector<1x16xf32>,
      %swap3A_151 = arith.index_cast %scan3A_130 : i32 to index
      %swap3A_152 = arith.constant 64 : index
      %swap3A_153 = tpu.vector_load %arg15[%swap3A_151, %swap3A_152] {strides = array<i32>} : memref<128x128xf32, #tpu.memory_space<vmem>>, vector<1x16xf32>,
      %swap3A_154 = vector.shape_cast %swap3A_153 : vector<1x16xf32> to vector<16xf32>
      %swap3A_155 = vector.shape_cast %broadcast_in_dim3A_3 : vector<16xf32> to vector<1x16xf32>
      tpu.vector_store %arg15[%swap3A_151, %swap3A_152], %swap3A_155 {strides = array<i32>} : memref<128x128xf32, #tpu.memory_space<vmem>>, vector<1x16xf32>,
      %swap3A_156 = arith.index_cast %scan3A_130 : i32 to index
      %swap3A_157 = arith.constant 80 : index
      %swap3A_158 = tpu.vector_load %arg15[%swap3A_156, %swap3A_157] {strides = array<i32>} : memref<128x128xf32, #tpu.memory_space<vmem>>, vector<1x16xf32>,
      %swap3A_159 = vector.shape_cast %swap3A_158 : vector<1x16xf32> to vector<16xf32>
      %swap3A_160 = vector.shape_cast %broadcast_in_dim3A_3 : vector<16xf32> to vector<1x16xf32>
      tpu.vector_store %arg15[%swap3A_156, %swap3A_157], %swap3A_160 {strides = array<i32>} : memref<128x128xf32, #tpu.memory_space<vmem>>, vector<1x16xf32>,
      %swap3A_161 = arith.index_cast %scan3A_130 : i32 to index
      %swap3A_162 = arith.constant 96 : index
      %swap3A_163 = tpu.vector_load %arg15[%swap3A_161, %swap3A_162] {strides = array<i32>} : memref<128x128xf32, #tpu.memory_space<vmem>>, vector<1x16xf32>,
      %swap3A_164 = vector.shape_cast %swap3A_163 : vector<1x16xf32> to vector<16xf32>
      %swap3A_165 = vector.shape_cast %broadcast_in_dim3A_3 : vector<16xf32> to vector<1x16xf32>
      tpu.vector_store %arg15[%swap3A_161, %swap3A_162], %swap3A_165 {strides = array<i32>} : memref<128x128xf32, #tpu.memory_space<vmem>>, vector<1x16xf32>,
      %swap3A_166 = arith.index_cast %scan3A_130 : i32 to index
      %swap3A_167 = arith.constant 112 : index
      %swap3A_168 = tpu.vector_load %arg15[%swap3A_166, %swap3A_167] {strides = array<i32>} : memref<128x128xf32, #tpu.memory_space<vmem>>, vector<1x16xf32>,
      %swap3A_169 = vector.shape_cast %swap3A_168 : vector<1x16xf32> to vector<16xf32>
      %swap3A_170 = vector.shape_cast %broadcast_in_dim3A_3 : vector<16xf32> to vector<1x16xf32>
      tpu.vector_store %arg15[%swap3A_166, %swap3A_167], %swap3A_170 {strides = array<i32>} : memref<128x128xf32, #tpu.memory_space<vmem>>, vector<1x16xf32>,
      %scan3A_171 = arith.constant 0 : i32
      scf.yield %scan3A_171 : i32
    }
    %scan3A_9 = arith.constant 128 : i32
    %mul3A_10 = arith.constant 632 : i32
    %mul3A_11 = arith.muli %arg1, %mul3A_10 : i32
    %add3A_12 = arith.constant 0 : i32
    %add3A_13 = arith.addi %mul3A_11, %add3A_12 : i32
    "tpu.region"() ({
      %run_scoped3A = tpu.sem_alloc : memref<!tpu.dma_semaphore, #tpu.memory_space<semaphore_mem>>
      %dma_start3A_130 = arith.constant 0 : i32
      %dma_start3A_131 = tpu.memref_slice %arg17[%add3A_13, %dma_start3A_130] : memref<10112x128xf32, #tpu.memory_space<vmem_shared>> -> memref<128x128xf32, #tpu.memory_space<vmem_shared>>
      %dma_start3A_132 = arith.constant 0 : i32
      %dma_start3A_133 = tpu.memref_slice %arg17[%add3A_13, %dma_start3A_132] : memref<10112x128xf32, #tpu.memory_space<vmem_shared>> -> memref<128x128xf32, #tpu.memory_space<vmem_shared>>
      tpu.enqueue_dma source(%arg15 : memref<128x128xf32, #tpu.memory_space<vmem>>) target(%dma_start3A_133 : memref<128x128xf32, #tpu.memory_space<vmem_shared>>) target_semaphore(%run_scoped3A : memref<!tpu.dma_semaphore, #tpu.memory_space<semaphore_mem>>)
      %dma_wait3A_134 = arith.constant 0 : i32
      %dma_wait3A_135 = tpu.memref_slice %arg17[%add3A_13, %dma_wait3A_134] : memref<10112x128xf32, #tpu.memory_space<vmem_shared>> -> memref<128x128xf32, #tpu.memory_space<vmem_shared>>
      %dma_wait3A_136 = arith.constant 0 : i32
      %dma_wait3A_137 = tpu.memref_slice %arg17[%add3A_13, %dma_wait3A_136] : memref<10112x128xf32, #tpu.memory_space<vmem_shared>> -> memref<128x128xf32, #tpu.memory_space<vmem_shared>>
      tpu.wait_dma2 semaphore(%run_scoped3A : memref<!tpu.dma_semaphore, #tpu.memory_space<semaphore_mem>>) src(%arg15 : memref<128x128xf32, #tpu.memory_space<vmem>>) dst(%dma_wait3A_137 : memref<128x128xf32, #tpu.memory_space<vmem_shared>>)
      tpu.yield
    }) : () -> ()
    %add3A_14 = arith.constant 128 : i32
    %add3A_15 = arith.addi %mul3A_11, %add3A_14 : i32
    "tpu.region"() ({
      %run_scoped3A = tpu.sem_alloc : memref<!tpu.dma_semaphore, #tpu.memory_space<semaphore_mem>>
      %dma_start3A_130 = arith.constant 0 : i32
      %dma_start3A_131 = tpu.memref_slice %arg17[%add3A_15, %dma_start3A_130] : memref<10112x128xf32, #tpu.memory_space<vmem_shared>> -> memref<128x128xf32, #tpu.memory_space<vmem_shared>>
      %dma_start3A_132 = arith.constant 0 : i32
      %dma_start3A_133 = tpu.memref_slice %arg17[%add3A_15, %dma_start3A_132] : memref<10112x128xf32, #tpu.memory_space<vmem_shared>> -> memref<128x128xf32, #tpu.memory_space<vmem_shared>>
      tpu.enqueue_dma source(%arg15 : memref<128x128xf32, #tpu.memory_space<vmem>>) target(%dma_start3A_133 : memref<128x128xf32, #tpu.memory_space<vmem_shared>>) target_semaphore(%run_scoped3A : memref<!tpu.dma_semaphore, #tpu.memory_space<semaphore_mem>>)
      %dma_wait3A_134 = arith.constant 0 : i32
      %dma_wait3A_135 = tpu.memref_slice %arg17[%add3A_15, %dma_wait3A_134] : memref<10112x128xf32, #tpu.memory_space<vmem_shared>> -> memref<128x128xf32, #tpu.memory_space<vmem_shared>>
      %dma_wait3A_136 = arith.constant 0 : i32
      %dma_wait3A_137 = tpu.memref_slice %arg17[%add3A_15, %dma_wait3A_136] : memref<10112x128xf32, #tpu.memory_space<vmem_shared>> -> memref<128x128xf32, #tpu.memory_space<vmem_shared>>
      tpu.wait_dma2 semaphore(%run_scoped3A : memref<!tpu.dma_semaphore, #tpu.memory_space<semaphore_mem>>) src(%arg15 : memref<128x128xf32, #tpu.memory_space<vmem>>) dst(%dma_wait3A_137 : memref<128x128xf32, #tpu.memory_space<vmem_shared>>)
      tpu.yield
    }) : () -> ()
    %add3A_16 = arith.constant 256 : i32
    %add3A_17 = arith.addi %mul3A_11, %add3A_16 : i32
    "tpu.region"() ({
      %run_scoped3A = tpu.sem_alloc : memref<!tpu.dma_semaphore, #tpu.memory_space<semaphore_mem>>
      %dma_start3A_130 = arith.constant 0 : i32
      %dma_start3A_131 = tpu.memref_slice %arg17[%add3A_17, %dma_start3A_130] : memref<10112x128xf32, #tpu.memory_space<vmem_shared>> -> memref<128x128xf32, #tpu.memory_space<vmem_shared>>
      %dma_start3A_132 = arith.constant 0 : i32
      %dma_start3A_133 = tpu.memref_slice %arg17[%add3A_17, %dma_start3A_132] : memref<10112x128xf32, #tpu.memory_space<vmem_shared>> -> memref<128x128xf32, #tpu.memory_space<vmem_shared>>
      tpu.enqueue_dma source(%arg15 : memref<128x128xf32, #tpu.memory_space<vmem>>) target(%dma_start3A_133 : memref<128x128xf32, #tpu.memory_space<vmem_shared>>) target_semaphore(%run_scoped3A : memref<!tpu.dma_semaphore, #tpu.memory_space<semaphore_mem>>)
      %dma_wait3A_134 = arith.constant 0 : i32
      %dma_wait3A_135 = tpu.memref_slice %arg17[%add3A_17, %dma_wait3A_134] : memref<10112x128xf32, #tpu.memory_space<vmem_shared>> -> memref<128x128xf32, #tpu.memory_space<vmem_shared>>
      %dma_wait3A_136 = arith.constant 0 : i32
      %dma_wait3A_137 = tpu.memref_slice %arg17[%add3A_17, %dma_wait3A_136] : memref<10112x128xf32, #tpu.memory_space<vmem_shared>> -> memref<128x128xf32, #tpu.memory_space<vmem_shared>>
      tpu.wait_dma2 semaphore(%run_scoped3A : memref<!tpu.dma_semaphore, #tpu.memory_space<semaphore_mem>>) src(%arg15 : memref<128x128xf32, #tpu.memory_space<vmem>>) dst(%dma_wait3A_137 : memref<128x128xf32, #tpu.memory_space<vmem_shared>>)
      tpu.yield
    }) : () -> ()
    %add3A_18 = arith.constant 384 : i32
    %add3A_19 = arith.addi %mul3A_11, %add3A_18 : i32
    "tpu.region"() ({
      %run_scoped3A = tpu.sem_alloc : memref<!tpu.dma_semaphore, #tpu.memory_space<semaphore_mem>>
      %dma_start3A_130 = arith.constant 0 : i32
      %dma_start3A_131 = tpu.memref_slice %arg17[%add3A_19, %dma_start3A_130] : memref<10112x128xf32, #tpu.memory_space<vmem_shared>> -> memref<128x128xf32, #tpu.memory_space<vmem_shared>>
      %dma_start3A_132 = arith.constant 0 : i32
      %dma_start3A_133 = tpu.memref_slice %arg17[%add3A_19, %dma_start3A_132] : memref<10112x128xf32, #tpu.memory_space<vmem_shared>> -> memref<128x128xf32, #tpu.memory_space<vmem_shared>>
      tpu.enqueue_dma source(%arg15 : memref<128x128xf32, #tpu.memory_space<vmem>>) target(%dma_start3A_133 : memref<128x128xf32, #tpu.memory_space<vmem_shared>>) target_semaphore(%run_scoped3A : memref<!tpu.dma_semaphore, #tpu.memory_space<semaphore_mem>>)
      %dma_wait3A_134 = arith.constant 0 : i32
      %dma_wait3A_135 = tpu.memref_slice %arg17[%add3A_19, %dma_wait3A_134] : memref<10112x128xf32, #tpu.memory_space<vmem_shared>> -> memref<128x128xf32, #tpu.memory_space<vmem_shared>>
      %dma_wait3A_136 = arith.constant 0 : i32
      %dma_wait3A_137 = tpu.memref_slice %arg17[%add3A_19, %dma_wait3A_136] : memref<10112x128xf32, #tpu.memory_space<vmem_shared>> -> memref<128x128xf32, #tpu.memory_space<vmem_shared>>
      tpu.wait_dma2 semaphore(%run_scoped3A : memref<!tpu.dma_semaphore, #tpu.memory_space<semaphore_mem>>) src(%arg15 : memref<128x128xf32, #tpu.memory_space<vmem>>) dst(%dma_wait3A_137 : memref<128x128xf32, #tpu.memory_space<vmem_shared>>)
      tpu.yield
    }) : () -> ()
    %add3A_20 = arith.constant 512 : i32
    %add3A_21 = arith.addi %mul3A_11, %add3A_20 : i32
    "tpu.region"() ({
      %run_scoped3A = tpu.sem_alloc : memref<!tpu.dma_semaphore, #tpu.memory_space<semaphore_mem>>
      %dma_start3A_130 = arith.constant 0 : i32
      %dma_start3A_131 = arith.constant 0 : i32
      %dma_start3A_132 = tpu.memref_slice %arg15[%dma_start3A_130, %dma_start3A_131] : memref<128x128xf32, #tpu.memory_space<vmem>> -> memref<120x128xf32, #tpu.memory_space<vmem>>
      %dma_start3A_133 = arith.constant 0 : i32
      %dma_start3A_134 = tpu.memref_slice %arg17[%add3A_21, %dma_start3A_133] : memref<10112x128xf32, #tpu.memory_space<vmem_shared>> -> memref<120x128xf32, #tpu.memory_space<vmem_shared>>
      %dma_start3A_135 = arith.constant 0 : i32
      %dma_start3A_136 = tpu.memref_slice %arg17[%add3A_21, %dma_start3A_135] : memref<10112x128xf32, #tpu.memory_space<vmem_shared>> -> memref<120x128xf32, #tpu.memory_space<vmem_shared>>
      %dma_start3A_137 = arith.constant 0 : i32
      %dma_start3A_138 = arith.constant 0 : i32
      %dma_start3A_139 = tpu.memref_slice %arg15[%dma_start3A_137, %dma_start3A_138] : memref<128x128xf32, #tpu.memory_space<vmem>> -> memref<120x128xf32, #tpu.memory_space<vmem>>
      tpu.enqueue_dma source(%dma_start3A_139 : memref<120x128xf32, #tpu.memory_space<vmem>>) target(%dma_start3A_136 : memref<120x128xf32, #tpu.memory_space<vmem_shared>>) target_semaphore(%run_scoped3A : memref<!tpu.dma_semaphore, #tpu.memory_space<semaphore_mem>>)
      %dma_wait3A_140 = arith.constant 0 : i32
      %dma_wait3A_141 = arith.constant 0 : i32
      %dma_wait3A_142 = tpu.memref_slice %arg15[%dma_wait3A_140, %dma_wait3A_141] : memref<128x128xf32, #tpu.memory_space<vmem>> -> memref<120x128xf32, #tpu.memory_space<vmem>>
      %dma_wait3A_143 = arith.constant 0 : i32
      %dma_wait3A_144 = tpu.memref_slice %arg17[%add3A_21, %dma_wait3A_143] : memref<10112x128xf32, #tpu.memory_space<vmem_shared>> -> memref<120x128xf32, #tpu.memory_space<vmem_shared>>
      %dma_wait3A_145 = arith.constant 0 : i32
      %dma_wait3A_146 = tpu.memref_slice %arg17[%add3A_21, %dma_wait3A_145] : memref<10112x128xf32, #tpu.memory_space<vmem_shared>> -> memref<120x128xf32, #tpu.memory_space<vmem_shared>>
      %dma_wait3A_147 = arith.constant 0 : i32
      %dma_wait3A_148 = arith.constant 0 : i32
      %dma_wait3A_149 = tpu.memref_slice %arg15[%dma_wait3A_147, %dma_wait3A_148] : memref<128x128xf32, #tpu.memory_space<vmem>> -> memref<120x128xf32, #tpu.memory_space<vmem>>
      tpu.wait_dma2 semaphore(%run_scoped3A : memref<!tpu.dma_semaphore, #tpu.memory_space<semaphore_mem>>) src(%dma_wait3A_149 : memref<120x128xf32, #tpu.memory_space<vmem>>) dst(%dma_wait3A_146 : memref<120x128xf32, #tpu.memory_space<vmem_shared>>)
      tpu.yield
    }) : () -> ()
    %barrier3A = arith.constant 0 : index
    tpu.barrier barrier_id(%barrier3A)
    %add3A_22 = arith.constant 0 : i32
    %add3A_23 = arith.addi %mul3A_2, %add3A_22 : i32
    %dma_start3A = tpu.memref_slice %arg3[%add3A_23] : memref<640000xi32, #tpu.memory_space<hbm>> -> memref<128xi32, #tpu.memory_space<hbm>>
    %dma_start3A_24 = tpu.memref_slice %arg3[%add3A_23] : memref<640000xi32, #tpu.memory_space<hbm>> -> memref<128xi32, #tpu.memory_space<hbm>>
    tpu.enqueue_dma source(%dma_start3A_24 : memref<128xi32, #tpu.memory_space<hbm>>) target(%arg5 : memref<128xi32, #tpu.memory_space<vmem>>) target_semaphore(%arg18 : memref<!tpu.dma_semaphore, #tpu.memory_space<semaphore_mem>>)
    %add3A_25 = arith.constant 320000 : i32
    %add3A_26 = arith.addi %add3A_25, %mul3A_2 : i32
    %add3A_27 = arith.constant 0 : i32
    %add3A_28 = arith.addi %add3A_26, %add3A_27 : i32
    %dma_start3A_29 = tpu.memref_slice %arg3[%add3A_28] : memref<640000xi32, #tpu.memory_space<hbm>> -> memref<128xi32, #tpu.memory_space<hbm>>
    %dma_start3A_30 = tpu.memref_slice %arg3[%add3A_28] : memref<640000xi32, #tpu.memory_space<hbm>> -> memref<128xi32, #tpu.memory_space<hbm>>
    tpu.enqueue_dma source(%dma_start3A_30 : memref<128xi32, #tpu.memory_space<hbm>>) target(%arg9 : memref<128xi32, #tpu.memory_space<vmem>>) target_semaphore(%arg22 : memref<!tpu.dma_semaphore, #tpu.memory_space<semaphore_mem>>)
    %add3A_31 = arith.constant 128 : i32
    %add3A_32 = arith.addi %mul3A_2, %add3A_31 : i32
    %dma_start3A_33 = tpu.memref_slice %arg3[%add3A_32] : memref<640000xi32, #tpu.memory_space<hbm>> -> memref<128xi32, #tpu.memory_space<hbm>>
    %dma_start3A_34 = tpu.memref_slice %arg3[%add3A_32] : memref<640000xi32, #tpu.memory_space<hbm>> -> memref<128xi32, #tpu.memory_space<hbm>>
    tpu.enqueue_dma source(%dma_start3A_34 : memref<128xi32, #tpu.memory_space<hbm>>) target(%arg6 : memref<128xi32, #tpu.memory_space<vmem>>) target_semaphore(%arg19 : memref<!tpu.dma_semaphore, #tpu.memory_space<semaphore_mem>>)
    %add3A_35 = arith.constant 320000 : i32
    %add3A_36 = arith.addi %add3A_35, %mul3A_2 : i32
    %add3A_37 = arith.constant 128 : i32
    %add3A_38 = arith.addi %add3A_36, %add3A_37 : i32
    %dma_start3A_39 = tpu.memref_slice %arg3[%add3A_38] : memref<640000xi32, #tpu.memory_space<hbm>> -> memref<128xi32, #tpu.memory_space<hbm>>
    %dma_start3A_40 = tpu.memref_slice %arg3[%add3A_38] : memref<640000xi32, #tpu.memory_space<hbm>> -> memref<128xi32, #tpu.memory_space<hbm>>
    tpu.enqueue_dma source(%dma_start3A_40 : memref<128xi32, #tpu.memory_space<hbm>>) target(%arg10 : memref<128xi32, #tpu.memory_space<vmem>>) target_semaphore(%arg23 : memref<!tpu.dma_semaphore, #tpu.memory_space<semaphore_mem>>)
    %add3A_41 = arith.constant 256 : i32
    %add3A_42 = arith.addi %mul3A_2, %add3A_41 : i32
    %dma_start3A_43 = tpu.memref_slice %arg3[%add3A_42] : memref<640000xi32, #tpu.memory_space<hbm>> -> memref<128xi32, #tpu.memory_space<hbm>>
    %dma_start3A_44 = tpu.memref_slice %arg3[%add3A_42] : memref<640000xi32, #tpu.memory_space<hbm>> -> memref<128xi32, #tpu.memory_space<hbm>>
    tpu.enqueue_dma source(%dma_start3A_44 : memref<128xi32, #tpu.memory_space<hbm>>) target(%arg7 : memref<128xi32, #tpu.memory_space<vmem>>) target_semaphore(%arg20 : memref<!tpu.dma_semaphore, #tpu.memory_space<semaphore_mem>>)
    %add3A_45 = arith.constant 320000 : i32
    %add3A_46 = arith.addi %add3A_45, %mul3A_2 : i32
    %add3A_47 = arith.constant 256 : i32
    %add3A_48 = arith.addi %add3A_46, %add3A_47 : i32
    %dma_start3A_49 = tpu.memref_slice %arg3[%add3A_48] : memref<640000xi32, #tpu.memory_space<hbm>> -> memref<128xi32, #tpu.memory_space<hbm>>
    %dma_start3A_50 = tpu.memref_slice %arg3[%add3A_48] : memref<640000xi32, #tpu.memory_space<hbm>> -> memref<128xi32, #tpu.memory_space<hbm>>
    tpu.enqueue_dma source(%dma_start3A_50 : memref<128xi32, #tpu.memory_space<hbm>>) target(%arg11 : memref<128xi32, #tpu.memory_space<vmem>>) target_semaphore(%arg24 : memref<!tpu.dma_semaphore, #tpu.memory_space<semaphore_mem>>)
    %add3A_51 = arith.constant 384 : i32
    %add3A_52 = arith.addi %mul3A_2, %add3A_51 : i32
    %dma_start3A_53 = tpu.memref_slice %arg3[%add3A_52] : memref<640000xi32, #tpu.memory_space<hbm>> -> memref<128xi32, #tpu.memory_space<hbm>>
    %dma_start3A_54 = tpu.memref_slice %arg3[%add3A_52] : memref<640000xi32, #tpu.memory_space<hbm>> -> memref<128xi32, #tpu.memory_space<hbm>>
    tpu.enqueue_dma source(%dma_start3A_54 : memref<128xi32, #tpu.memory_space<hbm>>) target(%arg8 : memref<128xi32, #tpu.memory_space<vmem>>) target_semaphore(%arg21 : memref<!tpu.dma_semaphore, #tpu.memory_space<semaphore_mem>>)
    %add3A_55 = arith.constant 320000 : i32
    %add3A_56 = arith.addi %add3A_55, %mul3A_2 : i32
    %add3A_57 = arith.constant 384 : i32
    %add3A_58 = arith.addi %add3A_56, %add3A_57 : i32
    %dma_start3A_59 = tpu.memref_slice %arg3[%add3A_58] : memref<640000xi32, #tpu.memory_space<hbm>> -> memref<128xi32, #tpu.memory_space<hbm>>
    %dma_start3A_60 = tpu.memref_slice %arg3[%add3A_58] : memref<640000xi32, #tpu.memory_space<hbm>> -> memref<128xi32, #tpu.memory_space<hbm>>
    tpu.enqueue_dma source(%dma_start3A_60 : memref<128xi32, #tpu.memory_space<hbm>>) target(%arg12 : memref<128xi32, #tpu.memory_space<vmem>>) target_semaphore(%arg25 : memref<!tpu.dma_semaphore, #tpu.memory_space<semaphore_mem>>)
    %dma_wait3A = tpu.memref_slice %arg3[%mul3A_2] : memref<640000xi32, #tpu.memory_space<hbm>> -> memref<128xi32, #tpu.memory_space<hbm>>
    %dma_wait3A_61 = tpu.memref_slice %arg3[%mul3A_2] : memref<640000xi32, #tpu.memory_space<hbm>> -> memref<128xi32, #tpu.memory_space<hbm>>
    tpu.wait_dma2 semaphore(%arg18 : memref<!tpu.dma_semaphore, #tpu.memory_space<semaphore_mem>>) src(%dma_wait3A_61 : memref<128xi32, #tpu.memory_space<hbm>>) dst(%arg5 : memref<128xi32, #tpu.memory_space<vmem>>)
    %dma_start3A_62 = arith.constant 0 : i32
    %dma_start3A_63 = arith.constant 0 : i32
    %dma_start3A_64 = tpu.memref_slice %arg2[%dma_start3A_62, %dma_start3A_63] : memref<10112x128xf32, #tpu.memory_space<hbm>> -> memref<10112x128xf32, #tpu.memory_space<hbm>>
    tpu.enqueue_indirect_dma source(%dma_start3A_64 : memref<10112x128xf32, #tpu.memory_space<hbm>>) target(%arg15 : memref<128x128xf32, #tpu.memory_space<vmem>>) offsets(%arg5 : memref<128xi32, #tpu.memory_space<vmem>>) semaphore(%arg26 : memref<!tpu.dma_semaphore, #tpu.memory_space<semaphore_mem>>)
    %dma_wait3A_65 = tpu.memref_slice %arg3[%mul3A_2] : memref<640000xi32, #tpu.memory_space<hbm>> -> memref<128xi32, #tpu.memory_space<hbm>>
    %dma_wait3A_66 = tpu.memref_slice %arg3[%mul3A_2] : memref<640000xi32, #tpu.memory_space<hbm>> -> memref<128xi32, #tpu.memory_space<hbm>>
    tpu.wait_dma2 semaphore(%arg19 : memref<!tpu.dma_semaphore, #tpu.memory_space<semaphore_mem>>) src(%dma_wait3A_66 : memref<128xi32, #tpu.memory_space<hbm>>) dst(%arg6 : memref<128xi32, #tpu.memory_space<vmem>>)
    %dma_start3A_67 = arith.constant 0 : i32
    %dma_start3A_68 = arith.constant 0 : i32
    %dma_start3A_69 = tpu.memref_slice %arg2[%dma_start3A_67, %dma_start3A_68] : memref<10112x128xf32, #tpu.memory_space<hbm>> -> memref<10112x128xf32, #tpu.memory_space<hbm>>
    tpu.enqueue_indirect_dma source(%dma_start3A_69 : memref<10112x128xf32, #tpu.memory_space<hbm>>) target(%arg16 : memref<128x128xf32, #tpu.memory_space<vmem>>) offsets(%arg6 : memref<128xi32, #tpu.memory_space<vmem>>) semaphore(%arg27 : memref<!tpu.dma_semaphore, #tpu.memory_space<semaphore_mem>>)
    %scan3A_70 = arith.constant 0 : i32
    %scan3A_71 = arith.constant 0 : i32
    %scan3A_72 = arith.constant 19 : i32
    %scan3A_73 = arith.addi %scan3A_71, %scan3A_72 : i32
    %scan3A_74 = arith.constant 1 : i32
    %scan3A_75 = scf.for %scan3A_130 = %scan3A_71 to %scan3A_73 step %scan3A_74 iter_args(%scan3A_131 = %scan3A_70) -> (i32)  : i32 {
      %mul3A_132 = arith.constant 4 : i32
      %mul3A_133 = arith.muli %scan3A_130, %mul3A_132 : i32
      %add3A_134 = arith.constant 0 : i32
      %add3A_135 = arith.addi %mul3A_133, %add3A_134 : i32
      %dma_wait3A_136 = arith.constant 0 : i32
      %dma_wait3A_137 = arith.constant 0 : i32
      %dma_wait3A_138 = tpu.memref_slice %arg2[%dma_wait3A_136, %dma_wait3A_137] : memref<10112x128xf32, #tpu.memory_space<hbm>> -> memref<10112x128xf32, #tpu.memory_space<hbm>>
      tpu.wait_indirect_dma semaphore(%arg26 : memref<!tpu.dma_semaphore, #tpu.memory_space<semaphore_mem>>) src(%dma_wait3A_138 : memref<10112x128xf32, #tpu.memory_space<hbm>>) dst(%arg15 : memref<128x128xf32, #tpu.memory_space<vmem>>)
      %add3A_139 = arith.constant 320000 : i32
      %add3A_140 = arith.addi %add3A_139, %mul3A_2 : i32
      %dma_wait3A_141 = tpu.memref_slice %arg3[%add3A_140] : memref<640000xi32, #tpu.memory_space<hbm>> -> memref<128xi32, #tpu.memory_space<hbm>>
      %dma_wait3A_142 = tpu.memref_slice %arg3[%add3A_140] : memref<640000xi32, #tpu.memory_space<hbm>> -> memref<128xi32, #tpu.memory_space<hbm>>
      tpu.wait_dma2 semaphore(%arg22 : memref<!tpu.dma_semaphore, #tpu.memory_space<semaphore_mem>>) src(%dma_wait3A_142 : memref<128xi32, #tpu.memory_space<hbm>>) dst(%arg9 : memref<128xi32, #tpu.memory_space<vmem>>)
      "tpu.region"() ({
        %run_scoped3A = tpu.sem_alloc : memref<!tpu.dma_semaphore, #tpu.memory_space<semaphore_mem>>
        %dma_start3A_224 = arith.constant 0 : i32
        %dma_start3A_225 = arith.constant 0 : i32
        %dma_start3A_226 = tpu.memref_slice %arg17[%dma_start3A_224, %dma_start3A_225] : memref<10112x128xf32, #tpu.memory_space<vmem_shared>> -> memref<10112x128xf32, #tpu.memory_space<vmem_shared>>
        tpu.enqueue_indirect_dma source(%arg15 : memref<128x128xf32, #tpu.memory_space<vmem>>) target(%dma_start3A_226 : memref<10112x128xf32, #tpu.memory_space<vmem_shared>>) offsets(%arg9 : memref<128xi32, #tpu.memory_space<vmem>>) semaphore(%run_scoped3A : memref<!tpu.dma_semaphore, #tpu.memory_space<semaphore_mem>>) {add = true}
        %dma_wait3A_227 = arith.constant 0 : i32
        %dma_wait3A_228 = arith.constant 0 : i32
        %dma_wait3A_229 = tpu.memref_slice %arg17[%dma_wait3A_227, %dma_wait3A_228] : memref<10112x128xf32, #tpu.memory_space<vmem_shared>> -> memref<10112x128xf32, #tpu.memory_space<vmem_shared>>
        tpu.wait_indirect_dma semaphore(%run_scoped3A : memref<!tpu.dma_semaphore, #tpu.memory_space<semaphore_mem>>) src(%arg15 : memref<128x128xf32, #tpu.memory_space<vmem>>) dst(%dma_wait3A_229 : memref<10112x128xf32, #tpu.memory_space<vmem_shared>>)
        tpu.yield
      }) : () -> ()
      %add3A_143 = arith.constant 4 : i32
      %add3A_144 = arith.addi %add3A_135, %add3A_143 : i32
      %le3A = arith.constant 77 : i32
      %le3A_145 = arith.cmpi sle, %add3A_144, %le3A : i32
      %convert_element_type3A = arith.extui %le3A_145 : i1 to i32
      %cond3A = arith.constant 0 : i32
      %cond3A_146 = arith.cmpi ne, %convert_element_type3A, %cond3A : i32
      scf.if %cond3A_146 {
        %add3A_224 = arith.constant 4 : i32
        %add3A_225 = arith.addi %add3A_135, %add3A_224 : i32
        %mul3A_226 = arith.constant 128 : i32
        %mul3A_227 = arith.muli %add3A_225, %mul3A_226 : i32
        %add3A_228 = arith.addi %mul3A_2, %mul3A_227 : i32
        %dma_start3A_229 = tpu.memref_slice %arg3[%add3A_228] : memref<640000xi32, #tpu.memory_space<hbm>> -> memref<128xi32, #tpu.memory_space<hbm>>
        %dma_start3A_230 = tpu.memref_slice %arg3[%add3A_228] : memref<640000xi32, #tpu.memory_space<hbm>> -> memref<128xi32, #tpu.memory_space<hbm>>
        tpu.enqueue_dma source(%dma_start3A_230 : memref<128xi32, #tpu.memory_space<hbm>>) target(%arg5 : memref<128xi32, #tpu.memory_space<vmem>>) target_semaphore(%arg18 : memref<!tpu.dma_semaphore, #tpu.memory_space<semaphore_mem>>)
        %add3A_231 = arith.constant 4 : i32
        %add3A_232 = arith.addi %add3A_135, %add3A_231 : i32
        %add3A_233 = arith.constant 320000 : i32
        %add3A_234 = arith.addi %add3A_233, %mul3A_2 : i32
        %mul3A_235 = arith.constant 128 : i32
        %mul3A_236 = arith.muli %add3A_232, %mul3A_235 : i32
        %add3A_237 = arith.addi %add3A_234, %mul3A_236 : i32
        %dma_start3A_238 = tpu.memref_slice %arg3[%add3A_237] : memref<640000xi32, #tpu.memory_space<hbm>> -> memref<128xi32, #tpu.memory_space<hbm>>
        %dma_start3A_239 = tpu.memref_slice %arg3[%add3A_237] : memref<640000xi32, #tpu.memory_space<hbm>> -> memref<128xi32, #tpu.memory_space<hbm>>
        tpu.enqueue_dma source(%dma_start3A_239 : memref<128xi32, #tpu.memory_space<hbm>>) target(%arg9 : memref<128xi32, #tpu.memory_space<vmem>>) target_semaphore(%arg22 : memref<!tpu.dma_semaphore, #tpu.memory_space<semaphore_mem>>)
      } else {
      }
      %add3A_147 = arith.constant 2 : i32
      %add3A_148 = arith.addi %add3A_135, %add3A_147 : i32
      %le3A_149 = arith.constant 77 : i32
      %le3A_150 = arith.cmpi sle, %add3A_148, %le3A_149 : i32
      %convert_element_type3A_151 = arith.extui %le3A_150 : i1 to i32
      %cond3A_152 = arith.constant 0 : i32
      %cond3A_153 = arith.cmpi ne, %convert_element_type3A_151, %cond3A_152 : i32
      scf.if %cond3A_153 {
        %dma_wait3A_224 = tpu.memref_slice %arg3[%mul3A_2] : memref<640000xi32, #tpu.memory_space<hbm>> -> memref<128xi32, #tpu.memory_space<hbm>>
        %dma_wait3A_225 = tpu.memref_slice %arg3[%mul3A_2] : memref<640000xi32, #tpu.memory_space<hbm>> -> memref<128xi32, #tpu.memory_space<hbm>>
        tpu.wait_dma2 semaphore(%arg20 : memref<!tpu.dma_semaphore, #tpu.memory_space<semaphore_mem>>) src(%dma_wait3A_225 : memref<128xi32, #tpu.memory_space<hbm>>) dst(%arg7 : memref<128xi32, #tpu.memory_space<vmem>>)
        %dma_start3A_226 = arith.constant 0 : i32
        %dma_start3A_227 = arith.constant 0 : i32
        %dma_start3A_228 = tpu.memref_slice %arg2[%dma_start3A_226, %dma_start3A_227] : memref<10112x128xf32, #tpu.memory_space<hbm>> -> memref<10112x128xf32, #tpu.memory_space<hbm>>
        tpu.enqueue_indirect_dma source(%dma_start3A_228 : memref<10112x128xf32, #tpu.memory_space<hbm>>) target(%arg15 : memref<128x128xf32, #tpu.memory_space<vmem>>) offsets(%arg7 : memref<128xi32, #tpu.memory_space<vmem>>) semaphore(%arg26 : memref<!tpu.dma_semaphore, #tpu.memory_space<semaphore_mem>>)
      } else {
      }
      %add3A_154 = arith.constant 1 : i32
      %add3A_155 = arith.addi %mul3A_133, %add3A_154 : i32
      %dma_wait3A_156 = arith.constant 0 : i32
      %dma_wait3A_157 = arith.constant 0 : i32
      %dma_wait3A_158 = tpu.memref_slice %arg2[%dma_wait3A_156, %dma_wait3A_157] : memref<10112x128xf32, #tpu.memory_space<hbm>> -> memref<10112x128xf32, #tpu.memory_space<hbm>>
      tpu.wait_indirect_dma semaphore(%arg27 : memref<!tpu.dma_semaphore, #tpu.memory_space<semaphore_mem>>) src(%dma_wait3A_158 : memref<10112x128xf32, #tpu.memory_space<hbm>>) dst(%arg16 : memref<128x128xf32, #tpu.memory_space<vmem>>)
      %add3A_159 = arith.constant 320000 : i32
      %add3A_160 = arith.addi %add3A_159, %mul3A_2 : i32
      %dma_wait3A_161 = tpu.memref_slice %arg3[%add3A_160] : memref<640000xi32, #tpu.memory_space<hbm>> -> memref<128xi32, #tpu.memory_space<hbm>>
      %dma_wait3A_162 = tpu.memref_slice %arg3[%add3A_160] : memref<640000xi32, #tpu.memory_space<hbm>> -> memref<128xi32, #tpu.memory_space<hbm>>
      tpu.wait_dma2 semaphore(%arg23 : memref<!tpu.dma_semaphore, #tpu.memory_space<semaphore_mem>>) src(%dma_wait3A_162 : memref<128xi32, #tpu.memory_space<hbm>>) dst(%arg10 : memref<128xi32, #tpu.memory_space<vmem>>)
      "tpu.region"() ({
        %run_scoped3A = tpu.sem_alloc : memref<!tpu.dma_semaphore, #tpu.memory_space<semaphore_mem>>
        %dma_start3A_224 = arith.constant 0 : i32
        %dma_start3A_225 = arith.constant 0 : i32
        %dma_start3A_226 = tpu.memref_slice %arg17[%dma_start3A_224, %dma_start3A_225] : memref<10112x128xf32, #tpu.memory_space<vmem_shared>> -> memref<10112x128xf32, #tpu.memory_space<vmem_shared>>
        tpu.enqueue_indirect_dma source(%arg16 : memref<128x128xf32, #tpu.memory_space<vmem>>) target(%dma_start3A_226 : memref<10112x128xf32, #tpu.memory_space<vmem_shared>>) offsets(%arg10 : memref<128xi32, #tpu.memory_space<vmem>>) semaphore(%run_scoped3A : memref<!tpu.dma_semaphore, #tpu.memory_space<semaphore_mem>>) {add = true}
        %dma_wait3A_227 = arith.constant 0 : i32
        %dma_wait3A_228 = arith.constant 0 : i32
        %dma_wait3A_229 = tpu.memref_slice %arg17[%dma_wait3A_227, %dma_wait3A_228] : memref<10112x128xf32, #tpu.memory_space<vmem_shared>> -> memref<10112x128xf32, #tpu.memory_space<vmem_shared>>
        tpu.wait_indirect_dma semaphore(%run_scoped3A : memref<!tpu.dma_semaphore, #tpu.memory_space<semaphore_mem>>) src(%arg16 : memref<128x128xf32, #tpu.memory_space<vmem>>) dst(%dma_wait3A_229 : memref<10112x128xf32, #tpu.memory_space<vmem_shared>>)
        tpu.yield
      }) : () -> ()
      %add3A_163 = arith.constant 4 : i32
      %add3A_164 = arith.addi %add3A_155, %add3A_163 : i32
      %le3A_165 = arith.constant 77 : i32
      %le3A_166 = arith.cmpi sle, %add3A_164, %le3A_165 : i32
      %convert_element_type3A_167 = arith.extui %le3A_166 : i1 to i32
      %cond3A_168 = arith.constant 0 : i32
      %cond3A_169 = arith.cmpi ne, %convert_element_type3A_167, %cond3A_168 : i32
      scf.if %cond3A_169 {
        %add3A_224 = arith.constant 4 : i32
        %add3A_225 = arith.addi %add3A_155, %add3A_224 : i32
        %mul3A_226 = arith.constant 128 : i32
        %mul3A_227 = arith.muli %add3A_225, %mul3A_226 : i32
        %add3A_228 = arith.addi %mul3A_2, %mul3A_227 : i32
        %dma_start3A_229 = tpu.memref_slice %arg3[%add3A_228] : memref<640000xi32, #tpu.memory_space<hbm>> -> memref<128xi32, #tpu.memory_space<hbm>>
        %dma_start3A_230 = tpu.memref_slice %arg3[%add3A_228] : memref<640000xi32, #tpu.memory_space<hbm>> -> memref<128xi32, #tpu.memory_space<hbm>>
        tpu.enqueue_dma source(%dma_start3A_230 : memref<128xi32, #tpu.memory_space<hbm>>) target(%arg6 : memref<128xi32, #tpu.memory_space<vmem>>) target_semaphore(%arg19 : memref<!tpu.dma_semaphore, #tpu.memory_space<semaphore_mem>>)
        %add3A_231 = arith.constant 4 : i32
        %add3A_232 = arith.addi %add3A_155, %add3A_231 : i32
        %add3A_233 = arith.constant 320000 : i32
        %add3A_234 = arith.addi %add3A_233, %mul3A_2 : i32
        %mul3A_235 = arith.constant 128 : i32
        %mul3A_236 = arith.muli %add3A_232, %mul3A_235 : i32
        %add3A_237 = arith.addi %add3A_234, %mul3A_236 : i32
        %dma_start3A_238 = tpu.memref_slice %arg3[%add3A_237] : memref<640000xi32, #tpu.memory_space<hbm>> -> memref<128xi32, #tpu.memory_space<hbm>>
        %dma_start3A_239 = tpu.memref_slice %arg3[%add3A_237] : memref<640000xi32, #tpu.memory_space<hbm>> -> memref<128xi32, #tpu.memory_space<hbm>>
        tpu.enqueue_dma source(%dma_start3A_239 : memref<128xi32, #tpu.memory_space<hbm>>) target(%arg10 : memref<128xi32, #tpu.memory_space<vmem>>) target_semaphore(%arg23 : memref<!tpu.dma_semaphore, #tpu.memory_space<semaphore_mem>>)
      } else {
      }
      %add3A_170 = arith.constant 2 : i32
      %add3A_171 = arith.addi %add3A_155, %add3A_170 : i32
      %le3A_172 = arith.constant 77 : i32
      %le3A_173 = arith.cmpi sle, %add3A_171, %le3A_172 : i32
      %convert_element_type3A_174 = arith.extui %le3A_173 : i1 to i32
      %cond3A_175 = arith.constant 0 : i32
      %cond3A_176 = arith.cmpi ne, %convert_element_type3A_174, %cond3A_175 : i32
      scf.if %cond3A_176 {
        %dma_wait3A_224 = tpu.memref_slice %arg3[%mul3A_2] : memref<640000xi32, #tpu.memory_space<hbm>> -> memref<128xi32, #tpu.memory_space<hbm>>
        %dma_wait3A_225 = tpu.memref_slice %arg3[%mul3A_2] : memref<640000xi32, #tpu.memory_space<hbm>> -> memref<128xi32, #tpu.memory_space<hbm>>
        tpu.wait_dma2 semaphore(%arg21 : memref<!tpu.dma_semaphore, #tpu.memory_space<semaphore_mem>>) src(%dma_wait3A_225 : memref<128xi32, #tpu.memory_space<hbm>>) dst(%arg8 : memref<128xi32, #tpu.memory_space<vmem>>)
        %dma_start3A_226 = arith.constant 0 : i32
        %dma_start3A_227 = arith.constant 0 : i32
        %dma_start3A_228 = tpu.memref_slice %arg2[%dma_start3A_226, %dma_start3A_227] : memref<10112x128xf32, #tpu.memory_space<hbm>> -> memref<10112x128xf32, #tpu.memory_space<hbm>>
        tpu.enqueue_indirect_dma source(%dma_start3A_228 : memref<10112x128xf32, #tpu.memory_space<hbm>>) target(%arg16 : memref<128x128xf32, #tpu.memory_space<vmem>>) offsets(%arg8 : memref<128xi32, #tpu.memory_space<vmem>>) semaphore(%arg27 : memref<!tpu.dma_semaphore, #tpu.memory_space<semaphore_mem>>)
      } else {
      }
      %add3A_177 = arith.constant 2 : i32
      %add3A_178 = arith.addi %mul3A_133, %add3A_177 : i32
      %dma_wait3A_179 = arith.constant 0 : i32
      %dma_wait3A_180 = arith.constant 0 : i32
      %dma_wait3A_181 = tpu.memref_slice %arg2[%dma_wait3A_179, %dma_wait3A_180] : memref<10112x128xf32, #tpu.memory_space<hbm>> -> memref<10112x128xf32, #tpu.memory_space<hbm>>
      tpu.wait_indirect_dma semaphore(%arg26 : memref<!tpu.dma_semaphore, #tpu.memory_space<semaphore_mem>>) src(%dma_wait3A_181 : memref<10112x128xf32, #tpu.memory_space<hbm>>) dst(%arg15 : memref<128x128xf32, #tpu.memory_space<vmem>>)
      %add3A_182 = arith.constant 320000 : i32
      %add3A_183 = arith.addi %add3A_182, %mul3A_2 : i32
      %dma_wait3A_184 = tpu.memref_slice %arg3[%add3A_183] : memref<640000xi32, #tpu.memory_space<hbm>> -> memref<128xi32, #tpu.memory_space<hbm>>
      %dma_wait3A_185 = tpu.memref_slice %arg3[%add3A_183] : memref<640000xi32, #tpu.memory_space<hbm>> -> memref<128xi32, #tpu.memory_space<hbm>>
      tpu.wait_dma2 semaphore(%arg24 : memref<!tpu.dma_semaphore, #tpu.memory_space<semaphore_mem>>) src(%dma_wait3A_185 : memref<128xi32, #tpu.memory_space<hbm>>) dst(%arg11 : memref<128xi32, #tpu.memory_space<vmem>>)
      "tpu.region"() ({
        %run_scoped3A = tpu.sem_alloc : memref<!tpu.dma_semaphore, #tpu.memory_space<semaphore_mem>>
        %dma_start3A_224 = arith.constant 0 : i32
        %dma_start3A_225 = arith.constant 0 : i32
        %dma_start3A_226 = tpu.memref_slice %arg17[%dma_start3A_224, %dma_start3A_225] : memref<10112x128xf32, #tpu.memory_space<vmem_shared>> -> memref<10112x128xf32, #tpu.memory_space<vmem_shared>>
        tpu.enqueue_indirect_dma source(%arg15 : memref<128x128xf32, #tpu.memory_space<vmem>>) target(%dma_start3A_226 : memref<10112x128xf32, #tpu.memory_space<vmem_shared>>) offsets(%arg11 : memref<128xi32, #tpu.memory_space<vmem>>) semaphore(%run_scoped3A : memref<!tpu.dma_semaphore, #tpu.memory_space<semaphore_mem>>) {add = true}
        %dma_wait3A_227 = arith.constant 0 : i32
        %dma_wait3A_228 = arith.constant 0 : i32
        %dma_wait3A_229 = tpu.memref_slice %arg17[%dma_wait3A_227, %dma_wait3A_228] : memref<10112x128xf32, #tpu.memory_space<vmem_shared>> -> memref<10112x128xf32, #tpu.memory_space<vmem_shared>>
        tpu.wait_indirect_dma semaphore(%run_scoped3A : memref<!tpu.dma_semaphore, #tpu.memory_space<semaphore_mem>>) src(%arg15 : memref<128x128xf32, #tpu.memory_space<vmem>>) dst(%dma_wait3A_229 : memref<10112x128xf32, #tpu.memory_space<vmem_shared>>)
        tpu.yield
      }) : () -> ()
      %add3A_186 = arith.constant 4 : i32
      %add3A_187 = arith.addi %add3A_178, %add3A_186 : i32
      %le3A_188 = arith.constant 77 : i32
      %le3A_189 = arith.cmpi sle, %add3A_187, %le3A_188 : i32
      %convert_element_type3A_190 = arith.extui %le3A_189 : i1 to i32
      %cond3A_191 = arith.constant 0 : i32
      %cond3A_192 = arith.cmpi ne, %convert_element_type3A_190, %cond3A_191 : i32
      scf.if %cond3A_192 {
        %add3A_224 = arith.constant 4 : i32
        %add3A_225 = arith.addi %add3A_178, %add3A_224 : i32
        %mul3A_226 = arith.constant 128 : i32
        %mul3A_227 = arith.muli %add3A_225, %mul3A_226 : i32
        %add3A_228 = arith.addi %mul3A_2, %mul3A_227 : i32
        %dma_start3A_229 = tpu.memref_slice %arg3[%add3A_228] : memref<640000xi32, #tpu.memory_space<hbm>> -> memref<128xi32, #tpu.memory_space<hbm>>
        %dma_start3A_230 = tpu.memref_slice %arg3[%add3A_228] : memref<640000xi32, #tpu.memory_space<hbm>> -> memref<128xi32, #tpu.memory_space<hbm>>
        tpu.enqueue_dma source(%dma_start3A_230 : memref<128xi32, #tpu.memory_space<hbm>>) target(%arg7 : memref<128xi32, #tpu.memory_space<vmem>>) target_semaphore(%arg20 : memref<!tpu.dma_semaphore, #tpu.memory_space<semaphore_mem>>)
        %add3A_231 = arith.constant 4 : i32
        %add3A_232 = arith.addi %add3A_178, %add3A_231 : i32
        %add3A_233 = arith.constant 320000 : i32
        %add3A_234 = arith.addi %add3A_233, %mul3A_2 : i32
        %mul3A_235 = arith.constant 128 : i32
        %mul3A_236 = arith.muli %add3A_232, %mul3A_235 : i32
        %add3A_237 = arith.addi %add3A_234, %mul3A_236 : i32
        %dma_start3A_238 = tpu.memref_slice %arg3[%add3A_237] : memref<640000xi32, #tpu.memory_space<hbm>> -> memref<128xi32, #tpu.memory_space<hbm>>
        %dma_start3A_239 = tpu.memref_slice %arg3[%add3A_237] : memref<640000xi32, #tpu.memory_space<hbm>> -> memref<128xi32, #tpu.memory_space<hbm>>
        tpu.enqueue_dma source(%dma_start3A_239 : memref<128xi32, #tpu.memory_space<hbm>>) target(%arg11 : memref<128xi32, #tpu.memory_space<vmem>>) target_semaphore(%arg24 : memref<!tpu.dma_semaphore, #tpu.memory_space<semaphore_mem>>)
      } else {
      }
      %add3A_193 = arith.constant 2 : i32
      %add3A_194 = arith.addi %add3A_178, %add3A_193 : i32
      %le3A_195 = arith.constant 77 : i32
      %le3A_196 = arith.cmpi sle, %add3A_194, %le3A_195 : i32
      %convert_element_type3A_197 = arith.extui %le3A_196 : i1 to i32
      %cond3A_198 = arith.constant 0 : i32
      %cond3A_199 = arith.cmpi ne, %convert_element_type3A_197, %cond3A_198 : i32
      scf.if %cond3A_199 {
        %dma_wait3A_224 = tpu.memref_slice %arg3[%mul3A_2] : memref<640000xi32, #tpu.memory_space<hbm>> -> memref<128xi32, #tpu.memory_space<hbm>>
        %dma_wait3A_225 = tpu.memref_slice %arg3[%mul3A_2] : memref<640000xi32, #tpu.memory_space<hbm>> -> memref<128xi32, #tpu.memory_space<hbm>>
        tpu.wait_dma2 semaphore(%arg18 : memref<!tpu.dma_semaphore, #tpu.memory_space<semaphore_mem>>) src(%dma_wait3A_225 : memref<128xi32, #tpu.memory_space<hbm>>) dst(%arg5 : memref<128xi32, #tpu.memory_space<vmem>>)
        %dma_start3A_226 = arith.constant 0 : i32
        %dma_start3A_227 = arith.constant 0 : i32
        %dma_start3A_228 = tpu.memref_slice %arg2[%dma_start3A_226, %dma_start3A_227] : memref<10112x128xf32, #tpu.memory_space<hbm>> -> memref<10112x128xf32, #tpu.memory_space<hbm>>
        tpu.enqueue_indirect_dma source(%dma_start3A_228 : memref<10112x128xf32, #tpu.memory_space<hbm>>) target(%arg15 : memref<128x128xf32, #tpu.memory_space<vmem>>) offsets(%arg5 : memref<128xi32, #tpu.memory_space<vmem>>) semaphore(%arg26 : memref<!tpu.dma_semaphore, #tpu.memory_space<semaphore_mem>>)
      } else {
      }
      %add3A_200 = arith.constant 3 : i32
      %add3A_201 = arith.addi %mul3A_133, %add3A_200 : i32
      %dma_wait3A_202 = arith.constant 0 : i32
      %dma_wait3A_203 = arith.constant 0 : i32
      %dma_wait3A_204 = tpu.memref_slice %arg2[%dma_wait3A_202, %dma_wait3A_203] : memref<10112x128xf32, #tpu.memory_space<hbm>> -> memref<10112x128xf32, #tpu.memory_space<hbm>>
      tpu.wait_indirect_dma semaphore(%arg27 : memref<!tpu.dma_semaphore, #tpu.memory_space<semaphore_mem>>) src(%dma_wait3A_204 : memref<10112x128xf32, #tpu.memory_space<hbm>>) dst(%arg16 : memref<128x128xf32, #tpu.memory_space<vmem>>)
      %add3A_205 = arith.constant 320000 : i32
      %add3A_206 = arith.addi %add3A_205, %mul3A_2 : i32
      %dma_wait3A_207 = tpu.memref_slice %arg3[%add3A_206] : memref<640000xi32, #tpu.memory_space<hbm>> -> memref<128xi32, #tpu.memory_space<hbm>>
      %dma_wait3A_208 = tpu.memref_slice %arg3[%add3A_206] : memref<640000xi32, #tpu.memory_space<hbm>> -> memref<128xi32, #tpu.memory_space<hbm>>
      tpu.wait_dma2 semaphore(%arg25 : memref<!tpu.dma_semaphore, #tpu.memory_space<semaphore_mem>>) src(%dma_wait3A_208 : memref<128xi32, #tpu.memory_space<hbm>>) dst(%arg12 : memref<128xi32, #tpu.memory_space<vmem>>)
      "tpu.region"() ({
        %run_scoped3A = tpu.sem_alloc : memref<!tpu.dma_semaphore, #tpu.memory_space<semaphore_mem>>
        %dma_start3A_224 = arith.constant 0 : i32
        %dma_start3A_225 = arith.constant 0 : i32
        %dma_start3A_226 = tpu.memref_slice %arg17[%dma_start3A_224, %dma_start3A_225] : memref<10112x128xf32, #tpu.memory_space<vmem_shared>> -> memref<10112x128xf32, #tpu.memory_space<vmem_shared>>
        tpu.enqueue_indirect_dma source(%arg16 : memref<128x128xf32, #tpu.memory_space<vmem>>) target(%dma_start3A_226 : memref<10112x128xf32, #tpu.memory_space<vmem_shared>>) offsets(%arg12 : memref<128xi32, #tpu.memory_space<vmem>>) semaphore(%run_scoped3A : memref<!tpu.dma_semaphore, #tpu.memory_space<semaphore_mem>>) {add = true}
        %dma_wait3A_227 = arith.constant 0 : i32
        %dma_wait3A_228 = arith.constant 0 : i32
        %dma_wait3A_229 = tpu.memref_slice %arg17[%dma_wait3A_227, %dma_wait3A_228] : memref<10112x128xf32, #tpu.memory_space<vmem_shared>> -> memref<10112x128xf32, #tpu.memory_space<vmem_shared>>
        tpu.wait_indirect_dma semaphore(%run_scoped3A : memref<!tpu.dma_semaphore, #tpu.memory_space<semaphore_mem>>) src(%arg16 : memref<128x128xf32, #tpu.memory_space<vmem>>) dst(%dma_wait3A_229 : memref<10112x128xf32, #tpu.memory_space<vmem_shared>>)
        tpu.yield
      }) : () -> ()
      %add3A_209 = arith.constant 4 : i32
      %add3A_210 = arith.addi %add3A_201, %add3A_209 : i32
      %le3A_211 = arith.constant 77 : i32
      %le3A_212 = arith.cmpi sle, %add3A_210, %le3A_211 : i32
      %convert_element_type3A_213 = arith.extui %le3A_212 : i1 to i32
      %cond3A_214 = arith.constant 0 : i32
      %cond3A_215 = arith.cmpi ne, %convert_element_type3A_213, %cond3A_214 : i32
      scf.if %cond3A_215 {
        %add3A_224 = arith.constant 4 : i32
        %add3A_225 = arith.addi %add3A_201, %add3A_224 : i32
        %mul3A_226 = arith.constant 128 : i32
        %mul3A_227 = arith.muli %add3A_225, %mul3A_226 : i32
        %add3A_228 = arith.addi %mul3A_2, %mul3A_227 : i32
        %dma_start3A_229 = tpu.memref_slice %arg3[%add3A_228] : memref<640000xi32, #tpu.memory_space<hbm>> -> memref<128xi32, #tpu.memory_space<hbm>>
        %dma_start3A_230 = tpu.memref_slice %arg3[%add3A_228] : memref<640000xi32, #tpu.memory_space<hbm>> -> memref<128xi32, #tpu.memory_space<hbm>>
        tpu.enqueue_dma source(%dma_start3A_230 : memref<128xi32, #tpu.memory_space<hbm>>) target(%arg8 : memref<128xi32, #tpu.memory_space<vmem>>) target_semaphore(%arg21 : memref<!tpu.dma_semaphore, #tpu.memory_space<semaphore_mem>>)
        %add3A_231 = arith.constant 4 : i32
        %add3A_232 = arith.addi %add3A_201, %add3A_231 : i32
        %add3A_233 = arith.constant 320000 : i32
        %add3A_234 = arith.addi %add3A_233, %mul3A_2 : i32
        %mul3A_235 = arith.constant 128 : i32
        %mul3A_236 = arith.muli %add3A_232, %mul3A_235 : i32
        %add3A_237 = arith.addi %add3A_234, %mul3A_236 : i32
        %dma_start3A_238 = tpu.memref_slice %arg3[%add3A_237] : memref<640000xi32, #tpu.memory_space<hbm>> -> memref<128xi32, #tpu.memory_space<hbm>>
        %dma_start3A_239 = tpu.memref_slice %arg3[%add3A_237] : memref<640000xi32, #tpu.memory_space<hbm>> -> memref<128xi32, #tpu.memory_space<hbm>>
        tpu.enqueue_dma source(%dma_start3A_239 : memref<128xi32, #tpu.memory_space<hbm>>) target(%arg12 : memref<128xi32, #tpu.memory_space<vmem>>) target_semaphore(%arg25 : memref<!tpu.dma_semaphore, #tpu.memory_space<semaphore_mem>>)
      } else {
      }
      %add3A_216 = arith.constant 2 : i32
      %add3A_217 = arith.addi %add3A_201, %add3A_216 : i32
      %le3A_218 = arith.constant 77 : i32
      %le3A_219 = arith.cmpi sle, %add3A_217, %le3A_218 : i32
      %convert_element_type3A_220 = arith.extui %le3A_219 : i1 to i32
      %cond3A_221 = arith.constant 0 : i32
      %cond3A_222 = arith.cmpi ne, %convert_element_type3A_220, %cond3A_221 : i32
      scf.if %cond3A_222 {
        %dma_wait3A_224 = tpu.memref_slice %arg3[%mul3A_2] : memref<640000xi32, #tpu.memory_space<hbm>> -> memref<128xi32, #tpu.memory_space<hbm>>
        %dma_wait3A_225 = tpu.memref_slice %arg3[%mul3A_2] : memref<640000xi32, #tpu.memory_space<hbm>> -> memref<128xi32, #tpu.memory_space<hbm>>
        tpu.wait_dma2 semaphore(%arg19 : memref<!tpu.dma_semaphore, #tpu.memory_space<semaphore_mem>>) src(%dma_wait3A_225 : memref<128xi32, #tpu.memory_space<hbm>>) dst(%arg6 : memref<128xi32, #tpu.memory_space<vmem>>)
        %dma_start3A_226 = arith.constant 0 : i32
        %dma_start3A_227 = arith.constant 0 : i32
        %dma_start3A_228 = tpu.memref_slice %arg2[%dma_start3A_226, %dma_start3A_227] : memref<10112x128xf32, #tpu.memory_space<hbm>> -> memref<10112x128xf32, #tpu.memory_space<hbm>>
        tpu.enqueue_indirect_dma source(%dma_start3A_228 : memref<10112x128xf32, #tpu.memory_space<hbm>>) target(%arg16 : memref<128x128xf32, #tpu.memory_space<vmem>>) offsets(%arg6 : memref<128xi32, #tpu.memory_space<vmem>>) semaphore(%arg27 : memref<!tpu.dma_semaphore, #tpu.memory_space<semaphore_mem>>)
      } else {
      }
      %scan3A_223 = arith.constant 0 : i32
      scf.yield %scan3A_223 : i32
    }
    %scan3A_76 = arith.constant 19 : i32
    %dma_wait3A_77 = arith.constant 0 : i32
    %dma_wait3A_78 = arith.constant 0 : i32
    %dma_wait3A_79 = tpu.memref_slice %arg2[%dma_wait3A_77, %dma_wait3A_78] : memref<10112x128xf32, #tpu.memory_space<hbm>> -> memref<10112x128xf32, #tpu.memory_space<hbm>>
    tpu.wait_indirect_dma semaphore(%arg26 : memref<!tpu.dma_semaphore, #tpu.memory_space<semaphore_mem>>) src(%dma_wait3A_79 : memref<10112x128xf32, #tpu.memory_space<hbm>>) dst(%arg15 : memref<128x128xf32, #tpu.memory_space<vmem>>)
    %add3A_80 = arith.constant 320000 : i32
    %add3A_81 = arith.addi %add3A_80, %mul3A_2 : i32
    %dma_wait3A_82 = tpu.memref_slice %arg3[%add3A_81] : memref<640000xi32, #tpu.memory_space<hbm>> -> memref<128xi32, #tpu.memory_space<hbm>>
    %dma_wait3A_83 = tpu.memref_slice %arg3[%add3A_81] : memref<640000xi32, #tpu.memory_space<hbm>> -> memref<128xi32, #tpu.memory_space<hbm>>
    tpu.wait_dma2 semaphore(%arg22 : memref<!tpu.dma_semaphore, #tpu.memory_space<semaphore_mem>>) src(%dma_wait3A_83 : memref<128xi32, #tpu.memory_space<hbm>>) dst(%arg9 : memref<128xi32, #tpu.memory_space<vmem>>)
    "tpu.region"() ({
      %run_scoped3A = tpu.sem_alloc : memref<!tpu.dma_semaphore, #tpu.memory_space<semaphore_mem>>
      %dma_start3A_130 = arith.constant 0 : i32
      %dma_start3A_131 = arith.constant 0 : i32
      %dma_start3A_132 = tpu.memref_slice %arg17[%dma_start3A_130, %dma_start3A_131] : memref<10112x128xf32, #tpu.memory_space<vmem_shared>> -> memref<10112x128xf32, #tpu.memory_space<vmem_shared>>
      tpu.enqueue_indirect_dma source(%arg15 : memref<128x128xf32, #tpu.memory_space<vmem>>) target(%dma_start3A_132 : memref<10112x128xf32, #tpu.memory_space<vmem_shared>>) offsets(%arg9 : memref<128xi32, #tpu.memory_space<vmem>>) semaphore(%run_scoped3A : memref<!tpu.dma_semaphore, #tpu.memory_space<semaphore_mem>>) {add = true}
      %dma_wait3A_133 = arith.constant 0 : i32
      %dma_wait3A_134 = arith.constant 0 : i32
      %dma_wait3A_135 = tpu.memref_slice %arg17[%dma_wait3A_133, %dma_wait3A_134] : memref<10112x128xf32, #tpu.memory_space<vmem_shared>> -> memref<10112x128xf32, #tpu.memory_space<vmem_shared>>
      tpu.wait_indirect_dma semaphore(%run_scoped3A : memref<!tpu.dma_semaphore, #tpu.memory_space<semaphore_mem>>) src(%arg15 : memref<128x128xf32, #tpu.memory_space<vmem>>) dst(%dma_wait3A_135 : memref<10112x128xf32, #tpu.memory_space<vmem_shared>>)
      tpu.yield
    }) : () -> ()
    %dma_wait3A_84 = arith.constant 0 : i32
    %dma_wait3A_85 = arith.constant 0 : i32
    %dma_wait3A_86 = tpu.memref_slice %arg2[%dma_wait3A_84, %dma_wait3A_85] : memref<10112x128xf32, #tpu.memory_space<hbm>> -> memref<10112x128xf32, #tpu.memory_space<hbm>>
    tpu.wait_indirect_dma semaphore(%arg27 : memref<!tpu.dma_semaphore, #tpu.memory_space<semaphore_mem>>) src(%dma_wait3A_86 : memref<10112x128xf32, #tpu.memory_space<hbm>>) dst(%arg16 : memref<128x128xf32, #tpu.memory_space<vmem>>)
    %add3A_87 = arith.constant 320000 : i32
    %add3A_88 = arith.addi %add3A_87, %mul3A_2 : i32
    %dma_wait3A_89 = tpu.memref_slice %arg3[%add3A_88] : memref<640000xi32, #tpu.memory_space<hbm>> -> memref<128xi32, #tpu.memory_space<hbm>>
    %dma_wait3A_90 = tpu.memref_slice %arg3[%add3A_88] : memref<640000xi32, #tpu.memory_space<hbm>> -> memref<128xi32, #tpu.memory_space<hbm>>
    tpu.wait_dma2 semaphore(%arg23 : memref<!tpu.dma_semaphore, #tpu.memory_space<semaphore_mem>>) src(%dma_wait3A_90 : memref<128xi32, #tpu.memory_space<hbm>>) dst(%arg10 : memref<128xi32, #tpu.memory_space<vmem>>)
    "tpu.region"() ({
      %run_scoped3A = tpu.sem_alloc : memref<!tpu.dma_semaphore, #tpu.memory_space<semaphore_mem>>
      %dma_start3A_130 = arith.constant 0 : i32
      %dma_start3A_131 = arith.constant 0 : i32
      %dma_start3A_132 = tpu.memref_slice %arg17[%dma_start3A_130, %dma_start3A_131] : memref<10112x128xf32, #tpu.memory_space<vmem_shared>> -> memref<10112x128xf32, #tpu.memory_space<vmem_shared>>
      tpu.enqueue_indirect_dma source(%arg16 : memref<128x128xf32, #tpu.memory_space<vmem>>) target(%dma_start3A_132 : memref<10112x128xf32, #tpu.memory_space<vmem_shared>>) offsets(%arg10 : memref<128xi32, #tpu.memory_space<vmem>>) semaphore(%run_scoped3A : memref<!tpu.dma_semaphore, #tpu.memory_space<semaphore_mem>>) {add = true}
      %dma_wait3A_133 = arith.constant 0 : i32
      %dma_wait3A_134 = arith.constant 0 : i32
      %dma_wait3A_135 = tpu.memref_slice %arg17[%dma_wait3A_133, %dma_wait3A_134] : memref<10112x128xf32, #tpu.memory_space<vmem_shared>> -> memref<10112x128xf32, #tpu.memory_space<vmem_shared>>
      tpu.wait_indirect_dma semaphore(%run_scoped3A : memref<!tpu.dma_semaphore, #tpu.memory_space<semaphore_mem>>) src(%arg16 : memref<128x128xf32, #tpu.memory_space<vmem>>) dst(%dma_wait3A_135 : memref<10112x128xf32, #tpu.memory_space<vmem_shared>>)
      tpu.yield
    }) : () -> ()
    %add3A_91 = arith.constant 9984 : i32
    %add3A_92 = arith.addi %mul3A_2, %add3A_91 : i32
    "tpu.region"() ({
      %run_scoped3A = tpu.sem_alloc : memref<!tpu.dma_semaphore, #tpu.memory_space<semaphore_mem>>
      %dma_start3A_130 = tpu.memref_slice %arg3[%add3A_92] : memref<640000xi32, #tpu.memory_space<hbm>> -> memref<16xi32, #tpu.memory_space<hbm>>
      %dma_start3A_131 = tpu.memref_slice %arg3[%add3A_92] : memref<640000xi32, #tpu.memory_space<hbm>> -> memref<16xi32, #tpu.memory_space<hbm>>
      tpu.enqueue_dma source(%dma_start3A_131 : memref<16xi32, #tpu.memory_space<hbm>>) target(%arg13 : memref<16xi32, #tpu.memory_space<vmem>>) target_semaphore(%run_scoped3A : memref<!tpu.dma_semaphore, #tpu.memory_space<semaphore_mem>>)
      %dma_wait3A_132 = tpu.memref_slice %arg3[%add3A_92] : memref<640000xi32, #tpu.memory_space<hbm>> -> memref<16xi32, #tpu.memory_space<hbm>>
      %dma_wait3A_133 = tpu.memref_slice %arg3[%add3A_92] : memref<640000xi32, #tpu.memory_space<hbm>> -> memref<16xi32, #tpu.memory_space<hbm>>
      tpu.wait_dma2 semaphore(%run_scoped3A : memref<!tpu.dma_semaphore, #tpu.memory_space<semaphore_mem>>) src(%dma_wait3A_133 : memref<16xi32, #tpu.memory_space<hbm>>) dst(%arg13 : memref<16xi32, #tpu.memory_space<vmem>>)
      tpu.yield
    }) : () -> ()
    %add3A_93 = arith.constant 320000 : i32
    %add3A_94 = arith.addi %add3A_93, %mul3A_2 : i32
    %add3A_95 = arith.constant 9984 : i32
    %add3A_96 = arith.addi %add3A_94, %add3A_95 : i32
    "tpu.region"() ({
      %run_scoped3A = tpu.sem_alloc : memref<!tpu.dma_semaphore, #tpu.memory_space<semaphore_mem>>
      %dma_start3A_130 = tpu.memref_slice %arg3[%add3A_96] : memref<640000xi32, #tpu.memory_space<hbm>> -> memref<16xi32, #tpu.memory_space<hbm>>
      %dma_start3A_131 = tpu.memref_slice %arg3[%add3A_96] : memref<640000xi32, #tpu.memory_space<hbm>> -> memref<16xi32, #tpu.memory_space<hbm>>
      tpu.enqueue_dma source(%dma_start3A_131 : memref<16xi32, #tpu.memory_space<hbm>>) target(%arg14 : memref<16xi32, #tpu.memory_space<vmem>>) target_semaphore(%run_scoped3A : memref<!tpu.dma_semaphore, #tpu.memory_space<semaphore_mem>>)
      %dma_wait3A_132 = tpu.memref_slice %arg3[%add3A_96] : memref<640000xi32, #tpu.memory_space<hbm>> -> memref<16xi32, #tpu.memory_space<hbm>>
      %dma_wait3A_133 = tpu.memref_slice %arg3[%add3A_96] : memref<640000xi32, #tpu.memory_space<hbm>> -> memref<16xi32, #tpu.memory_space<hbm>>
      tpu.wait_dma2 semaphore(%run_scoped3A : memref<!tpu.dma_semaphore, #tpu.memory_space<semaphore_mem>>) src(%dma_wait3A_133 : memref<16xi32, #tpu.memory_space<hbm>>) dst(%arg14 : memref<16xi32, #tpu.memory_space<vmem>>)
      tpu.yield
    }) : () -> ()
    %dma_start3A_97 = arith.constant 0 : i32
    %dma_start3A_98 = arith.constant 0 : i32
    %dma_start3A_99 = tpu.memref_slice %arg15[%dma_start3A_97, %dma_start3A_98] : memref<128x128xf32, #tpu.memory_space<vmem>> -> memref<16x128xf32, #tpu.memory_space<vmem>>
    %dma_start3A_100 = arith.constant 0 : i32
    %dma_start3A_101 = arith.constant 0 : i32
    %dma_start3A_102 = tpu.memref_slice %arg2[%dma_start3A_100, %dma_start3A_101] : memref<10112x128xf32, #tpu.memory_space<hbm>> -> memref<10112x128xf32, #tpu.memory_space<hbm>>
    tpu.enqueue_indirect_dma source(%dma_start3A_102 : memref<10112x128xf32, #tpu.memory_space<hbm>>) target(%dma_start3A_99 : memref<16x128xf32, #tpu.memory_space<vmem>>) offsets(%arg13 : memref<16xi32, #tpu.memory_space<vmem>>) semaphore(%arg26 : memref<!tpu.dma_semaphore, #tpu.memory_space<semaphore_mem>>)
    %dma_wait3A_103 = arith.constant 0 : i32
    %dma_wait3A_104 = arith.constant 0 : i32
    %dma_wait3A_105 = tpu.memref_slice %arg15[%dma_wait3A_103, %dma_wait3A_104] : memref<128x128xf32, #tpu.memory_space<vmem>> -> memref<16x128xf32, #tpu.memory_space<vmem>>
    %dma_wait3A_106 = arith.constant 0 : i32
    %dma_wait3A_107 = arith.constant 0 : i32
    %dma_wait3A_108 = tpu.memref_slice %arg2[%dma_wait3A_106, %dma_wait3A_107] : memref<10112x128xf32, #tpu.memory_space<hbm>> -> memref<10112x128xf32, #tpu.memory_space<hbm>>
    tpu.wait_indirect_dma semaphore(%arg26 : memref<!tpu.dma_semaphore, #tpu.memory_space<semaphore_mem>>) src(%dma_wait3A_108 : memref<10112x128xf32, #tpu.memory_space<hbm>>) dst(%dma_wait3A_105 : memref<16x128xf32, #tpu.memory_space<vmem>>)
    "tpu.region"() ({
      %run_scoped3A = tpu.sem_alloc : memref<!tpu.dma_semaphore, #tpu.memory_space<semaphore_mem>>
      %dma_start3A_130 = arith.constant 0 : i32
      %dma_start3A_131 = arith.constant 0 : i32
      %dma_start3A_132 = tpu.memref_slice %arg15[%dma_start3A_130, %dma_start3A_131] : memref<128x128xf32, #tpu.memory_space<vmem>> -> memref<16x128xf32, #tpu.memory_space<vmem>>
      %dma_start3A_133 = arith.constant 0 : i32
      %dma_start3A_134 = arith.constant 0 : i32
      %dma_start3A_135 = tpu.memref_slice %arg17[%dma_start3A_133, %dma_start3A_134] : memref<10112x128xf32, #tpu.memory_space<vmem_shared>> -> memref<10112x128xf32, #tpu.memory_space<vmem_shared>>
      tpu.enqueue_indirect_dma source(%dma_start3A_132 : memref<16x128xf32, #tpu.memory_space<vmem>>) target(%dma_start3A_135 : memref<10112x128xf32, #tpu.memory_space<vmem_shared>>) offsets(%arg14 : memref<16xi32, #tpu.memory_space<vmem>>) semaphore(%run_scoped3A : memref<!tpu.dma_semaphore, #tpu.memory_space<semaphore_mem>>) {add = true}
      %dma_wait3A_136 = arith.constant 0 : i32
      %dma_wait3A_137 = arith.constant 0 : i32
      %dma_wait3A_138 = tpu.memref_slice %arg15[%dma_wait3A_136, %dma_wait3A_137] : memref<128x128xf32, #tpu.memory_space<vmem>> -> memref<16x128xf32, #tpu.memory_space<vmem>>
      %dma_wait3A_139 = arith.constant 0 : i32
      %dma_wait3A_140 = arith.constant 0 : i32
      %dma_wait3A_141 = tpu.memref_slice %arg17[%dma_wait3A_139, %dma_wait3A_140] : memref<10112x128xf32, #tpu.memory_space<vmem_shared>> -> memref<10112x128xf32, #tpu.memory_space<vmem_shared>>
      tpu.wait_indirect_dma semaphore(%run_scoped3A : memref<!tpu.dma_semaphore, #tpu.memory_space<semaphore_mem>>) src(%dma_wait3A_138 : memref<16x128xf32, #tpu.memory_space<vmem>>) dst(%dma_wait3A_141 : memref<10112x128xf32, #tpu.memory_space<vmem_shared>>)
      tpu.yield
    }) : () -> ()
    %barrier3A_109 = arith.constant 0 : index
    tpu.barrier barrier_id(%barrier3A_109)
    %add3A_110 = arith.constant 0 : i32
    %add3A_111 = arith.addi %mul3A_11, %add3A_110 : i32
    "tpu.region"() ({
      %run_scoped3A = tpu.sem_alloc : memref<!tpu.dma_semaphore, #tpu.memory_space<semaphore_mem>>
      %dma_start3A_130 = arith.constant 0 : i32
      %dma_start3A_131 = arith.constant 0 : i32
      %dma_start3A_132 = tpu.memref_slice %arg15[%dma_start3A_130, %dma_start3A_131] : memref<128x128xf32, #tpu.memory_space<vmem>> -> memref<128x128xf32, #tpu.memory_space<vmem>>
      %dma_start3A_133 = arith.constant 0 : i32
      %dma_start3A_134 = tpu.memref_slice %arg17[%add3A_111, %dma_start3A_133] : memref<10112x128xf32, #tpu.memory_space<vmem_shared>> -> memref<128x128xf32, #tpu.memory_space<vmem_shared>>
      %dma_start3A_135 = arith.constant 0 : i32
      %dma_start3A_136 = arith.constant 0 : i32
      %dma_start3A_137 = tpu.memref_slice %arg15[%dma_start3A_135, %dma_start3A_136] : memref<128x128xf32, #tpu.memory_space<vmem>> -> memref<128x128xf32, #tpu.memory_space<vmem>>
      %dma_start3A_138 = arith.constant 0 : i32
      %dma_start3A_139 = tpu.memref_slice %arg17[%add3A_111, %dma_start3A_138] : memref<10112x128xf32, #tpu.memory_space<vmem_shared>> -> memref<128x128xf32, #tpu.memory_space<vmem_shared>>
      tpu.enqueue_dma source(%dma_start3A_139 : memref<128x128xf32, #tpu.memory_space<vmem_shared>>) target(%dma_start3A_137 : memref<128x128xf32, #tpu.memory_space<vmem>>) target_semaphore(%run_scoped3A : memref<!tpu.dma_semaphore, #tpu.memory_space<semaphore_mem>>)
      %dma_wait3A_140 = arith.constant 0 : i32
      %dma_wait3A_141 = arith.constant 0 : i32
      %dma_wait3A_142 = tpu.memref_slice %arg15[%dma_wait3A_140, %dma_wait3A_141] : memref<128x128xf32, #tpu.memory_space<vmem>> -> memref<128x128xf32, #tpu.memory_space<vmem>>
      %dma_wait3A_143 = arith.constant 0 : i32
      %dma_wait3A_144 = tpu.memref_slice %arg17[%add3A_111, %dma_wait3A_143] : memref<10112x128xf32, #tpu.memory_space<vmem_shared>> -> memref<128x128xf32, #tpu.memory_space<vmem_shared>>
      %dma_wait3A_145 = arith.constant 0 : i32
      %dma_wait3A_146 = arith.constant 0 : i32
      %dma_wait3A_147 = tpu.memref_slice %arg15[%dma_wait3A_145, %dma_wait3A_146] : memref<128x128xf32, #tpu.memory_space<vmem>> -> memref<128x128xf32, #tpu.memory_space<vmem>>
      %dma_wait3A_148 = arith.constant 0 : i32
      %dma_wait3A_149 = tpu.memref_slice %arg17[%add3A_111, %dma_wait3A_148] : memref<10112x128xf32, #tpu.memory_space<vmem_shared>> -> memref<128x128xf32, #tpu.memory_space<vmem_shared>>
      tpu.wait_dma2 semaphore(%run_scoped3A : memref<!tpu.dma_semaphore, #tpu.memory_space<semaphore_mem>>) src(%dma_wait3A_149 : memref<128x128xf32, #tpu.memory_space<vmem_shared>>) dst(%dma_wait3A_147 : memref<128x128xf32, #tpu.memory_space<vmem>>)
      tpu.yield
    }) : () -> ()
    %add3A_112 = arith.constant 0 : i32
    %add3A_113 = arith.addi %mul3A_11, %add3A_112 : i32
    "tpu.region"() ({
      %run_scoped3A = tpu.sem_alloc : memref<!tpu.dma_semaphore, #tpu.memory_space<semaphore_mem>>
      %dma_start3A_130 = arith.constant 0 : i32
      %dma_start3A_131 = arith.constant 0 : i32
      %dma_start3A_132 = tpu.memref_slice %arg15[%dma_start3A_130, %dma_start3A_131] : memref<128x128xf32, #tpu.memory_space<vmem>> -> memref<128x128xf32, #tpu.memory_space<vmem>>
      %dma_start3A_133 = arith.constant 0 : i32
      %dma_start3A_134 = tpu.memref_slice %arg4[%arg0, %add3A_113, %dma_start3A_133] : memref<2x10112x128xf32, #tpu.memory_space<hbm>> -> memref<1x128x128xf32, #tpu.memory_space<hbm>>
      %dma_start3A_135 = tpu.memref_squeeze %dma_start3A_134 : memref<1x128x128xf32, #tpu.memory_space<hbm>> -> memref<128x128xf32, #tpu.memory_space<hbm>>
      %dma_start3A_136 = arith.constant 0 : i32
      %dma_start3A_137 = tpu.memref_slice %arg4[%arg0, %add3A_113, %dma_start3A_136] : memref<2x10112x128xf32, #tpu.memory_space<hbm>> -> memref<1x128x128xf32, #tpu.memory_space<hbm>>
      %dma_start3A_138 = tpu.memref_squeeze %dma_start3A_137 : memref<1x128x128xf32, #tpu.memory_space<hbm>> -> memref<128x128xf32, #tpu.memory_space<hbm>>
      %dma_start3A_139 = arith.constant 0 : i32
      %dma_start3A_140 = arith.constant 0 : i32
      %dma_start3A_141 = tpu.memref_slice %arg15[%dma_start3A_139, %dma_start3A_140] : memref<128x128xf32, #tpu.memory_space<vmem>> -> memref<128x128xf32, #tpu.memory_space<vmem>>
      tpu.enqueue_dma source(%dma_start3A_141 : memref<128x128xf32, #tpu.memory_space<vmem>>) target(%dma_start3A_138 : memref<128x128xf32, #tpu.memory_space<hbm>>) target_semaphore(%run_scoped3A : memref<!tpu.dma_semaphore, #tpu.memory_space<semaphore_mem>>)
      %dma_wait3A_142 = arith.constant 0 : i32
      %dma_wait3A_143 = arith.constant 0 : i32
      %dma_wait3A_144 = tpu.memref_slice %arg15[%dma_wait3A_142, %dma_wait3A_143] : memref<128x128xf32, #tpu.memory_space<vmem>> -> memref<128x128xf32, #tpu.memory_space<vmem>>
      %dma_wait3A_145 = arith.constant 0 : i32
      %dma_wait3A_146 = tpu.memref_slice %arg4[%arg0, %add3A_113, %dma_wait3A_145] : memref<2x10112x128xf32, #tpu.memory_space<hbm>> -> memref<1x128x128xf32, #tpu.memory_space<hbm>>
      %dma_wait3A_147 = tpu.memref_squeeze %dma_wait3A_146 : memref<1x128x128xf32, #tpu.memory_space<hbm>> -> memref<128x128xf32, #tpu.memory_space<hbm>>
      %dma_wait3A_148 = arith.constant 0 : i32
      %dma_wait3A_149 = tpu.memref_slice %arg4[%arg0, %add3A_113, %dma_wait3A_148] : memref<2x10112x128xf32, #tpu.memory_space<hbm>> -> memref<1x128x128xf32, #tpu.memory_space<hbm>>
      %dma_wait3A_150 = tpu.memref_squeeze %dma_wait3A_149 : memref<1x128x128xf32, #tpu.memory_space<hbm>> -> memref<128x128xf32, #tpu.memory_space<hbm>>
      %dma_wait3A_151 = arith.constant 0 : i32
      %dma_wait3A_152 = arith.constant 0 : i32
      %dma_wait3A_153 = tpu.memref_slice %arg15[%dma_wait3A_151, %dma_wait3A_152] : memref<128x128xf32, #tpu.memory_space<vmem>> -> memref<128x128xf32, #tpu.memory_space<vmem>>
      tpu.wait_dma2 semaphore(%run_scoped3A : memref<!tpu.dma_semaphore, #tpu.memory_space<semaphore_mem>>) src(%dma_wait3A_153 : memref<128x128xf32, #tpu.memory_space<vmem>>) dst(%dma_wait3A_150 : memref<128x128xf32, #tpu.memory_space<hbm>>)
      tpu.yield
    }) : () -> ()
    %add3A_114 = arith.constant 128 : i32
    %add3A_115 = arith.addi %mul3A_11, %add3A_114 : i32
    "tpu.region"() ({
      %run_scoped3A = tpu.sem_alloc : memref<!tpu.dma_semaphore, #tpu.memory_space<semaphore_mem>>
      %dma_start3A_130 = arith.constant 0 : i32
      %dma_start3A_131 = arith.constant 0 : i32
      %dma_start3A_132 = tpu.memref_slice %arg15[%dma_start3A_130, %dma_start3A_131] : memref<128x128xf32, #tpu.memory_space<vmem>> -> memref<128x128xf32, #tpu.memory_space<vmem>>
      %dma_start3A_133 = arith.constant 0 : i32
      %dma_start3A_134 = tpu.memref_slice %arg17[%add3A_115, %dma_start3A_133] : memref<10112x128xf32, #tpu.memory_space<vmem_shared>> -> memref<128x128xf32, #tpu.memory_space<vmem_shared>>
      %dma_start3A_135 = arith.constant 0 : i32
      %dma_start3A_136 = arith.constant 0 : i32
      %dma_start3A_137 = tpu.memref_slice %arg15[%dma_start3A_135, %dma_start3A_136] : memref<128x128xf32, #tpu.memory_space<vmem>> -> memref<128x128xf32, #tpu.memory_space<vmem>>
      %dma_start3A_138 = arith.constant 0 : i32
      %dma_start3A_139 = tpu.memref_slice %arg17[%add3A_115, %dma_start3A_138] : memref<10112x128xf32, #tpu.memory_space<vmem_shared>> -> memref<128x128xf32, #tpu.memory_space<vmem_shared>>
      tpu.enqueue_dma source(%dma_start3A_139 : memref<128x128xf32, #tpu.memory_space<vmem_shared>>) target(%dma_start3A_137 : memref<128x128xf32, #tpu.memory_space<vmem>>) target_semaphore(%run_scoped3A : memref<!tpu.dma_semaphore, #tpu.memory_space<semaphore_mem>>)
      %dma_wait3A_140 = arith.constant 0 : i32
      %dma_wait3A_141 = arith.constant 0 : i32
      %dma_wait3A_142 = tpu.memref_slice %arg15[%dma_wait3A_140, %dma_wait3A_141] : memref<128x128xf32, #tpu.memory_space<vmem>> -> memref<128x128xf32, #tpu.memory_space<vmem>>
      %dma_wait3A_143 = arith.constant 0 : i32
      %dma_wait3A_144 = tpu.memref_slice %arg17[%add3A_115, %dma_wait3A_143] : memref<10112x128xf32, #tpu.memory_space<vmem_shared>> -> memref<128x128xf32, #tpu.memory_space<vmem_shared>>
      %dma_wait3A_145 = arith.constant 0 : i32
      %dma_wait3A_146 = arith.constant 0 : i32
      %dma_wait3A_147 = tpu.memref_slice %arg15[%dma_wait3A_145, %dma_wait3A_146] : memref<128x128xf32, #tpu.memory_space<vmem>> -> memref<128x128xf32, #tpu.memory_space<vmem>>
      %dma_wait3A_148 = arith.constant 0 : i32
      %dma_wait3A_149 = tpu.memref_slice %arg17[%add3A_115, %dma_wait3A_148] : memref<10112x128xf32, #tpu.memory_space<vmem_shared>> -> memref<128x128xf32, #tpu.memory_space<vmem_shared>>
      tpu.wait_dma2 semaphore(%run_scoped3A : memref<!tpu.dma_semaphore, #tpu.memory_space<semaphore_mem>>) src(%dma_wait3A_149 : memref<128x128xf32, #tpu.memory_space<vmem_shared>>) dst(%dma_wait3A_147 : memref<128x128xf32, #tpu.memory_space<vmem>>)
      tpu.yield
    }) : () -> ()
    %add3A_116 = arith.constant 128 : i32
    %add3A_117 = arith.addi %mul3A_11, %add3A_116 : i32
    "tpu.region"() ({
      %run_scoped3A = tpu.sem_alloc : memref<!tpu.dma_semaphore, #tpu.memory_space<semaphore_mem>>
      %dma_start3A_130 = arith.constant 0 : i32
      %dma_start3A_131 = arith.constant 0 : i32
      %dma_start3A_132 = tpu.memref_slice %arg15[%dma_start3A_130, %dma_start3A_131] : memref<128x128xf32, #tpu.memory_space<vmem>> -> memref<128x128xf32, #tpu.memory_space<vmem>>
      %dma_start3A_133 = arith.constant 0 : i32
      %dma_start3A_134 = tpu.memref_slice %arg4[%arg0, %add3A_117, %dma_start3A_133] : memref<2x10112x128xf32, #tpu.memory_space<hbm>> -> memref<1x128x128xf32, #tpu.memory_space<hbm>>
      %dma_start3A_135 = tpu.memref_squeeze %dma_start3A_134 : memref<1x128x128xf32, #tpu.memory_space<hbm>> -> memref<128x128xf32, #tpu.memory_space<hbm>>
      %dma_start3A_136 = arith.constant 0 : i32
      %dma_start3A_137 = tpu.memref_slice %arg4[%arg0, %add3A_117, %dma_start3A_136] : memref<2x10112x128xf32, #tpu.memory_space<hbm>> -> memref<1x128x128xf32, #tpu.memory_space<hbm>>
      %dma_start3A_138 = tpu.memref_squeeze %dma_start3A_137 : memref<1x128x128xf32, #tpu.memory_space<hbm>> -> memref<128x128xf32, #tpu.memory_space<hbm>>
      %dma_start3A_139 = arith.constant 0 : i32
      %dma_start3A_140 = arith.constant 0 : i32
      %dma_start3A_141 = tpu.memref_slice %arg15[%dma_start3A_139, %dma_start3A_140] : memref<128x128xf32, #tpu.memory_space<vmem>> -> memref<128x128xf32, #tpu.memory_space<vmem>>
      tpu.enqueue_dma source(%dma_start3A_141 : memref<128x128xf32, #tpu.memory_space<vmem>>) target(%dma_start3A_138 : memref<128x128xf32, #tpu.memory_space<hbm>>) target_semaphore(%run_scoped3A : memref<!tpu.dma_semaphore, #tpu.memory_space<semaphore_mem>>)
      %dma_wait3A_142 = arith.constant 0 : i32
      %dma_wait3A_143 = arith.constant 0 : i32
      %dma_wait3A_144 = tpu.memref_slice %arg15[%dma_wait3A_142, %dma_wait3A_143] : memref<128x128xf32, #tpu.memory_space<vmem>> -> memref<128x128xf32, #tpu.memory_space<vmem>>
      %dma_wait3A_145 = arith.constant 0 : i32
      %dma_wait3A_146 = tpu.memref_slice %arg4[%arg0, %add3A_117, %dma_wait3A_145] : memref<2x10112x128xf32, #tpu.memory_space<hbm>> -> memref<1x128x128xf32, #tpu.memory_space<hbm>>
      %dma_wait3A_147 = tpu.memref_squeeze %dma_wait3A_146 : memref<1x128x128xf32, #tpu.memory_space<hbm>> -> memref<128x128xf32, #tpu.memory_space<hbm>>
      %dma_wait3A_148 = arith.constant 0 : i32
      %dma_wait3A_149 = tpu.memref_slice %arg4[%arg0, %add3A_117, %dma_wait3A_148] : memref<2x10112x128xf32, #tpu.memory_space<hbm>> -> memref<1x128x128xf32, #tpu.memory_space<hbm>>
      %dma_wait3A_150 = tpu.memref_squeeze %dma_wait3A_149 : memref<1x128x128xf32, #tpu.memory_space<hbm>> -> memref<128x128xf32, #tpu.memory_space<hbm>>
      %dma_wait3A_151 = arith.constant 0 : i32
      %dma_wait3A_152 = arith.constant 0 : i32
      %dma_wait3A_153 = tpu.memref_slice %arg15[%dma_wait3A_151, %dma_wait3A_152] : memref<128x128xf32, #tpu.memory_space<vmem>> -> memref<128x128xf32, #tpu.memory_space<vmem>>
      tpu.wait_dma2 semaphore(%run_scoped3A : memref<!tpu.dma_semaphore, #tpu.memory_space<semaphore_mem>>) src(%dma_wait3A_153 : memref<128x128xf32, #tpu.memory_space<vmem>>) dst(%dma_wait3A_150 : memref<128x128xf32, #tpu.memory_space<hbm>>)
      tpu.yield
    }) : () -> ()
    %add3A_118 = arith.constant 256 : i32
    %add3A_119 = arith.addi %mul3A_11, %add3A_118 : i32
    "tpu.region"() ({
      %run_scoped3A = tpu.sem_alloc : memref<!tpu.dma_semaphore, #tpu.memory_space<semaphore_mem>>
      %dma_start3A_130 = arith.constant 0 : i32
      %dma_start3A_131 = arith.constant 0 : i32
      %dma_start3A_132 = tpu.memref_slice %arg15[%dma_start3A_130, %dma_start3A_131] : memref<128x128xf32, #tpu.memory_space<vmem>> -> memref<128x128xf32, #tpu.memory_space<vmem>>
      %dma_start3A_133 = arith.constant 0 : i32
      %dma_start3A_134 = tpu.memref_slice %arg17[%add3A_119, %dma_start3A_133] : memref<10112x128xf32, #tpu.memory_space<vmem_shared>> -> memref<128x128xf32, #tpu.memory_space<vmem_shared>>
      %dma_start3A_135 = arith.constant 0 : i32
      %dma_start3A_136 = arith.constant 0 : i32
      %dma_start3A_137 = tpu.memref_slice %arg15[%dma_start3A_135, %dma_start3A_136] : memref<128x128xf32, #tpu.memory_space<vmem>> -> memref<128x128xf32, #tpu.memory_space<vmem>>
      %dma_start3A_138 = arith.constant 0 : i32
      %dma_start3A_139 = tpu.memref_slice %arg17[%add3A_119, %dma_start3A_138] : memref<10112x128xf32, #tpu.memory_space<vmem_shared>> -> memref<128x128xf32, #tpu.memory_space<vmem_shared>>
      tpu.enqueue_dma source(%dma_start3A_139 : memref<128x128xf32, #tpu.memory_space<vmem_shared>>) target(%dma_start3A_137 : memref<128x128xf32, #tpu.memory_space<vmem>>) target_semaphore(%run_scoped3A : memref<!tpu.dma_semaphore, #tpu.memory_space<semaphore_mem>>)
      %dma_wait3A_140 = arith.constant 0 : i32
      %dma_wait3A_141 = arith.constant 0 : i32
      %dma_wait3A_142 = tpu.memref_slice %arg15[%dma_wait3A_140, %dma_wait3A_141] : memref<128x128xf32, #tpu.memory_space<vmem>> -> memref<128x128xf32, #tpu.memory_space<vmem>>
      %dma_wait3A_143 = arith.constant 0 : i32
      %dma_wait3A_144 = tpu.memref_slice %arg17[%add3A_119, %dma_wait3A_143] : memref<10112x128xf32, #tpu.memory_space<vmem_shared>> -> memref<128x128xf32, #tpu.memory_space<vmem_shared>>
      %dma_wait3A_145 = arith.constant 0 : i32
      %dma_wait3A_146 = arith.constant 0 : i32
      %dma_wait3A_147 = tpu.memref_slice %arg15[%dma_wait3A_145, %dma_wait3A_146] : memref<128x128xf32, #tpu.memory_space<vmem>> -> memref<128x128xf32, #tpu.memory_space<vmem>>
      %dma_wait3A_148 = arith.constant 0 : i32
      %dma_wait3A_149 = tpu.memref_slice %arg17[%add3A_119, %dma_wait3A_148] : memref<10112x128xf32, #tpu.memory_space<vmem_shared>> -> memref<128x128xf32, #tpu.memory_space<vmem_shared>>
      tpu.wait_dma2 semaphore(%run_scoped3A : memref<!tpu.dma_semaphore, #tpu.memory_space<semaphore_mem>>) src(%dma_wait3A_149 : memref<128x128xf32, #tpu.memory_space<vmem_shared>>) dst(%dma_wait3A_147 : memref<128x128xf32, #tpu.memory_space<vmem>>)
      tpu.yield
    }) : () -> ()
    %add3A_120 = arith.constant 256 : i32
    %add3A_121 = arith.addi %mul3A_11, %add3A_120 : i32
    "tpu.region"() ({
      %run_scoped3A = tpu.sem_alloc : memref<!tpu.dma_semaphore, #tpu.memory_space<semaphore_mem>>
      %dma_start3A_130 = arith.constant 0 : i32
      %dma_start3A_131 = arith.constant 0 : i32
      %dma_start3A_132 = tpu.memref_slice %arg15[%dma_start3A_130, %dma_start3A_131] : memref<128x128xf32, #tpu.memory_space<vmem>> -> memref<128x128xf32, #tpu.memory_space<vmem>>
      %dma_start3A_133 = arith.constant 0 : i32
      %dma_start3A_134 = tpu.memref_slice %arg4[%arg0, %add3A_121, %dma_start3A_133] : memref<2x10112x128xf32, #tpu.memory_space<hbm>> -> memref<1x128x128xf32, #tpu.memory_space<hbm>>
      %dma_start3A_135 = tpu.memref_squeeze %dma_start3A_134 : memref<1x128x128xf32, #tpu.memory_space<hbm>> -> memref<128x128xf32, #tpu.memory_space<hbm>>
      %dma_start3A_136 = arith.constant 0 : i32
      %dma_start3A_137 = tpu.memref_slice %arg4[%arg0, %add3A_121, %dma_start3A_136] : memref<2x10112x128xf32, #tpu.memory_space<hbm>> -> memref<1x128x128xf32, #tpu.memory_space<hbm>>
      %dma_start3A_138 = tpu.memref_squeeze %dma_start3A_137 : memref<1x128x128xf32, #tpu.memory_space<hbm>> -> memref<128x128xf32, #tpu.memory_space<hbm>>
      %dma_start3A_139 = arith.constant 0 : i32
      %dma_start3A_140 = arith.constant 0 : i32
      %dma_start3A_141 = tpu.memref_slice %arg15[%dma_start3A_139, %dma_start3A_140] : memref<128x128xf32, #tpu.memory_space<vmem>> -> memref<128x128xf32, #tpu.memory_space<vmem>>
      tpu.enqueue_dma source(%dma_start3A_141 : memref<128x128xf32, #tpu.memory_space<vmem>>) target(%dma_start3A_138 : memref<128x128xf32, #tpu.memory_space<hbm>>) target_semaphore(%run_scoped3A : memref<!tpu.dma_semaphore, #tpu.memory_space<semaphore_mem>>)
      %dma_wait3A_142 = arith.constant 0 : i32
      %dma_wait3A_143 = arith.constant 0 : i32
      %dma_wait3A_144 = tpu.memref_slice %arg15[%dma_wait3A_142, %dma_wait3A_143] : memref<128x128xf32, #tpu.memory_space<vmem>> -> memref<128x128xf32, #tpu.memory_space<vmem>>
      %dma_wait3A_145 = arith.constant 0 : i32
      %dma_wait3A_146 = tpu.memref_slice %arg4[%arg0, %add3A_121, %dma_wait3A_145] : memref<2x10112x128xf32, #tpu.memory_space<hbm>> -> memref<1x128x128xf32, #tpu.memory_space<hbm>>
      %dma_wait3A_147 = tpu.memref_squeeze %dma_wait3A_146 : memref<1x128x128xf32, #tpu.memory_space<hbm>> -> memref<128x128xf32, #tpu.memory_space<hbm>>
      %dma_wait3A_148 = arith.constant 0 : i32
      %dma_wait3A_149 = tpu.memref_slice %arg4[%arg0, %add3A_121, %dma_wait3A_148] : memref<2x10112x128xf32, #tpu.memory_space<hbm>> -> memref<1x128x128xf32, #tpu.memory_space<hbm>>
      %dma_wait3A_150 = tpu.memref_squeeze %dma_wait3A_149 : memref<1x128x128xf32, #tpu.memory_space<hbm>> -> memref<128x128xf32, #tpu.memory_space<hbm>>
      %dma_wait3A_151 = arith.constant 0 : i32
      %dma_wait3A_152 = arith.constant 0 : i32
      %dma_wait3A_153 = tpu.memref_slice %arg15[%dma_wait3A_151, %dma_wait3A_152] : memref<128x128xf32, #tpu.memory_space<vmem>> -> memref<128x128xf32, #tpu.memory_space<vmem>>
      tpu.wait_dma2 semaphore(%run_scoped3A : memref<!tpu.dma_semaphore, #tpu.memory_space<semaphore_mem>>) src(%dma_wait3A_153 : memref<128x128xf32, #tpu.memory_space<vmem>>) dst(%dma_wait3A_150 : memref<128x128xf32, #tpu.memory_space<hbm>>)
      tpu.yield
    }) : () -> ()
    %add3A_122 = arith.constant 384 : i32
    %add3A_123 = arith.addi %mul3A_11, %add3A_122 : i32
    "tpu.region"() ({
      %run_scoped3A = tpu.sem_alloc : memref<!tpu.dma_semaphore, #tpu.memory_space<semaphore_mem>>
      %dma_start3A_130 = arith.constant 0 : i32
      %dma_start3A_131 = arith.constant 0 : i32
      %dma_start3A_132 = tpu.memref_slice %arg15[%dma_start3A_130, %dma_start3A_131] : memref<128x128xf32, #tpu.memory_space<vmem>> -> memref<128x128xf32, #tpu.memory_space<vmem>>
      %dma_start3A_133 = arith.constant 0 : i32
      %dma_start3A_134 = tpu.memref_slice %arg17[%add3A_123, %dma_start3A_133] : memref<10112x128xf32, #tpu.memory_space<vmem_shared>> -> memref<128x128xf32, #tpu.memory_space<vmem_shared>>
      %dma_start3A_135 = arith.constant 0 : i32
      %dma_start3A_136 = arith.constant 0 : i32
      %dma_start3A_137 = tpu.memref_slice %arg15[%dma_start3A_135, %dma_start3A_136] : memref<128x128xf32, #tpu.memory_space<vmem>> -> memref<128x128xf32, #tpu.memory_space<vmem>>
      %dma_start3A_138 = arith.constant 0 : i32
      %dma_start3A_139 = tpu.memref_slice %arg17[%add3A_123, %dma_start3A_138] : memref<10112x128xf32, #tpu.memory_space<vmem_shared>> -> memref<128x128xf32, #tpu.memory_space<vmem_shared>>
      tpu.enqueue_dma source(%dma_start3A_139 : memref<128x128xf32, #tpu.memory_space<vmem_shared>>) target(%dma_start3A_137 : memref<128x128xf32, #tpu.memory_space<vmem>>) target_semaphore(%run_scoped3A : memref<!tpu.dma_semaphore, #tpu.memory_space<semaphore_mem>>)
      %dma_wait3A_140 = arith.constant 0 : i32
      %dma_wait3A_141 = arith.constant 0 : i32
      %dma_wait3A_142 = tpu.memref_slice %arg15[%dma_wait3A_140, %dma_wait3A_141] : memref<128x128xf32, #tpu.memory_space<vmem>> -> memref<128x128xf32, #tpu.memory_space<vmem>>
      %dma_wait3A_143 = arith.constant 0 : i32
      %dma_wait3A_144 = tpu.memref_slice %arg17[%add3A_123, %dma_wait3A_143] : memref<10112x128xf32, #tpu.memory_space<vmem_shared>> -> memref<128x128xf32, #tpu.memory_space<vmem_shared>>
      %dma_wait3A_145 = arith.constant 0 : i32
      %dma_wait3A_146 = arith.constant 0 : i32
      %dma_wait3A_147 = tpu.memref_slice %arg15[%dma_wait3A_145, %dma_wait3A_146] : memref<128x128xf32, #tpu.memory_space<vmem>> -> memref<128x128xf32, #tpu.memory_space<vmem>>
      %dma_wait3A_148 = arith.constant 0 : i32
      %dma_wait3A_149 = tpu.memref_slice %arg17[%add3A_123, %dma_wait3A_148] : memref<10112x128xf32, #tpu.memory_space<vmem_shared>> -> memref<128x128xf32, #tpu.memory_space<vmem_shared>>
      tpu.wait_dma2 semaphore(%run_scoped3A : memref<!tpu.dma_semaphore, #tpu.memory_space<semaphore_mem>>) src(%dma_wait3A_149 : memref<128x128xf32, #tpu.memory_space<vmem_shared>>) dst(%dma_wait3A_147 : memref<128x128xf32, #tpu.memory_space<vmem>>)
      tpu.yield
    }) : () -> ()
    %add3A_124 = arith.constant 384 : i32
    %add3A_125 = arith.addi %mul3A_11, %add3A_124 : i32
    "tpu.region"() ({
      %run_scoped3A = tpu.sem_alloc : memref<!tpu.dma_semaphore, #tpu.memory_space<semaphore_mem>>
      %dma_start3A_130 = arith.constant 0 : i32
      %dma_start3A_131 = arith.constant 0 : i32
      %dma_start3A_132 = tpu.memref_slice %arg15[%dma_start3A_130, %dma_start3A_131] : memref<128x128xf32, #tpu.memory_space<vmem>> -> memref<128x128xf32, #tpu.memory_space<vmem>>
      %dma_start3A_133 = arith.constant 0 : i32
      %dma_start3A_134 = tpu.memref_slice %arg4[%arg0, %add3A_125, %dma_start3A_133] : memref<2x10112x128xf32, #tpu.memory_space<hbm>> -> memref<1x128x128xf32, #tpu.memory_space<hbm>>
      %dma_start3A_135 = tpu.memref_squeeze %dma_start3A_134 : memref<1x128x128xf32, #tpu.memory_space<hbm>> -> memref<128x128xf32, #tpu.memory_space<hbm>>
      %dma_start3A_136 = arith.constant 0 : i32
      %dma_start3A_137 = tpu.memref_slice %arg4[%arg0, %add3A_125, %dma_start3A_136] : memref<2x10112x128xf32, #tpu.memory_space<hbm>> -> memref<1x128x128xf32, #tpu.memory_space<hbm>>
      %dma_start3A_138 = tpu.memref_squeeze %dma_start3A_137 : memref<1x128x128xf32, #tpu.memory_space<hbm>> -> memref<128x128xf32, #tpu.memory_space<hbm>>
      %dma_start3A_139 = arith.constant 0 : i32
      %dma_start3A_140 = arith.constant 0 : i32
      %dma_start3A_141 = tpu.memref_slice %arg15[%dma_start3A_139, %dma_start3A_140] : memref<128x128xf32, #tpu.memory_space<vmem>> -> memref<128x128xf32, #tpu.memory_space<vmem>>
      tpu.enqueue_dma source(%dma_start3A_141 : memref<128x128xf32, #tpu.memory_space<vmem>>) target(%dma_start3A_138 : memref<128x128xf32, #tpu.memory_space<hbm>>) target_semaphore(%run_scoped3A : memref<!tpu.dma_semaphore, #tpu.memory_space<semaphore_mem>>)
      %dma_wait3A_142 = arith.constant 0 : i32
      %dma_wait3A_143 = arith.constant 0 : i32
      %dma_wait3A_144 = tpu.memref_slice %arg15[%dma_wait3A_142, %dma_wait3A_143] : memref<128x128xf32, #tpu.memory_space<vmem>> -> memref<128x128xf32, #tpu.memory_space<vmem>>
      %dma_wait3A_145 = arith.constant 0 : i32
      %dma_wait3A_146 = tpu.memref_slice %arg4[%arg0, %add3A_125, %dma_wait3A_145] : memref<2x10112x128xf32, #tpu.memory_space<hbm>> -> memref<1x128x128xf32, #tpu.memory_space<hbm>>
      %dma_wait3A_147 = tpu.memref_squeeze %dma_wait3A_146 : memref<1x128x128xf32, #tpu.memory_space<hbm>> -> memref<128x128xf32, #tpu.memory_space<hbm>>
      %dma_wait3A_148 = arith.constant 0 : i32
      %dma_wait3A_149 = tpu.memref_slice %arg4[%arg0, %add3A_125, %dma_wait3A_148] : memref<2x10112x128xf32, #tpu.memory_space<hbm>> -> memref<1x128x128xf32, #tpu.memory_space<hbm>>
      %dma_wait3A_150 = tpu.memref_squeeze %dma_wait3A_149 : memref<1x128x128xf32, #tpu.memory_space<hbm>> -> memref<128x128xf32, #tpu.memory_space<hbm>>
      %dma_wait3A_151 = arith.constant 0 : i32
      %dma_wait3A_152 = arith.constant 0 : i32
      %dma_wait3A_153 = tpu.memref_slice %arg15[%dma_wait3A_151, %dma_wait3A_152] : memref<128x128xf32, #tpu.memory_space<vmem>> -> memref<128x128xf32, #tpu.memory_space<vmem>>
      tpu.wait_dma2 semaphore(%run_scoped3A : memref<!tpu.dma_semaphore, #tpu.memory_space<semaphore_mem>>) src(%dma_wait3A_153 : memref<128x128xf32, #tpu.memory_space<vmem>>) dst(%dma_wait3A_150 : memref<128x128xf32, #tpu.memory_space<hbm>>)
      tpu.yield
    }) : () -> ()
    %add3A_126 = arith.constant 512 : i32
    %add3A_127 = arith.addi %mul3A_11, %add3A_126 : i32
    "tpu.region"() ({
      %run_scoped3A = tpu.sem_alloc : memref<!tpu.dma_semaphore, #tpu.memory_space<semaphore_mem>>
      %dma_start3A_130 = arith.constant 0 : i32
      %dma_start3A_131 = arith.constant 0 : i32
      %dma_start3A_132 = tpu.memref_slice %arg15[%dma_start3A_130, %dma_start3A_131] : memref<128x128xf32, #tpu.memory_space<vmem>> -> memref<120x128xf32, #tpu.memory_space<vmem>>
      %dma_start3A_133 = arith.constant 0 : i32
      %dma_start3A_134 = tpu.memref_slice %arg17[%add3A_127, %dma_start3A_133] : memref<10112x128xf32, #tpu.memory_space<vmem_shared>> -> memref<120x128xf32, #tpu.memory_space<vmem_shared>>
      %dma_start3A_135 = arith.constant 0 : i32
      %dma_start3A_136 = arith.constant 0 : i32
      %dma_start3A_137 = tpu.memref_slice %arg15[%dma_start3A_135, %dma_start3A_136] : memref<128x128xf32, #tpu.memory_space<vmem>> -> memref<120x128xf32, #tpu.memory_space<vmem>>
      %dma_start3A_138 = arith.constant 0 : i32
      %dma_start3A_139 = tpu.memref_slice %arg17[%add3A_127, %dma_start3A_138] : memref<10112x128xf32, #tpu.memory_space<vmem_shared>> -> memref<120x128xf32, #tpu.memory_space<vmem_shared>>
      tpu.enqueue_dma source(%dma_start3A_139 : memref<120x128xf32, #tpu.memory_space<vmem_shared>>) target(%dma_start3A_137 : memref<120x128xf32, #tpu.memory_space<vmem>>) target_semaphore(%run_scoped3A : memref<!tpu.dma_semaphore, #tpu.memory_space<semaphore_mem>>)
      %dma_wait3A_140 = arith.constant 0 : i32
      %dma_wait3A_141 = arith.constant 0 : i32
      %dma_wait3A_142 = tpu.memref_slice %arg15[%dma_wait3A_140, %dma_wait3A_141] : memref<128x128xf32, #tpu.memory_space<vmem>> -> memref<120x128xf32, #tpu.memory_space<vmem>>
      %dma_wait3A_143 = arith.constant 0 : i32
      %dma_wait3A_144 = tpu.memref_slice %arg17[%add3A_127, %dma_wait3A_143] : memref<10112x128xf32, #tpu.memory_space<vmem_shared>> -> memref<120x128xf32, #tpu.memory_space<vmem_shared>>
      %dma_wait3A_145 = arith.constant 0 : i32
      %dma_wait3A_146 = arith.constant 0 : i32
      %dma_wait3A_147 = tpu.memref_slice %arg15[%dma_wait3A_145, %dma_wait3A_146] : memref<128x128xf32, #tpu.memory_space<vmem>> -> memref<120x128xf32, #tpu.memory_space<vmem>>
      %dma_wait3A_148 = arith.constant 0 : i32
      %dma_wait3A_149 = tpu.memref_slice %arg17[%add3A_127, %dma_wait3A_148] : memref<10112x128xf32, #tpu.memory_space<vmem_shared>> -> memref<120x128xf32, #tpu.memory_space<vmem_shared>>
      tpu.wait_dma2 semaphore(%run_scoped3A : memref<!tpu.dma_semaphore, #tpu.memory_space<semaphore_mem>>) src(%dma_wait3A_149 : memref<120x128xf32, #tpu.memory_space<vmem_shared>>) dst(%dma_wait3A_147 : memref<120x128xf32, #tpu.memory_space<vmem>>)
      tpu.yield
    }) : () -> ()
    %add3A_128 = arith.constant 512 : i32
    %add3A_129 = arith.addi %mul3A_11, %add3A_128 : i32
    "tpu.region"() ({
      %run_scoped3A = tpu.sem_alloc : memref<!tpu.dma_semaphore, #tpu.memory_space<semaphore_mem>>
      %dma_start3A_130 = arith.constant 0 : i32
      %dma_start3A_131 = arith.constant 0 : i32
      %dma_start3A_132 = tpu.memref_slice %arg15[%dma_start3A_130, %dma_start3A_131] : memref<128x128xf32, #tpu.memory_space<vmem>> -> memref<120x128xf32, #tpu.memory_space<vmem>>
      %dma_start3A_133 = arith.constant 0 : i32
      %dma_start3A_134 = tpu.memref_slice %arg4[%arg0, %add3A_129, %dma_start3A_133] : memref<2x10112x128xf32, #tpu.memory_space<hbm>> -> memref<1x120x128xf32, #tpu.memory_space<hbm>>
      %dma_start3A_135 = tpu.memref_squeeze %dma_start3A_134 : memref<1x120x128xf32, #tpu.memory_space<hbm>> -> memref<120x128xf32, #tpu.memory_space<hbm>>
      %dma_start3A_136 = arith.constant 0 : i32
      %dma_start3A_137 = tpu.memref_slice %arg4[%arg0, %add3A_129, %dma_start3A_136] : memref<2x10112x128xf32, #tpu.memory_space<hbm>> -> memref<1x120x128xf32, #tpu.memory_space<hbm>>
      %dma_start3A_138 = tpu.memref_squeeze %dma_start3A_137 : memref<1x120x128xf32, #tpu.memory_space<hbm>> -> memref<120x128xf32, #tpu.memory_space<hbm>>
      %dma_start3A_139 = arith.constant 0 : i32
      %dma_start3A_140 = arith.constant 0 : i32
      %dma_start3A_141 = tpu.memref_slice %arg15[%dma_start3A_139, %dma_start3A_140] : memref<128x128xf32, #tpu.memory_space<vmem>> -> memref<120x128xf32, #tpu.memory_space<vmem>>
      tpu.enqueue_dma source(%dma_start3A_141 : memref<120x128xf32, #tpu.memory_space<vmem>>) target(%dma_start3A_138 : memref<120x128xf32, #tpu.memory_space<hbm>>) target_semaphore(%run_scoped3A : memref<!tpu.dma_semaphore, #tpu.memory_space<semaphore_mem>>)
      %dma_wait3A_142 = arith.constant 0 : i32
      %dma_wait3A_143 = arith.constant 0 : i32
      %dma_wait3A_144 = tpu.memref_slice %arg15[%dma_wait3A_142, %dma_wait3A_143] : memref<128x128xf32, #tpu.memory_space<vmem>> -> memref<120x128xf32, #tpu.memory_space<vmem>>
      %dma_wait3A_145 = arith.constant 0 : i32
      %dma_wait3A_146 = tpu.memref_slice %arg4[%arg0, %add3A_129, %dma_wait3A_145] : memref<2x10112x128xf32, #tpu.memory_space<hbm>> -> memref<1x120x128xf32, #tpu.memory_space<hbm>>
      %dma_wait3A_147 = tpu.memref_squeeze %dma_wait3A_146 : memref<1x120x128xf32, #tpu.memory_space<hbm>> -> memref<120x128xf32, #tpu.memory_space<hbm>>
      %dma_wait3A_148 = arith.constant 0 : i32
      %dma_wait3A_149 = tpu.memref_slice %arg4[%arg0, %add3A_129, %dma_wait3A_148] : memref<2x10112x128xf32, #tpu.memory_space<hbm>> -> memref<1x120x128xf32, #tpu.memory_space<hbm>>
      %dma_wait3A_150 = tpu.memref_squeeze %dma_wait3A_149 : memref<1x120x128xf32, #tpu.memory_space<hbm>> -> memref<120x128xf32, #tpu.memory_space<hbm>>
      %dma_wait3A_151 = arith.constant 0 : i32
      %dma_wait3A_152 = arith.constant 0 : i32
      %dma_wait3A_153 = tpu.memref_slice %arg15[%dma_wait3A_151, %dma_wait3A_152] : memref<128x128xf32, #tpu.memory_space<vmem>> -> memref<120x128xf32, #tpu.memory_space<vmem>>
      tpu.wait_dma2 semaphore(%run_scoped3A : memref<!tpu.dma_semaphore, #tpu.memory_space<semaphore_mem>>) src(%dma_wait3A_153 : memref<120x128xf32, #tpu.memory_space<vmem>>) dst(%dma_wait3A_150 : memref<120x128xf32, #tpu.memory_space<hbm>>)
      tpu.yield
    }) : () -> ()
    return
  }
}

#map = affine_map<(d0, d1) -> (0, 0)>
#map1 = affine_map<(d0, d1) -> (0)>
#map2 = affine_map<(d0, d1) -> (0, 0, 0)>
module attributes {stable_mosaic.version = 14 : i64} {
  func.func @_sc_agg(%arg0: i32, %arg1: i32, %arg2: memref<10112x64xf32, #tpu.memory_space<hbm>>, %arg3: memref<640000xi32, #tpu.memory_space<hbm>>, %arg4: memref<2x10112x64xf32, #tpu.memory_space<hbm>>, %arg5: memref<128xi32, #tpu.memory_space<vmem>>, %arg6: memref<128xi32, #tpu.memory_space<vmem>>, %arg7: memref<128xi32, #tpu.memory_space<vmem>>, %arg8: memref<128xi32, #tpu.memory_space<vmem>>, %arg9: memref<128xi32, #tpu.memory_space<vmem>>, %arg10: memref<128xi32, #tpu.memory_space<vmem>>, %arg11: memref<128xi32, #tpu.memory_space<vmem>>, %arg12: memref<128xi32, #tpu.memory_space<vmem>>, %arg13: memref<16xi32, #tpu.memory_space<vmem>>, %arg14: memref<16xi32, #tpu.memory_space<vmem>>, %arg15: memref<128x64xf32, #tpu.memory_space<vmem>>, %arg16: memref<128x64xf32, #tpu.memory_space<vmem>>, %arg17: memref<10112x64xf32, #tpu.memory_space<vmem_shared>>, %arg18: memref<!tpu.dma_semaphore, #tpu.memory_space<semaphore_mem>>, %arg19: memref<!tpu.dma_semaphore, #tpu.memory_space<semaphore_mem>>, %arg20: memref<!tpu.dma_semaphore, #tpu.memory_space<semaphore_mem>>, %arg21: memref<!tpu.dma_semaphore, #tpu.memory_space<semaphore_mem>>, %arg22: memref<!tpu.dma_semaphore, #tpu.memory_space<semaphore_mem>>, %arg23: memref<!tpu.dma_semaphore, #tpu.memory_space<semaphore_mem>>, %arg24: memref<!tpu.dma_semaphore, #tpu.memory_space<semaphore_mem>>, %arg25: memref<!tpu.dma_semaphore, #tpu.memory_space<semaphore_mem>>, %arg26: memref<!tpu.dma_semaphore, #tpu.memory_space<semaphore_mem>>, %arg27: memref<!tpu.dma_semaphore, #tpu.memory_space<semaphore_mem>>) attributes {dimension_semantics = [#tpu.dimension_semantics<core_parallel>, #tpu.dimension_semantics<subcore_parallel>], iteration_bounds = array<i64: 2, 16>, scalar_prefetch = 0 : i64, scratch_operands = 23 : i64, tpu.core_type = #tpu.core_type<sc_vector_subcore>, window_params = [{transform_indices = #map}, {transform_indices = #map1}, {transform_indices = #map2}]} {
    %mul3A = arith.constant 16 : i32
    %mul3A_0 = arith.muli %arg0, %mul3A : i32
    %add3A = arith.addi %mul3A_0, %arg1 : i32
    %mul3A_1 = arith.constant 10000 : i32
    %mul3A_2 = arith.muli %add3A, %mul3A_1 : i32
    %broadcast_in_dim3A = arith.constant 0.000000e+00 : f32
    %broadcast_in_dim3A_3 = vector.broadcast %broadcast_in_dim3A : f32 to vector<16xf32>
    %scan3A = arith.constant 0 : i32
    %scan3A_4 = arith.constant 0 : i32
    %scan3A_5 = arith.constant 128 : i32
    %scan3A_6 = arith.addi %scan3A_4, %scan3A_5 : i32
    %scan3A_7 = arith.constant 1 : i32
    %scan3A_8 = scf.for %scan3A_130 = %scan3A_4 to %scan3A_6 step %scan3A_7 iter_args(%scan3A_131 = %scan3A) -> (i32)  : i32 {
      %swap3A = arith.index_cast %scan3A_130 : i32 to index
      %swap3A_132 = arith.constant 0 : index
      %swap3A_133 = tpu.vector_load %arg15[%swap3A, %swap3A_132] {strides = array<i32>} : memref<128x64xf32, #tpu.memory_space<vmem>>, vector<1x16xf32>,
      %swap3A_134 = vector.shape_cast %swap3A_133 : vector<1x16xf32> to vector<16xf32>
      %swap3A_135 = vector.shape_cast %broadcast_in_dim3A_3 : vector<16xf32> to vector<1x16xf32>
      tpu.vector_store %arg15[%swap3A, %swap3A_132], %swap3A_135 {strides = array<i32>} : memref<128x64xf32, #tpu.memory_space<vmem>>, vector<1x16xf32>,
      %swap3A_136 = arith.index_cast %scan3A_130 : i32 to index
      %swap3A_137 = arith.constant 16 : index
      %swap3A_138 = tpu.vector_load %arg15[%swap3A_136, %swap3A_137] {strides = array<i32>} : memref<128x64xf32, #tpu.memory_space<vmem>>, vector<1x16xf32>,
      %swap3A_139 = vector.shape_cast %swap3A_138 : vector<1x16xf32> to vector<16xf32>
      %swap3A_140 = vector.shape_cast %broadcast_in_dim3A_3 : vector<16xf32> to vector<1x16xf32>
      tpu.vector_store %arg15[%swap3A_136, %swap3A_137], %swap3A_140 {strides = array<i32>} : memref<128x64xf32, #tpu.memory_space<vmem>>, vector<1x16xf32>,
      %swap3A_141 = arith.index_cast %scan3A_130 : i32 to index
      %swap3A_142 = arith.constant 32 : index
      %swap3A_143 = tpu.vector_load %arg15[%swap3A_141, %swap3A_142] {strides = array<i32>} : memref<128x64xf32, #tpu.memory_space<vmem>>, vector<1x16xf32>,
      %swap3A_144 = vector.shape_cast %swap3A_143 : vector<1x16xf32> to vector<16xf32>
      %swap3A_145 = vector.shape_cast %broadcast_in_dim3A_3 : vector<16xf32> to vector<1x16xf32>
      tpu.vector_store %arg15[%swap3A_141, %swap3A_142], %swap3A_145 {strides = array<i32>} : memref<128x64xf32, #tpu.memory_space<vmem>>, vector<1x16xf32>,
      %swap3A_146 = arith.index_cast %scan3A_130 : i32 to index
      %swap3A_147 = arith.constant 48 : index
      %swap3A_148 = tpu.vector_load %arg15[%swap3A_146, %swap3A_147] {strides = array<i32>} : memref<128x64xf32, #tpu.memory_space<vmem>>, vector<1x16xf32>,
      %swap3A_149 = vector.shape_cast %swap3A_148 : vector<1x16xf32> to vector<16xf32>
      %swap3A_150 = vector.shape_cast %broadcast_in_dim3A_3 : vector<16xf32> to vector<1x16xf32>
      tpu.vector_store %arg15[%swap3A_146, %swap3A_147], %swap3A_150 {strides = array<i32>} : memref<128x64xf32, #tpu.memory_space<vmem>>, vector<1x16xf32>,
      %scan3A_151 = arith.constant 0 : i32
      scf.yield %scan3A_151 : i32
    }
    %scan3A_9 = arith.constant 128 : i32
    %mul3A_10 = arith.constant 632 : i32
    %mul3A_11 = arith.muli %arg1, %mul3A_10 : i32
    %add3A_12 = arith.constant 0 : i32
    %add3A_13 = arith.addi %mul3A_11, %add3A_12 : i32
    "tpu.region"() ({
      %run_scoped3A = tpu.sem_alloc : memref<!tpu.dma_semaphore, #tpu.memory_space<semaphore_mem>>
      %dma_start3A_130 = arith.constant 0 : i32
      %dma_start3A_131 = tpu.memref_slice %arg17[%add3A_13, %dma_start3A_130] : memref<10112x64xf32, #tpu.memory_space<vmem_shared>> -> memref<128x64xf32, #tpu.memory_space<vmem_shared>>
      %dma_start3A_132 = arith.constant 0 : i32
      %dma_start3A_133 = tpu.memref_slice %arg17[%add3A_13, %dma_start3A_132] : memref<10112x64xf32, #tpu.memory_space<vmem_shared>> -> memref<128x64xf32, #tpu.memory_space<vmem_shared>>
      tpu.enqueue_dma source(%arg15 : memref<128x64xf32, #tpu.memory_space<vmem>>) target(%dma_start3A_133 : memref<128x64xf32, #tpu.memory_space<vmem_shared>>) target_semaphore(%run_scoped3A : memref<!tpu.dma_semaphore, #tpu.memory_space<semaphore_mem>>)
      %dma_wait3A_134 = arith.constant 0 : i32
      %dma_wait3A_135 = tpu.memref_slice %arg17[%add3A_13, %dma_wait3A_134] : memref<10112x64xf32, #tpu.memory_space<vmem_shared>> -> memref<128x64xf32, #tpu.memory_space<vmem_shared>>
      %dma_wait3A_136 = arith.constant 0 : i32
      %dma_wait3A_137 = tpu.memref_slice %arg17[%add3A_13, %dma_wait3A_136] : memref<10112x64xf32, #tpu.memory_space<vmem_shared>> -> memref<128x64xf32, #tpu.memory_space<vmem_shared>>
      tpu.wait_dma2 semaphore(%run_scoped3A : memref<!tpu.dma_semaphore, #tpu.memory_space<semaphore_mem>>) src(%arg15 : memref<128x64xf32, #tpu.memory_space<vmem>>) dst(%dma_wait3A_137 : memref<128x64xf32, #tpu.memory_space<vmem_shared>>)
      tpu.yield
    }) : () -> ()
    %add3A_14 = arith.constant 128 : i32
    %add3A_15 = arith.addi %mul3A_11, %add3A_14 : i32
    "tpu.region"() ({
      %run_scoped3A = tpu.sem_alloc : memref<!tpu.dma_semaphore, #tpu.memory_space<semaphore_mem>>
      %dma_start3A_130 = arith.constant 0 : i32
      %dma_start3A_131 = tpu.memref_slice %arg17[%add3A_15, %dma_start3A_130] : memref<10112x64xf32, #tpu.memory_space<vmem_shared>> -> memref<128x64xf32, #tpu.memory_space<vmem_shared>>
      %dma_start3A_132 = arith.constant 0 : i32
      %dma_start3A_133 = tpu.memref_slice %arg17[%add3A_15, %dma_start3A_132] : memref<10112x64xf32, #tpu.memory_space<vmem_shared>> -> memref<128x64xf32, #tpu.memory_space<vmem_shared>>
      tpu.enqueue_dma source(%arg15 : memref<128x64xf32, #tpu.memory_space<vmem>>) target(%dma_start3A_133 : memref<128x64xf32, #tpu.memory_space<vmem_shared>>) target_semaphore(%run_scoped3A : memref<!tpu.dma_semaphore, #tpu.memory_space<semaphore_mem>>)
      %dma_wait3A_134 = arith.constant 0 : i32
      %dma_wait3A_135 = tpu.memref_slice %arg17[%add3A_15, %dma_wait3A_134] : memref<10112x64xf32, #tpu.memory_space<vmem_shared>> -> memref<128x64xf32, #tpu.memory_space<vmem_shared>>
      %dma_wait3A_136 = arith.constant 0 : i32
      %dma_wait3A_137 = tpu.memref_slice %arg17[%add3A_15, %dma_wait3A_136] : memref<10112x64xf32, #tpu.memory_space<vmem_shared>> -> memref<128x64xf32, #tpu.memory_space<vmem_shared>>
      tpu.wait_dma2 semaphore(%run_scoped3A : memref<!tpu.dma_semaphore, #tpu.memory_space<semaphore_mem>>) src(%arg15 : memref<128x64xf32, #tpu.memory_space<vmem>>) dst(%dma_wait3A_137 : memref<128x64xf32, #tpu.memory_space<vmem_shared>>)
      tpu.yield
    }) : () -> ()
    %add3A_16 = arith.constant 256 : i32
    %add3A_17 = arith.addi %mul3A_11, %add3A_16 : i32
    "tpu.region"() ({
      %run_scoped3A = tpu.sem_alloc : memref<!tpu.dma_semaphore, #tpu.memory_space<semaphore_mem>>
      %dma_start3A_130 = arith.constant 0 : i32
      %dma_start3A_131 = tpu.memref_slice %arg17[%add3A_17, %dma_start3A_130] : memref<10112x64xf32, #tpu.memory_space<vmem_shared>> -> memref<128x64xf32, #tpu.memory_space<vmem_shared>>
      %dma_start3A_132 = arith.constant 0 : i32
      %dma_start3A_133 = tpu.memref_slice %arg17[%add3A_17, %dma_start3A_132] : memref<10112x64xf32, #tpu.memory_space<vmem_shared>> -> memref<128x64xf32, #tpu.memory_space<vmem_shared>>
      tpu.enqueue_dma source(%arg15 : memref<128x64xf32, #tpu.memory_space<vmem>>) target(%dma_start3A_133 : memref<128x64xf32, #tpu.memory_space<vmem_shared>>) target_semaphore(%run_scoped3A : memref<!tpu.dma_semaphore, #tpu.memory_space<semaphore_mem>>)
      %dma_wait3A_134 = arith.constant 0 : i32
      %dma_wait3A_135 = tpu.memref_slice %arg17[%add3A_17, %dma_wait3A_134] : memref<10112x64xf32, #tpu.memory_space<vmem_shared>> -> memref<128x64xf32, #tpu.memory_space<vmem_shared>>
      %dma_wait3A_136 = arith.constant 0 : i32
      %dma_wait3A_137 = tpu.memref_slice %arg17[%add3A_17, %dma_wait3A_136] : memref<10112x64xf32, #tpu.memory_space<vmem_shared>> -> memref<128x64xf32, #tpu.memory_space<vmem_shared>>
      tpu.wait_dma2 semaphore(%run_scoped3A : memref<!tpu.dma_semaphore, #tpu.memory_space<semaphore_mem>>) src(%arg15 : memref<128x64xf32, #tpu.memory_space<vmem>>) dst(%dma_wait3A_137 : memref<128x64xf32, #tpu.memory_space<vmem_shared>>)
      tpu.yield
    }) : () -> ()
    %add3A_18 = arith.constant 384 : i32
    %add3A_19 = arith.addi %mul3A_11, %add3A_18 : i32
    "tpu.region"() ({
      %run_scoped3A = tpu.sem_alloc : memref<!tpu.dma_semaphore, #tpu.memory_space<semaphore_mem>>
      %dma_start3A_130 = arith.constant 0 : i32
      %dma_start3A_131 = tpu.memref_slice %arg17[%add3A_19, %dma_start3A_130] : memref<10112x64xf32, #tpu.memory_space<vmem_shared>> -> memref<128x64xf32, #tpu.memory_space<vmem_shared>>
      %dma_start3A_132 = arith.constant 0 : i32
      %dma_start3A_133 = tpu.memref_slice %arg17[%add3A_19, %dma_start3A_132] : memref<10112x64xf32, #tpu.memory_space<vmem_shared>> -> memref<128x64xf32, #tpu.memory_space<vmem_shared>>
      tpu.enqueue_dma source(%arg15 : memref<128x64xf32, #tpu.memory_space<vmem>>) target(%dma_start3A_133 : memref<128x64xf32, #tpu.memory_space<vmem_shared>>) target_semaphore(%run_scoped3A : memref<!tpu.dma_semaphore, #tpu.memory_space<semaphore_mem>>)
      %dma_wait3A_134 = arith.constant 0 : i32
      %dma_wait3A_135 = tpu.memref_slice %arg17[%add3A_19, %dma_wait3A_134] : memref<10112x64xf32, #tpu.memory_space<vmem_shared>> -> memref<128x64xf32, #tpu.memory_space<vmem_shared>>
      %dma_wait3A_136 = arith.constant 0 : i32
      %dma_wait3A_137 = tpu.memref_slice %arg17[%add3A_19, %dma_wait3A_136] : memref<10112x64xf32, #tpu.memory_space<vmem_shared>> -> memref<128x64xf32, #tpu.memory_space<vmem_shared>>
      tpu.wait_dma2 semaphore(%run_scoped3A : memref<!tpu.dma_semaphore, #tpu.memory_space<semaphore_mem>>) src(%arg15 : memref<128x64xf32, #tpu.memory_space<vmem>>) dst(%dma_wait3A_137 : memref<128x64xf32, #tpu.memory_space<vmem_shared>>)
      tpu.yield
    }) : () -> ()
    %add3A_20 = arith.constant 512 : i32
    %add3A_21 = arith.addi %mul3A_11, %add3A_20 : i32
    "tpu.region"() ({
      %run_scoped3A = tpu.sem_alloc : memref<!tpu.dma_semaphore, #tpu.memory_space<semaphore_mem>>
      %dma_start3A_130 = arith.constant 0 : i32
      %dma_start3A_131 = arith.constant 0 : i32
      %dma_start3A_132 = tpu.memref_slice %arg15[%dma_start3A_130, %dma_start3A_131] : memref<128x64xf32, #tpu.memory_space<vmem>> -> memref<120x64xf32, #tpu.memory_space<vmem>>
      %dma_start3A_133 = arith.constant 0 : i32
      %dma_start3A_134 = tpu.memref_slice %arg17[%add3A_21, %dma_start3A_133] : memref<10112x64xf32, #tpu.memory_space<vmem_shared>> -> memref<120x64xf32, #tpu.memory_space<vmem_shared>>
      %dma_start3A_135 = arith.constant 0 : i32
      %dma_start3A_136 = tpu.memref_slice %arg17[%add3A_21, %dma_start3A_135] : memref<10112x64xf32, #tpu.memory_space<vmem_shared>> -> memref<120x64xf32, #tpu.memory_space<vmem_shared>>
      %dma_start3A_137 = arith.constant 0 : i32
      %dma_start3A_138 = arith.constant 0 : i32
      %dma_start3A_139 = tpu.memref_slice %arg15[%dma_start3A_137, %dma_start3A_138] : memref<128x64xf32, #tpu.memory_space<vmem>> -> memref<120x64xf32, #tpu.memory_space<vmem>>
      tpu.enqueue_dma source(%dma_start3A_139 : memref<120x64xf32, #tpu.memory_space<vmem>>) target(%dma_start3A_136 : memref<120x64xf32, #tpu.memory_space<vmem_shared>>) target_semaphore(%run_scoped3A : memref<!tpu.dma_semaphore, #tpu.memory_space<semaphore_mem>>)
      %dma_wait3A_140 = arith.constant 0 : i32
      %dma_wait3A_141 = arith.constant 0 : i32
      %dma_wait3A_142 = tpu.memref_slice %arg15[%dma_wait3A_140, %dma_wait3A_141] : memref<128x64xf32, #tpu.memory_space<vmem>> -> memref<120x64xf32, #tpu.memory_space<vmem>>
      %dma_wait3A_143 = arith.constant 0 : i32
      %dma_wait3A_144 = tpu.memref_slice %arg17[%add3A_21, %dma_wait3A_143] : memref<10112x64xf32, #tpu.memory_space<vmem_shared>> -> memref<120x64xf32, #tpu.memory_space<vmem_shared>>
      %dma_wait3A_145 = arith.constant 0 : i32
      %dma_wait3A_146 = tpu.memref_slice %arg17[%add3A_21, %dma_wait3A_145] : memref<10112x64xf32, #tpu.memory_space<vmem_shared>> -> memref<120x64xf32, #tpu.memory_space<vmem_shared>>
      %dma_wait3A_147 = arith.constant 0 : i32
      %dma_wait3A_148 = arith.constant 0 : i32
      %dma_wait3A_149 = tpu.memref_slice %arg15[%dma_wait3A_147, %dma_wait3A_148] : memref<128x64xf32, #tpu.memory_space<vmem>> -> memref<120x64xf32, #tpu.memory_space<vmem>>
      tpu.wait_dma2 semaphore(%run_scoped3A : memref<!tpu.dma_semaphore, #tpu.memory_space<semaphore_mem>>) src(%dma_wait3A_149 : memref<120x64xf32, #tpu.memory_space<vmem>>) dst(%dma_wait3A_146 : memref<120x64xf32, #tpu.memory_space<vmem_shared>>)
      tpu.yield
    }) : () -> ()
    %barrier3A = arith.constant 0 : index
    tpu.barrier barrier_id(%barrier3A)
    %add3A_22 = arith.constant 0 : i32
    %add3A_23 = arith.addi %mul3A_2, %add3A_22 : i32
    %dma_start3A = tpu.memref_slice %arg3[%add3A_23] : memref<640000xi32, #tpu.memory_space<hbm>> -> memref<128xi32, #tpu.memory_space<hbm>>
    %dma_start3A_24 = tpu.memref_slice %arg3[%add3A_23] : memref<640000xi32, #tpu.memory_space<hbm>> -> memref<128xi32, #tpu.memory_space<hbm>>
    tpu.enqueue_dma source(%dma_start3A_24 : memref<128xi32, #tpu.memory_space<hbm>>) target(%arg5 : memref<128xi32, #tpu.memory_space<vmem>>) target_semaphore(%arg18 : memref<!tpu.dma_semaphore, #tpu.memory_space<semaphore_mem>>)
    %add3A_25 = arith.constant 320000 : i32
    %add3A_26 = arith.addi %add3A_25, %mul3A_2 : i32
    %add3A_27 = arith.constant 0 : i32
    %add3A_28 = arith.addi %add3A_26, %add3A_27 : i32
    %dma_start3A_29 = tpu.memref_slice %arg3[%add3A_28] : memref<640000xi32, #tpu.memory_space<hbm>> -> memref<128xi32, #tpu.memory_space<hbm>>
    %dma_start3A_30 = tpu.memref_slice %arg3[%add3A_28] : memref<640000xi32, #tpu.memory_space<hbm>> -> memref<128xi32, #tpu.memory_space<hbm>>
    tpu.enqueue_dma source(%dma_start3A_30 : memref<128xi32, #tpu.memory_space<hbm>>) target(%arg9 : memref<128xi32, #tpu.memory_space<vmem>>) target_semaphore(%arg22 : memref<!tpu.dma_semaphore, #tpu.memory_space<semaphore_mem>>)
    %add3A_31 = arith.constant 128 : i32
    %add3A_32 = arith.addi %mul3A_2, %add3A_31 : i32
    %dma_start3A_33 = tpu.memref_slice %arg3[%add3A_32] : memref<640000xi32, #tpu.memory_space<hbm>> -> memref<128xi32, #tpu.memory_space<hbm>>
    %dma_start3A_34 = tpu.memref_slice %arg3[%add3A_32] : memref<640000xi32, #tpu.memory_space<hbm>> -> memref<128xi32, #tpu.memory_space<hbm>>
    tpu.enqueue_dma source(%dma_start3A_34 : memref<128xi32, #tpu.memory_space<hbm>>) target(%arg6 : memref<128xi32, #tpu.memory_space<vmem>>) target_semaphore(%arg19 : memref<!tpu.dma_semaphore, #tpu.memory_space<semaphore_mem>>)
    %add3A_35 = arith.constant 320000 : i32
    %add3A_36 = arith.addi %add3A_35, %mul3A_2 : i32
    %add3A_37 = arith.constant 128 : i32
    %add3A_38 = arith.addi %add3A_36, %add3A_37 : i32
    %dma_start3A_39 = tpu.memref_slice %arg3[%add3A_38] : memref<640000xi32, #tpu.memory_space<hbm>> -> memref<128xi32, #tpu.memory_space<hbm>>
    %dma_start3A_40 = tpu.memref_slice %arg3[%add3A_38] : memref<640000xi32, #tpu.memory_space<hbm>> -> memref<128xi32, #tpu.memory_space<hbm>>
    tpu.enqueue_dma source(%dma_start3A_40 : memref<128xi32, #tpu.memory_space<hbm>>) target(%arg10 : memref<128xi32, #tpu.memory_space<vmem>>) target_semaphore(%arg23 : memref<!tpu.dma_semaphore, #tpu.memory_space<semaphore_mem>>)
    %add3A_41 = arith.constant 256 : i32
    %add3A_42 = arith.addi %mul3A_2, %add3A_41 : i32
    %dma_start3A_43 = tpu.memref_slice %arg3[%add3A_42] : memref<640000xi32, #tpu.memory_space<hbm>> -> memref<128xi32, #tpu.memory_space<hbm>>
    %dma_start3A_44 = tpu.memref_slice %arg3[%add3A_42] : memref<640000xi32, #tpu.memory_space<hbm>> -> memref<128xi32, #tpu.memory_space<hbm>>
    tpu.enqueue_dma source(%dma_start3A_44 : memref<128xi32, #tpu.memory_space<hbm>>) target(%arg7 : memref<128xi32, #tpu.memory_space<vmem>>) target_semaphore(%arg20 : memref<!tpu.dma_semaphore, #tpu.memory_space<semaphore_mem>>)
    %add3A_45 = arith.constant 320000 : i32
    %add3A_46 = arith.addi %add3A_45, %mul3A_2 : i32
    %add3A_47 = arith.constant 256 : i32
    %add3A_48 = arith.addi %add3A_46, %add3A_47 : i32
    %dma_start3A_49 = tpu.memref_slice %arg3[%add3A_48] : memref<640000xi32, #tpu.memory_space<hbm>> -> memref<128xi32, #tpu.memory_space<hbm>>
    %dma_start3A_50 = tpu.memref_slice %arg3[%add3A_48] : memref<640000xi32, #tpu.memory_space<hbm>> -> memref<128xi32, #tpu.memory_space<hbm>>
    tpu.enqueue_dma source(%dma_start3A_50 : memref<128xi32, #tpu.memory_space<hbm>>) target(%arg11 : memref<128xi32, #tpu.memory_space<vmem>>) target_semaphore(%arg24 : memref<!tpu.dma_semaphore, #tpu.memory_space<semaphore_mem>>)
    %add3A_51 = arith.constant 384 : i32
    %add3A_52 = arith.addi %mul3A_2, %add3A_51 : i32
    %dma_start3A_53 = tpu.memref_slice %arg3[%add3A_52] : memref<640000xi32, #tpu.memory_space<hbm>> -> memref<128xi32, #tpu.memory_space<hbm>>
    %dma_start3A_54 = tpu.memref_slice %arg3[%add3A_52] : memref<640000xi32, #tpu.memory_space<hbm>> -> memref<128xi32, #tpu.memory_space<hbm>>
    tpu.enqueue_dma source(%dma_start3A_54 : memref<128xi32, #tpu.memory_space<hbm>>) target(%arg8 : memref<128xi32, #tpu.memory_space<vmem>>) target_semaphore(%arg21 : memref<!tpu.dma_semaphore, #tpu.memory_space<semaphore_mem>>)
    %add3A_55 = arith.constant 320000 : i32
    %add3A_56 = arith.addi %add3A_55, %mul3A_2 : i32
    %add3A_57 = arith.constant 384 : i32
    %add3A_58 = arith.addi %add3A_56, %add3A_57 : i32
    %dma_start3A_59 = tpu.memref_slice %arg3[%add3A_58] : memref<640000xi32, #tpu.memory_space<hbm>> -> memref<128xi32, #tpu.memory_space<hbm>>
    %dma_start3A_60 = tpu.memref_slice %arg3[%add3A_58] : memref<640000xi32, #tpu.memory_space<hbm>> -> memref<128xi32, #tpu.memory_space<hbm>>
    tpu.enqueue_dma source(%dma_start3A_60 : memref<128xi32, #tpu.memory_space<hbm>>) target(%arg12 : memref<128xi32, #tpu.memory_space<vmem>>) target_semaphore(%arg25 : memref<!tpu.dma_semaphore, #tpu.memory_space<semaphore_mem>>)
    %dma_wait3A = tpu.memref_slice %arg3[%mul3A_2] : memref<640000xi32, #tpu.memory_space<hbm>> -> memref<128xi32, #tpu.memory_space<hbm>>
    %dma_wait3A_61 = tpu.memref_slice %arg3[%mul3A_2] : memref<640000xi32, #tpu.memory_space<hbm>> -> memref<128xi32, #tpu.memory_space<hbm>>
    tpu.wait_dma2 semaphore(%arg18 : memref<!tpu.dma_semaphore, #tpu.memory_space<semaphore_mem>>) src(%dma_wait3A_61 : memref<128xi32, #tpu.memory_space<hbm>>) dst(%arg5 : memref<128xi32, #tpu.memory_space<vmem>>)
    %dma_start3A_62 = arith.constant 0 : i32
    %dma_start3A_63 = arith.constant 0 : i32
    %dma_start3A_64 = tpu.memref_slice %arg2[%dma_start3A_62, %dma_start3A_63] : memref<10112x64xf32, #tpu.memory_space<hbm>> -> memref<10112x64xf32, #tpu.memory_space<hbm>>
    tpu.enqueue_indirect_dma source(%dma_start3A_64 : memref<10112x64xf32, #tpu.memory_space<hbm>>) target(%arg15 : memref<128x64xf32, #tpu.memory_space<vmem>>) offsets(%arg5 : memref<128xi32, #tpu.memory_space<vmem>>) semaphore(%arg26 : memref<!tpu.dma_semaphore, #tpu.memory_space<semaphore_mem>>)
    %dma_wait3A_65 = tpu.memref_slice %arg3[%mul3A_2] : memref<640000xi32, #tpu.memory_space<hbm>> -> memref<128xi32, #tpu.memory_space<hbm>>
    %dma_wait3A_66 = tpu.memref_slice %arg3[%mul3A_2] : memref<640000xi32, #tpu.memory_space<hbm>> -> memref<128xi32, #tpu.memory_space<hbm>>
    tpu.wait_dma2 semaphore(%arg19 : memref<!tpu.dma_semaphore, #tpu.memory_space<semaphore_mem>>) src(%dma_wait3A_66 : memref<128xi32, #tpu.memory_space<hbm>>) dst(%arg6 : memref<128xi32, #tpu.memory_space<vmem>>)
    %dma_start3A_67 = arith.constant 0 : i32
    %dma_start3A_68 = arith.constant 0 : i32
    %dma_start3A_69 = tpu.memref_slice %arg2[%dma_start3A_67, %dma_start3A_68] : memref<10112x64xf32, #tpu.memory_space<hbm>> -> memref<10112x64xf32, #tpu.memory_space<hbm>>
    tpu.enqueue_indirect_dma source(%dma_start3A_69 : memref<10112x64xf32, #tpu.memory_space<hbm>>) target(%arg16 : memref<128x64xf32, #tpu.memory_space<vmem>>) offsets(%arg6 : memref<128xi32, #tpu.memory_space<vmem>>) semaphore(%arg27 : memref<!tpu.dma_semaphore, #tpu.memory_space<semaphore_mem>>)
    %scan3A_70 = arith.constant 0 : i32
    %scan3A_71 = arith.constant 0 : i32
    %scan3A_72 = arith.constant 19 : i32
    %scan3A_73 = arith.addi %scan3A_71, %scan3A_72 : i32
    %scan3A_74 = arith.constant 1 : i32
    %scan3A_75 = scf.for %scan3A_130 = %scan3A_71 to %scan3A_73 step %scan3A_74 iter_args(%scan3A_131 = %scan3A_70) -> (i32)  : i32 {
      %mul3A_132 = arith.constant 4 : i32
      %mul3A_133 = arith.muli %scan3A_130, %mul3A_132 : i32
      %add3A_134 = arith.constant 0 : i32
      %add3A_135 = arith.addi %mul3A_133, %add3A_134 : i32
      %dma_wait3A_136 = arith.constant 0 : i32
      %dma_wait3A_137 = arith.constant 0 : i32
      %dma_wait3A_138 = tpu.memref_slice %arg2[%dma_wait3A_136, %dma_wait3A_137] : memref<10112x64xf32, #tpu.memory_space<hbm>> -> memref<10112x64xf32, #tpu.memory_space<hbm>>
      tpu.wait_indirect_dma semaphore(%arg26 : memref<!tpu.dma_semaphore, #tpu.memory_space<semaphore_mem>>) src(%dma_wait3A_138 : memref<10112x64xf32, #tpu.memory_space<hbm>>) dst(%arg15 : memref<128x64xf32, #tpu.memory_space<vmem>>)
      %add3A_139 = arith.constant 320000 : i32
      %add3A_140 = arith.addi %add3A_139, %mul3A_2 : i32
      %dma_wait3A_141 = tpu.memref_slice %arg3[%add3A_140] : memref<640000xi32, #tpu.memory_space<hbm>> -> memref<128xi32, #tpu.memory_space<hbm>>
      %dma_wait3A_142 = tpu.memref_slice %arg3[%add3A_140] : memref<640000xi32, #tpu.memory_space<hbm>> -> memref<128xi32, #tpu.memory_space<hbm>>
      tpu.wait_dma2 semaphore(%arg22 : memref<!tpu.dma_semaphore, #tpu.memory_space<semaphore_mem>>) src(%dma_wait3A_142 : memref<128xi32, #tpu.memory_space<hbm>>) dst(%arg9 : memref<128xi32, #tpu.memory_space<vmem>>)
      "tpu.region"() ({
        %run_scoped3A = tpu.sem_alloc : memref<!tpu.dma_semaphore, #tpu.memory_space<semaphore_mem>>
        %dma_start3A_224 = arith.constant 0 : i32
        %dma_start3A_225 = arith.constant 0 : i32
        %dma_start3A_226 = tpu.memref_slice %arg17[%dma_start3A_224, %dma_start3A_225] : memref<10112x64xf32, #tpu.memory_space<vmem_shared>> -> memref<10112x64xf32, #tpu.memory_space<vmem_shared>>
        tpu.enqueue_indirect_dma source(%arg15 : memref<128x64xf32, #tpu.memory_space<vmem>>) target(%dma_start3A_226 : memref<10112x64xf32, #tpu.memory_space<vmem_shared>>) offsets(%arg9 : memref<128xi32, #tpu.memory_space<vmem>>) semaphore(%run_scoped3A : memref<!tpu.dma_semaphore, #tpu.memory_space<semaphore_mem>>) {add = true}
        %dma_wait3A_227 = arith.constant 0 : i32
        %dma_wait3A_228 = arith.constant 0 : i32
        %dma_wait3A_229 = tpu.memref_slice %arg17[%dma_wait3A_227, %dma_wait3A_228] : memref<10112x64xf32, #tpu.memory_space<vmem_shared>> -> memref<10112x64xf32, #tpu.memory_space<vmem_shared>>
        tpu.wait_indirect_dma semaphore(%run_scoped3A : memref<!tpu.dma_semaphore, #tpu.memory_space<semaphore_mem>>) src(%arg15 : memref<128x64xf32, #tpu.memory_space<vmem>>) dst(%dma_wait3A_229 : memref<10112x64xf32, #tpu.memory_space<vmem_shared>>)
        tpu.yield
      }) : () -> ()
      %add3A_143 = arith.constant 4 : i32
      %add3A_144 = arith.addi %add3A_135, %add3A_143 : i32
      %le3A = arith.constant 77 : i32
      %le3A_145 = arith.cmpi sle, %add3A_144, %le3A : i32
      %convert_element_type3A = arith.extui %le3A_145 : i1 to i32
      %cond3A = arith.constant 0 : i32
      %cond3A_146 = arith.cmpi ne, %convert_element_type3A, %cond3A : i32
      scf.if %cond3A_146 {
        %add3A_224 = arith.constant 4 : i32
        %add3A_225 = arith.addi %add3A_135, %add3A_224 : i32
        %mul3A_226 = arith.constant 128 : i32
        %mul3A_227 = arith.muli %add3A_225, %mul3A_226 : i32
        %add3A_228 = arith.addi %mul3A_2, %mul3A_227 : i32
        %dma_start3A_229 = tpu.memref_slice %arg3[%add3A_228] : memref<640000xi32, #tpu.memory_space<hbm>> -> memref<128xi32, #tpu.memory_space<hbm>>
        %dma_start3A_230 = tpu.memref_slice %arg3[%add3A_228] : memref<640000xi32, #tpu.memory_space<hbm>> -> memref<128xi32, #tpu.memory_space<hbm>>
        tpu.enqueue_dma source(%dma_start3A_230 : memref<128xi32, #tpu.memory_space<hbm>>) target(%arg5 : memref<128xi32, #tpu.memory_space<vmem>>) target_semaphore(%arg18 : memref<!tpu.dma_semaphore, #tpu.memory_space<semaphore_mem>>)
        %add3A_231 = arith.constant 4 : i32
        %add3A_232 = arith.addi %add3A_135, %add3A_231 : i32
        %add3A_233 = arith.constant 320000 : i32
        %add3A_234 = arith.addi %add3A_233, %mul3A_2 : i32
        %mul3A_235 = arith.constant 128 : i32
        %mul3A_236 = arith.muli %add3A_232, %mul3A_235 : i32
        %add3A_237 = arith.addi %add3A_234, %mul3A_236 : i32
        %dma_start3A_238 = tpu.memref_slice %arg3[%add3A_237] : memref<640000xi32, #tpu.memory_space<hbm>> -> memref<128xi32, #tpu.memory_space<hbm>>
        %dma_start3A_239 = tpu.memref_slice %arg3[%add3A_237] : memref<640000xi32, #tpu.memory_space<hbm>> -> memref<128xi32, #tpu.memory_space<hbm>>
        tpu.enqueue_dma source(%dma_start3A_239 : memref<128xi32, #tpu.memory_space<hbm>>) target(%arg9 : memref<128xi32, #tpu.memory_space<vmem>>) target_semaphore(%arg22 : memref<!tpu.dma_semaphore, #tpu.memory_space<semaphore_mem>>)
      } else {
      }
      %add3A_147 = arith.constant 2 : i32
      %add3A_148 = arith.addi %add3A_135, %add3A_147 : i32
      %le3A_149 = arith.constant 77 : i32
      %le3A_150 = arith.cmpi sle, %add3A_148, %le3A_149 : i32
      %convert_element_type3A_151 = arith.extui %le3A_150 : i1 to i32
      %cond3A_152 = arith.constant 0 : i32
      %cond3A_153 = arith.cmpi ne, %convert_element_type3A_151, %cond3A_152 : i32
      scf.if %cond3A_153 {
        %dma_wait3A_224 = tpu.memref_slice %arg3[%mul3A_2] : memref<640000xi32, #tpu.memory_space<hbm>> -> memref<128xi32, #tpu.memory_space<hbm>>
        %dma_wait3A_225 = tpu.memref_slice %arg3[%mul3A_2] : memref<640000xi32, #tpu.memory_space<hbm>> -> memref<128xi32, #tpu.memory_space<hbm>>
        tpu.wait_dma2 semaphore(%arg20 : memref<!tpu.dma_semaphore, #tpu.memory_space<semaphore_mem>>) src(%dma_wait3A_225 : memref<128xi32, #tpu.memory_space<hbm>>) dst(%arg7 : memref<128xi32, #tpu.memory_space<vmem>>)
        %dma_start3A_226 = arith.constant 0 : i32
        %dma_start3A_227 = arith.constant 0 : i32
        %dma_start3A_228 = tpu.memref_slice %arg2[%dma_start3A_226, %dma_start3A_227] : memref<10112x64xf32, #tpu.memory_space<hbm>> -> memref<10112x64xf32, #tpu.memory_space<hbm>>
        tpu.enqueue_indirect_dma source(%dma_start3A_228 : memref<10112x64xf32, #tpu.memory_space<hbm>>) target(%arg15 : memref<128x64xf32, #tpu.memory_space<vmem>>) offsets(%arg7 : memref<128xi32, #tpu.memory_space<vmem>>) semaphore(%arg26 : memref<!tpu.dma_semaphore, #tpu.memory_space<semaphore_mem>>)
      } else {
      }
      %add3A_154 = arith.constant 1 : i32
      %add3A_155 = arith.addi %mul3A_133, %add3A_154 : i32
      %dma_wait3A_156 = arith.constant 0 : i32
      %dma_wait3A_157 = arith.constant 0 : i32
      %dma_wait3A_158 = tpu.memref_slice %arg2[%dma_wait3A_156, %dma_wait3A_157] : memref<10112x64xf32, #tpu.memory_space<hbm>> -> memref<10112x64xf32, #tpu.memory_space<hbm>>
      tpu.wait_indirect_dma semaphore(%arg27 : memref<!tpu.dma_semaphore, #tpu.memory_space<semaphore_mem>>) src(%dma_wait3A_158 : memref<10112x64xf32, #tpu.memory_space<hbm>>) dst(%arg16 : memref<128x64xf32, #tpu.memory_space<vmem>>)
      %add3A_159 = arith.constant 320000 : i32
      %add3A_160 = arith.addi %add3A_159, %mul3A_2 : i32
      %dma_wait3A_161 = tpu.memref_slice %arg3[%add3A_160] : memref<640000xi32, #tpu.memory_space<hbm>> -> memref<128xi32, #tpu.memory_space<hbm>>
      %dma_wait3A_162 = tpu.memref_slice %arg3[%add3A_160] : memref<640000xi32, #tpu.memory_space<hbm>> -> memref<128xi32, #tpu.memory_space<hbm>>
      tpu.wait_dma2 semaphore(%arg23 : memref<!tpu.dma_semaphore, #tpu.memory_space<semaphore_mem>>) src(%dma_wait3A_162 : memref<128xi32, #tpu.memory_space<hbm>>) dst(%arg10 : memref<128xi32, #tpu.memory_space<vmem>>)
      "tpu.region"() ({
        %run_scoped3A = tpu.sem_alloc : memref<!tpu.dma_semaphore, #tpu.memory_space<semaphore_mem>>
        %dma_start3A_224 = arith.constant 0 : i32
        %dma_start3A_225 = arith.constant 0 : i32
        %dma_start3A_226 = tpu.memref_slice %arg17[%dma_start3A_224, %dma_start3A_225] : memref<10112x64xf32, #tpu.memory_space<vmem_shared>> -> memref<10112x64xf32, #tpu.memory_space<vmem_shared>>
        tpu.enqueue_indirect_dma source(%arg16 : memref<128x64xf32, #tpu.memory_space<vmem>>) target(%dma_start3A_226 : memref<10112x64xf32, #tpu.memory_space<vmem_shared>>) offsets(%arg10 : memref<128xi32, #tpu.memory_space<vmem>>) semaphore(%run_scoped3A : memref<!tpu.dma_semaphore, #tpu.memory_space<semaphore_mem>>) {add = true}
        %dma_wait3A_227 = arith.constant 0 : i32
        %dma_wait3A_228 = arith.constant 0 : i32
        %dma_wait3A_229 = tpu.memref_slice %arg17[%dma_wait3A_227, %dma_wait3A_228] : memref<10112x64xf32, #tpu.memory_space<vmem_shared>> -> memref<10112x64xf32, #tpu.memory_space<vmem_shared>>
        tpu.wait_indirect_dma semaphore(%run_scoped3A : memref<!tpu.dma_semaphore, #tpu.memory_space<semaphore_mem>>) src(%arg16 : memref<128x64xf32, #tpu.memory_space<vmem>>) dst(%dma_wait3A_229 : memref<10112x64xf32, #tpu.memory_space<vmem_shared>>)
        tpu.yield
      }) : () -> ()
      %add3A_163 = arith.constant 4 : i32
      %add3A_164 = arith.addi %add3A_155, %add3A_163 : i32
      %le3A_165 = arith.constant 77 : i32
      %le3A_166 = arith.cmpi sle, %add3A_164, %le3A_165 : i32
      %convert_element_type3A_167 = arith.extui %le3A_166 : i1 to i32
      %cond3A_168 = arith.constant 0 : i32
      %cond3A_169 = arith.cmpi ne, %convert_element_type3A_167, %cond3A_168 : i32
      scf.if %cond3A_169 {
        %add3A_224 = arith.constant 4 : i32
        %add3A_225 = arith.addi %add3A_155, %add3A_224 : i32
        %mul3A_226 = arith.constant 128 : i32
        %mul3A_227 = arith.muli %add3A_225, %mul3A_226 : i32
        %add3A_228 = arith.addi %mul3A_2, %mul3A_227 : i32
        %dma_start3A_229 = tpu.memref_slice %arg3[%add3A_228] : memref<640000xi32, #tpu.memory_space<hbm>> -> memref<128xi32, #tpu.memory_space<hbm>>
        %dma_start3A_230 = tpu.memref_slice %arg3[%add3A_228] : memref<640000xi32, #tpu.memory_space<hbm>> -> memref<128xi32, #tpu.memory_space<hbm>>
        tpu.enqueue_dma source(%dma_start3A_230 : memref<128xi32, #tpu.memory_space<hbm>>) target(%arg6 : memref<128xi32, #tpu.memory_space<vmem>>) target_semaphore(%arg19 : memref<!tpu.dma_semaphore, #tpu.memory_space<semaphore_mem>>)
        %add3A_231 = arith.constant 4 : i32
        %add3A_232 = arith.addi %add3A_155, %add3A_231 : i32
        %add3A_233 = arith.constant 320000 : i32
        %add3A_234 = arith.addi %add3A_233, %mul3A_2 : i32
        %mul3A_235 = arith.constant 128 : i32
        %mul3A_236 = arith.muli %add3A_232, %mul3A_235 : i32
        %add3A_237 = arith.addi %add3A_234, %mul3A_236 : i32
        %dma_start3A_238 = tpu.memref_slice %arg3[%add3A_237] : memref<640000xi32, #tpu.memory_space<hbm>> -> memref<128xi32, #tpu.memory_space<hbm>>
        %dma_start3A_239 = tpu.memref_slice %arg3[%add3A_237] : memref<640000xi32, #tpu.memory_space<hbm>> -> memref<128xi32, #tpu.memory_space<hbm>>
        tpu.enqueue_dma source(%dma_start3A_239 : memref<128xi32, #tpu.memory_space<hbm>>) target(%arg10 : memref<128xi32, #tpu.memory_space<vmem>>) target_semaphore(%arg23 : memref<!tpu.dma_semaphore, #tpu.memory_space<semaphore_mem>>)
      } else {
      }
      %add3A_170 = arith.constant 2 : i32
      %add3A_171 = arith.addi %add3A_155, %add3A_170 : i32
      %le3A_172 = arith.constant 77 : i32
      %le3A_173 = arith.cmpi sle, %add3A_171, %le3A_172 : i32
      %convert_element_type3A_174 = arith.extui %le3A_173 : i1 to i32
      %cond3A_175 = arith.constant 0 : i32
      %cond3A_176 = arith.cmpi ne, %convert_element_type3A_174, %cond3A_175 : i32
      scf.if %cond3A_176 {
        %dma_wait3A_224 = tpu.memref_slice %arg3[%mul3A_2] : memref<640000xi32, #tpu.memory_space<hbm>> -> memref<128xi32, #tpu.memory_space<hbm>>
        %dma_wait3A_225 = tpu.memref_slice %arg3[%mul3A_2] : memref<640000xi32, #tpu.memory_space<hbm>> -> memref<128xi32, #tpu.memory_space<hbm>>
        tpu.wait_dma2 semaphore(%arg21 : memref<!tpu.dma_semaphore, #tpu.memory_space<semaphore_mem>>) src(%dma_wait3A_225 : memref<128xi32, #tpu.memory_space<hbm>>) dst(%arg8 : memref<128xi32, #tpu.memory_space<vmem>>)
        %dma_start3A_226 = arith.constant 0 : i32
        %dma_start3A_227 = arith.constant 0 : i32
        %dma_start3A_228 = tpu.memref_slice %arg2[%dma_start3A_226, %dma_start3A_227] : memref<10112x64xf32, #tpu.memory_space<hbm>> -> memref<10112x64xf32, #tpu.memory_space<hbm>>
        tpu.enqueue_indirect_dma source(%dma_start3A_228 : memref<10112x64xf32, #tpu.memory_space<hbm>>) target(%arg16 : memref<128x64xf32, #tpu.memory_space<vmem>>) offsets(%arg8 : memref<128xi32, #tpu.memory_space<vmem>>) semaphore(%arg27 : memref<!tpu.dma_semaphore, #tpu.memory_space<semaphore_mem>>)
      } else {
      }
      %add3A_177 = arith.constant 2 : i32
      %add3A_178 = arith.addi %mul3A_133, %add3A_177 : i32
      %dma_wait3A_179 = arith.constant 0 : i32
      %dma_wait3A_180 = arith.constant 0 : i32
      %dma_wait3A_181 = tpu.memref_slice %arg2[%dma_wait3A_179, %dma_wait3A_180] : memref<10112x64xf32, #tpu.memory_space<hbm>> -> memref<10112x64xf32, #tpu.memory_space<hbm>>
      tpu.wait_indirect_dma semaphore(%arg26 : memref<!tpu.dma_semaphore, #tpu.memory_space<semaphore_mem>>) src(%dma_wait3A_181 : memref<10112x64xf32, #tpu.memory_space<hbm>>) dst(%arg15 : memref<128x64xf32, #tpu.memory_space<vmem>>)
      %add3A_182 = arith.constant 320000 : i32
      %add3A_183 = arith.addi %add3A_182, %mul3A_2 : i32
      %dma_wait3A_184 = tpu.memref_slice %arg3[%add3A_183] : memref<640000xi32, #tpu.memory_space<hbm>> -> memref<128xi32, #tpu.memory_space<hbm>>
      %dma_wait3A_185 = tpu.memref_slice %arg3[%add3A_183] : memref<640000xi32, #tpu.memory_space<hbm>> -> memref<128xi32, #tpu.memory_space<hbm>>
      tpu.wait_dma2 semaphore(%arg24 : memref<!tpu.dma_semaphore, #tpu.memory_space<semaphore_mem>>) src(%dma_wait3A_185 : memref<128xi32, #tpu.memory_space<hbm>>) dst(%arg11 : memref<128xi32, #tpu.memory_space<vmem>>)
      "tpu.region"() ({
        %run_scoped3A = tpu.sem_alloc : memref<!tpu.dma_semaphore, #tpu.memory_space<semaphore_mem>>
        %dma_start3A_224 = arith.constant 0 : i32
        %dma_start3A_225 = arith.constant 0 : i32
        %dma_start3A_226 = tpu.memref_slice %arg17[%dma_start3A_224, %dma_start3A_225] : memref<10112x64xf32, #tpu.memory_space<vmem_shared>> -> memref<10112x64xf32, #tpu.memory_space<vmem_shared>>
        tpu.enqueue_indirect_dma source(%arg15 : memref<128x64xf32, #tpu.memory_space<vmem>>) target(%dma_start3A_226 : memref<10112x64xf32, #tpu.memory_space<vmem_shared>>) offsets(%arg11 : memref<128xi32, #tpu.memory_space<vmem>>) semaphore(%run_scoped3A : memref<!tpu.dma_semaphore, #tpu.memory_space<semaphore_mem>>) {add = true}
        %dma_wait3A_227 = arith.constant 0 : i32
        %dma_wait3A_228 = arith.constant 0 : i32
        %dma_wait3A_229 = tpu.memref_slice %arg17[%dma_wait3A_227, %dma_wait3A_228] : memref<10112x64xf32, #tpu.memory_space<vmem_shared>> -> memref<10112x64xf32, #tpu.memory_space<vmem_shared>>
        tpu.wait_indirect_dma semaphore(%run_scoped3A : memref<!tpu.dma_semaphore, #tpu.memory_space<semaphore_mem>>) src(%arg15 : memref<128x64xf32, #tpu.memory_space<vmem>>) dst(%dma_wait3A_229 : memref<10112x64xf32, #tpu.memory_space<vmem_shared>>)
        tpu.yield
      }) : () -> ()
      %add3A_186 = arith.constant 4 : i32
      %add3A_187 = arith.addi %add3A_178, %add3A_186 : i32
      %le3A_188 = arith.constant 77 : i32
      %le3A_189 = arith.cmpi sle, %add3A_187, %le3A_188 : i32
      %convert_element_type3A_190 = arith.extui %le3A_189 : i1 to i32
      %cond3A_191 = arith.constant 0 : i32
      %cond3A_192 = arith.cmpi ne, %convert_element_type3A_190, %cond3A_191 : i32
      scf.if %cond3A_192 {
        %add3A_224 = arith.constant 4 : i32
        %add3A_225 = arith.addi %add3A_178, %add3A_224 : i32
        %mul3A_226 = arith.constant 128 : i32
        %mul3A_227 = arith.muli %add3A_225, %mul3A_226 : i32
        %add3A_228 = arith.addi %mul3A_2, %mul3A_227 : i32
        %dma_start3A_229 = tpu.memref_slice %arg3[%add3A_228] : memref<640000xi32, #tpu.memory_space<hbm>> -> memref<128xi32, #tpu.memory_space<hbm>>
        %dma_start3A_230 = tpu.memref_slice %arg3[%add3A_228] : memref<640000xi32, #tpu.memory_space<hbm>> -> memref<128xi32, #tpu.memory_space<hbm>>
        tpu.enqueue_dma source(%dma_start3A_230 : memref<128xi32, #tpu.memory_space<hbm>>) target(%arg7 : memref<128xi32, #tpu.memory_space<vmem>>) target_semaphore(%arg20 : memref<!tpu.dma_semaphore, #tpu.memory_space<semaphore_mem>>)
        %add3A_231 = arith.constant 4 : i32
        %add3A_232 = arith.addi %add3A_178, %add3A_231 : i32
        %add3A_233 = arith.constant 320000 : i32
        %add3A_234 = arith.addi %add3A_233, %mul3A_2 : i32
        %mul3A_235 = arith.constant 128 : i32
        %mul3A_236 = arith.muli %add3A_232, %mul3A_235 : i32
        %add3A_237 = arith.addi %add3A_234, %mul3A_236 : i32
        %dma_start3A_238 = tpu.memref_slice %arg3[%add3A_237] : memref<640000xi32, #tpu.memory_space<hbm>> -> memref<128xi32, #tpu.memory_space<hbm>>
        %dma_start3A_239 = tpu.memref_slice %arg3[%add3A_237] : memref<640000xi32, #tpu.memory_space<hbm>> -> memref<128xi32, #tpu.memory_space<hbm>>
        tpu.enqueue_dma source(%dma_start3A_239 : memref<128xi32, #tpu.memory_space<hbm>>) target(%arg11 : memref<128xi32, #tpu.memory_space<vmem>>) target_semaphore(%arg24 : memref<!tpu.dma_semaphore, #tpu.memory_space<semaphore_mem>>)
      } else {
      }
      %add3A_193 = arith.constant 2 : i32
      %add3A_194 = arith.addi %add3A_178, %add3A_193 : i32
      %le3A_195 = arith.constant 77 : i32
      %le3A_196 = arith.cmpi sle, %add3A_194, %le3A_195 : i32
      %convert_element_type3A_197 = arith.extui %le3A_196 : i1 to i32
      %cond3A_198 = arith.constant 0 : i32
      %cond3A_199 = arith.cmpi ne, %convert_element_type3A_197, %cond3A_198 : i32
      scf.if %cond3A_199 {
        %dma_wait3A_224 = tpu.memref_slice %arg3[%mul3A_2] : memref<640000xi32, #tpu.memory_space<hbm>> -> memref<128xi32, #tpu.memory_space<hbm>>
        %dma_wait3A_225 = tpu.memref_slice %arg3[%mul3A_2] : memref<640000xi32, #tpu.memory_space<hbm>> -> memref<128xi32, #tpu.memory_space<hbm>>
        tpu.wait_dma2 semaphore(%arg18 : memref<!tpu.dma_semaphore, #tpu.memory_space<semaphore_mem>>) src(%dma_wait3A_225 : memref<128xi32, #tpu.memory_space<hbm>>) dst(%arg5 : memref<128xi32, #tpu.memory_space<vmem>>)
        %dma_start3A_226 = arith.constant 0 : i32
        %dma_start3A_227 = arith.constant 0 : i32
        %dma_start3A_228 = tpu.memref_slice %arg2[%dma_start3A_226, %dma_start3A_227] : memref<10112x64xf32, #tpu.memory_space<hbm>> -> memref<10112x64xf32, #tpu.memory_space<hbm>>
        tpu.enqueue_indirect_dma source(%dma_start3A_228 : memref<10112x64xf32, #tpu.memory_space<hbm>>) target(%arg15 : memref<128x64xf32, #tpu.memory_space<vmem>>) offsets(%arg5 : memref<128xi32, #tpu.memory_space<vmem>>) semaphore(%arg26 : memref<!tpu.dma_semaphore, #tpu.memory_space<semaphore_mem>>)
      } else {
      }
      %add3A_200 = arith.constant 3 : i32
      %add3A_201 = arith.addi %mul3A_133, %add3A_200 : i32
      %dma_wait3A_202 = arith.constant 0 : i32
      %dma_wait3A_203 = arith.constant 0 : i32
      %dma_wait3A_204 = tpu.memref_slice %arg2[%dma_wait3A_202, %dma_wait3A_203] : memref<10112x64xf32, #tpu.memory_space<hbm>> -> memref<10112x64xf32, #tpu.memory_space<hbm>>
      tpu.wait_indirect_dma semaphore(%arg27 : memref<!tpu.dma_semaphore, #tpu.memory_space<semaphore_mem>>) src(%dma_wait3A_204 : memref<10112x64xf32, #tpu.memory_space<hbm>>) dst(%arg16 : memref<128x64xf32, #tpu.memory_space<vmem>>)
      %add3A_205 = arith.constant 320000 : i32
      %add3A_206 = arith.addi %add3A_205, %mul3A_2 : i32
      %dma_wait3A_207 = tpu.memref_slice %arg3[%add3A_206] : memref<640000xi32, #tpu.memory_space<hbm>> -> memref<128xi32, #tpu.memory_space<hbm>>
      %dma_wait3A_208 = tpu.memref_slice %arg3[%add3A_206] : memref<640000xi32, #tpu.memory_space<hbm>> -> memref<128xi32, #tpu.memory_space<hbm>>
      tpu.wait_dma2 semaphore(%arg25 : memref<!tpu.dma_semaphore, #tpu.memory_space<semaphore_mem>>) src(%dma_wait3A_208 : memref<128xi32, #tpu.memory_space<hbm>>) dst(%arg12 : memref<128xi32, #tpu.memory_space<vmem>>)
      "tpu.region"() ({
        %run_scoped3A = tpu.sem_alloc : memref<!tpu.dma_semaphore, #tpu.memory_space<semaphore_mem>>
        %dma_start3A_224 = arith.constant 0 : i32
        %dma_start3A_225 = arith.constant 0 : i32
        %dma_start3A_226 = tpu.memref_slice %arg17[%dma_start3A_224, %dma_start3A_225] : memref<10112x64xf32, #tpu.memory_space<vmem_shared>> -> memref<10112x64xf32, #tpu.memory_space<vmem_shared>>
        tpu.enqueue_indirect_dma source(%arg16 : memref<128x64xf32, #tpu.memory_space<vmem>>) target(%dma_start3A_226 : memref<10112x64xf32, #tpu.memory_space<vmem_shared>>) offsets(%arg12 : memref<128xi32, #tpu.memory_space<vmem>>) semaphore(%run_scoped3A : memref<!tpu.dma_semaphore, #tpu.memory_space<semaphore_mem>>) {add = true}
        %dma_wait3A_227 = arith.constant 0 : i32
        %dma_wait3A_228 = arith.constant 0 : i32
        %dma_wait3A_229 = tpu.memref_slice %arg17[%dma_wait3A_227, %dma_wait3A_228] : memref<10112x64xf32, #tpu.memory_space<vmem_shared>> -> memref<10112x64xf32, #tpu.memory_space<vmem_shared>>
        tpu.wait_indirect_dma semaphore(%run_scoped3A : memref<!tpu.dma_semaphore, #tpu.memory_space<semaphore_mem>>) src(%arg16 : memref<128x64xf32, #tpu.memory_space<vmem>>) dst(%dma_wait3A_229 : memref<10112x64xf32, #tpu.memory_space<vmem_shared>>)
        tpu.yield
      }) : () -> ()
      %add3A_209 = arith.constant 4 : i32
      %add3A_210 = arith.addi %add3A_201, %add3A_209 : i32
      %le3A_211 = arith.constant 77 : i32
      %le3A_212 = arith.cmpi sle, %add3A_210, %le3A_211 : i32
      %convert_element_type3A_213 = arith.extui %le3A_212 : i1 to i32
      %cond3A_214 = arith.constant 0 : i32
      %cond3A_215 = arith.cmpi ne, %convert_element_type3A_213, %cond3A_214 : i32
      scf.if %cond3A_215 {
        %add3A_224 = arith.constant 4 : i32
        %add3A_225 = arith.addi %add3A_201, %add3A_224 : i32
        %mul3A_226 = arith.constant 128 : i32
        %mul3A_227 = arith.muli %add3A_225, %mul3A_226 : i32
        %add3A_228 = arith.addi %mul3A_2, %mul3A_227 : i32
        %dma_start3A_229 = tpu.memref_slice %arg3[%add3A_228] : memref<640000xi32, #tpu.memory_space<hbm>> -> memref<128xi32, #tpu.memory_space<hbm>>
        %dma_start3A_230 = tpu.memref_slice %arg3[%add3A_228] : memref<640000xi32, #tpu.memory_space<hbm>> -> memref<128xi32, #tpu.memory_space<hbm>>
        tpu.enqueue_dma source(%dma_start3A_230 : memref<128xi32, #tpu.memory_space<hbm>>) target(%arg8 : memref<128xi32, #tpu.memory_space<vmem>>) target_semaphore(%arg21 : memref<!tpu.dma_semaphore, #tpu.memory_space<semaphore_mem>>)
        %add3A_231 = arith.constant 4 : i32
        %add3A_232 = arith.addi %add3A_201, %add3A_231 : i32
        %add3A_233 = arith.constant 320000 : i32
        %add3A_234 = arith.addi %add3A_233, %mul3A_2 : i32
        %mul3A_235 = arith.constant 128 : i32
        %mul3A_236 = arith.muli %add3A_232, %mul3A_235 : i32
        %add3A_237 = arith.addi %add3A_234, %mul3A_236 : i32
        %dma_start3A_238 = tpu.memref_slice %arg3[%add3A_237] : memref<640000xi32, #tpu.memory_space<hbm>> -> memref<128xi32, #tpu.memory_space<hbm>>
        %dma_start3A_239 = tpu.memref_slice %arg3[%add3A_237] : memref<640000xi32, #tpu.memory_space<hbm>> -> memref<128xi32, #tpu.memory_space<hbm>>
        tpu.enqueue_dma source(%dma_start3A_239 : memref<128xi32, #tpu.memory_space<hbm>>) target(%arg12 : memref<128xi32, #tpu.memory_space<vmem>>) target_semaphore(%arg25 : memref<!tpu.dma_semaphore, #tpu.memory_space<semaphore_mem>>)
      } else {
      }
      %add3A_216 = arith.constant 2 : i32
      %add3A_217 = arith.addi %add3A_201, %add3A_216 : i32
      %le3A_218 = arith.constant 77 : i32
      %le3A_219 = arith.cmpi sle, %add3A_217, %le3A_218 : i32
      %convert_element_type3A_220 = arith.extui %le3A_219 : i1 to i32
      %cond3A_221 = arith.constant 0 : i32
      %cond3A_222 = arith.cmpi ne, %convert_element_type3A_220, %cond3A_221 : i32
      scf.if %cond3A_222 {
        %dma_wait3A_224 = tpu.memref_slice %arg3[%mul3A_2] : memref<640000xi32, #tpu.memory_space<hbm>> -> memref<128xi32, #tpu.memory_space<hbm>>
        %dma_wait3A_225 = tpu.memref_slice %arg3[%mul3A_2] : memref<640000xi32, #tpu.memory_space<hbm>> -> memref<128xi32, #tpu.memory_space<hbm>>
        tpu.wait_dma2 semaphore(%arg19 : memref<!tpu.dma_semaphore, #tpu.memory_space<semaphore_mem>>) src(%dma_wait3A_225 : memref<128xi32, #tpu.memory_space<hbm>>) dst(%arg6 : memref<128xi32, #tpu.memory_space<vmem>>)
        %dma_start3A_226 = arith.constant 0 : i32
        %dma_start3A_227 = arith.constant 0 : i32
        %dma_start3A_228 = tpu.memref_slice %arg2[%dma_start3A_226, %dma_start3A_227] : memref<10112x64xf32, #tpu.memory_space<hbm>> -> memref<10112x64xf32, #tpu.memory_space<hbm>>
        tpu.enqueue_indirect_dma source(%dma_start3A_228 : memref<10112x64xf32, #tpu.memory_space<hbm>>) target(%arg16 : memref<128x64xf32, #tpu.memory_space<vmem>>) offsets(%arg6 : memref<128xi32, #tpu.memory_space<vmem>>) semaphore(%arg27 : memref<!tpu.dma_semaphore, #tpu.memory_space<semaphore_mem>>)
      } else {
      }
      %scan3A_223 = arith.constant 0 : i32
      scf.yield %scan3A_223 : i32
    }
    %scan3A_76 = arith.constant 19 : i32
    %dma_wait3A_77 = arith.constant 0 : i32
    %dma_wait3A_78 = arith.constant 0 : i32
    %dma_wait3A_79 = tpu.memref_slice %arg2[%dma_wait3A_77, %dma_wait3A_78] : memref<10112x64xf32, #tpu.memory_space<hbm>> -> memref<10112x64xf32, #tpu.memory_space<hbm>>
    tpu.wait_indirect_dma semaphore(%arg26 : memref<!tpu.dma_semaphore, #tpu.memory_space<semaphore_mem>>) src(%dma_wait3A_79 : memref<10112x64xf32, #tpu.memory_space<hbm>>) dst(%arg15 : memref<128x64xf32, #tpu.memory_space<vmem>>)
    %add3A_80 = arith.constant 320000 : i32
    %add3A_81 = arith.addi %add3A_80, %mul3A_2 : i32
    %dma_wait3A_82 = tpu.memref_slice %arg3[%add3A_81] : memref<640000xi32, #tpu.memory_space<hbm>> -> memref<128xi32, #tpu.memory_space<hbm>>
    %dma_wait3A_83 = tpu.memref_slice %arg3[%add3A_81] : memref<640000xi32, #tpu.memory_space<hbm>> -> memref<128xi32, #tpu.memory_space<hbm>>
    tpu.wait_dma2 semaphore(%arg22 : memref<!tpu.dma_semaphore, #tpu.memory_space<semaphore_mem>>) src(%dma_wait3A_83 : memref<128xi32, #tpu.memory_space<hbm>>) dst(%arg9 : memref<128xi32, #tpu.memory_space<vmem>>)
    "tpu.region"() ({
      %run_scoped3A = tpu.sem_alloc : memref<!tpu.dma_semaphore, #tpu.memory_space<semaphore_mem>>
      %dma_start3A_130 = arith.constant 0 : i32
      %dma_start3A_131 = arith.constant 0 : i32
      %dma_start3A_132 = tpu.memref_slice %arg17[%dma_start3A_130, %dma_start3A_131] : memref<10112x64xf32, #tpu.memory_space<vmem_shared>> -> memref<10112x64xf32, #tpu.memory_space<vmem_shared>>
      tpu.enqueue_indirect_dma source(%arg15 : memref<128x64xf32, #tpu.memory_space<vmem>>) target(%dma_start3A_132 : memref<10112x64xf32, #tpu.memory_space<vmem_shared>>) offsets(%arg9 : memref<128xi32, #tpu.memory_space<vmem>>) semaphore(%run_scoped3A : memref<!tpu.dma_semaphore, #tpu.memory_space<semaphore_mem>>) {add = true}
      %dma_wait3A_133 = arith.constant 0 : i32
      %dma_wait3A_134 = arith.constant 0 : i32
      %dma_wait3A_135 = tpu.memref_slice %arg17[%dma_wait3A_133, %dma_wait3A_134] : memref<10112x64xf32, #tpu.memory_space<vmem_shared>> -> memref<10112x64xf32, #tpu.memory_space<vmem_shared>>
      tpu.wait_indirect_dma semaphore(%run_scoped3A : memref<!tpu.dma_semaphore, #tpu.memory_space<semaphore_mem>>) src(%arg15 : memref<128x64xf32, #tpu.memory_space<vmem>>) dst(%dma_wait3A_135 : memref<10112x64xf32, #tpu.memory_space<vmem_shared>>)
      tpu.yield
    }) : () -> ()
    %dma_wait3A_84 = arith.constant 0 : i32
    %dma_wait3A_85 = arith.constant 0 : i32
    %dma_wait3A_86 = tpu.memref_slice %arg2[%dma_wait3A_84, %dma_wait3A_85] : memref<10112x64xf32, #tpu.memory_space<hbm>> -> memref<10112x64xf32, #tpu.memory_space<hbm>>
    tpu.wait_indirect_dma semaphore(%arg27 : memref<!tpu.dma_semaphore, #tpu.memory_space<semaphore_mem>>) src(%dma_wait3A_86 : memref<10112x64xf32, #tpu.memory_space<hbm>>) dst(%arg16 : memref<128x64xf32, #tpu.memory_space<vmem>>)
    %add3A_87 = arith.constant 320000 : i32
    %add3A_88 = arith.addi %add3A_87, %mul3A_2 : i32
    %dma_wait3A_89 = tpu.memref_slice %arg3[%add3A_88] : memref<640000xi32, #tpu.memory_space<hbm>> -> memref<128xi32, #tpu.memory_space<hbm>>
    %dma_wait3A_90 = tpu.memref_slice %arg3[%add3A_88] : memref<640000xi32, #tpu.memory_space<hbm>> -> memref<128xi32, #tpu.memory_space<hbm>>
    tpu.wait_dma2 semaphore(%arg23 : memref<!tpu.dma_semaphore, #tpu.memory_space<semaphore_mem>>) src(%dma_wait3A_90 : memref<128xi32, #tpu.memory_space<hbm>>) dst(%arg10 : memref<128xi32, #tpu.memory_space<vmem>>)
    "tpu.region"() ({
      %run_scoped3A = tpu.sem_alloc : memref<!tpu.dma_semaphore, #tpu.memory_space<semaphore_mem>>
      %dma_start3A_130 = arith.constant 0 : i32
      %dma_start3A_131 = arith.constant 0 : i32
      %dma_start3A_132 = tpu.memref_slice %arg17[%dma_start3A_130, %dma_start3A_131] : memref<10112x64xf32, #tpu.memory_space<vmem_shared>> -> memref<10112x64xf32, #tpu.memory_space<vmem_shared>>
      tpu.enqueue_indirect_dma source(%arg16 : memref<128x64xf32, #tpu.memory_space<vmem>>) target(%dma_start3A_132 : memref<10112x64xf32, #tpu.memory_space<vmem_shared>>) offsets(%arg10 : memref<128xi32, #tpu.memory_space<vmem>>) semaphore(%run_scoped3A : memref<!tpu.dma_semaphore, #tpu.memory_space<semaphore_mem>>) {add = true}
      %dma_wait3A_133 = arith.constant 0 : i32
      %dma_wait3A_134 = arith.constant 0 : i32
      %dma_wait3A_135 = tpu.memref_slice %arg17[%dma_wait3A_133, %dma_wait3A_134] : memref<10112x64xf32, #tpu.memory_space<vmem_shared>> -> memref<10112x64xf32, #tpu.memory_space<vmem_shared>>
      tpu.wait_indirect_dma semaphore(%run_scoped3A : memref<!tpu.dma_semaphore, #tpu.memory_space<semaphore_mem>>) src(%arg16 : memref<128x64xf32, #tpu.memory_space<vmem>>) dst(%dma_wait3A_135 : memref<10112x64xf32, #tpu.memory_space<vmem_shared>>)
      tpu.yield
    }) : () -> ()
    %add3A_91 = arith.constant 9984 : i32
    %add3A_92 = arith.addi %mul3A_2, %add3A_91 : i32
    "tpu.region"() ({
      %run_scoped3A = tpu.sem_alloc : memref<!tpu.dma_semaphore, #tpu.memory_space<semaphore_mem>>
      %dma_start3A_130 = tpu.memref_slice %arg3[%add3A_92] : memref<640000xi32, #tpu.memory_space<hbm>> -> memref<16xi32, #tpu.memory_space<hbm>>
      %dma_start3A_131 = tpu.memref_slice %arg3[%add3A_92] : memref<640000xi32, #tpu.memory_space<hbm>> -> memref<16xi32, #tpu.memory_space<hbm>>
      tpu.enqueue_dma source(%dma_start3A_131 : memref<16xi32, #tpu.memory_space<hbm>>) target(%arg13 : memref<16xi32, #tpu.memory_space<vmem>>) target_semaphore(%run_scoped3A : memref<!tpu.dma_semaphore, #tpu.memory_space<semaphore_mem>>)
      %dma_wait3A_132 = tpu.memref_slice %arg3[%add3A_92] : memref<640000xi32, #tpu.memory_space<hbm>> -> memref<16xi32, #tpu.memory_space<hbm>>
      %dma_wait3A_133 = tpu.memref_slice %arg3[%add3A_92] : memref<640000xi32, #tpu.memory_space<hbm>> -> memref<16xi32, #tpu.memory_space<hbm>>
      tpu.wait_dma2 semaphore(%run_scoped3A : memref<!tpu.dma_semaphore, #tpu.memory_space<semaphore_mem>>) src(%dma_wait3A_133 : memref<16xi32, #tpu.memory_space<hbm>>) dst(%arg13 : memref<16xi32, #tpu.memory_space<vmem>>)
      tpu.yield
    }) : () -> ()
    %add3A_93 = arith.constant 320000 : i32
    %add3A_94 = arith.addi %add3A_93, %mul3A_2 : i32
    %add3A_95 = arith.constant 9984 : i32
    %add3A_96 = arith.addi %add3A_94, %add3A_95 : i32
    "tpu.region"() ({
      %run_scoped3A = tpu.sem_alloc : memref<!tpu.dma_semaphore, #tpu.memory_space<semaphore_mem>>
      %dma_start3A_130 = tpu.memref_slice %arg3[%add3A_96] : memref<640000xi32, #tpu.memory_space<hbm>> -> memref<16xi32, #tpu.memory_space<hbm>>
      %dma_start3A_131 = tpu.memref_slice %arg3[%add3A_96] : memref<640000xi32, #tpu.memory_space<hbm>> -> memref<16xi32, #tpu.memory_space<hbm>>
      tpu.enqueue_dma source(%dma_start3A_131 : memref<16xi32, #tpu.memory_space<hbm>>) target(%arg14 : memref<16xi32, #tpu.memory_space<vmem>>) target_semaphore(%run_scoped3A : memref<!tpu.dma_semaphore, #tpu.memory_space<semaphore_mem>>)
      %dma_wait3A_132 = tpu.memref_slice %arg3[%add3A_96] : memref<640000xi32, #tpu.memory_space<hbm>> -> memref<16xi32, #tpu.memory_space<hbm>>
      %dma_wait3A_133 = tpu.memref_slice %arg3[%add3A_96] : memref<640000xi32, #tpu.memory_space<hbm>> -> memref<16xi32, #tpu.memory_space<hbm>>
      tpu.wait_dma2 semaphore(%run_scoped3A : memref<!tpu.dma_semaphore, #tpu.memory_space<semaphore_mem>>) src(%dma_wait3A_133 : memref<16xi32, #tpu.memory_space<hbm>>) dst(%arg14 : memref<16xi32, #tpu.memory_space<vmem>>)
      tpu.yield
    }) : () -> ()
    %dma_start3A_97 = arith.constant 0 : i32
    %dma_start3A_98 = arith.constant 0 : i32
    %dma_start3A_99 = tpu.memref_slice %arg15[%dma_start3A_97, %dma_start3A_98] : memref<128x64xf32, #tpu.memory_space<vmem>> -> memref<16x64xf32, #tpu.memory_space<vmem>>
    %dma_start3A_100 = arith.constant 0 : i32
    %dma_start3A_101 = arith.constant 0 : i32
    %dma_start3A_102 = tpu.memref_slice %arg2[%dma_start3A_100, %dma_start3A_101] : memref<10112x64xf32, #tpu.memory_space<hbm>> -> memref<10112x64xf32, #tpu.memory_space<hbm>>
    tpu.enqueue_indirect_dma source(%dma_start3A_102 : memref<10112x64xf32, #tpu.memory_space<hbm>>) target(%dma_start3A_99 : memref<16x64xf32, #tpu.memory_space<vmem>>) offsets(%arg13 : memref<16xi32, #tpu.memory_space<vmem>>) semaphore(%arg26 : memref<!tpu.dma_semaphore, #tpu.memory_space<semaphore_mem>>)
    %dma_wait3A_103 = arith.constant 0 : i32
    %dma_wait3A_104 = arith.constant 0 : i32
    %dma_wait3A_105 = tpu.memref_slice %arg15[%dma_wait3A_103, %dma_wait3A_104] : memref<128x64xf32, #tpu.memory_space<vmem>> -> memref<16x64xf32, #tpu.memory_space<vmem>>
    %dma_wait3A_106 = arith.constant 0 : i32
    %dma_wait3A_107 = arith.constant 0 : i32
    %dma_wait3A_108 = tpu.memref_slice %arg2[%dma_wait3A_106, %dma_wait3A_107] : memref<10112x64xf32, #tpu.memory_space<hbm>> -> memref<10112x64xf32, #tpu.memory_space<hbm>>
    tpu.wait_indirect_dma semaphore(%arg26 : memref<!tpu.dma_semaphore, #tpu.memory_space<semaphore_mem>>) src(%dma_wait3A_108 : memref<10112x64xf32, #tpu.memory_space<hbm>>) dst(%dma_wait3A_105 : memref<16x64xf32, #tpu.memory_space<vmem>>)
    "tpu.region"() ({
      %run_scoped3A = tpu.sem_alloc : memref<!tpu.dma_semaphore, #tpu.memory_space<semaphore_mem>>
      %dma_start3A_130 = arith.constant 0 : i32
      %dma_start3A_131 = arith.constant 0 : i32
      %dma_start3A_132 = tpu.memref_slice %arg15[%dma_start3A_130, %dma_start3A_131] : memref<128x64xf32, #tpu.memory_space<vmem>> -> memref<16x64xf32, #tpu.memory_space<vmem>>
      %dma_start3A_133 = arith.constant 0 : i32
      %dma_start3A_134 = arith.constant 0 : i32
      %dma_start3A_135 = tpu.memref_slice %arg17[%dma_start3A_133, %dma_start3A_134] : memref<10112x64xf32, #tpu.memory_space<vmem_shared>> -> memref<10112x64xf32, #tpu.memory_space<vmem_shared>>
      tpu.enqueue_indirect_dma source(%dma_start3A_132 : memref<16x64xf32, #tpu.memory_space<vmem>>) target(%dma_start3A_135 : memref<10112x64xf32, #tpu.memory_space<vmem_shared>>) offsets(%arg14 : memref<16xi32, #tpu.memory_space<vmem>>) semaphore(%run_scoped3A : memref<!tpu.dma_semaphore, #tpu.memory_space<semaphore_mem>>) {add = true}
      %dma_wait3A_136 = arith.constant 0 : i32
      %dma_wait3A_137 = arith.constant 0 : i32
      %dma_wait3A_138 = tpu.memref_slice %arg15[%dma_wait3A_136, %dma_wait3A_137] : memref<128x64xf32, #tpu.memory_space<vmem>> -> memref<16x64xf32, #tpu.memory_space<vmem>>
      %dma_wait3A_139 = arith.constant 0 : i32
      %dma_wait3A_140 = arith.constant 0 : i32
      %dma_wait3A_141 = tpu.memref_slice %arg17[%dma_wait3A_139, %dma_wait3A_140] : memref<10112x64xf32, #tpu.memory_space<vmem_shared>> -> memref<10112x64xf32, #tpu.memory_space<vmem_shared>>
      tpu.wait_indirect_dma semaphore(%run_scoped3A : memref<!tpu.dma_semaphore, #tpu.memory_space<semaphore_mem>>) src(%dma_wait3A_138 : memref<16x64xf32, #tpu.memory_space<vmem>>) dst(%dma_wait3A_141 : memref<10112x64xf32, #tpu.memory_space<vmem_shared>>)
      tpu.yield
    }) : () -> ()
    %barrier3A_109 = arith.constant 0 : index
    tpu.barrier barrier_id(%barrier3A_109)
    %add3A_110 = arith.constant 0 : i32
    %add3A_111 = arith.addi %mul3A_11, %add3A_110 : i32
    "tpu.region"() ({
      %run_scoped3A = tpu.sem_alloc : memref<!tpu.dma_semaphore, #tpu.memory_space<semaphore_mem>>
      %dma_start3A_130 = arith.constant 0 : i32
      %dma_start3A_131 = arith.constant 0 : i32
      %dma_start3A_132 = tpu.memref_slice %arg15[%dma_start3A_130, %dma_start3A_131] : memref<128x64xf32, #tpu.memory_space<vmem>> -> memref<128x64xf32, #tpu.memory_space<vmem>>
      %dma_start3A_133 = arith.constant 0 : i32
      %dma_start3A_134 = tpu.memref_slice %arg17[%add3A_111, %dma_start3A_133] : memref<10112x64xf32, #tpu.memory_space<vmem_shared>> -> memref<128x64xf32, #tpu.memory_space<vmem_shared>>
      %dma_start3A_135 = arith.constant 0 : i32
      %dma_start3A_136 = arith.constant 0 : i32
      %dma_start3A_137 = tpu.memref_slice %arg15[%dma_start3A_135, %dma_start3A_136] : memref<128x64xf32, #tpu.memory_space<vmem>> -> memref<128x64xf32, #tpu.memory_space<vmem>>
      %dma_start3A_138 = arith.constant 0 : i32
      %dma_start3A_139 = tpu.memref_slice %arg17[%add3A_111, %dma_start3A_138] : memref<10112x64xf32, #tpu.memory_space<vmem_shared>> -> memref<128x64xf32, #tpu.memory_space<vmem_shared>>
      tpu.enqueue_dma source(%dma_start3A_139 : memref<128x64xf32, #tpu.memory_space<vmem_shared>>) target(%dma_start3A_137 : memref<128x64xf32, #tpu.memory_space<vmem>>) target_semaphore(%run_scoped3A : memref<!tpu.dma_semaphore, #tpu.memory_space<semaphore_mem>>)
      %dma_wait3A_140 = arith.constant 0 : i32
      %dma_wait3A_141 = arith.constant 0 : i32
      %dma_wait3A_142 = tpu.memref_slice %arg15[%dma_wait3A_140, %dma_wait3A_141] : memref<128x64xf32, #tpu.memory_space<vmem>> -> memref<128x64xf32, #tpu.memory_space<vmem>>
      %dma_wait3A_143 = arith.constant 0 : i32
      %dma_wait3A_144 = tpu.memref_slice %arg17[%add3A_111, %dma_wait3A_143] : memref<10112x64xf32, #tpu.memory_space<vmem_shared>> -> memref<128x64xf32, #tpu.memory_space<vmem_shared>>
      %dma_wait3A_145 = arith.constant 0 : i32
      %dma_wait3A_146 = arith.constant 0 : i32
      %dma_wait3A_147 = tpu.memref_slice %arg15[%dma_wait3A_145, %dma_wait3A_146] : memref<128x64xf32, #tpu.memory_space<vmem>> -> memref<128x64xf32, #tpu.memory_space<vmem>>
      %dma_wait3A_148 = arith.constant 0 : i32
      %dma_wait3A_149 = tpu.memref_slice %arg17[%add3A_111, %dma_wait3A_148] : memref<10112x64xf32, #tpu.memory_space<vmem_shared>> -> memref<128x64xf32, #tpu.memory_space<vmem_shared>>
      tpu.wait_dma2 semaphore(%run_scoped3A : memref<!tpu.dma_semaphore, #tpu.memory_space<semaphore_mem>>) src(%dma_wait3A_149 : memref<128x64xf32, #tpu.memory_space<vmem_shared>>) dst(%dma_wait3A_147 : memref<128x64xf32, #tpu.memory_space<vmem>>)
      tpu.yield
    }) : () -> ()
    %add3A_112 = arith.constant 0 : i32
    %add3A_113 = arith.addi %mul3A_11, %add3A_112 : i32
    "tpu.region"() ({
      %run_scoped3A = tpu.sem_alloc : memref<!tpu.dma_semaphore, #tpu.memory_space<semaphore_mem>>
      %dma_start3A_130 = arith.constant 0 : i32
      %dma_start3A_131 = arith.constant 0 : i32
      %dma_start3A_132 = tpu.memref_slice %arg15[%dma_start3A_130, %dma_start3A_131] : memref<128x64xf32, #tpu.memory_space<vmem>> -> memref<128x64xf32, #tpu.memory_space<vmem>>
      %dma_start3A_133 = arith.constant 0 : i32
      %dma_start3A_134 = tpu.memref_slice %arg4[%arg0, %add3A_113, %dma_start3A_133] : memref<2x10112x64xf32, #tpu.memory_space<hbm>> -> memref<1x128x64xf32, #tpu.memory_space<hbm>>
      %dma_start3A_135 = tpu.memref_squeeze %dma_start3A_134 : memref<1x128x64xf32, #tpu.memory_space<hbm>> -> memref<128x64xf32, #tpu.memory_space<hbm>>
      %dma_start3A_136 = arith.constant 0 : i32
      %dma_start3A_137 = tpu.memref_slice %arg4[%arg0, %add3A_113, %dma_start3A_136] : memref<2x10112x64xf32, #tpu.memory_space<hbm>> -> memref<1x128x64xf32, #tpu.memory_space<hbm>>
      %dma_start3A_138 = tpu.memref_squeeze %dma_start3A_137 : memref<1x128x64xf32, #tpu.memory_space<hbm>> -> memref<128x64xf32, #tpu.memory_space<hbm>>
      %dma_start3A_139 = arith.constant 0 : i32
      %dma_start3A_140 = arith.constant 0 : i32
      %dma_start3A_141 = tpu.memref_slice %arg15[%dma_start3A_139, %dma_start3A_140] : memref<128x64xf32, #tpu.memory_space<vmem>> -> memref<128x64xf32, #tpu.memory_space<vmem>>
      tpu.enqueue_dma source(%dma_start3A_141 : memref<128x64xf32, #tpu.memory_space<vmem>>) target(%dma_start3A_138 : memref<128x64xf32, #tpu.memory_space<hbm>>) target_semaphore(%run_scoped3A : memref<!tpu.dma_semaphore, #tpu.memory_space<semaphore_mem>>)
      %dma_wait3A_142 = arith.constant 0 : i32
      %dma_wait3A_143 = arith.constant 0 : i32
      %dma_wait3A_144 = tpu.memref_slice %arg15[%dma_wait3A_142, %dma_wait3A_143] : memref<128x64xf32, #tpu.memory_space<vmem>> -> memref<128x64xf32, #tpu.memory_space<vmem>>
      %dma_wait3A_145 = arith.constant 0 : i32
      %dma_wait3A_146 = tpu.memref_slice %arg4[%arg0, %add3A_113, %dma_wait3A_145] : memref<2x10112x64xf32, #tpu.memory_space<hbm>> -> memref<1x128x64xf32, #tpu.memory_space<hbm>>
      %dma_wait3A_147 = tpu.memref_squeeze %dma_wait3A_146 : memref<1x128x64xf32, #tpu.memory_space<hbm>> -> memref<128x64xf32, #tpu.memory_space<hbm>>
      %dma_wait3A_148 = arith.constant 0 : i32
      %dma_wait3A_149 = tpu.memref_slice %arg4[%arg0, %add3A_113, %dma_wait3A_148] : memref<2x10112x64xf32, #tpu.memory_space<hbm>> -> memref<1x128x64xf32, #tpu.memory_space<hbm>>
      %dma_wait3A_150 = tpu.memref_squeeze %dma_wait3A_149 : memref<1x128x64xf32, #tpu.memory_space<hbm>> -> memref<128x64xf32, #tpu.memory_space<hbm>>
      %dma_wait3A_151 = arith.constant 0 : i32
      %dma_wait3A_152 = arith.constant 0 : i32
      %dma_wait3A_153 = tpu.memref_slice %arg15[%dma_wait3A_151, %dma_wait3A_152] : memref<128x64xf32, #tpu.memory_space<vmem>> -> memref<128x64xf32, #tpu.memory_space<vmem>>
      tpu.wait_dma2 semaphore(%run_scoped3A : memref<!tpu.dma_semaphore, #tpu.memory_space<semaphore_mem>>) src(%dma_wait3A_153 : memref<128x64xf32, #tpu.memory_space<vmem>>) dst(%dma_wait3A_150 : memref<128x64xf32, #tpu.memory_space<hbm>>)
      tpu.yield
    }) : () -> ()
    %add3A_114 = arith.constant 128 : i32
    %add3A_115 = arith.addi %mul3A_11, %add3A_114 : i32
    "tpu.region"() ({
      %run_scoped3A = tpu.sem_alloc : memref<!tpu.dma_semaphore, #tpu.memory_space<semaphore_mem>>
      %dma_start3A_130 = arith.constant 0 : i32
      %dma_start3A_131 = arith.constant 0 : i32
      %dma_start3A_132 = tpu.memref_slice %arg15[%dma_start3A_130, %dma_start3A_131] : memref<128x64xf32, #tpu.memory_space<vmem>> -> memref<128x64xf32, #tpu.memory_space<vmem>>
      %dma_start3A_133 = arith.constant 0 : i32
      %dma_start3A_134 = tpu.memref_slice %arg17[%add3A_115, %dma_start3A_133] : memref<10112x64xf32, #tpu.memory_space<vmem_shared>> -> memref<128x64xf32, #tpu.memory_space<vmem_shared>>
      %dma_start3A_135 = arith.constant 0 : i32
      %dma_start3A_136 = arith.constant 0 : i32
      %dma_start3A_137 = tpu.memref_slice %arg15[%dma_start3A_135, %dma_start3A_136] : memref<128x64xf32, #tpu.memory_space<vmem>> -> memref<128x64xf32, #tpu.memory_space<vmem>>
      %dma_start3A_138 = arith.constant 0 : i32
      %dma_start3A_139 = tpu.memref_slice %arg17[%add3A_115, %dma_start3A_138] : memref<10112x64xf32, #tpu.memory_space<vmem_shared>> -> memref<128x64xf32, #tpu.memory_space<vmem_shared>>
      tpu.enqueue_dma source(%dma_start3A_139 : memref<128x64xf32, #tpu.memory_space<vmem_shared>>) target(%dma_start3A_137 : memref<128x64xf32, #tpu.memory_space<vmem>>) target_semaphore(%run_scoped3A : memref<!tpu.dma_semaphore, #tpu.memory_space<semaphore_mem>>)
      %dma_wait3A_140 = arith.constant 0 : i32
      %dma_wait3A_141 = arith.constant 0 : i32
      %dma_wait3A_142 = tpu.memref_slice %arg15[%dma_wait3A_140, %dma_wait3A_141] : memref<128x64xf32, #tpu.memory_space<vmem>> -> memref<128x64xf32, #tpu.memory_space<vmem>>
      %dma_wait3A_143 = arith.constant 0 : i32
      %dma_wait3A_144 = tpu.memref_slice %arg17[%add3A_115, %dma_wait3A_143] : memref<10112x64xf32, #tpu.memory_space<vmem_shared>> -> memref<128x64xf32, #tpu.memory_space<vmem_shared>>
      %dma_wait3A_145 = arith.constant 0 : i32
      %dma_wait3A_146 = arith.constant 0 : i32
      %dma_wait3A_147 = tpu.memref_slice %arg15[%dma_wait3A_145, %dma_wait3A_146] : memref<128x64xf32, #tpu.memory_space<vmem>> -> memref<128x64xf32, #tpu.memory_space<vmem>>
      %dma_wait3A_148 = arith.constant 0 : i32
      %dma_wait3A_149 = tpu.memref_slice %arg17[%add3A_115, %dma_wait3A_148] : memref<10112x64xf32, #tpu.memory_space<vmem_shared>> -> memref<128x64xf32, #tpu.memory_space<vmem_shared>>
      tpu.wait_dma2 semaphore(%run_scoped3A : memref<!tpu.dma_semaphore, #tpu.memory_space<semaphore_mem>>) src(%dma_wait3A_149 : memref<128x64xf32, #tpu.memory_space<vmem_shared>>) dst(%dma_wait3A_147 : memref<128x64xf32, #tpu.memory_space<vmem>>)
      tpu.yield
    }) : () -> ()
    %add3A_116 = arith.constant 128 : i32
    %add3A_117 = arith.addi %mul3A_11, %add3A_116 : i32
    "tpu.region"() ({
      %run_scoped3A = tpu.sem_alloc : memref<!tpu.dma_semaphore, #tpu.memory_space<semaphore_mem>>
      %dma_start3A_130 = arith.constant 0 : i32
      %dma_start3A_131 = arith.constant 0 : i32
      %dma_start3A_132 = tpu.memref_slice %arg15[%dma_start3A_130, %dma_start3A_131] : memref<128x64xf32, #tpu.memory_space<vmem>> -> memref<128x64xf32, #tpu.memory_space<vmem>>
      %dma_start3A_133 = arith.constant 0 : i32
      %dma_start3A_134 = tpu.memref_slice %arg4[%arg0, %add3A_117, %dma_start3A_133] : memref<2x10112x64xf32, #tpu.memory_space<hbm>> -> memref<1x128x64xf32, #tpu.memory_space<hbm>>
      %dma_start3A_135 = tpu.memref_squeeze %dma_start3A_134 : memref<1x128x64xf32, #tpu.memory_space<hbm>> -> memref<128x64xf32, #tpu.memory_space<hbm>>
      %dma_start3A_136 = arith.constant 0 : i32
      %dma_start3A_137 = tpu.memref_slice %arg4[%arg0, %add3A_117, %dma_start3A_136] : memref<2x10112x64xf32, #tpu.memory_space<hbm>> -> memref<1x128x64xf32, #tpu.memory_space<hbm>>
      %dma_start3A_138 = tpu.memref_squeeze %dma_start3A_137 : memref<1x128x64xf32, #tpu.memory_space<hbm>> -> memref<128x64xf32, #tpu.memory_space<hbm>>
      %dma_start3A_139 = arith.constant 0 : i32
      %dma_start3A_140 = arith.constant 0 : i32
      %dma_start3A_141 = tpu.memref_slice %arg15[%dma_start3A_139, %dma_start3A_140] : memref<128x64xf32, #tpu.memory_space<vmem>> -> memref<128x64xf32, #tpu.memory_space<vmem>>
      tpu.enqueue_dma source(%dma_start3A_141 : memref<128x64xf32, #tpu.memory_space<vmem>>) target(%dma_start3A_138 : memref<128x64xf32, #tpu.memory_space<hbm>>) target_semaphore(%run_scoped3A : memref<!tpu.dma_semaphore, #tpu.memory_space<semaphore_mem>>)
      %dma_wait3A_142 = arith.constant 0 : i32
      %dma_wait3A_143 = arith.constant 0 : i32
      %dma_wait3A_144 = tpu.memref_slice %arg15[%dma_wait3A_142, %dma_wait3A_143] : memref<128x64xf32, #tpu.memory_space<vmem>> -> memref<128x64xf32, #tpu.memory_space<vmem>>
      %dma_wait3A_145 = arith.constant 0 : i32
      %dma_wait3A_146 = tpu.memref_slice %arg4[%arg0, %add3A_117, %dma_wait3A_145] : memref<2x10112x64xf32, #tpu.memory_space<hbm>> -> memref<1x128x64xf32, #tpu.memory_space<hbm>>
      %dma_wait3A_147 = tpu.memref_squeeze %dma_wait3A_146 : memref<1x128x64xf32, #tpu.memory_space<hbm>> -> memref<128x64xf32, #tpu.memory_space<hbm>>
      %dma_wait3A_148 = arith.constant 0 : i32
      %dma_wait3A_149 = tpu.memref_slice %arg4[%arg0, %add3A_117, %dma_wait3A_148] : memref<2x10112x64xf32, #tpu.memory_space<hbm>> -> memref<1x128x64xf32, #tpu.memory_space<hbm>>
      %dma_wait3A_150 = tpu.memref_squeeze %dma_wait3A_149 : memref<1x128x64xf32, #tpu.memory_space<hbm>> -> memref<128x64xf32, #tpu.memory_space<hbm>>
      %dma_wait3A_151 = arith.constant 0 : i32
      %dma_wait3A_152 = arith.constant 0 : i32
      %dma_wait3A_153 = tpu.memref_slice %arg15[%dma_wait3A_151, %dma_wait3A_152] : memref<128x64xf32, #tpu.memory_space<vmem>> -> memref<128x64xf32, #tpu.memory_space<vmem>>
      tpu.wait_dma2 semaphore(%run_scoped3A : memref<!tpu.dma_semaphore, #tpu.memory_space<semaphore_mem>>) src(%dma_wait3A_153 : memref<128x64xf32, #tpu.memory_space<vmem>>) dst(%dma_wait3A_150 : memref<128x64xf32, #tpu.memory_space<hbm>>)
      tpu.yield
    }) : () -> ()
    %add3A_118 = arith.constant 256 : i32
    %add3A_119 = arith.addi %mul3A_11, %add3A_118 : i32
    "tpu.region"() ({
      %run_scoped3A = tpu.sem_alloc : memref<!tpu.dma_semaphore, #tpu.memory_space<semaphore_mem>>
      %dma_start3A_130 = arith.constant 0 : i32
      %dma_start3A_131 = arith.constant 0 : i32
      %dma_start3A_132 = tpu.memref_slice %arg15[%dma_start3A_130, %dma_start3A_131] : memref<128x64xf32, #tpu.memory_space<vmem>> -> memref<128x64xf32, #tpu.memory_space<vmem>>
      %dma_start3A_133 = arith.constant 0 : i32
      %dma_start3A_134 = tpu.memref_slice %arg17[%add3A_119, %dma_start3A_133] : memref<10112x64xf32, #tpu.memory_space<vmem_shared>> -> memref<128x64xf32, #tpu.memory_space<vmem_shared>>
      %dma_start3A_135 = arith.constant 0 : i32
      %dma_start3A_136 = arith.constant 0 : i32
      %dma_start3A_137 = tpu.memref_slice %arg15[%dma_start3A_135, %dma_start3A_136] : memref<128x64xf32, #tpu.memory_space<vmem>> -> memref<128x64xf32, #tpu.memory_space<vmem>>
      %dma_start3A_138 = arith.constant 0 : i32
      %dma_start3A_139 = tpu.memref_slice %arg17[%add3A_119, %dma_start3A_138] : memref<10112x64xf32, #tpu.memory_space<vmem_shared>> -> memref<128x64xf32, #tpu.memory_space<vmem_shared>>
      tpu.enqueue_dma source(%dma_start3A_139 : memref<128x64xf32, #tpu.memory_space<vmem_shared>>) target(%dma_start3A_137 : memref<128x64xf32, #tpu.memory_space<vmem>>) target_semaphore(%run_scoped3A : memref<!tpu.dma_semaphore, #tpu.memory_space<semaphore_mem>>)
      %dma_wait3A_140 = arith.constant 0 : i32
      %dma_wait3A_141 = arith.constant 0 : i32
      %dma_wait3A_142 = tpu.memref_slice %arg15[%dma_wait3A_140, %dma_wait3A_141] : memref<128x64xf32, #tpu.memory_space<vmem>> -> memref<128x64xf32, #tpu.memory_space<vmem>>
      %dma_wait3A_143 = arith.constant 0 : i32
      %dma_wait3A_144 = tpu.memref_slice %arg17[%add3A_119, %dma_wait3A_143] : memref<10112x64xf32, #tpu.memory_space<vmem_shared>> -> memref<128x64xf32, #tpu.memory_space<vmem_shared>>
      %dma_wait3A_145 = arith.constant 0 : i32
      %dma_wait3A_146 = arith.constant 0 : i32
      %dma_wait3A_147 = tpu.memref_slice %arg15[%dma_wait3A_145, %dma_wait3A_146] : memref<128x64xf32, #tpu.memory_space<vmem>> -> memref<128x64xf32, #tpu.memory_space<vmem>>
      %dma_wait3A_148 = arith.constant 0 : i32
      %dma_wait3A_149 = tpu.memref_slice %arg17[%add3A_119, %dma_wait3A_148] : memref<10112x64xf32, #tpu.memory_space<vmem_shared>> -> memref<128x64xf32, #tpu.memory_space<vmem_shared>>
      tpu.wait_dma2 semaphore(%run_scoped3A : memref<!tpu.dma_semaphore, #tpu.memory_space<semaphore_mem>>) src(%dma_wait3A_149 : memref<128x64xf32, #tpu.memory_space<vmem_shared>>) dst(%dma_wait3A_147 : memref<128x64xf32, #tpu.memory_space<vmem>>)
      tpu.yield
    }) : () -> ()
    %add3A_120 = arith.constant 256 : i32
    %add3A_121 = arith.addi %mul3A_11, %add3A_120 : i32
    "tpu.region"() ({
      %run_scoped3A = tpu.sem_alloc : memref<!tpu.dma_semaphore, #tpu.memory_space<semaphore_mem>>
      %dma_start3A_130 = arith.constant 0 : i32
      %dma_start3A_131 = arith.constant 0 : i32
      %dma_start3A_132 = tpu.memref_slice %arg15[%dma_start3A_130, %dma_start3A_131] : memref<128x64xf32, #tpu.memory_space<vmem>> -> memref<128x64xf32, #tpu.memory_space<vmem>>
      %dma_start3A_133 = arith.constant 0 : i32
      %dma_start3A_134 = tpu.memref_slice %arg4[%arg0, %add3A_121, %dma_start3A_133] : memref<2x10112x64xf32, #tpu.memory_space<hbm>> -> memref<1x128x64xf32, #tpu.memory_space<hbm>>
      %dma_start3A_135 = tpu.memref_squeeze %dma_start3A_134 : memref<1x128x64xf32, #tpu.memory_space<hbm>> -> memref<128x64xf32, #tpu.memory_space<hbm>>
      %dma_start3A_136 = arith.constant 0 : i32
      %dma_start3A_137 = tpu.memref_slice %arg4[%arg0, %add3A_121, %dma_start3A_136] : memref<2x10112x64xf32, #tpu.memory_space<hbm>> -> memref<1x128x64xf32, #tpu.memory_space<hbm>>
      %dma_start3A_138 = tpu.memref_squeeze %dma_start3A_137 : memref<1x128x64xf32, #tpu.memory_space<hbm>> -> memref<128x64xf32, #tpu.memory_space<hbm>>
      %dma_start3A_139 = arith.constant 0 : i32
      %dma_start3A_140 = arith.constant 0 : i32
      %dma_start3A_141 = tpu.memref_slice %arg15[%dma_start3A_139, %dma_start3A_140] : memref<128x64xf32, #tpu.memory_space<vmem>> -> memref<128x64xf32, #tpu.memory_space<vmem>>
      tpu.enqueue_dma source(%dma_start3A_141 : memref<128x64xf32, #tpu.memory_space<vmem>>) target(%dma_start3A_138 : memref<128x64xf32, #tpu.memory_space<hbm>>) target_semaphore(%run_scoped3A : memref<!tpu.dma_semaphore, #tpu.memory_space<semaphore_mem>>)
      %dma_wait3A_142 = arith.constant 0 : i32
      %dma_wait3A_143 = arith.constant 0 : i32
      %dma_wait3A_144 = tpu.memref_slice %arg15[%dma_wait3A_142, %dma_wait3A_143] : memref<128x64xf32, #tpu.memory_space<vmem>> -> memref<128x64xf32, #tpu.memory_space<vmem>>
      %dma_wait3A_145 = arith.constant 0 : i32
      %dma_wait3A_146 = tpu.memref_slice %arg4[%arg0, %add3A_121, %dma_wait3A_145] : memref<2x10112x64xf32, #tpu.memory_space<hbm>> -> memref<1x128x64xf32, #tpu.memory_space<hbm>>
      %dma_wait3A_147 = tpu.memref_squeeze %dma_wait3A_146 : memref<1x128x64xf32, #tpu.memory_space<hbm>> -> memref<128x64xf32, #tpu.memory_space<hbm>>
      %dma_wait3A_148 = arith.constant 0 : i32
      %dma_wait3A_149 = tpu.memref_slice %arg4[%arg0, %add3A_121, %dma_wait3A_148] : memref<2x10112x64xf32, #tpu.memory_space<hbm>> -> memref<1x128x64xf32, #tpu.memory_space<hbm>>
      %dma_wait3A_150 = tpu.memref_squeeze %dma_wait3A_149 : memref<1x128x64xf32, #tpu.memory_space<hbm>> -> memref<128x64xf32, #tpu.memory_space<hbm>>
      %dma_wait3A_151 = arith.constant 0 : i32
      %dma_wait3A_152 = arith.constant 0 : i32
      %dma_wait3A_153 = tpu.memref_slice %arg15[%dma_wait3A_151, %dma_wait3A_152] : memref<128x64xf32, #tpu.memory_space<vmem>> -> memref<128x64xf32, #tpu.memory_space<vmem>>
      tpu.wait_dma2 semaphore(%run_scoped3A : memref<!tpu.dma_semaphore, #tpu.memory_space<semaphore_mem>>) src(%dma_wait3A_153 : memref<128x64xf32, #tpu.memory_space<vmem>>) dst(%dma_wait3A_150 : memref<128x64xf32, #tpu.memory_space<hbm>>)
      tpu.yield
    }) : () -> ()
    %add3A_122 = arith.constant 384 : i32
    %add3A_123 = arith.addi %mul3A_11, %add3A_122 : i32
    "tpu.region"() ({
      %run_scoped3A = tpu.sem_alloc : memref<!tpu.dma_semaphore, #tpu.memory_space<semaphore_mem>>
      %dma_start3A_130 = arith.constant 0 : i32
      %dma_start3A_131 = arith.constant 0 : i32
      %dma_start3A_132 = tpu.memref_slice %arg15[%dma_start3A_130, %dma_start3A_131] : memref<128x64xf32, #tpu.memory_space<vmem>> -> memref<128x64xf32, #tpu.memory_space<vmem>>
      %dma_start3A_133 = arith.constant 0 : i32
      %dma_start3A_134 = tpu.memref_slice %arg17[%add3A_123, %dma_start3A_133] : memref<10112x64xf32, #tpu.memory_space<vmem_shared>> -> memref<128x64xf32, #tpu.memory_space<vmem_shared>>
      %dma_start3A_135 = arith.constant 0 : i32
      %dma_start3A_136 = arith.constant 0 : i32
      %dma_start3A_137 = tpu.memref_slice %arg15[%dma_start3A_135, %dma_start3A_136] : memref<128x64xf32, #tpu.memory_space<vmem>> -> memref<128x64xf32, #tpu.memory_space<vmem>>
      %dma_start3A_138 = arith.constant 0 : i32
      %dma_start3A_139 = tpu.memref_slice %arg17[%add3A_123, %dma_start3A_138] : memref<10112x64xf32, #tpu.memory_space<vmem_shared>> -> memref<128x64xf32, #tpu.memory_space<vmem_shared>>
      tpu.enqueue_dma source(%dma_start3A_139 : memref<128x64xf32, #tpu.memory_space<vmem_shared>>) target(%dma_start3A_137 : memref<128x64xf32, #tpu.memory_space<vmem>>) target_semaphore(%run_scoped3A : memref<!tpu.dma_semaphore, #tpu.memory_space<semaphore_mem>>)
      %dma_wait3A_140 = arith.constant 0 : i32
      %dma_wait3A_141 = arith.constant 0 : i32
      %dma_wait3A_142 = tpu.memref_slice %arg15[%dma_wait3A_140, %dma_wait3A_141] : memref<128x64xf32, #tpu.memory_space<vmem>> -> memref<128x64xf32, #tpu.memory_space<vmem>>
      %dma_wait3A_143 = arith.constant 0 : i32
      %dma_wait3A_144 = tpu.memref_slice %arg17[%add3A_123, %dma_wait3A_143] : memref<10112x64xf32, #tpu.memory_space<vmem_shared>> -> memref<128x64xf32, #tpu.memory_space<vmem_shared>>
      %dma_wait3A_145 = arith.constant 0 : i32
      %dma_wait3A_146 = arith.constant 0 : i32
      %dma_wait3A_147 = tpu.memref_slice %arg15[%dma_wait3A_145, %dma_wait3A_146] : memref<128x64xf32, #tpu.memory_space<vmem>> -> memref<128x64xf32, #tpu.memory_space<vmem>>
      %dma_wait3A_148 = arith.constant 0 : i32
      %dma_wait3A_149 = tpu.memref_slice %arg17[%add3A_123, %dma_wait3A_148] : memref<10112x64xf32, #tpu.memory_space<vmem_shared>> -> memref<128x64xf32, #tpu.memory_space<vmem_shared>>
      tpu.wait_dma2 semaphore(%run_scoped3A : memref<!tpu.dma_semaphore, #tpu.memory_space<semaphore_mem>>) src(%dma_wait3A_149 : memref<128x64xf32, #tpu.memory_space<vmem_shared>>) dst(%dma_wait3A_147 : memref<128x64xf32, #tpu.memory_space<vmem>>)
      tpu.yield
    }) : () -> ()
    %add3A_124 = arith.constant 384 : i32
    %add3A_125 = arith.addi %mul3A_11, %add3A_124 : i32
    "tpu.region"() ({
      %run_scoped3A = tpu.sem_alloc : memref<!tpu.dma_semaphore, #tpu.memory_space<semaphore_mem>>
      %dma_start3A_130 = arith.constant 0 : i32
      %dma_start3A_131 = arith.constant 0 : i32
      %dma_start3A_132 = tpu.memref_slice %arg15[%dma_start3A_130, %dma_start3A_131] : memref<128x64xf32, #tpu.memory_space<vmem>> -> memref<128x64xf32, #tpu.memory_space<vmem>>
      %dma_start3A_133 = arith.constant 0 : i32
      %dma_start3A_134 = tpu.memref_slice %arg4[%arg0, %add3A_125, %dma_start3A_133] : memref<2x10112x64xf32, #tpu.memory_space<hbm>> -> memref<1x128x64xf32, #tpu.memory_space<hbm>>
      %dma_start3A_135 = tpu.memref_squeeze %dma_start3A_134 : memref<1x128x64xf32, #tpu.memory_space<hbm>> -> memref<128x64xf32, #tpu.memory_space<hbm>>
      %dma_start3A_136 = arith.constant 0 : i32
      %dma_start3A_137 = tpu.memref_slice %arg4[%arg0, %add3A_125, %dma_start3A_136] : memref<2x10112x64xf32, #tpu.memory_space<hbm>> -> memref<1x128x64xf32, #tpu.memory_space<hbm>>
      %dma_start3A_138 = tpu.memref_squeeze %dma_start3A_137 : memref<1x128x64xf32, #tpu.memory_space<hbm>> -> memref<128x64xf32, #tpu.memory_space<hbm>>
      %dma_start3A_139 = arith.constant 0 : i32
      %dma_start3A_140 = arith.constant 0 : i32
      %dma_start3A_141 = tpu.memref_slice %arg15[%dma_start3A_139, %dma_start3A_140] : memref<128x64xf32, #tpu.memory_space<vmem>> -> memref<128x64xf32, #tpu.memory_space<vmem>>
      tpu.enqueue_dma source(%dma_start3A_141 : memref<128x64xf32, #tpu.memory_space<vmem>>) target(%dma_start3A_138 : memref<128x64xf32, #tpu.memory_space<hbm>>) target_semaphore(%run_scoped3A : memref<!tpu.dma_semaphore, #tpu.memory_space<semaphore_mem>>)
      %dma_wait3A_142 = arith.constant 0 : i32
      %dma_wait3A_143 = arith.constant 0 : i32
      %dma_wait3A_144 = tpu.memref_slice %arg15[%dma_wait3A_142, %dma_wait3A_143] : memref<128x64xf32, #tpu.memory_space<vmem>> -> memref<128x64xf32, #tpu.memory_space<vmem>>
      %dma_wait3A_145 = arith.constant 0 : i32
      %dma_wait3A_146 = tpu.memref_slice %arg4[%arg0, %add3A_125, %dma_wait3A_145] : memref<2x10112x64xf32, #tpu.memory_space<hbm>> -> memref<1x128x64xf32, #tpu.memory_space<hbm>>
      %dma_wait3A_147 = tpu.memref_squeeze %dma_wait3A_146 : memref<1x128x64xf32, #tpu.memory_space<hbm>> -> memref<128x64xf32, #tpu.memory_space<hbm>>
      %dma_wait3A_148 = arith.constant 0 : i32
      %dma_wait3A_149 = tpu.memref_slice %arg4[%arg0, %add3A_125, %dma_wait3A_148] : memref<2x10112x64xf32, #tpu.memory_space<hbm>> -> memref<1x128x64xf32, #tpu.memory_space<hbm>>
      %dma_wait3A_150 = tpu.memref_squeeze %dma_wait3A_149 : memref<1x128x64xf32, #tpu.memory_space<hbm>> -> memref<128x64xf32, #tpu.memory_space<hbm>>
      %dma_wait3A_151 = arith.constant 0 : i32
      %dma_wait3A_152 = arith.constant 0 : i32
      %dma_wait3A_153 = tpu.memref_slice %arg15[%dma_wait3A_151, %dma_wait3A_152] : memref<128x64xf32, #tpu.memory_space<vmem>> -> memref<128x64xf32, #tpu.memory_space<vmem>>
      tpu.wait_dma2 semaphore(%run_scoped3A : memref<!tpu.dma_semaphore, #tpu.memory_space<semaphore_mem>>) src(%dma_wait3A_153 : memref<128x64xf32, #tpu.memory_space<vmem>>) dst(%dma_wait3A_150 : memref<128x64xf32, #tpu.memory_space<hbm>>)
      tpu.yield
    }) : () -> ()
    %add3A_126 = arith.constant 512 : i32
    %add3A_127 = arith.addi %mul3A_11, %add3A_126 : i32
    "tpu.region"() ({
      %run_scoped3A = tpu.sem_alloc : memref<!tpu.dma_semaphore, #tpu.memory_space<semaphore_mem>>
      %dma_start3A_130 = arith.constant 0 : i32
      %dma_start3A_131 = arith.constant 0 : i32
      %dma_start3A_132 = tpu.memref_slice %arg15[%dma_start3A_130, %dma_start3A_131] : memref<128x64xf32, #tpu.memory_space<vmem>> -> memref<120x64xf32, #tpu.memory_space<vmem>>
      %dma_start3A_133 = arith.constant 0 : i32
      %dma_start3A_134 = tpu.memref_slice %arg17[%add3A_127, %dma_start3A_133] : memref<10112x64xf32, #tpu.memory_space<vmem_shared>> -> memref<120x64xf32, #tpu.memory_space<vmem_shared>>
      %dma_start3A_135 = arith.constant 0 : i32
      %dma_start3A_136 = arith.constant 0 : i32
      %dma_start3A_137 = tpu.memref_slice %arg15[%dma_start3A_135, %dma_start3A_136] : memref<128x64xf32, #tpu.memory_space<vmem>> -> memref<120x64xf32, #tpu.memory_space<vmem>>
      %dma_start3A_138 = arith.constant 0 : i32
      %dma_start3A_139 = tpu.memref_slice %arg17[%add3A_127, %dma_start3A_138] : memref<10112x64xf32, #tpu.memory_space<vmem_shared>> -> memref<120x64xf32, #tpu.memory_space<vmem_shared>>
      tpu.enqueue_dma source(%dma_start3A_139 : memref<120x64xf32, #tpu.memory_space<vmem_shared>>) target(%dma_start3A_137 : memref<120x64xf32, #tpu.memory_space<vmem>>) target_semaphore(%run_scoped3A : memref<!tpu.dma_semaphore, #tpu.memory_space<semaphore_mem>>)
      %dma_wait3A_140 = arith.constant 0 : i32
      %dma_wait3A_141 = arith.constant 0 : i32
      %dma_wait3A_142 = tpu.memref_slice %arg15[%dma_wait3A_140, %dma_wait3A_141] : memref<128x64xf32, #tpu.memory_space<vmem>> -> memref<120x64xf32, #tpu.memory_space<vmem>>
      %dma_wait3A_143 = arith.constant 0 : i32
      %dma_wait3A_144 = tpu.memref_slice %arg17[%add3A_127, %dma_wait3A_143] : memref<10112x64xf32, #tpu.memory_space<vmem_shared>> -> memref<120x64xf32, #tpu.memory_space<vmem_shared>>
      %dma_wait3A_145 = arith.constant 0 : i32
      %dma_wait3A_146 = arith.constant 0 : i32
      %dma_wait3A_147 = tpu.memref_slice %arg15[%dma_wait3A_145, %dma_wait3A_146] : memref<128x64xf32, #tpu.memory_space<vmem>> -> memref<120x64xf32, #tpu.memory_space<vmem>>
      %dma_wait3A_148 = arith.constant 0 : i32
      %dma_wait3A_149 = tpu.memref_slice %arg17[%add3A_127, %dma_wait3A_148] : memref<10112x64xf32, #tpu.memory_space<vmem_shared>> -> memref<120x64xf32, #tpu.memory_space<vmem_shared>>
      tpu.wait_dma2 semaphore(%run_scoped3A : memref<!tpu.dma_semaphore, #tpu.memory_space<semaphore_mem>>) src(%dma_wait3A_149 : memref<120x64xf32, #tpu.memory_space<vmem_shared>>) dst(%dma_wait3A_147 : memref<120x64xf32, #tpu.memory_space<vmem>>)
      tpu.yield
    }) : () -> ()
    %add3A_128 = arith.constant 512 : i32
    %add3A_129 = arith.addi %mul3A_11, %add3A_128 : i32
    "tpu.region"() ({
      %run_scoped3A = tpu.sem_alloc : memref<!tpu.dma_semaphore, #tpu.memory_space<semaphore_mem>>
      %dma_start3A_130 = arith.constant 0 : i32
      %dma_start3A_131 = arith.constant 0 : i32
      %dma_start3A_132 = tpu.memref_slice %arg15[%dma_start3A_130, %dma_start3A_131] : memref<128x64xf32, #tpu.memory_space<vmem>> -> memref<120x64xf32, #tpu.memory_space<vmem>>
      %dma_start3A_133 = arith.constant 0 : i32
      %dma_start3A_134 = tpu.memref_slice %arg4[%arg0, %add3A_129, %dma_start3A_133] : memref<2x10112x64xf32, #tpu.memory_space<hbm>> -> memref<1x120x64xf32, #tpu.memory_space<hbm>>
      %dma_start3A_135 = tpu.memref_squeeze %dma_start3A_134 : memref<1x120x64xf32, #tpu.memory_space<hbm>> -> memref<120x64xf32, #tpu.memory_space<hbm>>
      %dma_start3A_136 = arith.constant 0 : i32
      %dma_start3A_137 = tpu.memref_slice %arg4[%arg0, %add3A_129, %dma_start3A_136] : memref<2x10112x64xf32, #tpu.memory_space<hbm>> -> memref<1x120x64xf32, #tpu.memory_space<hbm>>
      %dma_start3A_138 = tpu.memref_squeeze %dma_start3A_137 : memref<1x120x64xf32, #tpu.memory_space<hbm>> -> memref<120x64xf32, #tpu.memory_space<hbm>>
      %dma_start3A_139 = arith.constant 0 : i32
      %dma_start3A_140 = arith.constant 0 : i32
      %dma_start3A_141 = tpu.memref_slice %arg15[%dma_start3A_139, %dma_start3A_140] : memref<128x64xf32, #tpu.memory_space<vmem>> -> memref<120x64xf32, #tpu.memory_space<vmem>>
      tpu.enqueue_dma source(%dma_start3A_141 : memref<120x64xf32, #tpu.memory_space<vmem>>) target(%dma_start3A_138 : memref<120x64xf32, #tpu.memory_space<hbm>>) target_semaphore(%run_scoped3A : memref<!tpu.dma_semaphore, #tpu.memory_space<semaphore_mem>>)
      %dma_wait3A_142 = arith.constant 0 : i32
      %dma_wait3A_143 = arith.constant 0 : i32
      %dma_wait3A_144 = tpu.memref_slice %arg15[%dma_wait3A_142, %dma_wait3A_143] : memref<128x64xf32, #tpu.memory_space<vmem>> -> memref<120x64xf32, #tpu.memory_space<vmem>>
      %dma_wait3A_145 = arith.constant 0 : i32
      %dma_wait3A_146 = tpu.memref_slice %arg4[%arg0, %add3A_129, %dma_wait3A_145] : memref<2x10112x64xf32, #tpu.memory_space<hbm>> -> memref<1x120x64xf32, #tpu.memory_space<hbm>>
      %dma_wait3A_147 = tpu.memref_squeeze %dma_wait3A_146 : memref<1x120x64xf32, #tpu.memory_space<hbm>> -> memref<120x64xf32, #tpu.memory_space<hbm>>
      %dma_wait3A_148 = arith.constant 0 : i32
      %dma_wait3A_149 = tpu.memref_slice %arg4[%arg0, %add3A_129, %dma_wait3A_148] : memref<2x10112x64xf32, #tpu.memory_space<hbm>> -> memref<1x120x64xf32, #tpu.memory_space<hbm>>
      %dma_wait3A_150 = tpu.memref_squeeze %dma_wait3A_149 : memref<1x120x64xf32, #tpu.memory_space<hbm>> -> memref<120x64xf32, #tpu.memory_space<hbm>>
      %dma_wait3A_151 = arith.constant 0 : i32
      %dma_wait3A_152 = arith.constant 0 : i32
      %dma_wait3A_153 = tpu.memref_slice %arg15[%dma_wait3A_151, %dma_wait3A_152] : memref<128x64xf32, #tpu.memory_space<vmem>> -> memref<120x64xf32, #tpu.memory_space<vmem>>
      tpu.wait_dma2 semaphore(%run_scoped3A : memref<!tpu.dma_semaphore, #tpu.memory_space<semaphore_mem>>) src(%dma_wait3A_153 : memref<120x64xf32, #tpu.memory_space<vmem>>) dst(%dma_wait3A_150 : memref<120x64xf32, #tpu.memory_space<hbm>>)
      tpu.yield
    }) : () -> ()
    return
  }
}

#map = affine_map<(d0, d1) -> (0)>
module attributes {stable_mosaic.version = 14 : i64} {
  func.func @_sc_deg(%arg0: i32, %arg1: i32, %arg2: memref<640000xi32, #tpu.memory_space<hbm>>, %arg3: memref<20224xf32, #tpu.memory_space<hbm>>, %arg4: memref<80xi32, #tpu.memory_space<vmem>>, %arg5: memref<80xi32, #tpu.memory_space<vmem>>, %arg6: memref<80xi32, #tpu.memory_space<vmem>>, %arg7: memref<80xi32, #tpu.memory_space<vmem>>, %arg8: memref<80xf32, #tpu.memory_space<vmem>>, %arg9: memref<10112xf32, #tpu.memory_space<vmem>>, %arg10: memref<10112xf32, #tpu.memory_space<vmem>>, %arg11: memref<632xf32, #tpu.memory_space<vmem>>, %arg12: memref<161792xf32, #tpu.memory_space<vmem_shared>>, %arg13: memref<!tpu.dma_semaphore, #tpu.memory_space<semaphore_mem>>, %arg14: memref<!tpu.dma_semaphore, #tpu.memory_space<semaphore_mem>>, %arg15: memref<!tpu.dma_semaphore, #tpu.memory_space<semaphore_mem>>, %arg16: memref<!tpu.dma_semaphore, #tpu.memory_space<semaphore_mem>>) attributes {dimension_semantics = [#tpu.dimension_semantics<core_parallel>, #tpu.dimension_semantics<subcore_parallel>], iteration_bounds = array<i64: 2, 16>, scalar_prefetch = 0 : i64, scratch_operands = 13 : i64, tpu.core_type = #tpu.core_type<sc_vector_subcore>, window_params = [{transform_indices = #map}, {transform_indices = #map}]} {
    %mul3A = arith.constant 16 : i32
    %mul3A_0 = arith.muli %arg0, %mul3A : i32
    %add3A = arith.addi %mul3A_0, %arg1 : i32
    %mul3A_1 = arith.constant 10000 : i32
    %mul3A_2 = arith.muli %add3A, %mul3A_1 : i32
    %broadcast_in_dim3A = arith.constant 1.000000e+00 : f32
    %broadcast_in_dim3A_3 = vector.broadcast %broadcast_in_dim3A : f32 to vector<16xf32>
    %broadcast_in_dim3A_4 = arith.constant 0.000000e+00 : f32
    %broadcast_in_dim3A_5 = vector.broadcast %broadcast_in_dim3A_4 : f32 to vector<16xf32>
    %swap3A = arith.constant 0 : index
    %swap3A_6 = tpu.vector_load %arg8[%swap3A] {strides = array<i32>} : memref<80xf32, #tpu.memory_space<vmem>>, vector<16xf32>,
    tpu.vector_store %arg8[%swap3A], %broadcast_in_dim3A_3 {strides = array<i32>} : memref<80xf32, #tpu.memory_space<vmem>>, vector<16xf32>,
    %swap3A_7 = arith.constant 16 : index
    %swap3A_8 = tpu.vector_load %arg8[%swap3A_7] {strides = array<i32>} : memref<80xf32, #tpu.memory_space<vmem>>, vector<16xf32>,
    tpu.vector_store %arg8[%swap3A_7], %broadcast_in_dim3A_3 {strides = array<i32>} : memref<80xf32, #tpu.memory_space<vmem>>, vector<16xf32>,
    %swap3A_9 = arith.constant 32 : index
    %swap3A_10 = tpu.vector_load %arg8[%swap3A_9] {strides = array<i32>} : memref<80xf32, #tpu.memory_space<vmem>>, vector<16xf32>,
    tpu.vector_store %arg8[%swap3A_9], %broadcast_in_dim3A_3 {strides = array<i32>} : memref<80xf32, #tpu.memory_space<vmem>>, vector<16xf32>,
    %swap3A_11 = arith.constant 48 : index
    %swap3A_12 = tpu.vector_load %arg8[%swap3A_11] {strides = array<i32>} : memref<80xf32, #tpu.memory_space<vmem>>, vector<16xf32>,
    tpu.vector_store %arg8[%swap3A_11], %broadcast_in_dim3A_3 {strides = array<i32>} : memref<80xf32, #tpu.memory_space<vmem>>, vector<16xf32>,
    %swap3A_13 = arith.constant 64 : index
    %swap3A_14 = tpu.vector_load %arg8[%swap3A_13] {strides = array<i32>} : memref<80xf32, #tpu.memory_space<vmem>>, vector<16xf32>,
    tpu.vector_store %arg8[%swap3A_13], %broadcast_in_dim3A_3 {strides = array<i32>} : memref<80xf32, #tpu.memory_space<vmem>>, vector<16xf32>,
    %scan3A = arith.constant 0 : i32
    %scan3A_15 = arith.constant 0 : i32
    %scan3A_16 = arith.constant 632 : i32
    %scan3A_17 = arith.addi %scan3A_15, %scan3A_16 : i32
    %scan3A_18 = arith.constant 1 : i32
    %scan3A_19 = scf.for %scan3A_192 = %scan3A_15 to %scan3A_17 step %scan3A_18 iter_args(%scan3A_193 = %scan3A) -> (i32)  : i32 {
      %mul3A_194 = arith.constant 16 : i32
      %mul3A_195 = arith.muli %scan3A_192, %mul3A_194 : i32
      %swap3A_196 = arith.index_cast %mul3A_195 : i32 to index
      %swap3A_197 = tpu.vector_load %arg9[%swap3A_196] {strides = array<i32>} : memref<10112xf32, #tpu.memory_space<vmem>>, vector<16xf32>,
      tpu.vector_store %arg9[%swap3A_196], %broadcast_in_dim3A_5 {strides = array<i32>} : memref<10112xf32, #tpu.memory_space<vmem>>, vector<16xf32>,
      %scan3A_198 = arith.constant 0 : i32
      scf.yield %scan3A_198 : i32
    }
    %scan3A_20 = arith.constant 632 : i32
    %add3A_21 = arith.constant 320000 : i32
    %add3A_22 = arith.addi %add3A_21, %mul3A_2 : i32
    %add3A_23 = arith.constant 0 : i32
    %add3A_24 = arith.addi %add3A_22, %add3A_23 : i32
    %dma_start3A = tpu.memref_slice %arg2[%add3A_24] : memref<640000xi32, #tpu.memory_space<hbm>> -> memref<80xi32, #tpu.memory_space<hbm>>
    %dma_start3A_25 = tpu.memref_slice %arg2[%add3A_24] : memref<640000xi32, #tpu.memory_space<hbm>> -> memref<80xi32, #tpu.memory_space<hbm>>
    tpu.enqueue_dma source(%dma_start3A_25 : memref<80xi32, #tpu.memory_space<hbm>>) target(%arg4 : memref<80xi32, #tpu.memory_space<vmem>>) target_semaphore(%arg13 : memref<!tpu.dma_semaphore, #tpu.memory_space<semaphore_mem>>)
    %add3A_26 = arith.constant 320000 : i32
    %add3A_27 = arith.addi %add3A_26, %mul3A_2 : i32
    %add3A_28 = arith.constant 80 : i32
    %add3A_29 = arith.addi %add3A_27, %add3A_28 : i32
    %dma_start3A_30 = tpu.memref_slice %arg2[%add3A_29] : memref<640000xi32, #tpu.memory_space<hbm>> -> memref<80xi32, #tpu.memory_space<hbm>>
    %dma_start3A_31 = tpu.memref_slice %arg2[%add3A_29] : memref<640000xi32, #tpu.memory_space<hbm>> -> memref<80xi32, #tpu.memory_space<hbm>>
    tpu.enqueue_dma source(%dma_start3A_31 : memref<80xi32, #tpu.memory_space<hbm>>) target(%arg5 : memref<80xi32, #tpu.memory_space<vmem>>) target_semaphore(%arg14 : memref<!tpu.dma_semaphore, #tpu.memory_space<semaphore_mem>>)
    %add3A_32 = arith.constant 320000 : i32
    %add3A_33 = arith.addi %add3A_32, %mul3A_2 : i32
    %add3A_34 = arith.constant 160 : i32
    %add3A_35 = arith.addi %add3A_33, %add3A_34 : i32
    %dma_start3A_36 = tpu.memref_slice %arg2[%add3A_35] : memref<640000xi32, #tpu.memory_space<hbm>> -> memref<80xi32, #tpu.memory_space<hbm>>
    %dma_start3A_37 = tpu.memref_slice %arg2[%add3A_35] : memref<640000xi32, #tpu.memory_space<hbm>> -> memref<80xi32, #tpu.memory_space<hbm>>
    tpu.enqueue_dma source(%dma_start3A_37 : memref<80xi32, #tpu.memory_space<hbm>>) target(%arg6 : memref<80xi32, #tpu.memory_space<vmem>>) target_semaphore(%arg15 : memref<!tpu.dma_semaphore, #tpu.memory_space<semaphore_mem>>)
    %add3A_38 = arith.constant 320000 : i32
    %add3A_39 = arith.addi %add3A_38, %mul3A_2 : i32
    %add3A_40 = arith.constant 240 : i32
    %add3A_41 = arith.addi %add3A_39, %add3A_40 : i32
    %dma_start3A_42 = tpu.memref_slice %arg2[%add3A_41] : memref<640000xi32, #tpu.memory_space<hbm>> -> memref<80xi32, #tpu.memory_space<hbm>>
    %dma_start3A_43 = tpu.memref_slice %arg2[%add3A_41] : memref<640000xi32, #tpu.memory_space<hbm>> -> memref<80xi32, #tpu.memory_space<hbm>>
    tpu.enqueue_dma source(%dma_start3A_43 : memref<80xi32, #tpu.memory_space<hbm>>) target(%arg7 : memref<80xi32, #tpu.memory_space<vmem>>) target_semaphore(%arg16 : memref<!tpu.dma_semaphore, #tpu.memory_space<semaphore_mem>>)
    %broadcast_in_dim3A_44 = arith.constant 1.000000e+00 : f32
    %broadcast_in_dim3A_45 = vector.broadcast %broadcast_in_dim3A_44 : f32 to vector<16xf32>
    %scan3A_46 = arith.constant 0 : i32
    %scan3A_47 = arith.constant 0 : i32
    %scan3A_48 = arith.constant 31 : i32
    %scan3A_49 = arith.addi %scan3A_47, %scan3A_48 : i32
    %scan3A_50 = arith.constant 1 : i32
    %scan3A_51 = scf.for %scan3A_192 = %scan3A_47 to %scan3A_49 step %scan3A_50 iter_args(%scan3A_193 = %scan3A_46) -> (i32)  : i32 {
      %mul3A_194 = arith.constant 4 : i32
      %mul3A_195 = arith.muli %scan3A_192, %mul3A_194 : i32
      %add3A_196 = arith.constant 0 : i32
      %add3A_197 = arith.addi %mul3A_195, %add3A_196 : i32
      %add3A_198 = arith.constant 320000 : i32
      %add3A_199 = arith.addi %add3A_198, %mul3A_2 : i32
      %dma_wait3A_200 = tpu.memref_slice %arg2[%add3A_199] : memref<640000xi32, #tpu.memory_space<hbm>> -> memref<80xi32, #tpu.memory_space<hbm>>
      %dma_wait3A_201 = tpu.memref_slice %arg2[%add3A_199] : memref<640000xi32, #tpu.memory_space<hbm>> -> memref<80xi32, #tpu.memory_space<hbm>>
      tpu.wait_dma2 semaphore(%arg13 : memref<!tpu.dma_semaphore, #tpu.memory_space<semaphore_mem>>) src(%dma_wait3A_201 : memref<80xi32, #tpu.memory_space<hbm>>) dst(%arg4 : memref<80xi32, #tpu.memory_space<vmem>>)
      %get3A_202 = arith.constant 0 : index
      %get3A_203 = tpu.vector_load %arg4[%get3A_202] {strides = array<i32>} : memref<80xi32, #tpu.memory_space<vmem>>, vector<16xi32>,
      tpu.vector_store_idx %arg9[%get3A_203], %broadcast_in_dim3A_45 {add = true} : memref<10112xf32, #tpu.memory_space<vmem>>[vector<16xi32>], vector<16xf32>,
      %get3A_204 = arith.constant 16 : index
      %get3A_205 = tpu.vector_load %arg4[%get3A_204] {strides = array<i32>} : memref<80xi32, #tpu.memory_space<vmem>>, vector<16xi32>,
      tpu.vector_store_idx %arg9[%get3A_205], %broadcast_in_dim3A_45 {add = true} : memref<10112xf32, #tpu.memory_space<vmem>>[vector<16xi32>], vector<16xf32>,
      %get3A_206 = arith.constant 32 : index
      %get3A_207 = tpu.vector_load %arg4[%get3A_206] {strides = array<i32>} : memref<80xi32, #tpu.memory_space<vmem>>, vector<16xi32>,
      tpu.vector_store_idx %arg9[%get3A_207], %broadcast_in_dim3A_45 {add = true} : memref<10112xf32, #tpu.memory_space<vmem>>[vector<16xi32>], vector<16xf32>,
      %get3A_208 = arith.constant 48 : index
      %get3A_209 = tpu.vector_load %arg4[%get3A_208] {strides = array<i32>} : memref<80xi32, #tpu.memory_space<vmem>>, vector<16xi32>,
      tpu.vector_store_idx %arg9[%get3A_209], %broadcast_in_dim3A_45 {add = true} : memref<10112xf32, #tpu.memory_space<vmem>>[vector<16xi32>], vector<16xf32>,
      %get3A_210 = arith.constant 64 : index
      %get3A_211 = tpu.vector_load %arg4[%get3A_210] {strides = array<i32>} : memref<80xi32, #tpu.memory_space<vmem>>, vector<16xi32>,
      tpu.vector_store_idx %arg9[%get3A_211], %broadcast_in_dim3A_45 {add = true} : memref<10112xf32, #tpu.memory_space<vmem>>[vector<16xi32>], vector<16xf32>,
      %add3A_212 = arith.constant 4 : i32
      %add3A_213 = arith.addi %add3A_197, %add3A_212 : i32
      %le3A = arith.constant 124 : i32
      %le3A_214 = arith.cmpi sle, %add3A_213, %le3A : i32
      %convert_element_type3A = arith.extui %le3A_214 : i1 to i32
      %cond3A = arith.constant 0 : i32
      %cond3A_215 = arith.cmpi ne, %convert_element_type3A, %cond3A : i32
      scf.if %cond3A_215 {
        %add3A_286 = arith.constant 4 : i32
        %add3A_287 = arith.addi %add3A_197, %add3A_286 : i32
        %add3A_288 = arith.constant 320000 : i32
        %add3A_289 = arith.addi %add3A_288, %mul3A_2 : i32
        %mul3A_290 = arith.constant 80 : i32
        %mul3A_291 = arith.muli %add3A_287, %mul3A_290 : i32
        %add3A_292 = arith.addi %add3A_289, %mul3A_291 : i32
        %dma_start3A_293 = tpu.memref_slice %arg2[%add3A_292] : memref<640000xi32, #tpu.memory_space<hbm>> -> memref<80xi32, #tpu.memory_space<hbm>>
        %dma_start3A_294 = tpu.memref_slice %arg2[%add3A_292] : memref<640000xi32, #tpu.memory_space<hbm>> -> memref<80xi32, #tpu.memory_space<hbm>>
        tpu.enqueue_dma source(%dma_start3A_294 : memref<80xi32, #tpu.memory_space<hbm>>) target(%arg4 : memref<80xi32, #tpu.memory_space<vmem>>) target_semaphore(%arg13 : memref<!tpu.dma_semaphore, #tpu.memory_space<semaphore_mem>>)
      } else {
      }
      %add3A_216 = arith.constant 1 : i32
      %add3A_217 = arith.addi %mul3A_195, %add3A_216 : i32
      %add3A_218 = arith.constant 320000 : i32
      %add3A_219 = arith.addi %add3A_218, %mul3A_2 : i32
      %dma_wait3A_220 = tpu.memref_slice %arg2[%add3A_219] : memref<640000xi32, #tpu.memory_space<hbm>> -> memref<80xi32, #tpu.memory_space<hbm>>
      %dma_wait3A_221 = tpu.memref_slice %arg2[%add3A_219] : memref<640000xi32, #tpu.memory_space<hbm>> -> memref<80xi32, #tpu.memory_space<hbm>>
      tpu.wait_dma2 semaphore(%arg14 : memref<!tpu.dma_semaphore, #tpu.memory_space<semaphore_mem>>) src(%dma_wait3A_221 : memref<80xi32, #tpu.memory_space<hbm>>) dst(%arg5 : memref<80xi32, #tpu.memory_space<vmem>>)
      %get3A_222 = arith.constant 0 : index
      %get3A_223 = tpu.vector_load %arg5[%get3A_222] {strides = array<i32>} : memref<80xi32, #tpu.memory_space<vmem>>, vector<16xi32>,
      tpu.vector_store_idx %arg9[%get3A_223], %broadcast_in_dim3A_45 {add = true} : memref<10112xf32, #tpu.memory_space<vmem>>[vector<16xi32>], vector<16xf32>,
      %get3A_224 = arith.constant 16 : index
      %get3A_225 = tpu.vector_load %arg5[%get3A_224] {strides = array<i32>} : memref<80xi32, #tpu.memory_space<vmem>>, vector<16xi32>,
      tpu.vector_store_idx %arg9[%get3A_225], %broadcast_in_dim3A_45 {add = true} : memref<10112xf32, #tpu.memory_space<vmem>>[vector<16xi32>], vector<16xf32>,
      %get3A_226 = arith.constant 32 : index
      %get3A_227 = tpu.vector_load %arg5[%get3A_226] {strides = array<i32>} : memref<80xi32, #tpu.memory_space<vmem>>, vector<16xi32>,
      tpu.vector_store_idx %arg9[%get3A_227], %broadcast_in_dim3A_45 {add = true} : memref<10112xf32, #tpu.memory_space<vmem>>[vector<16xi32>], vector<16xf32>,
      %get3A_228 = arith.constant 48 : index
      %get3A_229 = tpu.vector_load %arg5[%get3A_228] {strides = array<i32>} : memref<80xi32, #tpu.memory_space<vmem>>, vector<16xi32>,
      tpu.vector_store_idx %arg9[%get3A_229], %broadcast_in_dim3A_45 {add = true} : memref<10112xf32, #tpu.memory_space<vmem>>[vector<16xi32>], vector<16xf32>,
      %get3A_230 = arith.constant 64 : index
      %get3A_231 = tpu.vector_load %arg5[%get3A_230] {strides = array<i32>} : memref<80xi32, #tpu.memory_space<vmem>>, vector<16xi32>,
      tpu.vector_store_idx %arg9[%get3A_231], %broadcast_in_dim3A_45 {add = true} : memref<10112xf32, #tpu.memory_space<vmem>>[vector<16xi32>], vector<16xf32>,
      %add3A_232 = arith.constant 4 : i32
      %add3A_233 = arith.addi %add3A_217, %add3A_232 : i32
      %le3A_234 = arith.constant 124 : i32
      %le3A_235 = arith.cmpi sle, %add3A_233, %le3A_234 : i32
      %convert_element_type3A_236 = arith.extui %le3A_235 : i1 to i32
      %cond3A_237 = arith.constant 0 : i32
      %cond3A_238 = arith.cmpi ne, %convert_element_type3A_236, %cond3A_237 : i32
      scf.if %cond3A_238 {
        %add3A_286 = arith.constant 4 : i32
        %add3A_287 = arith.addi %add3A_217, %add3A_286 : i32
        %add3A_288 = arith.constant 320000 : i32
        %add3A_289 = arith.addi %add3A_288, %mul3A_2 : i32
        %mul3A_290 = arith.constant 80 : i32
        %mul3A_291 = arith.muli %add3A_287, %mul3A_290 : i32
        %add3A_292 = arith.addi %add3A_289, %mul3A_291 : i32
        %dma_start3A_293 = tpu.memref_slice %arg2[%add3A_292] : memref<640000xi32, #tpu.memory_space<hbm>> -> memref<80xi32, #tpu.memory_space<hbm>>
        %dma_start3A_294 = tpu.memref_slice %arg2[%add3A_292] : memref<640000xi32, #tpu.memory_space<hbm>> -> memref<80xi32, #tpu.memory_space<hbm>>
        tpu.enqueue_dma source(%dma_start3A_294 : memref<80xi32, #tpu.memory_space<hbm>>) target(%arg5 : memref<80xi32, #tpu.memory_space<vmem>>) target_semaphore(%arg14 : memref<!tpu.dma_semaphore, #tpu.memory_space<semaphore_mem>>)
      } else {
      }
      %add3A_239 = arith.constant 2 : i32
      %add3A_240 = arith.addi %mul3A_195, %add3A_239 : i32
      %add3A_241 = arith.constant 320000 : i32
      %add3A_242 = arith.addi %add3A_241, %mul3A_2 : i32
      %dma_wait3A_243 = tpu.memref_slice %arg2[%add3A_242] : memref<640000xi32, #tpu.memory_space<hbm>> -> memref<80xi32, #tpu.memory_space<hbm>>
      %dma_wait3A_244 = tpu.memref_slice %arg2[%add3A_242] : memref<640000xi32, #tpu.memory_space<hbm>> -> memref<80xi32, #tpu.memory_space<hbm>>
      tpu.wait_dma2 semaphore(%arg15 : memref<!tpu.dma_semaphore, #tpu.memory_space<semaphore_mem>>) src(%dma_wait3A_244 : memref<80xi32, #tpu.memory_space<hbm>>) dst(%arg6 : memref<80xi32, #tpu.memory_space<vmem>>)
      %get3A_245 = arith.constant 0 : index
      %get3A_246 = tpu.vector_load %arg6[%get3A_245] {strides = array<i32>} : memref<80xi32, #tpu.memory_space<vmem>>, vector<16xi32>,
      tpu.vector_store_idx %arg9[%get3A_246], %broadcast_in_dim3A_45 {add = true} : memref<10112xf32, #tpu.memory_space<vmem>>[vector<16xi32>], vector<16xf32>,
      %get3A_247 = arith.constant 16 : index
      %get3A_248 = tpu.vector_load %arg6[%get3A_247] {strides = array<i32>} : memref<80xi32, #tpu.memory_space<vmem>>, vector<16xi32>,
      tpu.vector_store_idx %arg9[%get3A_248], %broadcast_in_dim3A_45 {add = true} : memref<10112xf32, #tpu.memory_space<vmem>>[vector<16xi32>], vector<16xf32>,
      %get3A_249 = arith.constant 32 : index
      %get3A_250 = tpu.vector_load %arg6[%get3A_249] {strides = array<i32>} : memref<80xi32, #tpu.memory_space<vmem>>, vector<16xi32>,
      tpu.vector_store_idx %arg9[%get3A_250], %broadcast_in_dim3A_45 {add = true} : memref<10112xf32, #tpu.memory_space<vmem>>[vector<16xi32>], vector<16xf32>,
      %get3A_251 = arith.constant 48 : index
      %get3A_252 = tpu.vector_load %arg6[%get3A_251] {strides = array<i32>} : memref<80xi32, #tpu.memory_space<vmem>>, vector<16xi32>,
      tpu.vector_store_idx %arg9[%get3A_252], %broadcast_in_dim3A_45 {add = true} : memref<10112xf32, #tpu.memory_space<vmem>>[vector<16xi32>], vector<16xf32>,
      %get3A_253 = arith.constant 64 : index
      %get3A_254 = tpu.vector_load %arg6[%get3A_253] {strides = array<i32>} : memref<80xi32, #tpu.memory_space<vmem>>, vector<16xi32>,
      tpu.vector_store_idx %arg9[%get3A_254], %broadcast_in_dim3A_45 {add = true} : memref<10112xf32, #tpu.memory_space<vmem>>[vector<16xi32>], vector<16xf32>,
      %add3A_255 = arith.constant 4 : i32
      %add3A_256 = arith.addi %add3A_240, %add3A_255 : i32
      %le3A_257 = arith.constant 124 : i32
      %le3A_258 = arith.cmpi sle, %add3A_256, %le3A_257 : i32
      %convert_element_type3A_259 = arith.extui %le3A_258 : i1 to i32
      %cond3A_260 = arith.constant 0 : i32
      %cond3A_261 = arith.cmpi ne, %convert_element_type3A_259, %cond3A_260 : i32
      scf.if %cond3A_261 {
        %add3A_286 = arith.constant 4 : i32
        %add3A_287 = arith.addi %add3A_240, %add3A_286 : i32
        %add3A_288 = arith.constant 320000 : i32
        %add3A_289 = arith.addi %add3A_288, %mul3A_2 : i32
        %mul3A_290 = arith.constant 80 : i32
        %mul3A_291 = arith.muli %add3A_287, %mul3A_290 : i32
        %add3A_292 = arith.addi %add3A_289, %mul3A_291 : i32
        %dma_start3A_293 = tpu.memref_slice %arg2[%add3A_292] : memref<640000xi32, #tpu.memory_space<hbm>> -> memref<80xi32, #tpu.memory_space<hbm>>
        %dma_start3A_294 = tpu.memref_slice %arg2[%add3A_292] : memref<640000xi32, #tpu.memory_space<hbm>> -> memref<80xi32, #tpu.memory_space<hbm>>
        tpu.enqueue_dma source(%dma_start3A_294 : memref<80xi32, #tpu.memory_space<hbm>>) target(%arg6 : memref<80xi32, #tpu.memory_space<vmem>>) target_semaphore(%arg15 : memref<!tpu.dma_semaphore, #tpu.memory_space<semaphore_mem>>)
      } else {
      }
      %add3A_262 = arith.constant 3 : i32
      %add3A_263 = arith.addi %mul3A_195, %add3A_262 : i32
      %add3A_264 = arith.constant 320000 : i32
      %add3A_265 = arith.addi %add3A_264, %mul3A_2 : i32
      %dma_wait3A_266 = tpu.memref_slice %arg2[%add3A_265] : memref<640000xi32, #tpu.memory_space<hbm>> -> memref<80xi32, #tpu.memory_space<hbm>>
      %dma_wait3A_267 = tpu.memref_slice %arg2[%add3A_265] : memref<640000xi32, #tpu.memory_space<hbm>> -> memref<80xi32, #tpu.memory_space<hbm>>
      tpu.wait_dma2 semaphore(%arg16 : memref<!tpu.dma_semaphore, #tpu.memory_space<semaphore_mem>>) src(%dma_wait3A_267 : memref<80xi32, #tpu.memory_space<hbm>>) dst(%arg7 : memref<80xi32, #tpu.memory_space<vmem>>)
      %get3A_268 = arith.constant 0 : index
      %get3A_269 = tpu.vector_load %arg7[%get3A_268] {strides = array<i32>} : memref<80xi32, #tpu.memory_space<vmem>>, vector<16xi32>,
      tpu.vector_store_idx %arg9[%get3A_269], %broadcast_in_dim3A_45 {add = true} : memref<10112xf32, #tpu.memory_space<vmem>>[vector<16xi32>], vector<16xf32>,
      %get3A_270 = arith.constant 16 : index
      %get3A_271 = tpu.vector_load %arg7[%get3A_270] {strides = array<i32>} : memref<80xi32, #tpu.memory_space<vmem>>, vector<16xi32>,
      tpu.vector_store_idx %arg9[%get3A_271], %broadcast_in_dim3A_45 {add = true} : memref<10112xf32, #tpu.memory_space<vmem>>[vector<16xi32>], vector<16xf32>,
      %get3A_272 = arith.constant 32 : index
      %get3A_273 = tpu.vector_load %arg7[%get3A_272] {strides = array<i32>} : memref<80xi32, #tpu.memory_space<vmem>>, vector<16xi32>,
      tpu.vector_store_idx %arg9[%get3A_273], %broadcast_in_dim3A_45 {add = true} : memref<10112xf32, #tpu.memory_space<vmem>>[vector<16xi32>], vector<16xf32>,
      %get3A_274 = arith.constant 48 : index
      %get3A_275 = tpu.vector_load %arg7[%get3A_274] {strides = array<i32>} : memref<80xi32, #tpu.memory_space<vmem>>, vector<16xi32>,
      tpu.vector_store_idx %arg9[%get3A_275], %broadcast_in_dim3A_45 {add = true} : memref<10112xf32, #tpu.memory_space<vmem>>[vector<16xi32>], vector<16xf32>,
      %get3A_276 = arith.constant 64 : index
      %get3A_277 = tpu.vector_load %arg7[%get3A_276] {strides = array<i32>} : memref<80xi32, #tpu.memory_space<vmem>>, vector<16xi32>,
      tpu.vector_store_idx %arg9[%get3A_277], %broadcast_in_dim3A_45 {add = true} : memref<10112xf32, #tpu.memory_space<vmem>>[vector<16xi32>], vector<16xf32>,
      %add3A_278 = arith.constant 4 : i32
      %add3A_279 = arith.addi %add3A_263, %add3A_278 : i32
      %le3A_280 = arith.constant 124 : i32
      %le3A_281 = arith.cmpi sle, %add3A_279, %le3A_280 : i32
      %convert_element_type3A_282 = arith.extui %le3A_281 : i1 to i32
      %cond3A_283 = arith.constant 0 : i32
      %cond3A_284 = arith.cmpi ne, %convert_element_type3A_282, %cond3A_283 : i32
      scf.if %cond3A_284 {
        %add3A_286 = arith.constant 4 : i32
        %add3A_287 = arith.addi %add3A_263, %add3A_286 : i32
        %add3A_288 = arith.constant 320000 : i32
        %add3A_289 = arith.addi %add3A_288, %mul3A_2 : i32
        %mul3A_290 = arith.constant 80 : i32
        %mul3A_291 = arith.muli %add3A_287, %mul3A_290 : i32
        %add3A_292 = arith.addi %add3A_289, %mul3A_291 : i32
        %dma_start3A_293 = tpu.memref_slice %arg2[%add3A_292] : memref<640000xi32, #tpu.memory_space<hbm>> -> memref<80xi32, #tpu.memory_space<hbm>>
        %dma_start3A_294 = tpu.memref_slice %arg2[%add3A_292] : memref<640000xi32, #tpu.memory_space<hbm>> -> memref<80xi32, #tpu.memory_space<hbm>>
        tpu.enqueue_dma source(%dma_start3A_294 : memref<80xi32, #tpu.memory_space<hbm>>) target(%arg7 : memref<80xi32, #tpu.memory_space<vmem>>) target_semaphore(%arg16 : memref<!tpu.dma_semaphore, #tpu.memory_space<semaphore_mem>>)
      } else {
      }
      %scan3A_285 = arith.constant 0 : i32
      scf.yield %scan3A_285 : i32
    }
    %scan3A_52 = arith.constant 31 : i32
    %add3A_53 = arith.constant 320000 : i32
    %add3A_54 = arith.addi %add3A_53, %mul3A_2 : i32
    %dma_wait3A = tpu.memref_slice %arg2[%add3A_54] : memref<640000xi32, #tpu.memory_space<hbm>> -> memref<80xi32, #tpu.memory_space<hbm>>
    %dma_wait3A_55 = tpu.memref_slice %arg2[%add3A_54] : memref<640000xi32, #tpu.memory_space<hbm>> -> memref<80xi32, #tpu.memory_space<hbm>>
    tpu.wait_dma2 semaphore(%arg13 : memref<!tpu.dma_semaphore, #tpu.memory_space<semaphore_mem>>) src(%dma_wait3A_55 : memref<80xi32, #tpu.memory_space<hbm>>) dst(%arg4 : memref<80xi32, #tpu.memory_space<vmem>>)
    %get3A = arith.constant 0 : index
    %get3A_56 = tpu.vector_load %arg4[%get3A] {strides = array<i32>} : memref<80xi32, #tpu.memory_space<vmem>>, vector<16xi32>,
    tpu.vector_store_idx %arg9[%get3A_56], %broadcast_in_dim3A_45 {add = true} : memref<10112xf32, #tpu.memory_space<vmem>>[vector<16xi32>], vector<16xf32>,
    %get3A_57 = arith.constant 16 : index
    %get3A_58 = tpu.vector_load %arg4[%get3A_57] {strides = array<i32>} : memref<80xi32, #tpu.memory_space<vmem>>, vector<16xi32>,
    tpu.vector_store_idx %arg9[%get3A_58], %broadcast_in_dim3A_45 {add = true} : memref<10112xf32, #tpu.memory_space<vmem>>[vector<16xi32>], vector<16xf32>,
    %get3A_59 = arith.constant 32 : index
    %get3A_60 = tpu.vector_load %arg4[%get3A_59] {strides = array<i32>} : memref<80xi32, #tpu.memory_space<vmem>>, vector<16xi32>,
    tpu.vector_store_idx %arg9[%get3A_60], %broadcast_in_dim3A_45 {add = true} : memref<10112xf32, #tpu.memory_space<vmem>>[vector<16xi32>], vector<16xf32>,
    %get3A_61 = arith.constant 48 : index
    %get3A_62 = tpu.vector_load %arg4[%get3A_61] {strides = array<i32>} : memref<80xi32, #tpu.memory_space<vmem>>, vector<16xi32>,
    tpu.vector_store_idx %arg9[%get3A_62], %broadcast_in_dim3A_45 {add = true} : memref<10112xf32, #tpu.memory_space<vmem>>[vector<16xi32>], vector<16xf32>,
    %get3A_63 = arith.constant 64 : index
    %get3A_64 = tpu.vector_load %arg4[%get3A_63] {strides = array<i32>} : memref<80xi32, #tpu.memory_space<vmem>>, vector<16xi32>,
    tpu.vector_store_idx %arg9[%get3A_64], %broadcast_in_dim3A_45 {add = true} : memref<10112xf32, #tpu.memory_space<vmem>>[vector<16xi32>], vector<16xf32>,
    %mul3A_65 = arith.constant 10112 : i32
    %mul3A_66 = arith.muli %arg1, %mul3A_65 : i32
    "tpu.region"() ({
      %run_scoped3A = tpu.sem_alloc : memref<!tpu.dma_semaphore, #tpu.memory_space<semaphore_mem>>
      %dma_start3A_192 = tpu.memref_slice %arg12[%mul3A_66] : memref<161792xf32, #tpu.memory_space<vmem_shared>> -> memref<10112xf32, #tpu.memory_space<vmem_shared>>
      %dma_start3A_193 = tpu.memref_slice %arg12[%mul3A_66] : memref<161792xf32, #tpu.memory_space<vmem_shared>> -> memref<10112xf32, #tpu.memory_space<vmem_shared>>
      tpu.enqueue_dma source(%arg9 : memref<10112xf32, #tpu.memory_space<vmem>>) target(%dma_start3A_193 : memref<10112xf32, #tpu.memory_space<vmem_shared>>) target_semaphore(%run_scoped3A : memref<!tpu.dma_semaphore, #tpu.memory_space<semaphore_mem>>)
      %dma_wait3A_194 = tpu.memref_slice %arg12[%mul3A_66] : memref<161792xf32, #tpu.memory_space<vmem_shared>> -> memref<10112xf32, #tpu.memory_space<vmem_shared>>
      %dma_wait3A_195 = tpu.memref_slice %arg12[%mul3A_66] : memref<161792xf32, #tpu.memory_space<vmem_shared>> -> memref<10112xf32, #tpu.memory_space<vmem_shared>>
      tpu.wait_dma2 semaphore(%run_scoped3A : memref<!tpu.dma_semaphore, #tpu.memory_space<semaphore_mem>>) src(%arg9 : memref<10112xf32, #tpu.memory_space<vmem>>) dst(%dma_wait3A_195 : memref<10112xf32, #tpu.memory_space<vmem_shared>>)
      tpu.yield
    }) : () -> ()
    %barrier3A = arith.constant 0 : index
    tpu.barrier barrier_id(%barrier3A)
    %mul3A_67 = arith.constant 632 : i32
    %mul3A_68 = arith.muli %arg1, %mul3A_67 : i32
    %add3A_69 = arith.constant 0 : i32
    %add3A_70 = arith.addi %add3A_69, %mul3A_68 : i32
    "tpu.region"() ({
      %run_scoped3A = tpu.sem_alloc : memref<!tpu.dma_semaphore, #tpu.memory_space<semaphore_mem>>
      %dma_start3A_192 = arith.constant 0 : i32
      %dma_start3A_193 = tpu.memref_slice %arg10[%dma_start3A_192] : memref<10112xf32, #tpu.memory_space<vmem>> -> memref<632xf32, #tpu.memory_space<vmem>>
      %dma_start3A_194 = tpu.memref_slice %arg12[%add3A_70] : memref<161792xf32, #tpu.memory_space<vmem_shared>> -> memref<632xf32, #tpu.memory_space<vmem_shared>>
      %dma_start3A_195 = arith.constant 0 : i32
      %dma_start3A_196 = tpu.memref_slice %arg10[%dma_start3A_195] : memref<10112xf32, #tpu.memory_space<vmem>> -> memref<632xf32, #tpu.memory_space<vmem>>
      %dma_start3A_197 = tpu.memref_slice %arg12[%add3A_70] : memref<161792xf32, #tpu.memory_space<vmem_shared>> -> memref<632xf32, #tpu.memory_space<vmem_shared>>
      tpu.enqueue_dma source(%dma_start3A_197 : memref<632xf32, #tpu.memory_space<vmem_shared>>) target(%dma_start3A_196 : memref<632xf32, #tpu.memory_space<vmem>>) target_semaphore(%run_scoped3A : memref<!tpu.dma_semaphore, #tpu.memory_space<semaphore_mem>>)
      %dma_wait3A_198 = arith.constant 0 : i32
      %dma_wait3A_199 = tpu.memref_slice %arg10[%dma_wait3A_198] : memref<10112xf32, #tpu.memory_space<vmem>> -> memref<632xf32, #tpu.memory_space<vmem>>
      %dma_wait3A_200 = tpu.memref_slice %arg12[%add3A_70] : memref<161792xf32, #tpu.memory_space<vmem_shared>> -> memref<632xf32, #tpu.memory_space<vmem_shared>>
      %dma_wait3A_201 = arith.constant 0 : i32
      %dma_wait3A_202 = tpu.memref_slice %arg10[%dma_wait3A_201] : memref<10112xf32, #tpu.memory_space<vmem>> -> memref<632xf32, #tpu.memory_space<vmem>>
      %dma_wait3A_203 = tpu.memref_slice %arg12[%add3A_70] : memref<161792xf32, #tpu.memory_space<vmem_shared>> -> memref<632xf32, #tpu.memory_space<vmem_shared>>
      tpu.wait_dma2 semaphore(%run_scoped3A : memref<!tpu.dma_semaphore, #tpu.memory_space<semaphore_mem>>) src(%dma_wait3A_203 : memref<632xf32, #tpu.memory_space<vmem_shared>>) dst(%dma_wait3A_202 : memref<632xf32, #tpu.memory_space<vmem>>)
      tpu.yield
    }) : () -> ()
    %mul3A_71 = arith.constant 632 : i32
    %mul3A_72 = arith.muli %arg1, %mul3A_71 : i32
    %add3A_73 = arith.constant 10112 : i32
    %add3A_74 = arith.addi %add3A_73, %mul3A_72 : i32
    "tpu.region"() ({
      %run_scoped3A = tpu.sem_alloc : memref<!tpu.dma_semaphore, #tpu.memory_space<semaphore_mem>>
      %dma_start3A_192 = arith.constant 632 : i32
      %dma_start3A_193 = tpu.memref_slice %arg10[%dma_start3A_192] : memref<10112xf32, #tpu.memory_space<vmem>> -> memref<632xf32, #tpu.memory_space<vmem>>
      %dma_start3A_194 = tpu.memref_slice %arg12[%add3A_74] : memref<161792xf32, #tpu.memory_space<vmem_shared>> -> memref<632xf32, #tpu.memory_space<vmem_shared>>
      %dma_start3A_195 = arith.constant 632 : i32
      %dma_start3A_196 = tpu.memref_slice %arg10[%dma_start3A_195] : memref<10112xf32, #tpu.memory_space<vmem>> -> memref<632xf32, #tpu.memory_space<vmem>>
      %dma_start3A_197 = tpu.memref_slice %arg12[%add3A_74] : memref<161792xf32, #tpu.memory_space<vmem_shared>> -> memref<632xf32, #tpu.memory_space<vmem_shared>>
      tpu.enqueue_dma source(%dma_start3A_197 : memref<632xf32, #tpu.memory_space<vmem_shared>>) target(%dma_start3A_196 : memref<632xf32, #tpu.memory_space<vmem>>) target_semaphore(%run_scoped3A : memref<!tpu.dma_semaphore, #tpu.memory_space<semaphore_mem>>)
      %dma_wait3A_198 = arith.constant 632 : i32
      %dma_wait3A_199 = tpu.memref_slice %arg10[%dma_wait3A_198] : memref<10112xf32, #tpu.memory_space<vmem>> -> memref<632xf32, #tpu.memory_space<vmem>>
      %dma_wait3A_200 = tpu.memref_slice %arg12[%add3A_74] : memref<161792xf32, #tpu.memory_space<vmem_shared>> -> memref<632xf32, #tpu.memory_space<vmem_shared>>
      %dma_wait3A_201 = arith.constant 632 : i32
      %dma_wait3A_202 = tpu.memref_slice %arg10[%dma_wait3A_201] : memref<10112xf32, #tpu.memory_space<vmem>> -> memref<632xf32, #tpu.memory_space<vmem>>
      %dma_wait3A_203 = tpu.memref_slice %arg12[%add3A_74] : memref<161792xf32, #tpu.memory_space<vmem_shared>> -> memref<632xf32, #tpu.memory_space<vmem_shared>>
      tpu.wait_dma2 semaphore(%run_scoped3A : memref<!tpu.dma_semaphore, #tpu.memory_space<semaphore_mem>>) src(%dma_wait3A_203 : memref<632xf32, #tpu.memory_space<vmem_shared>>) dst(%dma_wait3A_202 : memref<632xf32, #tpu.memory_space<vmem>>)
      tpu.yield
    }) : () -> ()
    %mul3A_75 = arith.constant 632 : i32
    %mul3A_76 = arith.muli %arg1, %mul3A_75 : i32
    %add3A_77 = arith.constant 20224 : i32
    %add3A_78 = arith.addi %add3A_77, %mul3A_76 : i32
    "tpu.region"() ({
      %run_scoped3A = tpu.sem_alloc : memref<!tpu.dma_semaphore, #tpu.memory_space<semaphore_mem>>
      %dma_start3A_192 = arith.constant 1264 : i32
      %dma_start3A_193 = tpu.memref_slice %arg10[%dma_start3A_192] : memref<10112xf32, #tpu.memory_space<vmem>> -> memref<632xf32, #tpu.memory_space<vmem>>
      %dma_start3A_194 = tpu.memref_slice %arg12[%add3A_78] : memref<161792xf32, #tpu.memory_space<vmem_shared>> -> memref<632xf32, #tpu.memory_space<vmem_shared>>
      %dma_start3A_195 = arith.constant 1264 : i32
      %dma_start3A_196 = tpu.memref_slice %arg10[%dma_start3A_195] : memref<10112xf32, #tpu.memory_space<vmem>> -> memref<632xf32, #tpu.memory_space<vmem>>
      %dma_start3A_197 = tpu.memref_slice %arg12[%add3A_78] : memref<161792xf32, #tpu.memory_space<vmem_shared>> -> memref<632xf32, #tpu.memory_space<vmem_shared>>
      tpu.enqueue_dma source(%dma_start3A_197 : memref<632xf32, #tpu.memory_space<vmem_shared>>) target(%dma_start3A_196 : memref<632xf32, #tpu.memory_space<vmem>>) target_semaphore(%run_scoped3A : memref<!tpu.dma_semaphore, #tpu.memory_space<semaphore_mem>>)
      %dma_wait3A_198 = arith.constant 1264 : i32
      %dma_wait3A_199 = tpu.memref_slice %arg10[%dma_wait3A_198] : memref<10112xf32, #tpu.memory_space<vmem>> -> memref<632xf32, #tpu.memory_space<vmem>>
      %dma_wait3A_200 = tpu.memref_slice %arg12[%add3A_78] : memref<161792xf32, #tpu.memory_space<vmem_shared>> -> memref<632xf32, #tpu.memory_space<vmem_shared>>
      %dma_wait3A_201 = arith.constant 1264 : i32
      %dma_wait3A_202 = tpu.memref_slice %arg10[%dma_wait3A_201] : memref<10112xf32, #tpu.memory_space<vmem>> -> memref<632xf32, #tpu.memory_space<vmem>>
      %dma_wait3A_203 = tpu.memref_slice %arg12[%add3A_78] : memref<161792xf32, #tpu.memory_space<vmem_shared>> -> memref<632xf32, #tpu.memory_space<vmem_shared>>
      tpu.wait_dma2 semaphore(%run_scoped3A : memref<!tpu.dma_semaphore, #tpu.memory_space<semaphore_mem>>) src(%dma_wait3A_203 : memref<632xf32, #tpu.memory_space<vmem_shared>>) dst(%dma_wait3A_202 : memref<632xf32, #tpu.memory_space<vmem>>)
      tpu.yield
    }) : () -> ()
    %mul3A_79 = arith.constant 632 : i32
    %mul3A_80 = arith.muli %arg1, %mul3A_79 : i32
    %add3A_81 = arith.constant 30336 : i32
    %add3A_82 = arith.addi %add3A_81, %mul3A_80 : i32
    "tpu.region"() ({
      %run_scoped3A = tpu.sem_alloc : memref<!tpu.dma_semaphore, #tpu.memory_space<semaphore_mem>>
      %dma_start3A_192 = arith.constant 1896 : i32
      %dma_start3A_193 = tpu.memref_slice %arg10[%dma_start3A_192] : memref<10112xf32, #tpu.memory_space<vmem>> -> memref<632xf32, #tpu.memory_space<vmem>>
      %dma_start3A_194 = tpu.memref_slice %arg12[%add3A_82] : memref<161792xf32, #tpu.memory_space<vmem_shared>> -> memref<632xf32, #tpu.memory_space<vmem_shared>>
      %dma_start3A_195 = arith.constant 1896 : i32
      %dma_start3A_196 = tpu.memref_slice %arg10[%dma_start3A_195] : memref<10112xf32, #tpu.memory_space<vmem>> -> memref<632xf32, #tpu.memory_space<vmem>>
      %dma_start3A_197 = tpu.memref_slice %arg12[%add3A_82] : memref<161792xf32, #tpu.memory_space<vmem_shared>> -> memref<632xf32, #tpu.memory_space<vmem_shared>>
      tpu.enqueue_dma source(%dma_start3A_197 : memref<632xf32, #tpu.memory_space<vmem_shared>>) target(%dma_start3A_196 : memref<632xf32, #tpu.memory_space<vmem>>) target_semaphore(%run_scoped3A : memref<!tpu.dma_semaphore, #tpu.memory_space<semaphore_mem>>)
      %dma_wait3A_198 = arith.constant 1896 : i32
      %dma_wait3A_199 = tpu.memref_slice %arg10[%dma_wait3A_198] : memref<10112xf32, #tpu.memory_space<vmem>> -> memref<632xf32, #tpu.memory_space<vmem>>
      %dma_wait3A_200 = tpu.memref_slice %arg12[%add3A_82] : memref<161792xf32, #tpu.memory_space<vmem_shared>> -> memref<632xf32, #tpu.memory_space<vmem_shared>>
      %dma_wait3A_201 = arith.constant 1896 : i32
      %dma_wait3A_202 = tpu.memref_slice %arg10[%dma_wait3A_201] : memref<10112xf32, #tpu.memory_space<vmem>> -> memref<632xf32, #tpu.memory_space<vmem>>
      %dma_wait3A_203 = tpu.memref_slice %arg12[%add3A_82] : memref<161792xf32, #tpu.memory_space<vmem_shared>> -> memref<632xf32, #tpu.memory_space<vmem_shared>>
      tpu.wait_dma2 semaphore(%run_scoped3A : memref<!tpu.dma_semaphore, #tpu.memory_space<semaphore_mem>>) src(%dma_wait3A_203 : memref<632xf32, #tpu.memory_space<vmem_shared>>) dst(%dma_wait3A_202 : memref<632xf32, #tpu.memory_space<vmem>>)
      tpu.yield
    }) : () -> ()
    %mul3A_83 = arith.constant 632 : i32
    %mul3A_84 = arith.muli %arg1, %mul3A_83 : i32
    %add3A_85 = arith.constant 40448 : i32
    %add3A_86 = arith.addi %add3A_85, %mul3A_84 : i32
    "tpu.region"() ({
      %run_scoped3A = tpu.sem_alloc : memref<!tpu.dma_semaphore, #tpu.memory_space<semaphore_mem>>
      %dma_start3A_192 = arith.constant 2528 : i32
      %dma_start3A_193 = tpu.memref_slice %arg10[%dma_start3A_192] : memref<10112xf32, #tpu.memory_space<vmem>> -> memref<632xf32, #tpu.memory_space<vmem>>
      %dma_start3A_194 = tpu.memref_slice %arg12[%add3A_86] : memref<161792xf32, #tpu.memory_space<vmem_shared>> -> memref<632xf32, #tpu.memory_space<vmem_shared>>
      %dma_start3A_195 = arith.constant 2528 : i32
      %dma_start3A_196 = tpu.memref_slice %arg10[%dma_start3A_195] : memref<10112xf32, #tpu.memory_space<vmem>> -> memref<632xf32, #tpu.memory_space<vmem>>
      %dma_start3A_197 = tpu.memref_slice %arg12[%add3A_86] : memref<161792xf32, #tpu.memory_space<vmem_shared>> -> memref<632xf32, #tpu.memory_space<vmem_shared>>
      tpu.enqueue_dma source(%dma_start3A_197 : memref<632xf32, #tpu.memory_space<vmem_shared>>) target(%dma_start3A_196 : memref<632xf32, #tpu.memory_space<vmem>>) target_semaphore(%run_scoped3A : memref<!tpu.dma_semaphore, #tpu.memory_space<semaphore_mem>>)
      %dma_wait3A_198 = arith.constant 2528 : i32
      %dma_wait3A_199 = tpu.memref_slice %arg10[%dma_wait3A_198] : memref<10112xf32, #tpu.memory_space<vmem>> -> memref<632xf32, #tpu.memory_space<vmem>>
      %dma_wait3A_200 = tpu.memref_slice %arg12[%add3A_86] : memref<161792xf32, #tpu.memory_space<vmem_shared>> -> memref<632xf32, #tpu.memory_space<vmem_shared>>
      %dma_wait3A_201 = arith.constant 2528 : i32
      %dma_wait3A_202 = tpu.memref_slice %arg10[%dma_wait3A_201] : memref<10112xf32, #tpu.memory_space<vmem>> -> memref<632xf32, #tpu.memory_space<vmem>>
      %dma_wait3A_203 = tpu.memref_slice %arg12[%add3A_86] : memref<161792xf32, #tpu.memory_space<vmem_shared>> -> memref<632xf32, #tpu.memory_space<vmem_shared>>
      tpu.wait_dma2 semaphore(%run_scoped3A : memref<!tpu.dma_semaphore, #tpu.memory_space<semaphore_mem>>) src(%dma_wait3A_203 : memref<632xf32, #tpu.memory_space<vmem_shared>>) dst(%dma_wait3A_202 : memref<632xf32, #tpu.memory_space<vmem>>)
      tpu.yield
    }) : () -> ()
    %mul3A_87 = arith.constant 632 : i32
    %mul3A_88 = arith.muli %arg1, %mul3A_87 : i32
    %add3A_89 = arith.constant 50560 : i32
    %add3A_90 = arith.addi %add3A_89, %mul3A_88 : i32
    "tpu.region"() ({
      %run_scoped3A = tpu.sem_alloc : memref<!tpu.dma_semaphore, #tpu.memory_space<semaphore_mem>>
      %dma_start3A_192 = arith.constant 3160 : i32
      %dma_start3A_193 = tpu.memref_slice %arg10[%dma_start3A_192] : memref<10112xf32, #tpu.memory_space<vmem>> -> memref<632xf32, #tpu.memory_space<vmem>>
      %dma_start3A_194 = tpu.memref_slice %arg12[%add3A_90] : memref<161792xf32, #tpu.memory_space<vmem_shared>> -> memref<632xf32, #tpu.memory_space<vmem_shared>>
      %dma_start3A_195 = arith.constant 3160 : i32
      %dma_start3A_196 = tpu.memref_slice %arg10[%dma_start3A_195] : memref<10112xf32, #tpu.memory_space<vmem>> -> memref<632xf32, #tpu.memory_space<vmem>>
      %dma_start3A_197 = tpu.memref_slice %arg12[%add3A_90] : memref<161792xf32, #tpu.memory_space<vmem_shared>> -> memref<632xf32, #tpu.memory_space<vmem_shared>>
      tpu.enqueue_dma source(%dma_start3A_197 : memref<632xf32, #tpu.memory_space<vmem_shared>>) target(%dma_start3A_196 : memref<632xf32, #tpu.memory_space<vmem>>) target_semaphore(%run_scoped3A : memref<!tpu.dma_semaphore, #tpu.memory_space<semaphore_mem>>)
      %dma_wait3A_198 = arith.constant 3160 : i32
      %dma_wait3A_199 = tpu.memref_slice %arg10[%dma_wait3A_198] : memref<10112xf32, #tpu.memory_space<vmem>> -> memref<632xf32, #tpu.memory_space<vmem>>
      %dma_wait3A_200 = tpu.memref_slice %arg12[%add3A_90] : memref<161792xf32, #tpu.memory_space<vmem_shared>> -> memref<632xf32, #tpu.memory_space<vmem_shared>>
      %dma_wait3A_201 = arith.constant 3160 : i32
      %dma_wait3A_202 = tpu.memref_slice %arg10[%dma_wait3A_201] : memref<10112xf32, #tpu.memory_space<vmem>> -> memref<632xf32, #tpu.memory_space<vmem>>
      %dma_wait3A_203 = tpu.memref_slice %arg12[%add3A_90] : memref<161792xf32, #tpu.memory_space<vmem_shared>> -> memref<632xf32, #tpu.memory_space<vmem_shared>>
      tpu.wait_dma2 semaphore(%run_scoped3A : memref<!tpu.dma_semaphore, #tpu.memory_space<semaphore_mem>>) src(%dma_wait3A_203 : memref<632xf32, #tpu.memory_space<vmem_shared>>) dst(%dma_wait3A_202 : memref<632xf32, #tpu.memory_space<vmem>>)
      tpu.yield
    }) : () -> ()
    %mul3A_91 = arith.constant 632 : i32
    %mul3A_92 = arith.muli %arg1, %mul3A_91 : i32
    %add3A_93 = arith.constant 60672 : i32
    %add3A_94 = arith.addi %add3A_93, %mul3A_92 : i32
    "tpu.region"() ({
      %run_scoped3A = tpu.sem_alloc : memref<!tpu.dma_semaphore, #tpu.memory_space<semaphore_mem>>
      %dma_start3A_192 = arith.constant 3792 : i32
      %dma_start3A_193 = tpu.memref_slice %arg10[%dma_start3A_192] : memref<10112xf32, #tpu.memory_space<vmem>> -> memref<632xf32, #tpu.memory_space<vmem>>
      %dma_start3A_194 = tpu.memref_slice %arg12[%add3A_94] : memref<161792xf32, #tpu.memory_space<vmem_shared>> -> memref<632xf32, #tpu.memory_space<vmem_shared>>
      %dma_start3A_195 = arith.constant 3792 : i32
      %dma_start3A_196 = tpu.memref_slice %arg10[%dma_start3A_195] : memref<10112xf32, #tpu.memory_space<vmem>> -> memref<632xf32, #tpu.memory_space<vmem>>
      %dma_start3A_197 = tpu.memref_slice %arg12[%add3A_94] : memref<161792xf32, #tpu.memory_space<vmem_shared>> -> memref<632xf32, #tpu.memory_space<vmem_shared>>
      tpu.enqueue_dma source(%dma_start3A_197 : memref<632xf32, #tpu.memory_space<vmem_shared>>) target(%dma_start3A_196 : memref<632xf32, #tpu.memory_space<vmem>>) target_semaphore(%run_scoped3A : memref<!tpu.dma_semaphore, #tpu.memory_space<semaphore_mem>>)
      %dma_wait3A_198 = arith.constant 3792 : i32
      %dma_wait3A_199 = tpu.memref_slice %arg10[%dma_wait3A_198] : memref<10112xf32, #tpu.memory_space<vmem>> -> memref<632xf32, #tpu.memory_space<vmem>>
      %dma_wait3A_200 = tpu.memref_slice %arg12[%add3A_94] : memref<161792xf32, #tpu.memory_space<vmem_shared>> -> memref<632xf32, #tpu.memory_space<vmem_shared>>
      %dma_wait3A_201 = arith.constant 3792 : i32
      %dma_wait3A_202 = tpu.memref_slice %arg10[%dma_wait3A_201] : memref<10112xf32, #tpu.memory_space<vmem>> -> memref<632xf32, #tpu.memory_space<vmem>>
      %dma_wait3A_203 = tpu.memref_slice %arg12[%add3A_94] : memref<161792xf32, #tpu.memory_space<vmem_shared>> -> memref<632xf32, #tpu.memory_space<vmem_shared>>
      tpu.wait_dma2 semaphore(%run_scoped3A : memref<!tpu.dma_semaphore, #tpu.memory_space<semaphore_mem>>) src(%dma_wait3A_203 : memref<632xf32, #tpu.memory_space<vmem_shared>>) dst(%dma_wait3A_202 : memref<632xf32, #tpu.memory_space<vmem>>)
      tpu.yield
    }) : () -> ()
    %mul3A_95 = arith.constant 632 : i32
    %mul3A_96 = arith.muli %arg1, %mul3A_95 : i32
    %add3A_97 = arith.constant 70784 : i32
    %add3A_98 = arith.addi %add3A_97, %mul3A_96 : i32
    "tpu.region"() ({
      %run_scoped3A = tpu.sem_alloc : memref<!tpu.dma_semaphore, #tpu.memory_space<semaphore_mem>>
      %dma_start3A_192 = arith.constant 4424 : i32
      %dma_start3A_193 = tpu.memref_slice %arg10[%dma_start3A_192] : memref<10112xf32, #tpu.memory_space<vmem>> -> memref<632xf32, #tpu.memory_space<vmem>>
      %dma_start3A_194 = tpu.memref_slice %arg12[%add3A_98] : memref<161792xf32, #tpu.memory_space<vmem_shared>> -> memref<632xf32, #tpu.memory_space<vmem_shared>>
      %dma_start3A_195 = arith.constant 4424 : i32
      %dma_start3A_196 = tpu.memref_slice %arg10[%dma_start3A_195] : memref<10112xf32, #tpu.memory_space<vmem>> -> memref<632xf32, #tpu.memory_space<vmem>>
      %dma_start3A_197 = tpu.memref_slice %arg12[%add3A_98] : memref<161792xf32, #tpu.memory_space<vmem_shared>> -> memref<632xf32, #tpu.memory_space<vmem_shared>>
      tpu.enqueue_dma source(%dma_start3A_197 : memref<632xf32, #tpu.memory_space<vmem_shared>>) target(%dma_start3A_196 : memref<632xf32, #tpu.memory_space<vmem>>) target_semaphore(%run_scoped3A : memref<!tpu.dma_semaphore, #tpu.memory_space<semaphore_mem>>)
      %dma_wait3A_198 = arith.constant 4424 : i32
      %dma_wait3A_199 = tpu.memref_slice %arg10[%dma_wait3A_198] : memref<10112xf32, #tpu.memory_space<vmem>> -> memref<632xf32, #tpu.memory_space<vmem>>
      %dma_wait3A_200 = tpu.memref_slice %arg12[%add3A_98] : memref<161792xf32, #tpu.memory_space<vmem_shared>> -> memref<632xf32, #tpu.memory_space<vmem_shared>>
      %dma_wait3A_201 = arith.constant 4424 : i32
      %dma_wait3A_202 = tpu.memref_slice %arg10[%dma_wait3A_201] : memref<10112xf32, #tpu.memory_space<vmem>> -> memref<632xf32, #tpu.memory_space<vmem>>
      %dma_wait3A_203 = tpu.memref_slice %arg12[%add3A_98] : memref<161792xf32, #tpu.memory_space<vmem_shared>> -> memref<632xf32, #tpu.memory_space<vmem_shared>>
      tpu.wait_dma2 semaphore(%run_scoped3A : memref<!tpu.dma_semaphore, #tpu.memory_space<semaphore_mem>>) src(%dma_wait3A_203 : memref<632xf32, #tpu.memory_space<vmem_shared>>) dst(%dma_wait3A_202 : memref<632xf32, #tpu.memory_space<vmem>>)
      tpu.yield
    }) : () -> ()
    %mul3A_99 = arith.constant 632 : i32
    %mul3A_100 = arith.muli %arg1, %mul3A_99 : i32
    %add3A_101 = arith.constant 80896 : i32
    %add3A_102 = arith.addi %add3A_101, %mul3A_100 : i32
    "tpu.region"() ({
      %run_scoped3A = tpu.sem_alloc : memref<!tpu.dma_semaphore, #tpu.memory_space<semaphore_mem>>
      %dma_start3A_192 = arith.constant 5056 : i32
      %dma_start3A_193 = tpu.memref_slice %arg10[%dma_start3A_192] : memref<10112xf32, #tpu.memory_space<vmem>> -> memref<632xf32, #tpu.memory_space<vmem>>
      %dma_start3A_194 = tpu.memref_slice %arg12[%add3A_102] : memref<161792xf32, #tpu.memory_space<vmem_shared>> -> memref<632xf32, #tpu.memory_space<vmem_shared>>
      %dma_start3A_195 = arith.constant 5056 : i32
      %dma_start3A_196 = tpu.memref_slice %arg10[%dma_start3A_195] : memref<10112xf32, #tpu.memory_space<vmem>> -> memref<632xf32, #tpu.memory_space<vmem>>
      %dma_start3A_197 = tpu.memref_slice %arg12[%add3A_102] : memref<161792xf32, #tpu.memory_space<vmem_shared>> -> memref<632xf32, #tpu.memory_space<vmem_shared>>
      tpu.enqueue_dma source(%dma_start3A_197 : memref<632xf32, #tpu.memory_space<vmem_shared>>) target(%dma_start3A_196 : memref<632xf32, #tpu.memory_space<vmem>>) target_semaphore(%run_scoped3A : memref<!tpu.dma_semaphore, #tpu.memory_space<semaphore_mem>>)
      %dma_wait3A_198 = arith.constant 5056 : i32
      %dma_wait3A_199 = tpu.memref_slice %arg10[%dma_wait3A_198] : memref<10112xf32, #tpu.memory_space<vmem>> -> memref<632xf32, #tpu.memory_space<vmem>>
      %dma_wait3A_200 = tpu.memref_slice %arg12[%add3A_102] : memref<161792xf32, #tpu.memory_space<vmem_shared>> -> memref<632xf32, #tpu.memory_space<vmem_shared>>
      %dma_wait3A_201 = arith.constant 5056 : i32
      %dma_wait3A_202 = tpu.memref_slice %arg10[%dma_wait3A_201] : memref<10112xf32, #tpu.memory_space<vmem>> -> memref<632xf32, #tpu.memory_space<vmem>>
      %dma_wait3A_203 = tpu.memref_slice %arg12[%add3A_102] : memref<161792xf32, #tpu.memory_space<vmem_shared>> -> memref<632xf32, #tpu.memory_space<vmem_shared>>
      tpu.wait_dma2 semaphore(%run_scoped3A : memref<!tpu.dma_semaphore, #tpu.memory_space<semaphore_mem>>) src(%dma_wait3A_203 : memref<632xf32, #tpu.memory_space<vmem_shared>>) dst(%dma_wait3A_202 : memref<632xf32, #tpu.memory_space<vmem>>)
      tpu.yield
    }) : () -> ()
    %mul3A_103 = arith.constant 632 : i32
    %mul3A_104 = arith.muli %arg1, %mul3A_103 : i32
    %add3A_105 = arith.constant 91008 : i32
    %add3A_106 = arith.addi %add3A_105, %mul3A_104 : i32
    "tpu.region"() ({
      %run_scoped3A = tpu.sem_alloc : memref<!tpu.dma_semaphore, #tpu.memory_space<semaphore_mem>>
      %dma_start3A_192 = arith.constant 5688 : i32
      %dma_start3A_193 = tpu.memref_slice %arg10[%dma_start3A_192] : memref<10112xf32, #tpu.memory_space<vmem>> -> memref<632xf32, #tpu.memory_space<vmem>>
      %dma_start3A_194 = tpu.memref_slice %arg12[%add3A_106] : memref<161792xf32, #tpu.memory_space<vmem_shared>> -> memref<632xf32, #tpu.memory_space<vmem_shared>>
      %dma_start3A_195 = arith.constant 5688 : i32
      %dma_start3A_196 = tpu.memref_slice %arg10[%dma_start3A_195] : memref<10112xf32, #tpu.memory_space<vmem>> -> memref<632xf32, #tpu.memory_space<vmem>>
      %dma_start3A_197 = tpu.memref_slice %arg12[%add3A_106] : memref<161792xf32, #tpu.memory_space<vmem_shared>> -> memref<632xf32, #tpu.memory_space<vmem_shared>>
      tpu.enqueue_dma source(%dma_start3A_197 : memref<632xf32, #tpu.memory_space<vmem_shared>>) target(%dma_start3A_196 : memref<632xf32, #tpu.memory_space<vmem>>) target_semaphore(%run_scoped3A : memref<!tpu.dma_semaphore, #tpu.memory_space<semaphore_mem>>)
      %dma_wait3A_198 = arith.constant 5688 : i32
      %dma_wait3A_199 = tpu.memref_slice %arg10[%dma_wait3A_198] : memref<10112xf32, #tpu.memory_space<vmem>> -> memref<632xf32, #tpu.memory_space<vmem>>
      %dma_wait3A_200 = tpu.memref_slice %arg12[%add3A_106] : memref<161792xf32, #tpu.memory_space<vmem_shared>> -> memref<632xf32, #tpu.memory_space<vmem_shared>>
      %dma_wait3A_201 = arith.constant 5688 : i32
      %dma_wait3A_202 = tpu.memref_slice %arg10[%dma_wait3A_201] : memref<10112xf32, #tpu.memory_space<vmem>> -> memref<632xf32, #tpu.memory_space<vmem>>
      %dma_wait3A_203 = tpu.memref_slice %arg12[%add3A_106] : memref<161792xf32, #tpu.memory_space<vmem_shared>> -> memref<632xf32, #tpu.memory_space<vmem_shared>>
      tpu.wait_dma2 semaphore(%run_scoped3A : memref<!tpu.dma_semaphore, #tpu.memory_space<semaphore_mem>>) src(%dma_wait3A_203 : memref<632xf32, #tpu.memory_space<vmem_shared>>) dst(%dma_wait3A_202 : memref<632xf32, #tpu.memory_space<vmem>>)
      tpu.yield
    }) : () -> ()
    %mul3A_107 = arith.constant 632 : i32
    %mul3A_108 = arith.muli %arg1, %mul3A_107 : i32
    %add3A_109 = arith.constant 101120 : i32
    %add3A_110 = arith.addi %add3A_109, %mul3A_108 : i32
    "tpu.region"() ({
      %run_scoped3A = tpu.sem_alloc : memref<!tpu.dma_semaphore, #tpu.memory_space<semaphore_mem>>
      %dma_start3A_192 = arith.constant 6320 : i32
      %dma_start3A_193 = tpu.memref_slice %arg10[%dma_start3A_192] : memref<10112xf32, #tpu.memory_space<vmem>> -> memref<632xf32, #tpu.memory_space<vmem>>
      %dma_start3A_194 = tpu.memref_slice %arg12[%add3A_110] : memref<161792xf32, #tpu.memory_space<vmem_shared>> -> memref<632xf32, #tpu.memory_space<vmem_shared>>
      %dma_start3A_195 = arith.constant 6320 : i32
      %dma_start3A_196 = tpu.memref_slice %arg10[%dma_start3A_195] : memref<10112xf32, #tpu.memory_space<vmem>> -> memref<632xf32, #tpu.memory_space<vmem>>
      %dma_start3A_197 = tpu.memref_slice %arg12[%add3A_110] : memref<161792xf32, #tpu.memory_space<vmem_shared>> -> memref<632xf32, #tpu.memory_space<vmem_shared>>
      tpu.enqueue_dma source(%dma_start3A_197 : memref<632xf32, #tpu.memory_space<vmem_shared>>) target(%dma_start3A_196 : memref<632xf32, #tpu.memory_space<vmem>>) target_semaphore(%run_scoped3A : memref<!tpu.dma_semaphore, #tpu.memory_space<semaphore_mem>>)
      %dma_wait3A_198 = arith.constant 6320 : i32
      %dma_wait3A_199 = tpu.memref_slice %arg10[%dma_wait3A_198] : memref<10112xf32, #tpu.memory_space<vmem>> -> memref<632xf32, #tpu.memory_space<vmem>>
      %dma_wait3A_200 = tpu.memref_slice %arg12[%add3A_110] : memref<161792xf32, #tpu.memory_space<vmem_shared>> -> memref<632xf32, #tpu.memory_space<vmem_shared>>
      %dma_wait3A_201 = arith.constant 6320 : i32
      %dma_wait3A_202 = tpu.memref_slice %arg10[%dma_wait3A_201] : memref<10112xf32, #tpu.memory_space<vmem>> -> memref<632xf32, #tpu.memory_space<vmem>>
      %dma_wait3A_203 = tpu.memref_slice %arg12[%add3A_110] : memref<161792xf32, #tpu.memory_space<vmem_shared>> -> memref<632xf32, #tpu.memory_space<vmem_shared>>
      tpu.wait_dma2 semaphore(%run_scoped3A : memref<!tpu.dma_semaphore, #tpu.memory_space<semaphore_mem>>) src(%dma_wait3A_203 : memref<632xf32, #tpu.memory_space<vmem_shared>>) dst(%dma_wait3A_202 : memref<632xf32, #tpu.memory_space<vmem>>)
      tpu.yield
    }) : () -> ()
    %mul3A_111 = arith.constant 632 : i32
    %mul3A_112 = arith.muli %arg1, %mul3A_111 : i32
    %add3A_113 = arith.constant 111232 : i32
    %add3A_114 = arith.addi %add3A_113, %mul3A_112 : i32
    "tpu.region"() ({
      %run_scoped3A = tpu.sem_alloc : memref<!tpu.dma_semaphore, #tpu.memory_space<semaphore_mem>>
      %dma_start3A_192 = arith.constant 6952 : i32
      %dma_start3A_193 = tpu.memref_slice %arg10[%dma_start3A_192] : memref<10112xf32, #tpu.memory_space<vmem>> -> memref<632xf32, #tpu.memory_space<vmem>>
      %dma_start3A_194 = tpu.memref_slice %arg12[%add3A_114] : memref<161792xf32, #tpu.memory_space<vmem_shared>> -> memref<632xf32, #tpu.memory_space<vmem_shared>>
      %dma_start3A_195 = arith.constant 6952 : i32
      %dma_start3A_196 = tpu.memref_slice %arg10[%dma_start3A_195] : memref<10112xf32, #tpu.memory_space<vmem>> -> memref<632xf32, #tpu.memory_space<vmem>>
      %dma_start3A_197 = tpu.memref_slice %arg12[%add3A_114] : memref<161792xf32, #tpu.memory_space<vmem_shared>> -> memref<632xf32, #tpu.memory_space<vmem_shared>>
      tpu.enqueue_dma source(%dma_start3A_197 : memref<632xf32, #tpu.memory_space<vmem_shared>>) target(%dma_start3A_196 : memref<632xf32, #tpu.memory_space<vmem>>) target_semaphore(%run_scoped3A : memref<!tpu.dma_semaphore, #tpu.memory_space<semaphore_mem>>)
      %dma_wait3A_198 = arith.constant 6952 : i32
      %dma_wait3A_199 = tpu.memref_slice %arg10[%dma_wait3A_198] : memref<10112xf32, #tpu.memory_space<vmem>> -> memref<632xf32, #tpu.memory_space<vmem>>
      %dma_wait3A_200 = tpu.memref_slice %arg12[%add3A_114] : memref<161792xf32, #tpu.memory_space<vmem_shared>> -> memref<632xf32, #tpu.memory_space<vmem_shared>>
      %dma_wait3A_201 = arith.constant 6952 : i32
      %dma_wait3A_202 = tpu.memref_slice %arg10[%dma_wait3A_201] : memref<10112xf32, #tpu.memory_space<vmem>> -> memref<632xf32, #tpu.memory_space<vmem>>
      %dma_wait3A_203 = tpu.memref_slice %arg12[%add3A_114] : memref<161792xf32, #tpu.memory_space<vmem_shared>> -> memref<632xf32, #tpu.memory_space<vmem_shared>>
      tpu.wait_dma2 semaphore(%run_scoped3A : memref<!tpu.dma_semaphore, #tpu.memory_space<semaphore_mem>>) src(%dma_wait3A_203 : memref<632xf32, #tpu.memory_space<vmem_shared>>) dst(%dma_wait3A_202 : memref<632xf32, #tpu.memory_space<vmem>>)
      tpu.yield
    }) : () -> ()
    %mul3A_115 = arith.constant 632 : i32
    %mul3A_116 = arith.muli %arg1, %mul3A_115 : i32
    %add3A_117 = arith.constant 121344 : i32
    %add3A_118 = arith.addi %add3A_117, %mul3A_116 : i32
    "tpu.region"() ({
      %run_scoped3A = tpu.sem_alloc : memref<!tpu.dma_semaphore, #tpu.memory_space<semaphore_mem>>
      %dma_start3A_192 = arith.constant 7584 : i32
      %dma_start3A_193 = tpu.memref_slice %arg10[%dma_start3A_192] : memref<10112xf32, #tpu.memory_space<vmem>> -> memref<632xf32, #tpu.memory_space<vmem>>
      %dma_start3A_194 = tpu.memref_slice %arg12[%add3A_118] : memref<161792xf32, #tpu.memory_space<vmem_shared>> -> memref<632xf32, #tpu.memory_space<vmem_shared>>
      %dma_start3A_195 = arith.constant 7584 : i32
      %dma_start3A_196 = tpu.memref_slice %arg10[%dma_start3A_195] : memref<10112xf32, #tpu.memory_space<vmem>> -> memref<632xf32, #tpu.memory_space<vmem>>
      %dma_start3A_197 = tpu.memref_slice %arg12[%add3A_118] : memref<161792xf32, #tpu.memory_space<vmem_shared>> -> memref<632xf32, #tpu.memory_space<vmem_shared>>
      tpu.enqueue_dma source(%dma_start3A_197 : memref<632xf32, #tpu.memory_space<vmem_shared>>) target(%dma_start3A_196 : memref<632xf32, #tpu.memory_space<vmem>>) target_semaphore(%run_scoped3A : memref<!tpu.dma_semaphore, #tpu.memory_space<semaphore_mem>>)
      %dma_wait3A_198 = arith.constant 7584 : i32
      %dma_wait3A_199 = tpu.memref_slice %arg10[%dma_wait3A_198] : memref<10112xf32, #tpu.memory_space<vmem>> -> memref<632xf32, #tpu.memory_space<vmem>>
      %dma_wait3A_200 = tpu.memref_slice %arg12[%add3A_118] : memref<161792xf32, #tpu.memory_space<vmem_shared>> -> memref<632xf32, #tpu.memory_space<vmem_shared>>
      %dma_wait3A_201 = arith.constant 7584 : i32
      %dma_wait3A_202 = tpu.memref_slice %arg10[%dma_wait3A_201] : memref<10112xf32, #tpu.memory_space<vmem>> -> memref<632xf32, #tpu.memory_space<vmem>>
      %dma_wait3A_203 = tpu.memref_slice %arg12[%add3A_118] : memref<161792xf32, #tpu.memory_space<vmem_shared>> -> memref<632xf32, #tpu.memory_space<vmem_shared>>
      tpu.wait_dma2 semaphore(%run_scoped3A : memref<!tpu.dma_semaphore, #tpu.memory_space<semaphore_mem>>) src(%dma_wait3A_203 : memref<632xf32, #tpu.memory_space<vmem_shared>>) dst(%dma_wait3A_202 : memref<632xf32, #tpu.memory_space<vmem>>)
      tpu.yield
    }) : () -> ()
    %mul3A_119 = arith.constant 632 : i32
    %mul3A_120 = arith.muli %arg1, %mul3A_119 : i32
    %add3A_121 = arith.constant 131456 : i32
    %add3A_122 = arith.addi %add3A_121, %mul3A_120 : i32
    "tpu.region"() ({
      %run_scoped3A = tpu.sem_alloc : memref<!tpu.dma_semaphore, #tpu.memory_space<semaphore_mem>>
      %dma_start3A_192 = arith.constant 8216 : i32
      %dma_start3A_193 = tpu.memref_slice %arg10[%dma_start3A_192] : memref<10112xf32, #tpu.memory_space<vmem>> -> memref<632xf32, #tpu.memory_space<vmem>>
      %dma_start3A_194 = tpu.memref_slice %arg12[%add3A_122] : memref<161792xf32, #tpu.memory_space<vmem_shared>> -> memref<632xf32, #tpu.memory_space<vmem_shared>>
      %dma_start3A_195 = arith.constant 8216 : i32
      %dma_start3A_196 = tpu.memref_slice %arg10[%dma_start3A_195] : memref<10112xf32, #tpu.memory_space<vmem>> -> memref<632xf32, #tpu.memory_space<vmem>>
      %dma_start3A_197 = tpu.memref_slice %arg12[%add3A_122] : memref<161792xf32, #tpu.memory_space<vmem_shared>> -> memref<632xf32, #tpu.memory_space<vmem_shared>>
      tpu.enqueue_dma source(%dma_start3A_197 : memref<632xf32, #tpu.memory_space<vmem_shared>>) target(%dma_start3A_196 : memref<632xf32, #tpu.memory_space<vmem>>) target_semaphore(%run_scoped3A : memref<!tpu.dma_semaphore, #tpu.memory_space<semaphore_mem>>)
      %dma_wait3A_198 = arith.constant 8216 : i32
      %dma_wait3A_199 = tpu.memref_slice %arg10[%dma_wait3A_198] : memref<10112xf32, #tpu.memory_space<vmem>> -> memref<632xf32, #tpu.memory_space<vmem>>
      %dma_wait3A_200 = tpu.memref_slice %arg12[%add3A_122] : memref<161792xf32, #tpu.memory_space<vmem_shared>> -> memref<632xf32, #tpu.memory_space<vmem_shared>>
      %dma_wait3A_201 = arith.constant 8216 : i32
      %dma_wait3A_202 = tpu.memref_slice %arg10[%dma_wait3A_201] : memref<10112xf32, #tpu.memory_space<vmem>> -> memref<632xf32, #tpu.memory_space<vmem>>
      %dma_wait3A_203 = tpu.memref_slice %arg12[%add3A_122] : memref<161792xf32, #tpu.memory_space<vmem_shared>> -> memref<632xf32, #tpu.memory_space<vmem_shared>>
      tpu.wait_dma2 semaphore(%run_scoped3A : memref<!tpu.dma_semaphore, #tpu.memory_space<semaphore_mem>>) src(%dma_wait3A_203 : memref<632xf32, #tpu.memory_space<vmem_shared>>) dst(%dma_wait3A_202 : memref<632xf32, #tpu.memory_space<vmem>>)
      tpu.yield
    }) : () -> ()
    %mul3A_123 = arith.constant 632 : i32
    %mul3A_124 = arith.muli %arg1, %mul3A_123 : i32
    %add3A_125 = arith.constant 141568 : i32
    %add3A_126 = arith.addi %add3A_125, %mul3A_124 : i32
    "tpu.region"() ({
      %run_scoped3A = tpu.sem_alloc : memref<!tpu.dma_semaphore, #tpu.memory_space<semaphore_mem>>
      %dma_start3A_192 = arith.constant 8848 : i32
      %dma_start3A_193 = tpu.memref_slice %arg10[%dma_start3A_192] : memref<10112xf32, #tpu.memory_space<vmem>> -> memref<632xf32, #tpu.memory_space<vmem>>
      %dma_start3A_194 = tpu.memref_slice %arg12[%add3A_126] : memref<161792xf32, #tpu.memory_space<vmem_shared>> -> memref<632xf32, #tpu.memory_space<vmem_shared>>
      %dma_start3A_195 = arith.constant 8848 : i32
      %dma_start3A_196 = tpu.memref_slice %arg10[%dma_start3A_195] : memref<10112xf32, #tpu.memory_space<vmem>> -> memref<632xf32, #tpu.memory_space<vmem>>
      %dma_start3A_197 = tpu.memref_slice %arg12[%add3A_126] : memref<161792xf32, #tpu.memory_space<vmem_shared>> -> memref<632xf32, #tpu.memory_space<vmem_shared>>
      tpu.enqueue_dma source(%dma_start3A_197 : memref<632xf32, #tpu.memory_space<vmem_shared>>) target(%dma_start3A_196 : memref<632xf32, #tpu.memory_space<vmem>>) target_semaphore(%run_scoped3A : memref<!tpu.dma_semaphore, #tpu.memory_space<semaphore_mem>>)
      %dma_wait3A_198 = arith.constant 8848 : i32
      %dma_wait3A_199 = tpu.memref_slice %arg10[%dma_wait3A_198] : memref<10112xf32, #tpu.memory_space<vmem>> -> memref<632xf32, #tpu.memory_space<vmem>>
      %dma_wait3A_200 = tpu.memref_slice %arg12[%add3A_126] : memref<161792xf32, #tpu.memory_space<vmem_shared>> -> memref<632xf32, #tpu.memory_space<vmem_shared>>
      %dma_wait3A_201 = arith.constant 8848 : i32
      %dma_wait3A_202 = tpu.memref_slice %arg10[%dma_wait3A_201] : memref<10112xf32, #tpu.memory_space<vmem>> -> memref<632xf32, #tpu.memory_space<vmem>>
      %dma_wait3A_203 = tpu.memref_slice %arg12[%add3A_126] : memref<161792xf32, #tpu.memory_space<vmem_shared>> -> memref<632xf32, #tpu.memory_space<vmem_shared>>
      tpu.wait_dma2 semaphore(%run_scoped3A : memref<!tpu.dma_semaphore, #tpu.memory_space<semaphore_mem>>) src(%dma_wait3A_203 : memref<632xf32, #tpu.memory_space<vmem_shared>>) dst(%dma_wait3A_202 : memref<632xf32, #tpu.memory_space<vmem>>)
      tpu.yield
    }) : () -> ()
    %mul3A_127 = arith.constant 632 : i32
    %mul3A_128 = arith.muli %arg1, %mul3A_127 : i32
    %add3A_129 = arith.constant 151680 : i32
    %add3A_130 = arith.addi %add3A_129, %mul3A_128 : i32
    "tpu.region"() ({
      %run_scoped3A = tpu.sem_alloc : memref<!tpu.dma_semaphore, #tpu.memory_space<semaphore_mem>>
      %dma_start3A_192 = arith.constant 9480 : i32
      %dma_start3A_193 = tpu.memref_slice %arg10[%dma_start3A_192] : memref<10112xf32, #tpu.memory_space<vmem>> -> memref<632xf32, #tpu.memory_space<vmem>>
      %dma_start3A_194 = tpu.memref_slice %arg12[%add3A_130] : memref<161792xf32, #tpu.memory_space<vmem_shared>> -> memref<632xf32, #tpu.memory_space<vmem_shared>>
      %dma_start3A_195 = arith.constant 9480 : i32
      %dma_start3A_196 = tpu.memref_slice %arg10[%dma_start3A_195] : memref<10112xf32, #tpu.memory_space<vmem>> -> memref<632xf32, #tpu.memory_space<vmem>>
      %dma_start3A_197 = tpu.memref_slice %arg12[%add3A_130] : memref<161792xf32, #tpu.memory_space<vmem_shared>> -> memref<632xf32, #tpu.memory_space<vmem_shared>>
      tpu.enqueue_dma source(%dma_start3A_197 : memref<632xf32, #tpu.memory_space<vmem_shared>>) target(%dma_start3A_196 : memref<632xf32, #tpu.memory_space<vmem>>) target_semaphore(%run_scoped3A : memref<!tpu.dma_semaphore, #tpu.memory_space<semaphore_mem>>)
      %dma_wait3A_198 = arith.constant 9480 : i32
      %dma_wait3A_199 = tpu.memref_slice %arg10[%dma_wait3A_198] : memref<10112xf32, #tpu.memory_space<vmem>> -> memref<632xf32, #tpu.memory_space<vmem>>
      %dma_wait3A_200 = tpu.memref_slice %arg12[%add3A_130] : memref<161792xf32, #tpu.memory_space<vmem_shared>> -> memref<632xf32, #tpu.memory_space<vmem_shared>>
      %dma_wait3A_201 = arith.constant 9480 : i32
      %dma_wait3A_202 = tpu.memref_slice %arg10[%dma_wait3A_201] : memref<10112xf32, #tpu.memory_space<vmem>> -> memref<632xf32, #tpu.memory_space<vmem>>
      %dma_wait3A_203 = tpu.memref_slice %arg12[%add3A_130] : memref<161792xf32, #tpu.memory_space<vmem_shared>> -> memref<632xf32, #tpu.memory_space<vmem_shared>>
      tpu.wait_dma2 semaphore(%run_scoped3A : memref<!tpu.dma_semaphore, #tpu.memory_space<semaphore_mem>>) src(%dma_wait3A_203 : memref<632xf32, #tpu.memory_space<vmem_shared>>) dst(%dma_wait3A_202 : memref<632xf32, #tpu.memory_space<vmem>>)
      tpu.yield
    }) : () -> ()
    %scan3A_131 = arith.constant 0 : i32
    %scan3A_132 = arith.constant 0 : i32
    %scan3A_133 = arith.constant 39 : i32
    %scan3A_134 = arith.addi %scan3A_132, %scan3A_133 : i32
    %scan3A_135 = arith.constant 1 : i32
    %scan3A_136 = scf.for %scan3A_192 = %scan3A_132 to %scan3A_134 step %scan3A_135 iter_args(%scan3A_193 = %scan3A_131) -> (i32)  : i32 {
      %mul3A_194 = arith.constant 16 : i32
      %mul3A_195 = arith.muli %scan3A_192, %mul3A_194 : i32
      %get3A_196 = arith.index_cast %mul3A_195 : i32 to index
      %get3A_197 = tpu.vector_load %arg10[%get3A_196] {strides = array<i32>} : memref<10112xf32, #tpu.memory_space<vmem>>, vector<16xf32>,
      %add3A_198 = arith.constant 632 : i32
      %add3A_199 = arith.addi %add3A_198, %mul3A_195 : i32
      %get3A_200 = arith.index_cast %add3A_199 : i32 to index
      %get3A_201 = tpu.vector_load %arg10[%get3A_200] {strides = array<i32>} : memref<10112xf32, #tpu.memory_space<vmem>>, vector<16xf32>,
      %add3A_202 = arith.addf %get3A_197, %get3A_201 : vector<16xf32>
      %add3A_203 = arith.constant 1264 : i32
      %add3A_204 = arith.addi %add3A_203, %mul3A_195 : i32
      %get3A_205 = arith.index_cast %add3A_204 : i32 to index
      %get3A_206 = tpu.vector_load %arg10[%get3A_205] {strides = array<i32>} : memref<10112xf32, #tpu.memory_space<vmem>>, vector<16xf32>,
      %add3A_207 = arith.addf %add3A_202, %get3A_206 : vector<16xf32>
      %add3A_208 = arith.constant 1896 : i32
      %add3A_209 = arith.addi %add3A_208, %mul3A_195 : i32
      %get3A_210 = arith.index_cast %add3A_209 : i32 to index
      %get3A_211 = tpu.vector_load %arg10[%get3A_210] {strides = array<i32>} : memref<10112xf32, #tpu.memory_space<vmem>>, vector<16xf32>,
      %add3A_212 = arith.addf %add3A_207, %get3A_211 : vector<16xf32>
      %add3A_213 = arith.constant 2528 : i32
      %add3A_214 = arith.addi %add3A_213, %mul3A_195 : i32
      %get3A_215 = arith.index_cast %add3A_214 : i32 to index
      %get3A_216 = tpu.vector_load %arg10[%get3A_215] {strides = array<i32>} : memref<10112xf32, #tpu.memory_space<vmem>>, vector<16xf32>,
      %add3A_217 = arith.addf %add3A_212, %get3A_216 : vector<16xf32>
      %add3A_218 = arith.constant 3160 : i32
      %add3A_219 = arith.addi %add3A_218, %mul3A_195 : i32
      %get3A_220 = arith.index_cast %add3A_219 : i32 to index
      %get3A_221 = tpu.vector_load %arg10[%get3A_220] {strides = array<i32>} : memref<10112xf32, #tpu.memory_space<vmem>>, vector<16xf32>,
      %add3A_222 = arith.addf %add3A_217, %get3A_221 : vector<16xf32>
      %add3A_223 = arith.constant 3792 : i32
      %add3A_224 = arith.addi %add3A_223, %mul3A_195 : i32
      %get3A_225 = arith.index_cast %add3A_224 : i32 to index
      %get3A_226 = tpu.vector_load %arg10[%get3A_225] {strides = array<i32>} : memref<10112xf32, #tpu.memory_space<vmem>>, vector<16xf32>,
      %add3A_227 = arith.addf %add3A_222, %get3A_226 : vector<16xf32>
      %add3A_228 = arith.constant 4424 : i32
      %add3A_229 = arith.addi %add3A_228, %mul3A_195 : i32
      %get3A_230 = arith.index_cast %add3A_229 : i32 to index
      %get3A_231 = tpu.vector_load %arg10[%get3A_230] {strides = array<i32>} : memref<10112xf32, #tpu.memory_space<vmem>>, vector<16xf32>,
      %add3A_232 = arith.addf %add3A_227, %get3A_231 : vector<16xf32>
      %add3A_233 = arith.constant 5056 : i32
      %add3A_234 = arith.addi %add3A_233, %mul3A_195 : i32
      %get3A_235 = arith.index_cast %add3A_234 : i32 to index
      %get3A_236 = tpu.vector_load %arg10[%get3A_235] {strides = array<i32>} : memref<10112xf32, #tpu.memory_space<vmem>>, vector<16xf32>,
      %add3A_237 = arith.addf %add3A_232, %get3A_236 : vector<16xf32>
      %add3A_238 = arith.constant 5688 : i32
      %add3A_239 = arith.addi %add3A_238, %mul3A_195 : i32
      %get3A_240 = arith.index_cast %add3A_239 : i32 to index
      %get3A_241 = tpu.vector_load %arg10[%get3A_240] {strides = array<i32>} : memref<10112xf32, #tpu.memory_space<vmem>>, vector<16xf32>,
      %add3A_242 = arith.addf %add3A_237, %get3A_241 : vector<16xf32>
      %add3A_243 = arith.constant 6320 : i32
      %add3A_244 = arith.addi %add3A_243, %mul3A_195 : i32
      %get3A_245 = arith.index_cast %add3A_244 : i32 to index
      %get3A_246 = tpu.vector_load %arg10[%get3A_245] {strides = array<i32>} : memref<10112xf32, #tpu.memory_space<vmem>>, vector<16xf32>,
      %add3A_247 = arith.addf %add3A_242, %get3A_246 : vector<16xf32>
      %add3A_248 = arith.constant 6952 : i32
      %add3A_249 = arith.addi %add3A_248, %mul3A_195 : i32
      %get3A_250 = arith.index_cast %add3A_249 : i32 to index
      %get3A_251 = tpu.vector_load %arg10[%get3A_250] {strides = array<i32>} : memref<10112xf32, #tpu.memory_space<vmem>>, vector<16xf32>,
      %add3A_252 = arith.addf %add3A_247, %get3A_251 : vector<16xf32>
      %add3A_253 = arith.constant 7584 : i32
      %add3A_254 = arith.addi %add3A_253, %mul3A_195 : i32
      %get3A_255 = arith.index_cast %add3A_254 : i32 to index
      %get3A_256 = tpu.vector_load %arg10[%get3A_255] {strides = array<i32>} : memref<10112xf32, #tpu.memory_space<vmem>>, vector<16xf32>,
      %add3A_257 = arith.addf %add3A_252, %get3A_256 : vector<16xf32>
      %add3A_258 = arith.constant 8216 : i32
      %add3A_259 = arith.addi %add3A_258, %mul3A_195 : i32
      %get3A_260 = arith.index_cast %add3A_259 : i32 to index
      %get3A_261 = tpu.vector_load %arg10[%get3A_260] {strides = array<i32>} : memref<10112xf32, #tpu.memory_space<vmem>>, vector<16xf32>,
      %add3A_262 = arith.addf %add3A_257, %get3A_261 : vector<16xf32>
      %add3A_263 = arith.constant 8848 : i32
      %add3A_264 = arith.addi %add3A_263, %mul3A_195 : i32
      %get3A_265 = arith.index_cast %add3A_264 : i32 to index
      %get3A_266 = tpu.vector_load %arg10[%get3A_265] {strides = array<i32>} : memref<10112xf32, #tpu.memory_space<vmem>>, vector<16xf32>,
      %add3A_267 = arith.addf %add3A_262, %get3A_266 : vector<16xf32>
      %add3A_268 = arith.constant 9480 : i32
      %add3A_269 = arith.addi %add3A_268, %mul3A_195 : i32
      %get3A_270 = arith.index_cast %add3A_269 : i32 to index
      %get3A_271 = tpu.vector_load %arg10[%get3A_270] {strides = array<i32>} : memref<10112xf32, #tpu.memory_space<vmem>>, vector<16xf32>,
      %add3A_272 = arith.addf %add3A_267, %get3A_271 : vector<16xf32>
      %swap3A_273 = arith.index_cast %mul3A_195 : i32 to index
      %swap3A_274 = tpu.vector_load %arg11[%swap3A_273] {strides = array<i32>} : memref<632xf32, #tpu.memory_space<vmem>>, vector<16xf32>,
      tpu.vector_store %arg11[%swap3A_273], %add3A_272 {strides = array<i32>} : memref<632xf32, #tpu.memory_space<vmem>>, vector<16xf32>,
      %scan3A_275 = arith.constant 0 : i32
      scf.yield %scan3A_275 : i32
    }
    %scan3A_137 = arith.constant 39 : i32
    %get3A_138 = arith.constant 616 : index
    %get3A_139 = tpu.vector_load %arg10[%get3A_138] {strides = array<i32>} : memref<10112xf32, #tpu.memory_space<vmem>>, vector<16xf32>,
    %get3A_140 = arith.constant 1248 : index
    %get3A_141 = tpu.vector_load %arg10[%get3A_140] {strides = array<i32>} : memref<10112xf32, #tpu.memory_space<vmem>>, vector<16xf32>,
    %add3A_142 = arith.addf %get3A_139, %get3A_141 : vector<16xf32>
    %get3A_143 = arith.constant 1880 : index
    %get3A_144 = tpu.vector_load %arg10[%get3A_143] {strides = array<i32>} : memref<10112xf32, #tpu.memory_space<vmem>>, vector<16xf32>,
    %add3A_145 = arith.addf %add3A_142, %get3A_144 : vector<16xf32>
    %get3A_146 = arith.constant 2512 : index
    %get3A_147 = tpu.vector_load %arg10[%get3A_146] {strides = array<i32>} : memref<10112xf32, #tpu.memory_space<vmem>>, vector<16xf32>,
    %add3A_148 = arith.addf %add3A_145, %get3A_147 : vector<16xf32>
    %get3A_149 = arith.constant 3144 : index
    %get3A_150 = tpu.vector_load %arg10[%get3A_149] {strides = array<i32>} : memref<10112xf32, #tpu.memory_space<vmem>>, vector<16xf32>,
    %add3A_151 = arith.addf %add3A_148, %get3A_150 : vector<16xf32>
    %get3A_152 = arith.constant 3776 : index
    %get3A_153 = tpu.vector_load %arg10[%get3A_152] {strides = array<i32>} : memref<10112xf32, #tpu.memory_space<vmem>>, vector<16xf32>,
    %add3A_154 = arith.addf %add3A_151, %get3A_153 : vector<16xf32>
    %get3A_155 = arith.constant 4408 : index
    %get3A_156 = tpu.vector_load %arg10[%get3A_155] {strides = array<i32>} : memref<10112xf32, #tpu.memory_space<vmem>>, vector<16xf32>,
    %add3A_157 = arith.addf %add3A_154, %get3A_156 : vector<16xf32>
    %get3A_158 = arith.constant 5040 : index
    %get3A_159 = tpu.vector_load %arg10[%get3A_158] {strides = array<i32>} : memref<10112xf32, #tpu.memory_space<vmem>>, vector<16xf32>,
    %add3A_160 = arith.addf %add3A_157, %get3A_159 : vector<16xf32>
    %get3A_161 = arith.constant 5672 : index
    %get3A_162 = tpu.vector_load %arg10[%get3A_161] {strides = array<i32>} : memref<10112xf32, #tpu.memory_space<vmem>>, vector<16xf32>,
    %add3A_163 = arith.addf %add3A_160, %get3A_162 : vector<16xf32>
    %get3A_164 = arith.constant 6304 : index
    %get3A_165 = tpu.vector_load %arg10[%get3A_164] {strides = array<i32>} : memref<10112xf32, #tpu.memory_space<vmem>>, vector<16xf32>,
    %add3A_166 = arith.addf %add3A_163, %get3A_165 : vector<16xf32>
    %get3A_167 = arith.constant 6936 : index
    %get3A_168 = tpu.vector_load %arg10[%get3A_167] {strides = array<i32>} : memref<10112xf32, #tpu.memory_space<vmem>>, vector<16xf32>,
    %add3A_169 = arith.addf %add3A_166, %get3A_168 : vector<16xf32>
    %get3A_170 = arith.constant 7568 : index
    %get3A_171 = tpu.vector_load %arg10[%get3A_170] {strides = array<i32>} : memref<10112xf32, #tpu.memory_space<vmem>>, vector<16xf32>,
    %add3A_172 = arith.addf %add3A_169, %get3A_171 : vector<16xf32>
    %get3A_173 = arith.constant 8200 : index
    %get3A_174 = tpu.vector_load %arg10[%get3A_173] {strides = array<i32>} : memref<10112xf32, #tpu.memory_space<vmem>>, vector<16xf32>,
    %add3A_175 = arith.addf %add3A_172, %get3A_174 : vector<16xf32>
    %get3A_176 = arith.constant 8832 : index
    %get3A_177 = tpu.vector_load %arg10[%get3A_176] {strides = array<i32>} : memref<10112xf32, #tpu.memory_space<vmem>>, vector<16xf32>,
    %add3A_178 = arith.addf %add3A_175, %get3A_177 : vector<16xf32>
    %get3A_179 = arith.constant 9464 : index
    %get3A_180 = tpu.vector_load %arg10[%get3A_179] {strides = array<i32>} : memref<10112xf32, #tpu.memory_space<vmem>>, vector<16xf32>,
    %add3A_181 = arith.addf %add3A_178, %get3A_180 : vector<16xf32>
    %get3A_182 = arith.constant 10096 : index
    %get3A_183 = tpu.vector_load %arg10[%get3A_182] {strides = array<i32>} : memref<10112xf32, #tpu.memory_space<vmem>>, vector<16xf32>,
    %add3A_184 = arith.addf %add3A_181, %get3A_183 : vector<16xf32>
    %swap3A_185 = arith.constant 616 : index
    %swap3A_186 = tpu.vector_load %arg11[%swap3A_185] {strides = array<i32>} : memref<632xf32, #tpu.memory_space<vmem>>, vector<16xf32>,
    tpu.vector_store %arg11[%swap3A_185], %add3A_184 {strides = array<i32>} : memref<632xf32, #tpu.memory_space<vmem>>, vector<16xf32>,
    %mul3A_187 = arith.constant 10112 : i32
    %mul3A_188 = arith.muli %arg0, %mul3A_187 : i32
    %mul3A_189 = arith.constant 632 : i32
    %mul3A_190 = arith.muli %arg1, %mul3A_189 : i32
    %add3A_191 = arith.addi %mul3A_188, %mul3A_190 : i32
    "tpu.region"() ({
      %run_scoped3A = tpu.sem_alloc : memref<!tpu.dma_semaphore, #tpu.memory_space<semaphore_mem>>
      %dma_start3A_192 = tpu.memref_slice %arg3[%add3A_191] : memref<20224xf32, #tpu.memory_space<hbm>> -> memref<632xf32, #tpu.memory_space<hbm>>
      %dma_start3A_193 = tpu.memref_slice %arg3[%add3A_191] : memref<20224xf32, #tpu.memory_space<hbm>> -> memref<632xf32, #tpu.memory_space<hbm>>
      tpu.enqueue_dma source(%arg11 : memref<632xf32, #tpu.memory_space<vmem>>) target(%dma_start3A_193 : memref<632xf32, #tpu.memory_space<hbm>>) target_semaphore(%run_scoped3A : memref<!tpu.dma_semaphore, #tpu.memory_space<semaphore_mem>>)
      %dma_wait3A_194 = tpu.memref_slice %arg3[%add3A_191] : memref<20224xf32, #tpu.memory_space<hbm>> -> memref<632xf32, #tpu.memory_space<hbm>>
      %dma_wait3A_195 = tpu.memref_slice %arg3[%add3A_191] : memref<20224xf32, #tpu.memory_space<hbm>> -> memref<632xf32, #tpu.memory_space<hbm>>
      tpu.wait_dma2 semaphore(%run_scoped3A : memref<!tpu.dma_semaphore, #tpu.memory_space<semaphore_mem>>) src(%arg11 : memref<632xf32, #tpu.memory_space<vmem>>) dst(%dma_wait3A_195 : memref<632xf32, #tpu.memory_space<hbm>>)
      tpu.yield
    }) : () -> ()
    return
  }
}

module attributes {stable_mosaic.version = 14 : i64} {
  func.func @_tc_a1(%arg0: memref<10000x128xf32, #tpu.memory_space<vmem>>, %arg1: memref<128x128xf32, #tpu.memory_space<vmem>>, %arg2: memref<10000x128xf32, #tpu.memory_space<vmem>>) attributes {dimension_semantics = [], scalar_prefetch = 0 : i64, scratch_operands = 0 : i64, tpu.core_type = #tpu.core_type<tc>} {
    %get3A = arith.constant 0 : index
    %get3A_0 = arith.constant 0 : index
    %get3A_1 = vector.load %arg0[%get3A, %get3A_0] : memref<10000x128xf32, #tpu.memory_space<vmem>>, vector<10000x128xf32>
    %get3A_2 = arith.constant 0 : index
    %get3A_3 = arith.constant 0 : index
    %get3A_4 = vector.load %arg1[%get3A_2, %get3A_3] : memref<128x128xf32, #tpu.memory_space<vmem>>, vector<128x128xf32>
    %dot_general3A = arith.constant dense<0.000000e+00> : vector<10000x128xf32>
    %dot_general3A_5 = tpu.matmul %get3A_1, %get3A_4, %dot_general3A {dimension_numbers = #tpu.dot_dimension_numbers<[1], [0], [0], [1], [0, 0, 1, 1], [], []>, transpose_lhs_hint = false} : vector<10000x128xf32>, vector<128x128xf32>, vector<10000x128xf32> -> vector<10000x128xf32>
    %swap3A = arith.constant 0 : index
    %swap3A_6 = arith.constant 0 : index
    %swap3A_7 = vector.load %arg2[%swap3A, %swap3A_6] : memref<10000x128xf32, #tpu.memory_space<vmem>>, vector<10000x128xf32>
    tpu.vector_store %arg2[%swap3A, %swap3A_6], %dot_general3A_5 {strides = array<i32>} : memref<10000x128xf32, #tpu.memory_space<vmem>>, vector<10000x128xf32>,
    return
  }
}

module attributes {stable_mosaic.version = 14 : i64} {
  func.func @_tc_a2(%arg0: memref<10000x128xf32, #tpu.memory_space<vmem>>, %arg1: memref<2x10112x1xf32, #tpu.memory_space<vmem>>, %arg2: memref<10112x128xf32, #tpu.memory_space<vmem>>, %arg3: memref<10112x1xf32, #tpu.memory_space<vmem>>) attributes {dimension_semantics = [], scalar_prefetch = 0 : i64, scratch_operands = 0 : i64, tpu.core_type = #tpu.core_type<tc>} {
    %get3A = arith.constant 0 : index
    %get3A_0 = arith.constant 0 : index
    %get3A_1 = arith.constant 0 : index
    %get3A_2 = vector.load %arg1[%get3A, %get3A_0, %get3A_1] : memref<2x10112x1xf32, #tpu.memory_space<vmem>>, vector<1x10112x1xf32>
    %get3A_3 = vector.shape_cast %get3A_2 : vector<1x10112x1xf32> to vector<10112x1xf32>
    %get3A_4 = arith.constant 1 : index
    %get3A_5 = arith.constant 0 : index
    %get3A_6 = arith.constant 0 : index
    %get3A_7 = vector.load %arg1[%get3A_4, %get3A_5, %get3A_6] : memref<2x10112x1xf32, #tpu.memory_space<vmem>>, vector<1x10112x1xf32>
    %get3A_8 = vector.shape_cast %get3A_7 : vector<1x10112x1xf32> to vector<10112x1xf32>
    %add3A = arith.addf %get3A_3, %get3A_8 : vector<10112x1xf32>
    %add3A_9 = arith.constant 1.000000e+00 : f32
    %add3A_10 = vector.broadcast %add3A_9 : f32 to vector<10112x1xf32>
    %add3A_11 = arith.addf %add3A, %add3A_10 : vector<10112x1xf32>
    %rsqrt3A = math.rsqrt %add3A_11 : vector<10112x1xf32>
    %swap3A = arith.constant 0 : index
    %swap3A_12 = arith.constant 0 : index
    %swap3A_13 = vector.load %arg3[%swap3A, %swap3A_12] : memref<10112x1xf32, #tpu.memory_space<vmem>>, vector<10112x1xf32>
    tpu.vector_store %arg3[%swap3A, %swap3A_12], %rsqrt3A {strides = array<i32>} : memref<10112x1xf32, #tpu.memory_space<vmem>>, vector<10112x1xf32>,
    %get3A_14 = arith.constant 0 : index
    %get3A_15 = arith.constant 0 : index
    %get3A_16 = vector.load %arg0[%get3A_14, %get3A_15] : memref<10000x128xf32, #tpu.memory_space<vmem>>, vector<10000x128xf32>
    %slice3A = vector.extract_strided_slice %rsqrt3A {offsets = [0, 0], sizes = [10000, 1], strides = [1, 1]} : vector<10112x1xf32> to vector<10000x1xf32>
    %mul3A = vector.broadcast %slice3A : vector<10000x1xf32> to vector<10000x128xf32>
    %mul3A_17 = arith.mulf %get3A_16, %mul3A : vector<10000x128xf32>
    %swap3A_18 = arith.constant 0 : index
    %swap3A_19 = arith.constant 0 : index
    %swap3A_20 = vector.load %arg2[%swap3A_18, %swap3A_19] : memref<10112x128xf32, #tpu.memory_space<vmem>>, vector<10000x128xf32>
    tpu.vector_store %arg2[%swap3A_18, %swap3A_19], %mul3A_17 {strides = array<i32>} : memref<10112x128xf32, #tpu.memory_space<vmem>>, vector<10000x128xf32>,
    %broadcast_in_dim3A = arith.constant 0.000000e+00 : f32
    %broadcast_in_dim3A_21 = vector.broadcast %broadcast_in_dim3A : f32 to vector<112x128xf32>
    %swap3A_22 = arith.constant 10000 : index
    %swap3A_23 = arith.constant 0 : index
    %swap3A_24 = vector.load %arg2[%swap3A_22, %swap3A_23] : memref<10112x128xf32, #tpu.memory_space<vmem>>, vector<112x128xf32>
    tpu.vector_store %arg2[%swap3A_22, %swap3A_23], %broadcast_in_dim3A_21 {strides = array<i32>} : memref<10112x128xf32, #tpu.memory_space<vmem>>, vector<112x128xf32>,
    return
  }
}

module attributes {stable_mosaic.version = 14 : i64} {
  func.func @_tc_b(%arg0: memref<2x10112x128xf32, #tpu.memory_space<vmem>>, %arg1: memref<10112x128xf32, #tpu.memory_space<vmem>>, %arg2: memref<10112x1xf32, #tpu.memory_space<vmem>>, %arg3: memref<1x128xf32, #tpu.memory_space<vmem>>, %arg4: memref<128x64xf32, #tpu.memory_space<vmem>>, %arg5: memref<10112x64xf32, #tpu.memory_space<vmem>>) attributes {dimension_semantics = [], scalar_prefetch = 0 : i64, scratch_operands = 0 : i64, tpu.core_type = #tpu.core_type<tc>} {
    %get3A = arith.constant 0 : index
    %get3A_0 = arith.constant 0 : index
    %get3A_1 = vector.load %arg2[%get3A, %get3A_0] : memref<10112x1xf32, #tpu.memory_space<vmem>>, vector<10112x1xf32>
    %get3A_2 = arith.constant 0 : index
    %get3A_3 = arith.constant 0 : index
    %get3A_4 = arith.constant 0 : index
    %get3A_5 = vector.load %arg0[%get3A_2, %get3A_3, %get3A_4] : memref<2x10112x128xf32, #tpu.memory_space<vmem>>, vector<1x10112x128xf32>
    %get3A_6 = vector.shape_cast %get3A_5 : vector<1x10112x128xf32> to vector<10112x128xf32>
    %get3A_7 = arith.constant 1 : index
    %get3A_8 = arith.constant 0 : index
    %get3A_9 = arith.constant 0 : index
    %get3A_10 = vector.load %arg0[%get3A_7, %get3A_8, %get3A_9] : memref<2x10112x128xf32, #tpu.memory_space<vmem>>, vector<1x10112x128xf32>
    %get3A_11 = vector.shape_cast %get3A_10 : vector<1x10112x128xf32> to vector<10112x128xf32>
    %add3A = arith.addf %get3A_6, %get3A_11 : vector<10112x128xf32>
    %get3A_12 = arith.constant 0 : index
    %get3A_13 = arith.constant 0 : index
    %get3A_14 = vector.load %arg1[%get3A_12, %get3A_13] : memref<10112x128xf32, #tpu.memory_space<vmem>>, vector<10112x128xf32>
    %add3A_15 = arith.addf %add3A, %get3A_14 : vector<10112x128xf32>
    %mul3A = vector.broadcast %get3A_1 : vector<10112x1xf32> to vector<10112x128xf32>
    %mul3A_16 = arith.mulf %add3A_15, %mul3A : vector<10112x128xf32>
    %get3A_17 = arith.constant 0 : index
    %get3A_18 = arith.constant 0 : index
    %get3A_19 = vector.load %arg3[%get3A_17, %get3A_18] : memref<1x128xf32, #tpu.memory_space<vmem>>, vector<1x128xf32>
    %add3A_20 = vector.broadcast %get3A_19 : vector<1x128xf32> to vector<10112x128xf32>
    %add3A_21 = arith.addf %mul3A_16, %add3A_20 : vector<10112x128xf32>
    %max3A = arith.constant 0.000000e+00 : f32
    %max3A_22 = vector.broadcast %max3A : f32 to vector<10112x128xf32>
    %max3A_23 = arith.maximumf %add3A_21, %max3A_22 : vector<10112x128xf32>
    %get3A_24 = arith.constant 0 : index
    %get3A_25 = arith.constant 0 : index
    %get3A_26 = vector.load %arg4[%get3A_24, %get3A_25] : memref<128x64xf32, #tpu.memory_space<vmem>>, vector<128x64xf32>
    %dot_general3A = arith.constant dense<0.000000e+00> : vector<10112x64xf32>
    %dot_general3A_27 = tpu.matmul %max3A_23, %get3A_26, %dot_general3A {dimension_numbers = #tpu.dot_dimension_numbers<[1], [0], [0], [1], [0, 0, 1, 1], [], []>, transpose_lhs_hint = false} : vector<10112x128xf32>, vector<128x64xf32>, vector<10112x64xf32> -> vector<10112x64xf32>
    %mul3A_28 = vector.broadcast %get3A_1 : vector<10112x1xf32> to vector<10112x64xf32>
    %mul3A_29 = arith.mulf %dot_general3A_27, %mul3A_28 : vector<10112x64xf32>
    %swap3A = arith.constant 0 : index
    %swap3A_30 = arith.constant 0 : index
    %swap3A_31 = vector.load %arg5[%swap3A, %swap3A_30] : memref<10112x64xf32, #tpu.memory_space<vmem>>, vector<10112x64xf32>
    tpu.vector_store %arg5[%swap3A, %swap3A_30], %mul3A_29 {strides = array<i32>} : memref<10112x64xf32, #tpu.memory_space<vmem>>, vector<10112x64xf32>,
    return
  }
}

module attributes {stable_mosaic.version = 14 : i64} {
  func.func @_tc_c(%arg0: memref<2x10112x64xf32, #tpu.memory_space<vmem>>, %arg1: memref<10112x64xf32, #tpu.memory_space<vmem>>, %arg2: memref<10112x1xf32, #tpu.memory_space<vmem>>, %arg3: memref<1x64xf32, #tpu.memory_space<vmem>>, %arg4: memref<10000x64xf32, #tpu.memory_space<vmem>>) attributes {dimension_semantics = [], scalar_prefetch = 0 : i64, scratch_operands = 0 : i64, tpu.core_type = #tpu.core_type<tc>} {
    %get3A = arith.constant 0 : index
    %get3A_0 = arith.constant 0 : index
    %get3A_1 = arith.constant 0 : index
    %get3A_2 = vector.load %arg0[%get3A, %get3A_0, %get3A_1] : memref<2x10112x64xf32, #tpu.memory_space<vmem>>, vector<1x10000x64xf32>
    %get3A_3 = vector.shape_cast %get3A_2 : vector<1x10000x64xf32> to vector<10000x64xf32>
    %get3A_4 = arith.constant 1 : index
    %get3A_5 = arith.constant 0 : index
    %get3A_6 = arith.constant 0 : index
    %get3A_7 = vector.load %arg0[%get3A_4, %get3A_5, %get3A_6] : memref<2x10112x64xf32, #tpu.memory_space<vmem>>, vector<1x10000x64xf32>
    %get3A_8 = vector.shape_cast %get3A_7 : vector<1x10000x64xf32> to vector<10000x64xf32>
    %add3A = arith.addf %get3A_3, %get3A_8 : vector<10000x64xf32>
    %get3A_9 = arith.constant 0 : index
    %get3A_10 = arith.constant 0 : index
    %get3A_11 = vector.load %arg1[%get3A_9, %get3A_10] : memref<10112x64xf32, #tpu.memory_space<vmem>>, vector<10000x64xf32>
    %add3A_12 = arith.addf %add3A, %get3A_11 : vector<10000x64xf32>
    %get3A_13 = arith.constant 0 : index
    %get3A_14 = arith.constant 0 : index
    %get3A_15 = vector.load %arg2[%get3A_13, %get3A_14] : memref<10112x1xf32, #tpu.memory_space<vmem>>, vector<10000x1xf32>
    %mul3A = vector.broadcast %get3A_15 : vector<10000x1xf32> to vector<10000x64xf32>
    %mul3A_16 = arith.mulf %add3A_12, %mul3A : vector<10000x64xf32>
    %get3A_17 = arith.constant 0 : index
    %get3A_18 = arith.constant 0 : index
    %get3A_19 = vector.load %arg3[%get3A_17, %get3A_18] : memref<1x64xf32, #tpu.memory_space<vmem>>, vector<1x64xf32>
    %add3A_20 = vector.broadcast %get3A_19 : vector<1x64xf32> to vector<10000x64xf32>
    %add3A_21 = arith.addf %mul3A_16, %add3A_20 : vector<10000x64xf32>
    %swap3A = arith.constant 0 : index
    %swap3A_22 = arith.constant 0 : index
    %swap3A_23 = vector.load %arg4[%swap3A, %swap3A_22] : memref<10000x64xf32, #tpu.memory_space<vmem>>, vector<10000x64xf32>
    tpu.vector_store %arg4[%swap3A, %swap3A_22], %add3A_21 {strides = array<i32>} : memref<10000x64xf32, #tpu.memory_space<vmem>>, vector<10000x64xf32>,
    return
  }
}

</mosaic_0001>

<sc_bundles>
// kernel: kernel.12.cloned.1.call-start
scs
__scs_entry_jumppad:
0x0: {  	(pc) =	sbr.rel $0x88, $3  }
0x1: {  	(tag) =	ssettag $0x0;
	lr =	simm.s32 $0x1  }
0x2: {  	[smem:$0x3F9B] =	sst lr;
	_ =	strace $0xD0000000  }
0x3: {  	_ = 	snop  }
0x4: {  	_ = 	snop  }
0x5: {  	_ = 	snop  }
0x6: {  	_ = 	snop  }
0x7: {  	_ = 	snop  }
__scs_overlays_trampoline_lowered:
0x8: {  	[smem:$0x3FAA] =	sst s0  }
0x9: {  	[smem:$0x3FAB] =	sst s1  }
0xa: {  	[smem:$0x3FAC] =	sst s2  }
0xb: {  	[smem:$0x3FAD] =	sst s3  }
0xc: {  	[smem:$0x3FAE] =	sst s4  }
0xd: {  	[smem:$0x3FAF] =	sst s5  }
0xe: {  	[smem:$0x3FB0] =	sst s6  }
0xf: {  	[smem:$0x3FB1] =	sst s7  }
0x10: {  	[smem:$0x3FB2] =	sst s8  }
0x11: {  	[smem:$0x3FB3] =	sst s9;
	s0 =	simm.s32 @!p0 $0x0  }
0x12: {  	s1 =	sld [smem:$0x3F99];
	s0 =	simm.s32 @p0 $0x1  }
0x13: {  	[smem:$0x3FB4] =	sst s0;
	s0 =	simm.s32 @!p1 $0x0  }
0x14: {  	s2 =	sld [smem:$0x3F98];
	s0 =	simm.s32 @p1 $0x1  }
0x15: {  	[smem:$0x3FB5] =	sst s0;
	s0 =	simm.s32 @!p2 $0x0  }
0x16: {  	s3 =	sld [smem:$0x3FDB];
	s0 =	simm.s32 @p2 $0x1  }
0x17: {  	s4 =	simm.s32 $0x1BF5;
	[smem:$0x3FB7] =	sst s0  }
0x18: {  	s0 =	sld [smem:$0x3F9A];
	_ =	swait.ge [sflag:s4], $0x0  }
0x19: {  	s7 =	sld [smem:$0x3F9B]  }
0x1a: {  	s8 =	sadd.s32 $0xFFFFE003, lr  }
0x1b: {  	s9 =	sadd.s32 $0xFFFFFEF7, lr;
	s5 =	simm.s32 $0xFFFFFFFF;
	p2 =	slt.u32 s8, $0xFFFFF086  }
0x1c: {  	p1 =	slt.u32 s9, $0xF7A;
	s5 =	simm.s32 @!p2 $0x0  }
0x1d: {  	s5 =	simm.s32 @p1 $0x1;
	p0 =	seq.s32 s7, s2  }
0x1e: {  	s7 =	smul.u32 @!p0 $0xF7A, s2;
	p2 =	seq.s32 @!p0 s5, $0x0  }
0x1f: {  	s9 =	smul.u32 $0xF7A, s1;
	s8 =	simm.s32 @!p0 $0x1BF5;
	p2 =	por !p2, p0  }
0x20: {  	[sflag:s8] =	ssyncset.s32 @!p0 $0xFFFFF086;
	s6 =	sadd.s32 @!p0 s3, s7;
	s7 =	simm.s32 @!p0 $0x108  }
0x21: {  	s3 =	sadd.s32 s3, s9;
	s6 =	sadd.s32 @!p0 $0x88, s6;
	s7 =	simm.s32 @p2 $0x1082  }
0x22: {  	[simem:s7], [sflag:s8] =	dma.local @!p0 [hbm:s6], $0xF7A  }
0x23: {  	s9 =	sor.u32 $0xD0000000, s2;
	s6 =	simm.s32 $0x108;
	_ =	swait.ge @!p0 [sflag:s8], $0x0  }
0x24: {  	s3 =	sadd.s32 $0x88, s3;
	s6 =	simm.s32 @!p1 $0x1082;
	[sflag:s4] =	ssyncset.s32 $0xFFFFF086  }
0x25: {  	[simem:s6], [sflag:s4] =	dma.local [hbm:s3], $0xF7A  }
0x26: {  	[smem:$0x3F9B] =	sst s1;
	(tag) =	ssettag s2;
	_ =	strace s9  }
0x27: {  	s1 =	sld [smem:$0x3FAB]  }
0x28: {  	s2 =	sld [smem:$0x3FAC]  }
0x29: {  	s4 =	sld [smem:$0x3FAE]  }
0x2a: {  	p0 =	seq.s32 s5, $0x0;
	s5 =	sld [smem:$0x3FAF]  }
0x2b: {  	s6 =	sld [smem:$0x3FB0]  }
0x2c: {  	s7 =	sld [smem:$0x3FB1]  }
0x2d: {  	s3 =	simm.s32 $0x108;
	s8 =	sld [smem:$0x3FB2]  }
0x2e: {  	s3 =	simm.s32 @!p0 $0x1082;
	s9 =	sld [smem:$0x3FB3]  }
0x2f: {  	lr =	sadd.s32 s0, s3;
	s0 =	sld [smem:$0x3FAA]  }
0x30: {  	s3 =	sld [smem:$0x3FAD]  }
0x31: {  	[smem:$0x3FB6] =	sst s10  }
0x32: {  	s10 =	sld [smem:$0x3FB4];
	_ =	sdelay $0x3  }
0x33: {  	p0 =	seq.s32 s10, $0x1;
	s10 =	sld [smem:$0x3FB6];
	_ =	sdelay $0x3  }
0x34: {  	[smem:$0x3FB6] =	sst s10  }
0x35: {  	s10 =	sld [smem:$0x3FB5];
	_ =	sdelay $0x3  }
0x36: {  	p1 =	seq.s32 s10, $0x1;
	s10 =	sld [smem:$0x3FB6];
	_ =	sdelay $0x3  }
0x37: {  	[smem:$0x3FB6] =	sst s10  }
0x38: {  	s10 =	sld [smem:$0x3FB7]  }
0x39: {  	_ = 	snop;
	(pc) =	sbr.ind lr, $3  }
0x3a: {  	_ = 	snop  }
0x3b: {  	_ = 	snop  }
0x3c: {  	p2 =	seq.s32 s10, $0x1;
	s10 =	sld [smem:$0x3FB6]  }
0x3d: {  	_ =	shalt  }
0x3e: {  	_ =	shalt  }
0x3f: {  	_ =	shalt  }
0x40: {  	_ =	shalt  }
0x41: {  	_ =	shalt  }
0x42: {  	_ =	shalt  }
0x43: {  	_ =	shalt  }
0x44: {  	_ =	shalt  }
0x45: {  	_ =	shalt  }
0x46: {  	_ =	shalt  }
0x47: {  	_ =	shalt  }
0x48: {  	_ =	shalt  }
0x49: {  	_ =	shalt  }
0x4a: {  	_ =	shalt  }
0x4b: {  	_ =	shalt  }
0x4c: {  	_ =	shalt  }
0x4d: {  	_ =	shalt  }
0x4e: {  	_ =	shalt  }
0x4f: {  	_ =	shalt  }
0x50: {  	_ =	shalt  }
0x51: {  	_ =	shalt  }
0x52: {  	_ =	shalt  }
0x53: {  	_ =	shalt  }
0x54: {  	_ =	shalt  }
0x55: {  	_ =	shalt  }
0x56: {  	_ =	shalt  }
0x57: {  	_ =	shalt  }
0x58: {  	_ =	shalt  }
0x59: {  	_ =	shalt  }
0x5a: {  	_ =	shalt  }
0x5b: {  	_ =	shalt  }
0x5c: {  	_ =	shalt  }
0x5d: {  	_ =	shalt  }
0x5e: {  	_ =	shalt  }
0x5f: {  	_ =	shalt  }
0x60: {  	_ =	shalt  }
0x61: {  	_ =	shalt  }
0x62: {  	_ =	shalt  }
0x63: {  	_ =	shalt  }
0x64: {  	_ =	shalt  }
0x65: {  	_ =	shalt  }
0x66: {  	_ =	shalt  }
0x67: {  	_ =	shalt  }
0x68: {  	_ =	shalt  }
0x69: {  	_ =	shalt  }
0x6a: {  	_ =	shalt  }
0x6b: {  	_ =	shalt  }
0x6c: {  	_ =	shalt  }
0x6d: {  	_ =	shalt  }
0x6e: {  	_ =	shalt  }
0x6f: {  	_ =	shalt  }
0x70: {  	_ =	shalt  }
0x71: {  	_ =	shalt  }
0x72: {  	_ =	shalt  }
0x73: {  	_ =	shalt  }
0x74: {  	_ =	shalt  }
0x75: {  	_ =	shalt  }
0x76: {  	_ =	shalt  }
0x77: {  	_ =	shalt  }
0x78: {  	_ =	shalt  }
0x79: {  	_ =	shalt  }
0x7a: {  	_ =	shalt  }
0x7b: {  	_ =	shalt  }
0x7c: {  	_ =	shalt  }
0x7d: {  	_ =	shalt  }
0x7e: {  	_ =	shalt  }
0x7f: {  	_ =	shalt  }
0x80: {  	_ =	shalt  }
0x81: {  	_ =	shalt  }
0x82: {  	_ =	shalt  }
0x83: {  	_ =	shalt  }
0x84: {  	_ =	shalt  }
0x85: {  	_ =	shalt  }
0x86: {  	_ =	shalt  }
0x87: {  	_ =	shalt  }
.Lfunc_end0:
.L_simem_size_0:
called_computation.1_lowered:
.L_overlay_start_0:
0x88: {  	s2 =	sld [smem:$0x3FD9]  }
0x89: {  	s3 =	sld [smem:$0x3FFE];
	_ =	sdelay $0x1  }
0x8a: {  	s1 =	srdreg.scid  }
0x8b: {  	s0 =	sand.u32 $0x1, s1  }
0x8c: {  	s16 =	sshll.u32 s0, $0xA;
	s2 =	sadd.s32 s3, s2  }
0x8d: {  	s2 =	sadd.s32 s2, s16  }
0x8e: {  	[smem:$0x3FC2] =	sst s2  }
0x8f: {  	_ = 	snop  }
0x90: {  	(tm) =	ssettm $0x1  }
0x91: {  	s17 =	sld [smem:$0x3FFB];
	_ =	sdelay $0x3  }
0x92: {  	_ =	strace s17  }
0x93: {  	s2 =	sld [smem:$0x3FFC];
	_ =	sdelay $0x3  }
0x94: {  	_ =	strace s2  }
0x95: {  	s2 =	sld [smem:$0x3FFD];
	_ =	sdelay $0x3  }
0x96: {  	_ =	strace s2  }
0x97: {  	_ =	strace $0x8FFFFFFF  }
0x98: {  	s18 =	sld [smem:$0x3FDB];
	_ =	sdelay $0x1  }
0x99: {  	s19 =	simm.s32 $_scs_section_size  }
0x9a: {  	s4 =	simm.s32 $_size__tile_overlayer_lowered;
	s5 =	simm.s32 $_tile_overlayer_lowered  }
0x9b: {  	s22 =	simm.s32 $0x1BFF;
	s21 =	sshll.u32 s5, $0x1;
	s2 =	sadd.s32 s19, s18  }
0x9c: {  	s6 =	simm.s32 $0x0;
	s20 =	sshll.u32 s4, $0x1;
	s4 =	sadd.s32 s21, s2  }
0x9d: {  	[timem:s6], [sflag:s22] =	dma.local [hbm:s4], s20  }
0x9e: {  	_ =	swait.ge [sflag:s22], s20  }
0x9f: {  	s3 =	ssub.s32 $0x0, s20;
	[sflag:s22] =	ssyncset.done $0x0  }
0xa0: {  	[sflag:s22] =	ssyncadd.s32 s3;
	_ =	sdelay $0x1  }
0xa1: {  	s23 =	simm.s32 $0x1B8B  }
0xa2: {  	_ =	swait.ge [sflag:s23], $0x1  }
0xa3: {  	[sflag:s23] =	ssyncset.done $0x0  }
0xa4: {  	s25 =	simm.s32 $0x1B8E;
	s24 =	sld [smem:$0x3FFE];
	[sflag:s23] =	ssyncadd.s32 $0xFFFFFFFF  }
0xa5: {  	s26 =	simm.s32 $execute0_lowered;
	[smem:$0x3FD2] =	sst s25  }
0xa6: {  	s4 =	sshll.u32 s26, $0x1;
	_ =	strace $0x80000049;
	[dreg:$0x1] =	wrdreg $0xFFFFFFFF  }
0xa7: {  	s28 =	simm.s32 $_size_execute0_lowered;
	s2 =	sadd.s32 s2, s4;
	[dreg:$0x0] =	wrdreg $0x0  }
0xa8: {  	s4 =	sshll.u32 s28, $0x1;
	[dreg:$0x2] =	wrdreg s2  }
0xa9: {  	[dreg:$0x3] =	wrdreg s4  }
0xaa: {  	[dreg:$0x4] =	wrdreg $0xC0  }
0xab: {  	_ =	task [dreg:s6], $0x5FFFF  }
0xac: {  	[dreg:$0x1] =	wrdreg $0xFFFFFFFF  }
0xad: {  	[dreg:$0x0] =	wrdreg $0x60  }
0xae: {  	[dreg:$0x2] =	wrdreg s24  }
0xaf: {  	[dreg:$0x3] =	wrdreg $0x84200  }
0xb0: {  	[dreg:$0x4] =	wrdreg $0x9  }
0xb1: {  	_ =	task.clear_ibuf [dreg:s6], $0x5FFFF;
	_ =	strace $0x90000049  }
0xb2: {  	s29 =	simm.s32 $0x9;
	_ =	strace $0x8000004B  }
0xb3: {  	_ =	swait.ge [sflag:s29], $0x1  }
0xb4: {  	[sflag:s29] =	ssyncadd.s32 $0xFFFFFFFF  }
0xb5: {  	_ =	strace $0x9000004B  }
0xb6: {  	_ =	sfence  }
0xb7: {  	s30 =	sld [smem:$0x0];
	_ =	sdelay $0x2  }
0xb8: {  	s31 =	sshll.u32 s1, $0xD;
	s1 =	sshrl.u32 s1, $0x2  }
0xb9: {  	s3 =	sand.u32 $0x4000, s31;
	s1 =	sadd.s32 s1, s30  }
0xba: {  	s0 =	sor.u32 s3, s0;
	s1 =	sshll.u32 s1, $0x11  }
0xbb: {  	s0 =	sor.u32 s1, s0  }
0xbc: {  	s0 =	sadd.s32 $0x8F2B, s0  }
0xbd: {  	[sflag:s0] =	ssyncadd.remote.s32 $0x1  }
0xbe: {  	_ =	sfence.sel $0xFFFF  }
0xbf: {  	[dreg:$0x0] =	wrdreg $0xFFFFFFFF;
	(pc) =	sbr.abs _section_cstart, $3  }
0xc0: {  	[dreg:$0x1] =	wrdreg $0xFFFFFFFF  }
0xc1: {  	_ =	task.clear_ibuf [dreg:s6], $0x2FFFF;
	_ =	strace $0x9FFFFFFF  }
0xc2: {  	(tm) =	ssettm $0x7FFFFFFF  }
0xc3: {  	_ =	shalt  }
tec
execute0_lowered:
.L_overlay_start_1:
0x0: {  	(tag) =	ssettag $0x1  }
0x1: {  	s0 =	rddreg [dreg:$0x0]  }
0x2: {  	s1 =	rddreg [dreg:$0x1];
	s2 =	simm.s32 $0x0;
	s3 =	srdreg.scid  }
0x3: {  	s9 =	stileid.u32;
	s29 =	simm.s32 $0x420;
	s30 =	simm.s32 $0xB  }
0x4: {  	s31 =	simm.s32 $0x200;
	s28 =	simm.s32 $0x8;
	[smem:$0x7FF] =	sst s2  }
0x5: {  	s4 =	sadd.s32 $0x15C00, s0;
	s5 =	sadd.s32 $0x2200, s0;
	s3 =	sand.u32 $0x1, s3  }
0x6: {  	s11 =	smul.u32 $0x13C00, s9;
	s12 =	sadd.s32 $0x3D400, s0;
	_ =	strace $0x8000004A  }
0x7: {  	s6 =	ssub.s32 $0x2, s3;
	s7 =	sshll.u32 s3, $0x4;
	s15 =	smul.u32 $0x13C000, s3  }
0x8: {  	s3 =	smul.u32 $0x27100, s3;
	s8 =	sshrl.u32 s6, $0x1;
	s7 =	sor.u32 s9, s7  }
0x9: {  	s10 =	sadd.s32 s11, s1;
	s18 =	sadd.s32 $0x4000, s11;
	s19 =	sadd.s32 $0x8000, s11  }
0xa: {  	s20 =	sadd.s32 $0xC000, s11;
	s14 =	sadd.s32 $0x10000, s11;
	s0 =	ssub.s32 s6, s8  }
0xb: {  	s17 =	smul.u32 $0x2710, s7;
	s25 =	sadd.s32 s18, s1;
	s13 =	sadd.s32 s19, s1  }
0xc: {  	s16 =	sadd.s32 s20, s1;
	s21 =	sadd.s32 s14, s1;
	[dreg:$0xa] =	wrdreg s10  }
0xd: {  	s23 =	sadd.s32 s11, s15;
	s7 =	sadd.s32 s15, s18;
	[dreg:$0xc] =	wrdreg s13  }
0xe: {  	s8 =	sadd.s32 s15, s19;
	s11 =	smul.u32 $0x2710, s9;
	[dreg:$0xd] =	wrdreg s16  }
0xf: {  	s18 =	sadd.s32 s15, s20;
	s20 =	sadd.s32 s15, s14;
	[dreg:$0xe] =	wrdreg s21  }
0x10: {  	s19 =	sshrl.u32 s18, $0x3;
	s0 =	smax.u32 s0, $0x1;
	[dreg:$0xb] =	wrdreg s25  }
0x11: {  	s6 =	sshrl.u32 s17, $0x3;
	s17 =	sshrl.u32 s8, $0x3;
	s3 =	sadd.s32 s11, s3  }
0x12: {  	[dreg:$0x1c] =	wrdreg s0;
	s0 =	simm.s32 $0x80;
	s16 =	sadd.s32 s5, s6  }
0x13: {  	s21 =	sadd.s32 $0x4E500, s3;
	s8 =	sadd.s32 $0x300, s3;
	s9 =	sadd.s32 $0x380, s3  }
0x14: {  	s11 =	sadd.s32 $0x4E480, s3;
	s6 =	sadd.s32 $0x9C40, s16;
	[dreg:$0xf] =	wrdreg s16  }
0x15: {  	s15 =	sadd.s32 $0x280, s3;
	s22 =	sadd.s32 $0x10, s16;
	[dreg:$0x10] =	wrdreg s6  }
0x16: {  	s18 =	sadd.s32 $0x4E400, s3;
	s24 =	sadd.s32 $0x9C50, s16;
	[dreg:$0x11] =	wrdreg s22  }
0x17: {  	s26 =	sadd.s32 $0x20, s16;
	s13 =	sshrl.u32 s11, $0x3;
	[dreg:$0x12] =	wrdreg s24  }
0x18: {  	s11 =	simm.s32 $0x100;
	[dreg:$0x13] =	wrdreg s26;
	s6 =	sshrl.u32 s23, $0x3  }
0x19: {  	s23 =	sshrl.u32 s8, $0x3;
	s26 =	sadd.s32 $0x4E580, s3;
	s14 =	sadd.s32 s13, s5  }
0x1a: {  	s13 =	simm.s32 $0x300;
	s6 =	sadd.s32 s12, s6;
	s24 =	sadd.s32 s23, s5  }
0x1b: {  	s8 =	sshrl.u32 s26, $0x3;
	[dreg:$0x7] =	wrdreg s14;
	s23 =	sadd.s32 $0x200, s3  }
0x1c: {  	s26 =	sadd.s32 $0xA120, s16;
	s3 =	simm.s32 $0x280;
	[dreg:$0x14] =	wrdreg s6  }
0x1d: {  	s14 =	simm.s32 $0x180;
	s6 =	sshrl.u32 s7, $0x3;
	[dreg:$0x4] =	wrdreg s24  }
0x1e: {  	s7 =	sshrl.u32 s21, $0x3;
	[dreg:$0x1d] =	wrdreg s23;
	s24 =	sadd.s32 $0x4E0, s16  }
0x1f: {  	[dreg:$0x1f] =	wrdreg s26;
	s23 =	simm.s32 $0x6;
	s26 =	simm.s32 $0x7  }
0x20: {  	s6 =	sadd.s32 s12, s6;
	s22 =	sadd.s32 s7, s5;
	[dreg:$0x1e] =	wrdreg s24  }
0x21: {  	s7 =	sshrl.u32 s9, $0x3;
	s24 =	simm.s32 $0x4;
	[dreg:$0x15] =	wrdreg s6  }
0x22: {  	s6 =	sadd.s32 s12, s17;
	[dreg:$0x3] =	wrdreg s22;
	s17 =	sshrl.u32 s15, $0x3  }
0x23: {  	s22 =	sadd.s32 $0x9C70, s16;
	s15 =	simm.s32 $0x380;
	[dreg:$0x16] =	wrdreg s6  }
0x24: {  	s6 =	sadd.s32 s12, s19;
	s19 =	sadd.s32 $0x9C60, s16;
	[dreg:$0x1b] =	wrdreg s22  }
0x25: {  	s22 =	simm.s32 $0xA;
	[dreg:$0x17] =	wrdreg s6;
	s6 =	sshrl.u32 s20, $0x3  }
0x26: {  	[dreg:$0x19] =	wrdreg s19;
	s20 =	sadd.s32 $0x30, s16;
	s16 =	simm.s32 $0x1  }
0x27: {  	s19 =	simm.s32 $0x9;
	s6 =	sadd.s32 s12, s6;
	[dreg:$0x1a] =	wrdreg s20  }
0x28: {  	s12 =	sadd.s32 s7, s5;
	s7 =	sshrl.u32 s18, $0x3;
	[dreg:$0x18] =	wrdreg s6  }
0x29: {  	s18 =	simm.s32 $0x4420;
	s6 =	sadd.s32 s8, s5;
	[dreg:$0x6] =	wrdreg s12  }
0x2a: {  	s20 =	simm.s32 $0x5;
	s21 =	sadd.s32 s7, s5;
	[dreg:$0x5] =	wrdreg s6  }
0x2b: {  	s7 =	simm.s32 $0x0;
	s6 =	sadd.s32 s17, s5;
	[dreg:$0x9] =	wrdreg s21  }
0x2c: {  	v0 =	vimm.f32 $0.0e+00;
	s17 =	simm.s32 $0x2;
	s21 =	simm.s32 $0x3;
	[dreg:$0x8] =	wrdreg s6  }
.LBB2_1:
0x2d: {  	[smem:$0x7FD] =	sst s7;
	s6 =	simm.s32 $0x0;
	s8 =	simm.s32 $0x200  }
.LBB2_2:
0x2e: {  	p0 =	sne.s32 s8, $0xFE00;
	[tilespmem:s6+$0x490] =	vst v0  }
0x2f: {  	[tilespmem:s6+$0x420] =	vst v0  }
0x30: {  	[tilespmem:s6+$0x430] =	vst v0  }
.Ltmp0:
0x31: {  	[tilespmem:s6+$0x440] =	vst v0;
	(pc) =	sbr.rel @p0 .LBB2_2-.Ltmp0, $4  }
0x32: {  	[tilespmem:s6+$0x450] =	vst v0  }
0x33: {  	[tilespmem:s6+$0x460] =	vst v0  }
0x34: {  	[tilespmem:s6+$0x470] =	vst v0  }
0x35: {  	[tilespmem:s6+$0x480] =	vst v0;
	s6 =	sshra.s32 s8, $0x2;
	s8 =	sadd.s32 $0x200, s8  }
0x36: {  	[tilespmem:s6+$0x490] =	vst v0  }
0x37: {  	[tilespmem:s6+$0x420] =	vst v0  }
0x38: {  	[tilespmem:s6+$0x430] =	vst v0  }
0x39: {  	[tilespmem:s6+$0x440] =	vst v0  }
0x3a: {  	[tilespmem:s6+$0x450] =	vst v0  }
0x3b: {  	[tilespmem:s6+$0x460] =	vst v0  }
0x3c: {  	[tilespmem:s6+$0x470] =	vst v0  }
0x3d: {  	[tilespmem:s6+$0x480] =	vst v0  }
0x3e: {  	[spmem:s10] =	stream.linear.scatter [tilespmem:s29], [sflag:$0xB], $0x4000, $0x38;
	[tilespmem:$0x1C020] =	vst v63  }
0x3f: {  	_ =	swait.ge [sflag:s30], $0x4000  }
0x40: {  	[sflag:s30] =	ssyncset.done $0x0  }
0x41: {  	[sflag:s30] =	ssyncadd.s32 $0xFFFFC000  }
0x42: {  	[spmem:s25] =	stream.linear.scatter [tilespmem:s29], [sflag:$0xB], $0x4000, $0x38;
	[tilespmem:$0x1C020] =	vst v63  }
0x43: {  	_ =	swait.ge [sflag:s30], $0x4000  }
0x44: {  	[sflag:s30] =	ssyncset.done $0x0  }
0x45: {  	s7 =	rddreg [dreg:$0xc];
	[sflag:s30] =	ssyncadd.s32 $0xFFFFC000  }
0x46: {  	[spmem:s7] =	stream.linear.scatter [tilespmem:s29], [sflag:$0xB], $0x4000, $0x38;
	[tilespmem:$0x1C020] =	vst v63  }
0x47: {  	_ =	swait.ge [sflag:s30], $0x4000  }
0x48: {  	[sflag:s30] =	ssyncset.done $0x0  }
0x49: {  	s8 =	rddreg [dreg:$0xd];
	[sflag:s30] =	ssyncadd.s32 $0xFFFFC000  }
0x4a: {  	[spmem:s8] =	stream.linear.scatter [tilespmem:s29], [sflag:$0xB], $0x4000, $0x38;
	[tilespmem:$0x1C020] =	vst v63  }
0x4b: {  	_ =	swait.ge [sflag:s30], $0x4000  }
0x4c: {  	[sflag:s30] =	ssyncset.done $0x0  }
0x4d: {  	s9 =	rddreg [dreg:$0xe];
	[sflag:s30] =	ssyncadd.s32 $0xFFFFC000  }
0x4e: {  	[spmem:s9] =	stream.linear.scatter [tilespmem:s29], [sflag:$0xB], $0x3C00, $0x38;
	[tilespmem:$0x1C020] =	vst v63  }
0x4f: {  	_ =	swait.ge [sflag:s30], $0x3C00  }
0x50: {  	[sflag:s30] =	ssyncset.done $0x0  }
0x51: {  	[sflag:s30] =	ssyncadd.s32 $0xFFFFC400  }
0x52: {  	[bflag:$0x0] =	sbarrier.arrive $0xFFFF  }
0x53: {  	s6 =	simm.s32 $0x0;
	s7 =	rddreg [dreg:$0xf]  }
0x54: {  	[tilespmem:s6], [sflag:$0x1] =	stream.linear.gather [hbm4b:s7+s6], $0x80, $0x38;
	[tilespmem:$0x1C020] =	vst v63  }
0x55: {  	s10 =	rddreg [dreg:$0x10]  }
0x56: {  	[tilespmem:s31], [sflag:$0x5] =	stream.linear.gather [hbm4b:s10+s6], $0x80, $0x38;
	[tilespmem:$0x1C020] =	vst v63  }
0x57: {  	s12 =	rddreg [dreg:$0x11]  }
0x58: {  	[tilespmem:s0], [sflag:$0x2] =	stream.linear.gather [hbm4b:s12+s6], $0x80, $0x38;
	[tilespmem:$0x1C020] =	vst v63  }
0x59: {  	s25 =	rddreg [dreg:$0x12]  }
0x5a: {  	[tilespmem:s3], [sflag:$0x6] =	stream.linear.gather [hbm4b:s25+s6], $0x80, $0x38;
	[tilespmem:$0x1C020] =	vst v63  }
0x5b: {  	s8 =	rddreg [dreg:$0x13]  }
0x5c: {  	[tilespmem:s11], [sflag:$0x3] =	stream.linear.gather [hbm4b:s8+s6], $0x80, $0x38;
	[tilespmem:$0x1C020] =	vst v63  }
0x5d: {  	s9 =	rddreg [dreg:$0x19]  }
0x5e: {  	[tilespmem:s13], [sflag:$0x7] =	stream.linear.gather [hbm4b:s9+s6], $0x80, $0x38;
	[tilespmem:$0x1C020] =	vst v63  }
0x5f: {  	s10 =	rddreg [dreg:$0x1a]  }
0x60: {  	[tilespmem:s14], [sflag:$0x4] =	stream.linear.gather [hbm4b:s10+s6], $0x80, $0x38;
	[tilespmem:$0x1C020] =	vst v63  }
0x61: {  	s12 =	rddreg [dreg:$0x1b]  }
0x62: {  	[tilespmem:s15], [sflag:$0x8] =	stream.linear.gather [hbm4b:s12+s6], $0x80, $0x38;
	[tilespmem:$0x1C020] =	vst v63  }
0x63: {  	_ =	swait.ge [sflag:s16], $0x80  }
0x64: {  	[sflag:s16] =	ssyncset.done $0x0  }
0x65: {  	[sflag:s16] =	ssyncadd.s32 $0xFFFFFF80  }
0x66: {  	[tilespmem:s29], [sflag:$0x9] =	stream.indirect.gather [hbm4b:s4+s0], $0x80, s6, s0, $0xb8;
	[tilespmem:$0x1C020] =	vst v63  }
0x67: {  	_ =	swait.ge [sflag:s17], $0x80  }
0x68: {  	[sflag:s17] =	ssyncset.done $0x0  }
0x69: {  	[sflag:s17] =	ssyncadd.s32 $0xFFFFFF80  }
0x6a: {  	[tilespmem:s18], [sflag:$0xA] =	stream.indirect.gather [hbm4b:s4+s0], $0x80, s0, s0, $0xb8;
	[tilespmem:$0x1C020] =	vst v63  }
0x6b: {  	_ =	swait.ge [sflag:s19], $0x4000  }
0x6c: {  	[sflag:s19] =	ssyncset.done $0x0  }
0x6d: {  	[sflag:s19] =	ssyncadd.s32 $0xFFFFC000  }
0x6e: {  	_ =	swait.ge [sflag:s20], $0x80  }
0x6f: {  	[sflag:s20] =	ssyncset.done $0x0  }
0x70: {  	[sflag:s20] =	ssyncadd.s32 $0xFFFFFF80  }
0x71: {  	[spmem:s1] =	stream.indirect.scatter.add.f32 [tilespmem:s29], [sflag:$0xB], $0x80, s31, s0, $0xb8;
	[tilespmem:$0x1C020] =	vst v63  }
0x72: {  	_ =	swait.ge [sflag:s30], $0x4000  }
0x73: {  	s7 =	rddreg [dreg:$0x1d]  }
0x74: {  	[sflag:s30] =	ssyncset.done $0x0;
	s25 =	sshrl.u32 s7, $0x3  }
0x75: {  	s8 =	rddreg [dreg:$0x9];
	[sflag:s30] =	ssyncadd.s32 $0xFFFFC000;
	s6 =	sadd.s32 s5, s25  }
0x76: {  	[tilespmem:s2], [sflag:$0x1] =	stream.linear.gather [hbm4b:s6+s2], $0x80, $0x38;
	[tilespmem:$0x1C020] =	vst v63  }
0x77: {  	s9 =	sadd.s32 $0x0, s8  }
0x78: {  	[tilespmem:s31], [sflag:$0x5] =	stream.linear.gather [hbm4b:s9+s2], $0x80, $0x38;
	[tilespmem:$0x1C020] =	vst v63  }
0x79: {  	_ =	swait.ge [sflag:s21], $0x80  }
0x7a: {  	[sflag:s21] =	ssyncset.done $0x0  }
0x7b: {  	[sflag:s21] =	ssyncadd.s32 $0xFFFFFF80  }
0x7c: {  	[tilespmem:s29], [sflag:$0x9] =	stream.indirect.gather [hbm4b:s4+s0], $0x80, s11, s0, $0xb8;
	[tilespmem:$0x1C020] =	vst v63  }
0x7d: {  	_ =	swait.ge [sflag:s22], $0x4000  }
0x7e: {  	[sflag:s22] =	ssyncset.done $0x0  }
0x7f: {  	[sflag:s22] =	ssyncadd.s32 $0xFFFFC000  }
0x80: {  	_ =	swait.ge [sflag:s23], $0x80  }
0x81: {  	[sflag:s23] =	ssyncset.done $0x0  }
0x82: {  	[sflag:s23] =	ssyncadd.s32 $0xFFFFFF80  }
0x83: {  	[spmem:s1] =	stream.indirect.scatter.add.f32 [tilespmem:s18], [sflag:$0xB], $0x80, s3, s0, $0xb8;
	[tilespmem:$0x1C020] =	vst v63  }
0x84: {  	_ =	swait.ge [sflag:s30], $0x4000  }
0x85: {  	s10 =	rddreg [dreg:$0x8];
	[sflag:s30] =	ssyncset.done $0x0  }
0x86: {  	s12 =	rddreg [dreg:$0x7];
	[sflag:s30] =	ssyncadd.s32 $0xFFFFC000;
	s6 =	sadd.s32 $0x0, s10  }
0x87: {  	[tilespmem:s0], [sflag:$0x2] =	stream.linear.gather [hbm4b:s6+s2], $0x80, $0x38;
	[tilespmem:$0x1C020] =	vst v63  }
0x88: {  	s25 =	sadd.s32 $0x0, s12  }
0x89: {  	[tilespmem:s3], [sflag:$0x6] =	stream.linear.gather [hbm4b:s25+s2], $0x80, $0x38;
	[tilespmem:$0x1C020] =	vst v63  }
0x8a: {  	_ =	swait.ge [sflag:s24], $0x80  }
0x8b: {  	[sflag:s24] =	ssyncset.done $0x0  }
0x8c: {  	[sflag:s24] =	ssyncadd.s32 $0xFFFFFF80  }
0x8d: {  	[tilespmem:s18], [sflag:$0xA] =	stream.indirect.gather [hbm4b:s4+s0], $0x80, s14, s0, $0xb8;
	[tilespmem:$0x1C020] =	vst v63  }
0x8e: {  	_ =	swait.ge [sflag:s19], $0x4000  }
0x8f: {  	[sflag:s19] =	ssyncset.done $0x0  }
0x90: {  	[sflag:s19] =	ssyncadd.s32 $0xFFFFC000  }
0x91: {  	_ =	swait.ge [sflag:s26], $0x80  }
0x92: {  	[sflag:s26] =	ssyncset.done $0x0  }
0x93: {  	p0 =	por $0x0, $0x0;
	[sflag:s26] =	ssyncadd.s32 $0xFFFFFF80  }
0x94: {  	[spmem:s1] =	stream.indirect.scatter.add.f32 [tilespmem:s29], [sflag:$0xB], $0x80, s13, s0, $0xb8;
	[tilespmem:$0x1C020] =	vst v63  }
0x95: {  	s9 =	simm.s32 @!p0 $0x100;
	_ =	swait.ge [sflag:s30], $0x4000  }
0x96: {  	s25 =	simm.s32 @!p0 $0x0;
	s6 =	rddreg [dreg:$0x4];
	[sflag:s30] =	ssyncset.done $0x0  }
0x97: {  	s8 =	rddreg [dreg:$0x3];
	[sflag:s30] =	ssyncadd.s32 $0xFFFFC000;
	s6 =	sadd.s32 @!p0 $0x0, s6  }
0x98: {  	[tilespmem:s9], [sflag:$0x3] =	stream.linear.gather @!p0 [hbm4b:s6+s25], $0x80, $0x38;
	[tilespmem:$0x1C020] =	vst v63  }
0x99: {  	s8 =	sadd.s32 @!p0 $0x0, s8;
	s6 =	simm.s32 @!p0 $0x300  }
0x9a: {  	[tilespmem:s6], [sflag:$0x7] =	stream.linear.gather @!p0 [hbm4b:s8+s25], $0x80, $0x38;
	[tilespmem:$0x1C020] =	vst v63  }
0x9b: {  	_ =	swait.ge [sflag:s16], $0x80  }
0x9c: {  	[sflag:s16] =	ssyncset.done $0x0  }
0x9d: {  	[sflag:s16] =	ssyncadd.s32 $0xFFFFFF80  }
0x9e: {  	[tilespmem:s29], [sflag:$0x9] =	stream.indirect.gather [hbm4b:s4+s0], $0x80, s2, s0, $0xb8;
	[tilespmem:$0x1C020] =	vst v63  }
0x9f: {  	_ =	swait.ge [sflag:s22], $0x4000  }
0xa0: {  	[sflag:s22] =	ssyncset.done $0x0  }
0xa1: {  	[sflag:s22] =	ssyncadd.s32 $0xFFFFC000  }
0xa2: {  	_ =	swait.ge [sflag:s28], $0x80  }
0xa3: {  	[sflag:s28] =	ssyncset.done $0x0  }
0xa4: {  	[sflag:s28] =	ssyncadd.s32 $0xFFFFFF80  }
0xa5: {  	[spmem:s1] =	stream.indirect.scatter.add.f32 [tilespmem:s18], [sflag:$0xB], $0x80, s15, s0, $0xb8;
	[tilespmem:$0x1C020] =	vst v63  }
0xa6: {  	_ =	swait.ge [sflag:s30], $0x4000  }
0xa7: {  	s9 =	simm.s32 @!p0 $0x180;
	s6 =	rddreg [dreg:$0x6];
	[sflag:s30] =	ssyncset.done $0x0  }
0xa8: {  	s8 =	rddreg [dreg:$0x5];
	[sflag:s30] =	ssyncadd.s32 $0xFFFFC000;
	s6 =	sadd.s32 @!p0 $0x0, s6  }
0xa9: {  	[tilespmem:s9], [sflag:$0x4] =	stream.linear.gather @!p0 [hbm4b:s6+s25], $0x80, $0x38;
	[tilespmem:$0x1C020] =	vst v63  }
0xaa: {  	s8 =	sadd.s32 @!p0 $0x0, s8;
	s6 =	simm.s32 @!p0 $0x380  }
0xab: {  	[tilespmem:s6], [sflag:$0x8] =	stream.linear.gather @!p0 [hbm4b:s8+s25], $0x80, $0x38;
	[tilespmem:$0x1C020] =	vst v63  }
0xac: {  	_ =	swait.ge [sflag:s17], $0x80  }
0xad: {  	s6 =	simm.s32 $0x40;
	s25 =	smov.u32 s7;
	[sflag:s17] =	ssyncset.done $0x0  }
.LBB2_4:
0xae: {  	[sflag:s17] =	ssyncadd.s32 $0xFFFFFF80  }
0xaf: {  	[tilespmem:s18], [sflag:$0xA] =	stream.indirect.gather [hbm4b:s4+s0], $0x80, s0, s0, $0xb8;
	[tilespmem:$0x1C020] =	vst v63  }
0xb0: {  	_ =	swait.ge [sflag:s19], $0x4000  }
0xb1: {  	[sflag:s19] =	ssyncset.done $0x0  }
0xb2: {  	[sflag:s19] =	ssyncadd.s32 $0xFFFFC000  }
0xb3: {  	_ =	swait.ge [sflag:s20], $0x80  }
0xb4: {  	[sflag:s20] =	ssyncset.done $0x0  }
0xb5: {  	[sflag:s20] =	ssyncadd.s32 $0xFFFFFF80  }
0xb6: {  	[spmem:s1] =	stream.indirect.scatter.add.f32 [tilespmem:s29], [sflag:$0xB], $0x80, s31, s0, $0xb8;
	[tilespmem:$0x1C020] =	vst v63  }
0xb7: {  	s25 =	sadd.s32 $0x200, s25;
	_ =	swait.ge [sflag:s30], $0x4000  }
0xb8: {  	s8 =	smov.u32 s6;
	s9 =	sshrl.u32 s25, $0x3;
	[sflag:s30] =	ssyncset.done $0x0  }
0xb9: {  	s9 =	sadd.s32 s5, s9;
	s10 =	rddreg [dreg:$0x9];
	[sflag:s30] =	ssyncadd.s32 $0xFFFFC000  }
0xba: {  	[tilespmem:s2], [sflag:$0x1] =	stream.linear.gather [hbm4b:s9+s2], $0x80, $0x38;
	[tilespmem:$0x1C020] =	vst v63  }
0xbb: {  	s7 =	sadd.s32 s8, s10  }
0xbc: {  	[tilespmem:s31], [sflag:$0x5] =	stream.linear.gather [hbm4b:s7+s2], $0x80, $0x38;
	[tilespmem:$0x1C020] =	vst v63  }
0xbd: {  	_ =	swait.ge [sflag:s21], $0x80  }
0xbe: {  	[sflag:s21] =	ssyncset.done $0x0  }
0xbf: {  	[sflag:s21] =	ssyncadd.s32 $0xFFFFFF80  }
0xc0: {  	[tilespmem:s29], [sflag:$0x9] =	stream.indirect.gather [hbm4b:s4+s0], $0x80, s11, s0, $0xb8;
	[tilespmem:$0x1C020] =	vst v63  }
0xc1: {  	_ =	swait.ge [sflag:s22], $0x4000  }
0xc2: {  	[sflag:s22] =	ssyncset.done $0x0  }
0xc3: {  	[sflag:s22] =	ssyncadd.s32 $0xFFFFC000  }
0xc4: {  	_ =	swait.ge [sflag:s23], $0x80  }
0xc5: {  	[sflag:s23] =	ssyncset.done $0x0  }
0xc6: {  	[sflag:s23] =	ssyncadd.s32 $0xFFFFFF80  }
0xc7: {  	[spmem:s1] =	stream.indirect.scatter.add.f32 [tilespmem:s18], [sflag:$0xB], $0x80, s3, s0, $0xb8;
	[tilespmem:$0x1C020] =	vst v63  }
0xc8: {  	_ =	swait.ge [sflag:s30], $0x4000  }
0xc9: {  	s10 =	rddreg [dreg:$0x8];
	[sflag:s30] =	ssyncset.done $0x0  }
0xca: {  	s11 =	rddreg [dreg:$0x7];
	[sflag:s30] =	ssyncadd.s32 $0xFFFFC000;
	s9 =	sadd.s32 s8, s10  }
0xcb: {  	[tilespmem:s0], [sflag:$0x2] =	stream.linear.gather [hbm4b:s9+s2], $0x80, $0x38;
	[tilespmem:$0x1C020] =	vst v63  }
0xcc: {  	s12 =	sadd.s32 s8, s11  }
0xcd: {  	[tilespmem:s3], [sflag:$0x6] =	stream.linear.gather [hbm4b:s12+s2], $0x80, $0x38;
	[tilespmem:$0x1C020] =	vst v63  }
0xce: {  	_ =	swait.ge [sflag:s24], $0x80  }
0xcf: {  	[sflag:s24] =	ssyncset.done $0x0  }
0xd0: {  	[sflag:s24] =	ssyncadd.s32 $0xFFFFFF80  }
0xd1: {  	[tilespmem:s18], [sflag:$0xA] =	stream.indirect.gather [hbm4b:s4+s0], $0x80, s14, s0, $0xb8;
	[tilespmem:$0x1C020] =	vst v63  }
0xd2: {  	_ =	swait.ge [sflag:s19], $0x4000  }
0xd3: {  	[sflag:s19] =	ssyncset.done $0x0  }
0xd4: {  	[sflag:s19] =	ssyncadd.s32 $0xFFFFC000  }
0xd5: {  	_ =	swait.ge [sflag:s26], $0x80  }
0xd6: {  	[sflag:s26] =	ssyncset.done $0x0  }
0xd7: {  	p1 =	seq.s32 s8, $0x480;
	[sflag:s26] =	ssyncadd.s32 $0xFFFFFF80  }
0xd8: {  	[spmem:s1] =	stream.indirect.scatter.add.f32 [tilespmem:s29], [sflag:$0xB], $0x80, s13, s0, $0xb8;
	[tilespmem:$0x1C020] =	vst v63  }
0xd9: {  	s7 =	simm.s32 @!p1 $0x0;
	_ =	swait.ge [sflag:s30], $0x4000  }
0xda: {  	s11 =	simm.s32 @!p1 $0x100;
	s9 =	rddreg [dreg:$0x4];
	[sflag:s30] =	ssyncset.done $0x0  }
0xdb: {  	s10 =	rddreg [dreg:$0x3];
	[sflag:s30] =	ssyncadd.s32 $0xFFFFC000;
	s9 =	sadd.s32 @!p1 s8, s9  }
0xdc: {  	[tilespmem:s11], [sflag:$0x3] =	stream.linear.gather @!p1 [hbm4b:s9+s7], $0x80, $0x38;
	[tilespmem:$0x1C020] =	vst v63  }
0xdd: {  	s12 =	simm.s32 @!p1 $0x300;
	s9 =	sadd.s32 @!p1 s8, s10  }
0xde: {  	[tilespmem:s12], [sflag:$0x7] =	stream.linear.gather @!p1 [hbm4b:s9+s7], $0x80, $0x38;
	[tilespmem:$0x1C020] =	vst v63  }
0xdf: {  	_ =	swait.ge [sflag:s16], $0x80  }
0xe0: {  	[sflag:s16] =	ssyncset.done $0x0  }
0xe1: {  	[sflag:s16] =	ssyncadd.s32 $0xFFFFFF80  }
0xe2: {  	[tilespmem:s29], [sflag:$0x9] =	stream.indirect.gather [hbm4b:s4+s0], $0x80, s2, s0, $0xb8;
	[tilespmem:$0x1C020] =	vst v63  }
0xe3: {  	_ =	swait.ge [sflag:s22], $0x4000  }
0xe4: {  	[sflag:s22] =	ssyncset.done $0x0  }
0xe5: {  	[sflag:s22] =	ssyncadd.s32 $0xFFFFC000  }
0xe6: {  	_ =	swait.ge [sflag:s28], $0x80  }
0xe7: {  	[sflag:s28] =	ssyncset.done $0x0  }
0xe8: {  	[sflag:s28] =	ssyncadd.s32 $0xFFFFFF80  }
0xe9: {  	[spmem:s1] =	stream.indirect.scatter.add.f32 [tilespmem:s18], [sflag:$0xB], $0x80, s15, s0, $0xb8;
	[tilespmem:$0x1C020] =	vst v63  }
0xea: {  	s6 =	sadd.s32 $0x40, s6;
	_ =	swait.ge [sflag:s30], $0x4000  }
0xeb: {  	p0 =	sne.s32 s6, $0x4C0;
	s9 =	rddreg [dreg:$0x6];
	[sflag:s30] =	ssyncset.done $0x0  }
0xec: {  	s11 =	simm.s32 @!p1 $0x180;
	[sflag:s30] =	ssyncadd.s32 $0xFFFFC000;
	s9 =	sadd.s32 @!p1 s8, s9  }
0xed: {  	[tilespmem:s11], [sflag:$0x4] =	stream.linear.gather @!p1 [hbm4b:s9+s7], $0x80, $0x38;
	[tilespmem:$0x1C020] =	vst v63  }
.Ltmp1:
0xee: {  	s10 =	rddreg [dreg:$0x5];
	(pc) =	sbr.rel @p0 .LBB2_4-.Ltmp1, $4  }
0xef: {  	s12 =	simm.s32 @!p1 $0x380;
	s8 =	sadd.s32 @!p1 s8, s10  }
0xf0: {  	[tilespmem:s12], [sflag:$0x8] =	stream.linear.gather @!p1 [hbm4b:s8+s7], $0x80, $0x38;
	[tilespmem:$0x1C020] =	vst v63  }
0xf1: {  	_ =	swait.ge [sflag:s17], $0x80  }
0xf2: {  	s11 =	simm.s32 $0x100;
	[sflag:s17] =	ssyncset.done $0x0  }
0xf3: {  	[sflag:s17] =	ssyncadd.s32 $0xFFFFFF80  }
0xf4: {  	[tilespmem:s18], [sflag:$0xA] =	stream.indirect.gather [hbm4b:s4+s0], $0x80, s0, s0, $0xb8;
	[tilespmem:$0x1C020] =	vst v63  }
0xf5: {  	_ =	swait.ge [sflag:s19], $0x4000  }
0xf6: {  	[sflag:s19] =	ssyncset.done $0x0  }
0xf7: {  	[sflag:s19] =	ssyncadd.s32 $0xFFFFC000  }
0xf8: {  	_ =	swait.ge [sflag:s20], $0x80  }
0xf9: {  	[sflag:s20] =	ssyncset.done $0x0  }
0xfa: {  	[sflag:s20] =	ssyncadd.s32 $0xFFFFFF80  }
0xfb: {  	[spmem:s1] =	stream.indirect.scatter.add.f32 [tilespmem:s29], [sflag:$0xB], $0x80, s31, s0, $0xb8;
	[tilespmem:$0x1C020] =	vst v63  }
0xfc: {  	_ =	swait.ge [sflag:s30], $0x4000  }
0xfd: {  	[sflag:s30] =	ssyncset.done $0x0  }
0xfe: {  	[sflag:s30] =	ssyncadd.s32 $0xFFFFC000  }
0xff: {  	_ =	swait.ge [sflag:s22], $0x4000  }
0x100: {  	[sflag:s22] =	ssyncset.done $0x0  }
0x101: {  	[sflag:s22] =	ssyncadd.s32 $0xFFFFC000  }
0x102: {  	_ =	swait.ge [sflag:s23], $0x80  }
0x103: {  	[sflag:s23] =	ssyncset.done $0x0  }
0x104: {  	[sflag:s23] =	ssyncadd.s32 $0xFFFFFF80  }
0x105: {  	[spmem:s1] =	stream.indirect.scatter.add.f32 [tilespmem:s18], [sflag:$0xB], $0x80, s3, s0, $0xb8;
	[tilespmem:$0x1C020] =	vst v63  }
0x106: {  	_ =	swait.ge [sflag:s30], $0x4000  }
0x107: {  	[sflag:s30] =	ssyncset.done $0x0  }
0x108: {  	s7 =	simm.s32 $0x400;
	s6 =	rddreg [dreg:$0x1e];
	[sflag:s30] =	ssyncadd.s32 $0xFFFFC000  }
0x109: {  	[tilespmem:s7], [sflag:$0xB] =	stream.linear.gather [hbm4b:s6+s2], $0x10, $0x38;
	[tilespmem:$0x1C020] =	vst v63  }
0x10a: {  	_ =	swait.ge [sflag:s30], $0x10  }
0x10b: {  	[sflag:s30] =	ssyncset.done $0x0  }
0x10c: {  	s8 =	simm.s32 $0x410;
	s12 =	rddreg [dreg:$0x1f];
	[sflag:s30] =	ssyncadd.s32 $0xFFFFFFF0  }
0x10d: {  	[tilespmem:s8], [sflag:$0xB] =	stream.linear.gather [hbm4b:s12+s2], $0x10, $0x38;
	[tilespmem:$0x1C020] =	vst v63  }
0x10e: {  	_ =	swait.ge [sflag:s30], $0x10  }
0x10f: {  	[sflag:s30] =	ssyncset.done $0x0  }
0x110: {  	s25 =	simm.s32 $0x10;
	[sflag:s30] =	ssyncadd.s32 $0xFFFFFFF0  }
0x111: {  	[tilespmem:s29], [sflag:$0x9] =	stream.indirect.gather [hbm4b:s4+s25], $0x80, s7, s25, $0xb8;
	[tilespmem:$0x1C020] =	vst v63  }
0x112: {  	_ =	swait.ge [sflag:s19], $0x800  }
0x113: {  	[sflag:s19] =	ssyncset.done $0x0  }
0x114: {  	[sflag:s19] =	ssyncadd.s32 $0xFFFFF800  }
0x115: {  	[spmem:s1] =	stream.indirect.scatter.add.f32 [tilespmem:s29], [sflag:$0xB], $0x80, s8, s25, $0xb8;
	[tilespmem:$0x1C020] =	vst v63  }
0x116: {  	_ =	swait.ge [sflag:s30], $0x800  }
0x117: {  	[sflag:s30] =	ssyncset.done $0x0  }
0x118: {  	[sflag:s30] =	ssyncadd.s32 $0xFFFFF800  }
0x119: {  	[bflag:$0x0] =	sbarrier.arrive $0xFFFF  }
0x11a: {  	s10 =	rddreg [dreg:$0xa]  }
0x11b: {  	[tilespmem:s29], [sflag:$0xB] =	stream.linear.gather [spmem:s10], $0x4000, $0x38;
	[tilespmem:$0x1C020] =	vst v63  }
0x11c: {  	_ =	swait.ge [sflag:s30], $0x4000  }
0x11d: {  	[sflag:s30] =	ssyncset.done $0x0  }
0x11e: {  	s9 =	rddreg [dreg:$0x14];
	[sflag:s30] =	ssyncadd.s32 $0xFFFFC000  }
0x11f: {  	[hbm4b:s9+s2] =	stream.linear.scatter [tilespmem:s29], [sflag:$0xB], $0x4000, $0x38;
	[tilespmem:$0x1C020] =	vst v63  }
0x120: {  	_ =	swait.ge [sflag:s30], $0x4000  }
0x121: {  	[sflag:s30] =	ssyncset.done $0x0  }
0x122: {  	s25 =	rddreg [dreg:$0xb];
	[sflag:s30] =	ssyncadd.s32 $0xFFFFC000  }
0x123: {  	[tilespmem:s29], [sflag:$0xB] =	stream.linear.gather [spmem:s25], $0x4000, $0x38;
	[tilespmem:$0x1C020] =	vst v63  }
0x124: {  	_ =	swait.ge [sflag:s30], $0x4000  }
0x125: {  	[sflag:s30] =	ssyncset.done $0x0  }
0x126: {  	s12 =	rddreg [dreg:$0x15];
	[sflag:s30] =	ssyncadd.s32 $0xFFFFC000  }
0x127: {  	[hbm4b:s12+s2] =	stream.linear.scatter [tilespmem:s29], [sflag:$0xB], $0x4000, $0x38;
	[tilespmem:$0x1C020] =	vst v63  }
0x128: {  	_ =	swait.ge [sflag:s30], $0x4000  }
0x129: {  	[sflag:s30] =	ssyncset.done $0x0  }
0x12a: {  	s7 =	rddreg [dreg:$0xc];
	[sflag:s30] =	ssyncadd.s32 $0xFFFFC000  }
0x12b: {  	[tilespmem:s29], [sflag:$0xB] =	stream.linear.gather [spmem:s7], $0x4000, $0x38;
	[tilespmem:$0x1C020] =	vst v63  }
0x12c: {  	_ =	swait.ge [sflag:s30], $0x4000  }
0x12d: {  	[sflag:s30] =	ssyncset.done $0x0  }
0x12e: {  	s8 =	rddreg [dreg:$0x16];
	[sflag:s30] =	ssyncadd.s32 $0xFFFFC000  }
0x12f: {  	[hbm4b:s8+s2] =	stream.linear.scatter [tilespmem:s29], [sflag:$0xB], $0x4000, $0x38;
	[tilespmem:$0x1C020] =	vst v63  }
0x130: {  	_ =	swait.ge [sflag:s30], $0x4000  }
0x131: {  	[sflag:s30] =	ssyncset.done $0x0  }
0x132: {  	s9 =	rddreg [dreg:$0xd];
	[sflag:s30] =	ssyncadd.s32 $0xFFFFC000  }
0x133: {  	[tilespmem:s29], [sflag:$0xB] =	stream.linear.gather [spmem:s9], $0x4000, $0x38;
	[tilespmem:$0x1C020] =	vst v63  }
0x134: {  	_ =	swait.ge [sflag:s30], $0x4000  }
0x135: {  	[sflag:s30] =	ssyncset.done $0x0  }
0x136: {  	s12 =	rddreg [dreg:$0x17];
	[sflag:s30] =	ssyncadd.s32 $0xFFFFC000  }
0x137: {  	[hbm4b:s12+s2] =	stream.linear.scatter [tilespmem:s29], [sflag:$0xB], $0x4000, $0x38;
	[tilespmem:$0x1C020] =	vst v63  }
0x138: {  	_ =	swait.ge [sflag:s30], $0x4000  }
0x139: {  	[sflag:s30] =	ssyncset.done $0x0  }
0x13a: {  	s7 =	rddreg [dreg:$0xe];
	[sflag:s30] =	ssyncadd.s32 $0xFFFFC000  }
0x13b: {  	[tilespmem:s29], [sflag:$0xB] =	stream.linear.gather [spmem:s7], $0x3C00, $0x38;
	[tilespmem:$0x1C020] =	vst v63  }
0x13c: {  	_ =	swait.ge [sflag:s30], $0x3C00  }
0x13d: {  	[sflag:s30] =	ssyncset.done $0x0  }
0x13e: {  	s8 =	rddreg [dreg:$0x18];
	[sflag:s30] =	ssyncadd.s32 $0xFFFFC400  }
0x13f: {  	[hbm4b:s8+s2] =	stream.linear.scatter [tilespmem:s29], [sflag:$0xB], $0x3C00, $0x38;
	[tilespmem:$0x1C020] =	vst v63  }
0x140: {  	_ =	swait.ge [sflag:s30], $0x3C00  }
0x141: {  	s9 =	sld [smem:$0x7FD];
	_ =	sdelay $0x2  }
0x142: {  	s12 =	rddreg [dreg:$0x1c];
	s7 =	sadd.s32 $0x1, s9  }
0x143: {  	p0 =	sne.s32 s7, s12  }
.Ltmp2:
0x144: {  	_ = 	snop;
	(pc) =	sbr.rel @p0 .LBB2_1-.Ltmp2, $3  }
0x145: {  	_ =	sdelay $0x1  }
0x146: {  	[sflag:s30] =	ssyncset.done $0x0  }
0x147: {  	[sflag:s30] =	ssyncadd.s32 $0xFFFFC400  }
0x148: {  	_ =	sfence.sel $0x180000  }
0x149: {  	[bflag:$0x0] =	sbarrier.arrive $0xFFFF  }
0x14a: {  	_ =	strace $0x9000004A  }
0x14b: {  	s0 =	stileid.u32;
	[bflag:$0x2] =	sbarrier.arrive $0xFFFF  }
0x14c: {  	p0 =	sne.s32 s0, $0x0;
	s0 =	rddreg [dreg:$0x2]  }
0x14d: {  	s0 =	sadd.s32 @!p0 $0x100000, s0  }
0x14e: {  	[sflag:s0] =	ssyncadd.tile.s32 @!p0 $0x1;
	_ =	shalt  }
.Lfunc_end2:
_tile_overlayer_lowered:
.L_overlay_start_2:
0x14f: {  	(tag) =	ssettag $0x2  }
0x150: {  	s0 =	rddreg [dreg:$0x0];
	s2 =	stileid.u32  }
0x151: {  	s1 =	rddreg [dreg:$0x1];
	p0 =	sne.s32 s2, $0x0  }
0x152: {  	s3 =	rddreg [dreg:$0x2];
	[bflag:$0x3] =	sbarrier.arrive $0xFFFF;
	s2 =	simm.s32 @!p0 $0x1C0B  }
0x153: {  	[timem:s3], [sflag:s2] =	dma.local @!p0 [hbm:s0], s1  }
0x154: {  	s0 =	simm.s32 @!p0 $0xB  }
0x155: {  	_ =	swait.ge @!p0 [sflag:s0], s1  }
0x156: {  	s1 =	ssub.s32 @!p0 $0x0, s1;
	[sflag:s0] =	ssyncset.done @!p0 $0x0  }
0x157: {  	[sflag:s0] =	ssyncadd.s32 @!p0 s1  }
0x158: {  	[bflag:$0x3] =	sbarrier.arrive $0xFFFF  }
0x159: {  	_ =	shalt  }

// kernel: kernel.15.cloned.1.call-start
scs
__scs_entry_jumppad:
0x0: {  	(pc) =	sbr.rel $0x88, $3  }
0x1: {  	(tag) =	ssettag $0x0;
	lr =	simm.s32 $0x1  }
0x2: {  	[smem:$0x3F9B] =	sst lr;
	_ =	strace $0xD0000000  }
0x3: {  	_ = 	snop  }
0x4: {  	_ = 	snop  }
0x5: {  	_ = 	snop  }
0x6: {  	_ = 	snop  }
0x7: {  	_ = 	snop  }
__scs_overlays_trampoline_lowered:
0x8: {  	[smem:$0x3FAA] =	sst s0  }
0x9: {  	[smem:$0x3FAB] =	sst s1  }
0xa: {  	[smem:$0x3FAC] =	sst s2  }
0xb: {  	[smem:$0x3FAD] =	sst s3  }
0xc: {  	[smem:$0x3FAE] =	sst s4  }
0xd: {  	[smem:$0x3FAF] =	sst s5  }
0xe: {  	[smem:$0x3FB0] =	sst s6  }
0xf: {  	[smem:$0x3FB1] =	sst s7  }
0x10: {  	[smem:$0x3FB2] =	sst s8  }
0x11: {  	[smem:$0x3FB3] =	sst s9;
	s0 =	simm.s32 @!p0 $0x0  }
0x12: {  	s1 =	sld [smem:$0x3F99];
	s0 =	simm.s32 @p0 $0x1  }
0x13: {  	[smem:$0x3FB4] =	sst s0;
	s0 =	simm.s32 @!p1 $0x0  }
0x14: {  	s2 =	sld [smem:$0x3F98];
	s0 =	simm.s32 @p1 $0x1  }
0x15: {  	[smem:$0x3FB5] =	sst s0;
	s0 =	simm.s32 @!p2 $0x0  }
0x16: {  	s3 =	sld [smem:$0x3FDB];
	s0 =	simm.s32 @p2 $0x1  }
0x17: {  	s4 =	simm.s32 $0x1BF5;
	[smem:$0x3FB7] =	sst s0  }
0x18: {  	s0 =	sld [smem:$0x3F9A];
	_ =	swait.ge [sflag:s4], $0x0  }
0x19: {  	s7 =	sld [smem:$0x3F9B]  }
0x1a: {  	s8 =	sadd.s32 $0xFFFFE003, lr  }
0x1b: {  	s9 =	sadd.s32 $0xFFFFFEF7, lr;
	s5 =	simm.s32 $0xFFFFFFFF;
	p2 =	slt.u32 s8, $0xFFFFF086  }
0x1c: {  	p1 =	slt.u32 s9, $0xF7A;
	s5 =	simm.s32 @!p2 $0x0  }
0x1d: {  	s5 =	simm.s32 @p1 $0x1;
	p0 =	seq.s32 s7, s2  }
0x1e: {  	s7 =	smul.u32 @!p0 $0xF7A, s2;
	p2 =	seq.s32 @!p0 s5, $0x0  }
0x1f: {  	s9 =	smul.u32 $0xF7A, s1;
	s8 =	simm.s32 @!p0 $0x1BF5;
	p2 =	por !p2, p0  }
0x20: {  	[sflag:s8] =	ssyncset.s32 @!p0 $0xFFFFF086;
	s6 =	sadd.s32 @!p0 s3, s7;
	s7 =	simm.s32 @!p0 $0x108  }
0x21: {  	s3 =	sadd.s32 s3, s9;
	s6 =	sadd.s32 @!p0 $0x88, s6;
	s7 =	simm.s32 @p2 $0x1082  }
0x22: {  	[simem:s7], [sflag:s8] =	dma.local @!p0 [hbm:s6], $0xF7A  }
0x23: {  	s9 =	sor.u32 $0xD0000000, s2;
	s6 =	simm.s32 $0x108;
	_ =	swait.ge @!p0 [sflag:s8], $0x0  }
0x24: {  	s3 =	sadd.s32 $0x88, s3;
	s6 =	simm.s32 @!p1 $0x1082;
	[sflag:s4] =	ssyncset.s32 $0xFFFFF086  }
0x25: {  	[simem:s6], [sflag:s4] =	dma.local [hbm:s3], $0xF7A  }
0x26: {  	[smem:$0x3F9B] =	sst s1;
	(tag) =	ssettag s2;
	_ =	strace s9  }
0x27: {  	s1 =	sld [smem:$0x3FAB]  }
0x28: {  	s2 =	sld [smem:$0x3FAC]  }
0x29: {  	s4 =	sld [smem:$0x3FAE]  }
0x2a: {  	p0 =	seq.s32 s5, $0x0;
	s5 =	sld [smem:$0x3FAF]  }
0x2b: {  	s6 =	sld [smem:$0x3FB0]  }
0x2c: {  	s7 =	sld [smem:$0x3FB1]  }
0x2d: {  	s3 =	simm.s32 $0x108;
	s8 =	sld [smem:$0x3FB2]  }
0x2e: {  	s3 =	simm.s32 @!p0 $0x1082;
	s9 =	sld [smem:$0x3FB3]  }
0x2f: {  	lr =	sadd.s32 s0, s3;
	s0 =	sld [smem:$0x3FAA]  }
0x30: {  	s3 =	sld [smem:$0x3FAD]  }
0x31: {  	[smem:$0x3FB6] =	sst s10  }
0x32: {  	s10 =	sld [smem:$0x3FB4];
	_ =	sdelay $0x3  }
0x33: {  	p0 =	seq.s32 s10, $0x1;
	s10 =	sld [smem:$0x3FB6];
	_ =	sdelay $0x3  }
0x34: {  	[smem:$0x3FB6] =	sst s10  }
0x35: {  	s10 =	sld [smem:$0x3FB5];
	_ =	sdelay $0x3  }
0x36: {  	p1 =	seq.s32 s10, $0x1;
	s10 =	sld [smem:$0x3FB6];
	_ =	sdelay $0x3  }
0x37: {  	[smem:$0x3FB6] =	sst s10  }
0x38: {  	s10 =	sld [smem:$0x3FB7]  }
0x39: {  	_ = 	snop;
	(pc) =	sbr.ind lr, $3  }
0x3a: {  	_ = 	snop  }
0x3b: {  	_ = 	snop  }
0x3c: {  	p2 =	seq.s32 s10, $0x1;
	s10 =	sld [smem:$0x3FB6]  }
0x3d: {  	_ =	shalt  }
0x3e: {  	_ =	shalt  }
0x3f: {  	_ =	shalt  }
0x40: {  	_ =	shalt  }
0x41: {  	_ =	shalt  }
0x42: {  	_ =	shalt  }
0x43: {  	_ =	shalt  }
0x44: {  	_ =	shalt  }
0x45: {  	_ =	shalt  }
0x46: {  	_ =	shalt  }
0x47: {  	_ =	shalt  }
0x48: {  	_ =	shalt  }
0x49: {  	_ =	shalt  }
0x4a: {  	_ =	shalt  }
0x4b: {  	_ =	shalt  }
0x4c: {  	_ =	shalt  }
0x4d: {  	_ =	shalt  }
0x4e: {  	_ =	shalt  }
0x4f: {  	_ =	shalt  }
0x50: {  	_ =	shalt  }
0x51: {  	_ =	shalt  }
0x52: {  	_ =	shalt  }
0x53: {  	_ =	shalt  }
0x54: {  	_ =	shalt  }
0x55: {  	_ =	shalt  }
0x56: {  	_ =	shalt  }
0x57: {  	_ =	shalt  }
0x58: {  	_ =	shalt  }
0x59: {  	_ =	shalt  }
0x5a: {  	_ =	shalt  }
0x5b: {  	_ =	shalt  }
0x5c: {  	_ =	shalt  }
0x5d: {  	_ =	shalt  }
0x5e: {  	_ =	shalt  }
0x5f: {  	_ =	shalt  }
0x60: {  	_ =	shalt  }
0x61: {  	_ =	shalt  }
0x62: {  	_ =	shalt  }
0x63: {  	_ =	shalt  }
0x64: {  	_ =	shalt  }
0x65: {  	_ =	shalt  }
0x66: {  	_ =	shalt  }
0x67: {  	_ =	shalt  }
0x68: {  	_ =	shalt  }
0x69: {  	_ =	shalt  }
0x6a: {  	_ =	shalt  }
0x6b: {  	_ =	shalt  }
0x6c: {  	_ =	shalt  }
0x6d: {  	_ =	shalt  }
0x6e: {  	_ =	shalt  }
0x6f: {  	_ =	shalt  }
0x70: {  	_ =	shalt  }
0x71: {  	_ =	shalt  }
0x72: {  	_ =	shalt  }
0x73: {  	_ =	shalt  }
0x74: {  	_ =	shalt  }
0x75: {  	_ =	shalt  }
0x76: {  	_ =	shalt  }
0x77: {  	_ =	shalt  }
0x78: {  	_ =	shalt  }
0x79: {  	_ =	shalt  }
0x7a: {  	_ =	shalt  }
0x7b: {  	_ =	shalt  }
0x7c: {  	_ =	shalt  }
0x7d: {  	_ =	shalt  }
0x7e: {  	_ =	shalt  }
0x7f: {  	_ =	shalt  }
0x80: {  	_ =	shalt  }
0x81: {  	_ =	shalt  }
0x82: {  	_ =	shalt  }
0x83: {  	_ =	shalt  }
0x84: {  	_ =	shalt  }
0x85: {  	_ =	shalt  }
0x86: {  	_ =	shalt  }
0x87: {  	_ =	shalt  }
.Lfunc_end0:
.L_simem_size_0:
called_computation.2_lowered:
.L_overlay_start_0:
0x88: {  	s2 =	sld [smem:$0x3FD9]  }
0x89: {  	s3 =	sld [smem:$0x3FFE];
	_ =	sdelay $0x1  }
0x8a: {  	s1 =	srdreg.scid  }
0x8b: {  	s0 =	sand.u32 $0x1, s1  }
0x8c: {  	s17 =	sshll.u32 s0, $0xA;
	s2 =	sadd.s32 s3, s2  }
0x8d: {  	s2 =	sadd.s32 s2, s17  }
0x8e: {  	[smem:$0x3FC2] =	sst s2  }
0x8f: {  	_ = 	snop  }
0x90: {  	s2 =	sld [smem:$0x3FD0];
	(tm) =	ssettm $0x1  }
0x91: {  	s18 =	sld [smem:$0x3FFB];
	_ =	sdelay $0x3  }
0x92: {  	_ =	strace s18  }
0x93: {  	s3 =	sld [smem:$0x3FFC];
	_ =	sdelay $0x3  }
0x94: {  	_ =	strace s3  }
0x95: {  	s3 =	sld [smem:$0x3FFD];
	_ =	sdelay $0x3  }
0x96: {  	_ =	strace s3  }
0x97: {  	_ =	strace $0x8FFFFFFF  }
0x98: {  	s19 =	sld [smem:$0x3FDB];
	_ =	sdelay $0x1  }
0x99: {  	s4 =	simm.s32 $_scs_section_size  }
0x9a: {  	s5 =	simm.s32 $_size__tile_overlayer_lowered;
	s6 =	simm.s32 $_tile_overlayer_lowered  }
0x9b: {  	s22 =	simm.s32 $0x1BFF;
	s21 =	sshll.u32 s6, $0x1;
	s3 =	sadd.s32 s4, s19  }
0x9c: {  	s7 =	simm.s32 $0x0;
	s20 =	sshll.u32 s5, $0x1;
	s5 =	sadd.s32 s21, s3  }
0x9d: {  	[timem:s7], [sflag:s22] =	dma.local [hbm:s5], s20  }
0x9e: {  	_ =	swait.ge [sflag:s22], s20  }
0x9f: {  	s4 =	ssub.s32 $0x0, s20;
	[sflag:s22] =	ssyncset.done $0x0  }
0xa0: {  	[sflag:s22] =	ssyncadd.s32 s4;
	_ =	sdelay $0x1  }
0xa1: {  	s23 =	simm.s32 $0x1B8B  }
0xa2: {  	_ =	swait.ge [sflag:s23], $0x1  }
0xa3: {  	[sflag:s23] =	ssyncset.done $0x0  }
0xa4: {  	s25 =	simm.s32 $0x1B8E;
	s24 =	sld [smem:$0x3FFE];
	[sflag:s23] =	ssyncadd.s32 $0xFFFFFFFF  }
0xa5: {  	s26 =	simm.s32 $execute0_lowered;
	[smem:$0x3FD2] =	sst s25  }
0xa6: {  	s5 =	sshll.u32 s26, $0x1;
	_ =	strace $0x8000004C;
	[dreg:$0x1] =	wrdreg $0xFFFFFFFF  }
0xa7: {  	s28 =	simm.s32 $_size_execute0_lowered;
	s3 =	sadd.s32 s3, s5;
	[dreg:$0x0] =	wrdreg $0x0  }
0xa8: {  	s5 =	sshll.u32 s28, $0x1;
	[dreg:$0x2] =	wrdreg s3  }
0xa9: {  	[dreg:$0x3] =	wrdreg s5  }
0xaa: {  	[dreg:$0x4] =	wrdreg $0xC0  }
0xab: {  	_ =	task [dreg:s7], $0x5FFFF  }
0xac: {  	[dreg:$0x1] =	wrdreg $0xFFFFFFFF  }
0xad: {  	[dreg:$0x0] =	wrdreg $0x60  }
0xae: {  	[dreg:$0x2] =	wrdreg s2  }
0xaf: {  	[dreg:$0x3] =	wrdreg s24  }
0xb0: {  	[dreg:$0x4] =	wrdreg $0x44200  }
0xb1: {  	[dreg:$0x5] =	wrdreg $0x9  }
0xb2: {  	_ =	task.clear_ibuf [dreg:s7], $0x6FFFF;
	_ =	strace $0x9000004C  }
0xb3: {  	s29 =	simm.s32 $0x9;
	_ =	strace $0x8000004E  }
0xb4: {  	_ =	swait.ge [sflag:s29], $0x1  }
0xb5: {  	[sflag:s29] =	ssyncadd.s32 $0xFFFFFFFF  }
0xb6: {  	_ =	strace $0x9000004E  }
0xb7: {  	_ =	sfence  }
0xb8: {  	s30 =	sld [smem:$0x0];
	_ =	sdelay $0x2  }
0xb9: {  	s31 =	sshll.u32 s1, $0xD;
	s1 =	sshrl.u32 s1, $0x2  }
0xba: {  	s3 =	sand.u32 $0x4000, s31;
	s1 =	sadd.s32 s1, s30  }
0xbb: {  	s0 =	sor.u32 s3, s0;
	s1 =	sshll.u32 s1, $0x11  }
0xbc: {  	s0 =	sor.u32 s1, s0  }
0xbd: {  	s0 =	sadd.s32 $0x8F2B, s0  }
0xbe: {  	[sflag:s0] =	ssyncadd.remote.s32 $0x1  }
0xbf: {  	_ =	sfence.sel $0xFFFF  }
0xc0: {  	[dreg:$0x0] =	wrdreg $0xFFFFFFFF;
	(pc) =	sbr.abs _section_cstart, $3  }
0xc1: {  	[dreg:$0x1] =	wrdreg $0xFFFFFFFF  }
0xc2: {  	_ =	task.clear_ibuf [dreg:s7], $0x2FFFF;
	_ =	strace $0x9FFFFFFF  }
0xc3: {  	(tm) =	ssettm $0x7FFFFFFF  }
tec
execute0_lowered:
.L_overlay_start_1:
0x0: {  	(tag) =	ssettag $0x1  }
0x1: {  	s1 =	rddreg [dreg:$0x0]  }
0x2: {  	s0 =	rddreg [dreg:$0x1]  }
0x3: {  	s2 =	rddreg [dreg:$0x2];
	s3 =	simm.s32 $0x0  }
0x4: {  	s4 =	srdreg.scid;
	s9 =	stileid.u32;
	s29 =	simm.s32 $0x420  }
0x5: {  	s30 =	simm.s32 $0xB;
	s31 =	simm.s32 $0x200;
	s28 =	simm.s32 $0x8  }
0x6: {  	[smem:$0x7FF] =	sst s3;
	s5 =	sadd.s32 $0x2200, s0;
	s4 =	sand.u32 $0x1, s4  }
0x7: {  	s11 =	smul.u32 $0x9E00, s9;
	s12 =	sadd.s32 $0x15C00, s0;
	_ =	strace $0x8000004D  }
0x8: {  	s6 =	ssub.s32 $0x2, s4;
	s7 =	sshll.u32 s4, $0x4;
	s15 =	smul.u32 $0x9E000, s4  }
0x9: {  	s4 =	smul.u32 $0x27100, s4;
	s8 =	sshrl.u32 s6, $0x1;
	s7 =	sor.u32 s9, s7  }
0xa: {  	s10 =	sadd.s32 s11, s2;
	s18 =	sadd.s32 $0x2000, s11;
	s19 =	sadd.s32 $0x4000, s11  }
0xb: {  	s21 =	sadd.s32 $0x6000, s11;
	s13 =	sadd.s32 s18, s2;
	[dreg:$0xb] =	wrdreg s10  }
0xc: {  	s14 =	sadd.s32 $0x8000, s11;
	s20 =	sadd.s32 s19, s2;
	[dreg:$0xc] =	wrdreg s13  }
0xd: {  	s0 =	ssub.s32 s6, s8;
	s16 =	sadd.s32 s21, s2;
	[dreg:$0xd] =	wrdreg s20  }
0xe: {  	s17 =	smul.u32 $0x2710, s7;
	s22 =	sadd.s32 s14, s2;
	[dreg:$0xe] =	wrdreg s16  }
0xf: {  	s24 =	sadd.s32 s11, s15;
	s21 =	sadd.s32 s15, s21;
	[dreg:$0xf] =	wrdreg s22  }
0x10: {  	s22 =	sshrl.u32 s21, $0x3;
	s0 =	smax.u32 s0, $0x1;
	s6 =	sshrl.u32 s17, $0x3  }
0x11: {  	s17 =	sadd.s32 s15, s18;
	[dreg:$0x1d] =	wrdreg s0;
	s16 =	sadd.s32 s5, s6  }
0x12: {  	s18 =	sadd.s32 s15, s19;
	s6 =	sadd.s32 $0x9C40, s16;
	[dreg:$0x10] =	wrdreg s16  }
0x13: {  	s19 =	smul.u32 $0x2710, s9;
	s23 =	sadd.s32 $0x10, s16;
	[dreg:$0x11] =	wrdreg s6  }
0x14: {  	s0 =	simm.s32 $0x80;
	s25 =	sadd.s32 $0x9C50, s16;
	[dreg:$0x12] =	wrdreg s23  }
0x15: {  	s20 =	sshrl.u32 s18, $0x3;
	s26 =	sadd.s32 $0x20, s16;
	[dreg:$0x13] =	wrdreg s25  }
0x16: {  	s4 =	sadd.s32 s19, s4;
	s21 =	sadd.s32 $0x30, s16;
	[dreg:$0x14] =	wrdreg s26  }
0x17: {  	s6 =	sshrl.u32 s24, $0x3;
	s23 =	sadd.s32 s15, s14;
	s24 =	sadd.s32 $0x4E500, s4  }
0x18: {  	s8 =	sadd.s32 $0x300, s4;
	s11 =	sadd.s32 $0x380, s4;
	s19 =	sadd.s32 $0x4E400, s4  }
0x19: {  	[dreg:$0x1b] =	wrdreg s21;
	s21 =	simm.s32 $0x3;
	s6 =	sadd.s32 s12, s6  }
0x1a: {  	s7 =	sshrl.u32 s24, $0x3;
	s26 =	sshrl.u32 s8, $0x3;
	s8 =	sadd.s32 $0x4E580, s4  }
0x1b: {  	s24 =	sadd.s32 $0x200, s4;
	[dreg:$0x15] =	wrdreg s6;
	s6 =	sshrl.u32 s17, $0x3  }
0x1c: {  	s25 =	sadd.s32 s7, s5;
	s7 =	sadd.s32 s26, s5;
	s9 =	sshrl.u32 s8, $0x3  }
0x1d: {  	s17 =	sadd.s32 $0x280, s4;
	[dreg:$0x1e] =	wrdreg s24;
	s26 =	sadd.s32 $0xA120, s16  }
0x1e: {  	s24 =	simm.s32 $0x4;
	s6 =	sadd.s32 s12, s6;
	[dreg:$0x4] =	wrdreg s25  }
0x1f: {  	[dreg:$0x5] =	wrdreg s7;
	s7 =	sshrl.u32 s11, $0x3;
	s18 =	sshrl.u32 s17, $0x3  }
0x20: {  	s25 =	sadd.s32 $0x4E0, s16;
	[smem:$0x7FD] =	sst s26;
	s11 =	simm.s32 $0x100  }
0x21: {  	s17 =	simm.s32 $0x2;
	s26 =	simm.s32 $0x7;
	[dreg:$0x16] =	wrdreg s6  }
0x22: {  	s6 =	sadd.s32 s12, s20;
	s13 =	sadd.s32 s7, s5;
	[dreg:$0x1f] =	wrdreg s25  }
0x23: {  	s20 =	sadd.s32 $0x9C60, s16;
	s7 =	sshrl.u32 s19, $0x3;
	[dreg:$0x17] =	wrdreg s6  }
0x24: {  	s19 =	simm.s32 $0x9;
	s6 =	sadd.s32 s12, s22;
	[dreg:$0x7] =	wrdreg s13  }
0x25: {  	[dreg:$0x1a] =	wrdreg s20;
	s22 =	sadd.s32 s7, s5;
	s13 =	simm.s32 $0x300  }
0x26: {  	s20 =	simm.s32 $0x5;
	s7 =	simm.s32 $0x0;
	[dreg:$0x18] =	wrdreg s6  }
0x27: {  	s6 =	sshrl.u32 s23, $0x3;
	[dreg:$0xa] =	wrdreg s22;
	s23 =	sadd.s32 $0x9C70, s16  }
0x28: {  	s16 =	simm.s32 $0x1;
	s22 =	simm.s32 $0xA;
	s6 =	sadd.s32 s12, s6  }
0x29: {  	s12 =	sadd.s32 $0x4E480, s4;
	[dreg:$0x1c] =	wrdreg s23;
	s4 =	simm.s32 $0x280  }
0x2a: {  	[dreg:$0x19] =	wrdreg s6;
	s6 =	sadd.s32 s9, s5;
	s14 =	sshrl.u32 s12, $0x3  }
0x2b: {  	s23 =	simm.s32 $0x6;
	[dreg:$0x6] =	wrdreg s6;
	s15 =	sadd.s32 s14, s5  }
0x2c: {  	s6 =	sadd.s32 s18, s5;
	s14 =	simm.s32 $0x180;
	[dreg:$0x8] =	wrdreg s15  }
0x2d: {  	v0 =	vimm.f32 $0.0e+00;
	s18 =	simm.s32 $0x2420;
	[dreg:$0x9] =	wrdreg s6;
	s15 =	simm.s32 $0x380  }
.LBB2_1:
0x2e: {  	[smem:$0x7FC] =	sst s7;
	s8 =	simm.s32 $0x100;
	s6 =	simm.s32 $0x0  }
.LBB2_2:
0x2f: {  	p0 =	sne.s32 s8, $0x7F00;
	[tilespmem:s6+$0x450] =	vst v0;
	s25 =	smov.u32 s8;
	s8 =	sadd.s32 $0x100, s8  }
.Ltmp0:
0x30: {  	[tilespmem:s6+$0x440] =	vst v0;
	(pc) =	sbr.rel @p0 .LBB2_2-.Ltmp0, $3  }
0x31: {  	[tilespmem:s6+$0x420] =	vst v0  }
0x32: {  	[tilespmem:s6+$0x430] =	vst v0;
	_ =	sdelay $0x1  }
0x33: {  	s6 =	sshra.s32 s25, $0x2  }
0x34: {  	[tilespmem:s6+$0x450] =	vst v0  }
0x35: {  	[tilespmem:s6+$0x440] =	vst v0  }
0x36: {  	[tilespmem:s6+$0x420] =	vst v0  }
0x37: {  	[tilespmem:s6+$0x430] =	vst v0  }
0x38: {  	[spmem:s10] =	stream.linear.scatter [tilespmem:s29], [sflag:$0xB], $0x2000, $0x38;
	[tilespmem:$0xE220] =	vst v63  }
0x39: {  	_ =	swait.ge [sflag:s30], $0x2000  }
0x3a: {  	[sflag:s30] =	ssyncset.done $0x0  }
0x3b: {  	s25 =	rddreg [dreg:$0xc];
	[sflag:s30] =	ssyncadd.s32 $0xFFFFE000  }
0x3c: {  	[spmem:s25] =	stream.linear.scatter [tilespmem:s29], [sflag:$0xB], $0x2000, $0x38;
	[tilespmem:$0xE220] =	vst v63  }
0x3d: {  	_ =	swait.ge [sflag:s30], $0x2000  }
0x3e: {  	[sflag:s30] =	ssyncset.done $0x0  }
0x3f: {  	s7 =	rddreg [dreg:$0xd];
	[sflag:s30] =	ssyncadd.s32 $0xFFFFE000  }
0x40: {  	[spmem:s7] =	stream.linear.scatter [tilespmem:s29], [sflag:$0xB], $0x2000, $0x38;
	[tilespmem:$0xE220] =	vst v63  }
0x41: {  	_ =	swait.ge [sflag:s30], $0x2000  }
0x42: {  	[sflag:s30] =	ssyncset.done $0x0  }
0x43: {  	s8 =	rddreg [dreg:$0xe];
	[sflag:s30] =	ssyncadd.s32 $0xFFFFE000  }
0x44: {  	[spmem:s8] =	stream.linear.scatter [tilespmem:s29], [sflag:$0xB], $0x2000, $0x38;
	[tilespmem:$0xE220] =	vst v63  }
0x45: {  	_ =	swait.ge [sflag:s30], $0x2000  }
0x46: {  	[sflag:s30] =	ssyncset.done $0x0  }
0x47: {  	s9 =	rddreg [dreg:$0xf];
	[sflag:s30] =	ssyncadd.s32 $0xFFFFE000  }
0x48: {  	[spmem:s9] =	stream.linear.scatter [tilespmem:s29], [sflag:$0xB], $0x1E00, $0x38;
	[tilespmem:$0xE220] =	vst v63  }
0x49: {  	_ =	swait.ge [sflag:s30], $0x1E00  }
0x4a: {  	[sflag:s30] =	ssyncset.done $0x0  }
0x4b: {  	[sflag:s30] =	ssyncadd.s32 $0xFFFFE200  }
0x4c: {  	[bflag:$0x0] =	sbarrier.arrive $0xFFFF  }
0x4d: {  	s6 =	simm.s32 $0x0;
	s7 =	rddreg [dreg:$0x10]  }
0x4e: {  	[tilespmem:s6], [sflag:$0x1] =	stream.linear.gather [hbm4b:s7+s6], $0x80, $0x38;
	[tilespmem:$0xE220] =	vst v63  }
0x4f: {  	s10 =	rddreg [dreg:$0x11]  }
0x50: {  	[tilespmem:s31], [sflag:$0x5] =	stream.linear.gather [hbm4b:s10+s6], $0x80, $0x38;
	[tilespmem:$0xE220] =	vst v63  }
0x51: {  	s12 =	rddreg [dreg:$0x12]  }
0x52: {  	[tilespmem:s0], [sflag:$0x2] =	stream.linear.gather [hbm4b:s12+s6], $0x80, $0x38;
	[tilespmem:$0xE220] =	vst v63  }
0x53: {  	s25 =	rddreg [dreg:$0x13]  }
0x54: {  	[tilespmem:s4], [sflag:$0x6] =	stream.linear.gather [hbm4b:s25+s6], $0x80, $0x38;
	[tilespmem:$0xE220] =	vst v63  }
0x55: {  	s8 =	rddreg [dreg:$0x14]  }
0x56: {  	[tilespmem:s11], [sflag:$0x3] =	stream.linear.gather [hbm4b:s8+s6], $0x80, $0x38;
	[tilespmem:$0xE220] =	vst v63  }
0x57: {  	s9 =	rddreg [dreg:$0x1a]  }
0x58: {  	[tilespmem:s13], [sflag:$0x7] =	stream.linear.gather [hbm4b:s9+s6], $0x80, $0x38;
	[tilespmem:$0xE220] =	vst v63  }
0x59: {  	s10 =	rddreg [dreg:$0x1b]  }
0x5a: {  	[tilespmem:s14], [sflag:$0x4] =	stream.linear.gather [hbm4b:s10+s6], $0x80, $0x38;
	[tilespmem:$0xE220] =	vst v63  }
0x5b: {  	s12 =	rddreg [dreg:$0x1c]  }
0x5c: {  	[tilespmem:s15], [sflag:$0x8] =	stream.linear.gather [hbm4b:s12+s6], $0x80, $0x38;
	[tilespmem:$0xE220] =	vst v63  }
0x5d: {  	_ =	swait.ge [sflag:s16], $0x80  }
0x5e: {  	[sflag:s16] =	ssyncset.done $0x0  }
0x5f: {  	[sflag:s16] =	ssyncadd.s32 $0xFFFFFF80  }
0x60: {  	[tilespmem:s29], [sflag:$0x9] =	stream.indirect.gather [hbm4b:s1+s0], $0x40, s6, s0, $0xb8;
	[tilespmem:$0xE220] =	vst v63  }
0x61: {  	_ =	swait.ge [sflag:s17], $0x80  }
0x62: {  	[sflag:s17] =	ssyncset.done $0x0  }
0x63: {  	[sflag:s17] =	ssyncadd.s32 $0xFFFFFF80  }
0x64: {  	[tilespmem:s18], [sflag:$0xA] =	stream.indirect.gather [hbm4b:s1+s0], $0x40, s0, s0, $0xb8;
	[tilespmem:$0xE220] =	vst v63  }
0x65: {  	_ =	swait.ge [sflag:s19], $0x2000  }
0x66: {  	[sflag:s19] =	ssyncset.done $0x0  }
0x67: {  	[sflag:s19] =	ssyncadd.s32 $0xFFFFE000  }
0x68: {  	_ =	swait.ge [sflag:s20], $0x80  }
0x69: {  	[sflag:s20] =	ssyncset.done $0x0  }
0x6a: {  	[sflag:s20] =	ssyncadd.s32 $0xFFFFFF80  }
0x6b: {  	[spmem:s2] =	stream.indirect.scatter.add.f32 [tilespmem:s29], [sflag:$0xB], $0x40, s31, s0, $0xb8;
	[tilespmem:$0xE220] =	vst v63  }
0x6c: {  	_ =	swait.ge [sflag:s30], $0x2000  }
0x6d: {  	s7 =	rddreg [dreg:$0x1e]  }
0x6e: {  	[sflag:s30] =	ssyncset.done $0x0;
	s25 =	sshrl.u32 s7, $0x3  }
0x6f: {  	s8 =	rddreg [dreg:$0xa];
	[sflag:s30] =	ssyncadd.s32 $0xFFFFE000;
	s6 =	sadd.s32 s5, s25  }
0x70: {  	[tilespmem:s3], [sflag:$0x1] =	stream.linear.gather [hbm4b:s6+s3], $0x80, $0x38;
	[tilespmem:$0xE220] =	vst v63  }
0x71: {  	s9 =	sadd.s32 $0x0, s8  }
0x72: {  	[tilespmem:s31], [sflag:$0x5] =	stream.linear.gather [hbm4b:s9+s3], $0x80, $0x38;
	[tilespmem:$0xE220] =	vst v63  }
0x73: {  	_ =	swait.ge [sflag:s21], $0x80  }
0x74: {  	[sflag:s21] =	ssyncset.done $0x0  }
0x75: {  	[sflag:s21] =	ssyncadd.s32 $0xFFFFFF80  }
0x76: {  	[tilespmem:s29], [sflag:$0x9] =	stream.indirect.gather [hbm4b:s1+s0], $0x40, s11, s0, $0xb8;
	[tilespmem:$0xE220] =	vst v63  }
0x77: {  	_ =	swait.ge [sflag:s22], $0x2000  }
0x78: {  	[sflag:s22] =	ssyncset.done $0x0  }
0x79: {  	[sflag:s22] =	ssyncadd.s32 $0xFFFFE000  }
0x7a: {  	_ =	swait.ge [sflag:s23], $0x80  }
0x7b: {  	[sflag:s23] =	ssyncset.done $0x0  }
0x7c: {  	[sflag:s23] =	ssyncadd.s32 $0xFFFFFF80  }
0x7d: {  	[spmem:s2] =	stream.indirect.scatter.add.f32 [tilespmem:s18], [sflag:$0xB], $0x40, s4, s0, $0xb8;
	[tilespmem:$0xE220] =	vst v63  }
0x7e: {  	_ =	swait.ge [sflag:s30], $0x2000  }
0x7f: {  	s10 =	rddreg [dreg:$0x9];
	[sflag:s30] =	ssyncset.done $0x0  }
0x80: {  	s12 =	rddreg [dreg:$0x8];
	[sflag:s30] =	ssyncadd.s32 $0xFFFFE000;
	s6 =	sadd.s32 $0x0, s10  }
0x81: {  	[tilespmem:s0], [sflag:$0x2] =	stream.linear.gather [hbm4b:s6+s3], $0x80, $0x38;
	[tilespmem:$0xE220] =	vst v63  }
0x82: {  	s25 =	sadd.s32 $0x0, s12  }
0x83: {  	[tilespmem:s4], [sflag:$0x6] =	stream.linear.gather [hbm4b:s25+s3], $0x80, $0x38;
	[tilespmem:$0xE220] =	vst v63  }
0x84: {  	_ =	swait.ge [sflag:s24], $0x80  }
0x85: {  	[sflag:s24] =	ssyncset.done $0x0  }
0x86: {  	[sflag:s24] =	ssyncadd.s32 $0xFFFFFF80  }
0x87: {  	[tilespmem:s18], [sflag:$0xA] =	stream.indirect.gather [hbm4b:s1+s0], $0x40, s14, s0, $0xb8;
	[tilespmem:$0xE220] =	vst v63  }
0x88: {  	_ =	swait.ge [sflag:s19], $0x2000  }
0x89: {  	[sflag:s19] =	ssyncset.done $0x0  }
0x8a: {  	[sflag:s19] =	ssyncadd.s32 $0xFFFFE000  }
0x8b: {  	_ =	swait.ge [sflag:s26], $0x80  }
0x8c: {  	[sflag:s26] =	ssyncset.done $0x0  }
0x8d: {  	p0 =	por $0x0, $0x0;
	[sflag:s26] =	ssyncadd.s32 $0xFFFFFF80  }
0x8e: {  	[spmem:s2] =	stream.indirect.scatter.add.f32 [tilespmem:s29], [sflag:$0xB], $0x40, s13, s0, $0xb8;
	[tilespmem:$0xE220] =	vst v63  }
0x8f: {  	s9 =	simm.s32 @!p0 $0x100;
	_ =	swait.ge [sflag:s30], $0x2000  }
0x90: {  	s25 =	simm.s32 @!p0 $0x0;
	s6 =	rddreg [dreg:$0x5];
	[sflag:s30] =	ssyncset.done $0x0  }
0x91: {  	s8 =	rddreg [dreg:$0x4];
	[sflag:s30] =	ssyncadd.s32 $0xFFFFE000;
	s6 =	sadd.s32 @!p0 $0x0, s6  }
0x92: {  	[tilespmem:s9], [sflag:$0x3] =	stream.linear.gather @!p0 [hbm4b:s6+s25], $0x80, $0x38;
	[tilespmem:$0xE220] =	vst v63  }
0x93: {  	s8 =	sadd.s32 @!p0 $0x0, s8;
	s6 =	simm.s32 @!p0 $0x300  }
0x94: {  	[tilespmem:s6], [sflag:$0x7] =	stream.linear.gather @!p0 [hbm4b:s8+s25], $0x80, $0x38;
	[tilespmem:$0xE220] =	vst v63  }
0x95: {  	_ =	swait.ge [sflag:s16], $0x80  }
0x96: {  	[sflag:s16] =	ssyncset.done $0x0  }
0x97: {  	[sflag:s16] =	ssyncadd.s32 $0xFFFFFF80  }
0x98: {  	[tilespmem:s29], [sflag:$0x9] =	stream.indirect.gather [hbm4b:s1+s0], $0x40, s3, s0, $0xb8;
	[tilespmem:$0xE220] =	vst v63  }
0x99: {  	_ =	swait.ge [sflag:s22], $0x2000  }
0x9a: {  	[sflag:s22] =	ssyncset.done $0x0  }
0x9b: {  	[sflag:s22] =	ssyncadd.s32 $0xFFFFE000  }
0x9c: {  	_ =	swait.ge [sflag:s28], $0x80  }
0x9d: {  	[sflag:s28] =	ssyncset.done $0x0  }
0x9e: {  	[sflag:s28] =	ssyncadd.s32 $0xFFFFFF80  }
0x9f: {  	[spmem:s2] =	stream.indirect.scatter.add.f32 [tilespmem:s18], [sflag:$0xB], $0x40, s15, s0, $0xb8;
	[tilespmem:$0xE220] =	vst v63  }
0xa0: {  	_ =	swait.ge [sflag:s30], $0x2000  }
0xa1: {  	s9 =	simm.s32 @!p0 $0x180;
	s6 =	rddreg [dreg:$0x7];
	[sflag:s30] =	ssyncset.done $0x0  }
0xa2: {  	s8 =	rddreg [dreg:$0x6];
	[sflag:s30] =	ssyncadd.s32 $0xFFFFE000;
	s6 =	sadd.s32 @!p0 $0x0, s6  }
0xa3: {  	[tilespmem:s9], [sflag:$0x4] =	stream.linear.gather @!p0 [hbm4b:s6+s25], $0x80, $0x38;
	[tilespmem:$0xE220] =	vst v63  }
0xa4: {  	s8 =	sadd.s32 @!p0 $0x0, s8;
	s6 =	simm.s32 @!p0 $0x380  }
0xa5: {  	[tilespmem:s6], [sflag:$0x8] =	stream.linear.gather @!p0 [hbm4b:s8+s25], $0x80, $0x38;
	[tilespmem:$0xE220] =	vst v63  }
0xa6: {  	_ =	swait.ge [sflag:s17], $0x80  }
0xa7: {  	s6 =	simm.s32 $0x40;
	s25 =	smov.u32 s7;
	[sflag:s17] =	ssyncset.done $0x0  }
.LBB2_4:
0xa8: {  	[sflag:s17] =	ssyncadd.s32 $0xFFFFFF80  }
0xa9: {  	[tilespmem:s18], [sflag:$0xA] =	stream.indirect.gather [hbm4b:s1+s0], $0x40, s0, s0, $0xb8;
	[tilespmem:$0xE220] =	vst v63  }
0xaa: {  	_ =	swait.ge [sflag:s19], $0x2000  }
0xab: {  	[sflag:s19] =	ssyncset.done $0x0  }
0xac: {  	[sflag:s19] =	ssyncadd.s32 $0xFFFFE000  }
0xad: {  	_ =	swait.ge [sflag:s20], $0x80  }
0xae: {  	[sflag:s20] =	ssyncset.done $0x0  }
0xaf: {  	[sflag:s20] =	ssyncadd.s32 $0xFFFFFF80  }
0xb0: {  	[spmem:s2] =	stream.indirect.scatter.add.f32 [tilespmem:s29], [sflag:$0xB], $0x40, s31, s0, $0xb8;
	[tilespmem:$0xE220] =	vst v63  }
0xb1: {  	s25 =	sadd.s32 $0x200, s25;
	_ =	swait.ge [sflag:s30], $0x2000  }
0xb2: {  	s8 =	smov.u32 s6;
	s9 =	sshrl.u32 s25, $0x3;
	[sflag:s30] =	ssyncset.done $0x0  }
0xb3: {  	s9 =	sadd.s32 s5, s9;
	s10 =	rddreg [dreg:$0xa];
	[sflag:s30] =	ssyncadd.s32 $0xFFFFE000  }
0xb4: {  	[tilespmem:s3], [sflag:$0x1] =	stream.linear.gather [hbm4b:s9+s3], $0x80, $0x38;
	[tilespmem:$0xE220] =	vst v63  }
0xb5: {  	s7 =	sadd.s32 s8, s10  }
0xb6: {  	[tilespmem:s31], [sflag:$0x5] =	stream.linear.gather [hbm4b:s7+s3], $0x80, $0x38;
	[tilespmem:$0xE220] =	vst v63  }
0xb7: {  	_ =	swait.ge [sflag:s21], $0x80  }
0xb8: {  	[sflag:s21] =	ssyncset.done $0x0  }
0xb9: {  	[sflag:s21] =	ssyncadd.s32 $0xFFFFFF80  }
0xba: {  	[tilespmem:s29], [sflag:$0x9] =	stream.indirect.gather [hbm4b:s1+s0], $0x40, s11, s0, $0xb8;
	[tilespmem:$0xE220] =	vst v63  }
0xbb: {  	_ =	swait.ge [sflag:s22], $0x2000  }
0xbc: {  	[sflag:s22] =	ssyncset.done $0x0  }
0xbd: {  	[sflag:s22] =	ssyncadd.s32 $0xFFFFE000  }
0xbe: {  	_ =	swait.ge [sflag:s23], $0x80  }
0xbf: {  	[sflag:s23] =	ssyncset.done $0x0  }
0xc0: {  	[sflag:s23] =	ssyncadd.s32 $0xFFFFFF80  }
0xc1: {  	[spmem:s2] =	stream.indirect.scatter.add.f32 [tilespmem:s18], [sflag:$0xB], $0x40, s4, s0, $0xb8;
	[tilespmem:$0xE220] =	vst v63  }
0xc2: {  	_ =	swait.ge [sflag:s30], $0x2000  }
0xc3: {  	s10 =	rddreg [dreg:$0x9];
	[sflag:s30] =	ssyncset.done $0x0  }
0xc4: {  	s11 =	rddreg [dreg:$0x8];
	[sflag:s30] =	ssyncadd.s32 $0xFFFFE000;
	s9 =	sadd.s32 s8, s10  }
0xc5: {  	[tilespmem:s0], [sflag:$0x2] =	stream.linear.gather [hbm4b:s9+s3], $0x80, $0x38;
	[tilespmem:$0xE220] =	vst v63  }
0xc6: {  	s12 =	sadd.s32 s8, s11  }
0xc7: {  	[tilespmem:s4], [sflag:$0x6] =	stream.linear.gather [hbm4b:s12+s3], $0x80, $0x38;
	[tilespmem:$0xE220] =	vst v63  }
0xc8: {  	_ =	swait.ge [sflag:s24], $0x80  }
0xc9: {  	[sflag:s24] =	ssyncset.done $0x0  }
0xca: {  	[sflag:s24] =	ssyncadd.s32 $0xFFFFFF80  }
0xcb: {  	[tilespmem:s18], [sflag:$0xA] =	stream.indirect.gather [hbm4b:s1+s0], $0x40, s14, s0, $0xb8;
	[tilespmem:$0xE220] =	vst v63  }
0xcc: {  	_ =	swait.ge [sflag:s19], $0x2000  }
0xcd: {  	[sflag:s19] =	ssyncset.done $0x0  }
0xce: {  	[sflag:s19] =	ssyncadd.s32 $0xFFFFE000  }
0xcf: {  	_ =	swait.ge [sflag:s26], $0x80  }
0xd0: {  	[sflag:s26] =	ssyncset.done $0x0  }
0xd1: {  	p1 =	seq.s32 s8, $0x480;
	[sflag:s26] =	ssyncadd.s32 $0xFFFFFF80  }
0xd2: {  	[spmem:s2] =	stream.indirect.scatter.add.f32 [tilespmem:s29], [sflag:$0xB], $0x40, s13, s0, $0xb8;
	[tilespmem:$0xE220] =	vst v63  }
0xd3: {  	s7 =	simm.s32 @!p1 $0x0;
	_ =	swait.ge [sflag:s30], $0x2000  }
0xd4: {  	s11 =	simm.s32 @!p1 $0x100;
	s9 =	rddreg [dreg:$0x5];
	[sflag:s30] =	ssyncset.done $0x0  }
0xd5: {  	s10 =	rddreg [dreg:$0x4];
	[sflag:s30] =	ssyncadd.s32 $0xFFFFE000;
	s9 =	sadd.s32 @!p1 s8, s9  }
0xd6: {  	[tilespmem:s11], [sflag:$0x3] =	stream.linear.gather @!p1 [hbm4b:s9+s7], $0x80, $0x38;
	[tilespmem:$0xE220] =	vst v63  }
0xd7: {  	s12 =	simm.s32 @!p1 $0x300;
	s9 =	sadd.s32 @!p1 s8, s10  }
0xd8: {  	[tilespmem:s12], [sflag:$0x7] =	stream.linear.gather @!p1 [hbm4b:s9+s7], $0x80, $0x38;
	[tilespmem:$0xE220] =	vst v63  }
0xd9: {  	_ =	swait.ge [sflag:s16], $0x80  }
0xda: {  	[sflag:s16] =	ssyncset.done $0x0  }
0xdb: {  	[sflag:s16] =	ssyncadd.s32 $0xFFFFFF80  }
0xdc: {  	[tilespmem:s29], [sflag:$0x9] =	stream.indirect.gather [hbm4b:s1+s0], $0x40, s3, s0, $0xb8;
	[tilespmem:$0xE220] =	vst v63  }
0xdd: {  	_ =	swait.ge [sflag:s22], $0x2000  }
0xde: {  	[sflag:s22] =	ssyncset.done $0x0  }
0xdf: {  	[sflag:s22] =	ssyncadd.s32 $0xFFFFE000  }
0xe0: {  	_ =	swait.ge [sflag:s28], $0x80  }
0xe1: {  	[sflag:s28] =	ssyncset.done $0x0  }
0xe2: {  	[sflag:s28] =	ssyncadd.s32 $0xFFFFFF80  }
0xe3: {  	[spmem:s2] =	stream.indirect.scatter.add.f32 [tilespmem:s18], [sflag:$0xB], $0x40, s15, s0, $0xb8;
	[tilespmem:$0xE220] =	vst v63  }
0xe4: {  	s6 =	sadd.s32 $0x40, s6;
	_ =	swait.ge [sflag:s30], $0x2000  }
0xe5: {  	p0 =	sne.s32 s6, $0x4C0;
	s9 =	rddreg [dreg:$0x7];
	[sflag:s30] =	ssyncset.done $0x0  }
0xe6: {  	s11 =	simm.s32 @!p1 $0x180;
	[sflag:s30] =	ssyncadd.s32 $0xFFFFE000;
	s9 =	sadd.s32 @!p1 s8, s9  }
0xe7: {  	[tilespmem:s11], [sflag:$0x4] =	stream.linear.gather @!p1 [hbm4b:s9+s7], $0x80, $0x38;
	[tilespmem:$0xE220] =	vst v63  }
.Ltmp1:
0xe8: {  	s10 =	rddreg [dreg:$0x6];
	(pc) =	sbr.rel @p0 .LBB2_4-.Ltmp1, $4  }
0xe9: {  	s12 =	simm.s32 @!p1 $0x380;
	s8 =	sadd.s32 @!p1 s8, s10  }
0xea: {  	[tilespmem:s12], [sflag:$0x8] =	stream.linear.gather @!p1 [hbm4b:s8+s7], $0x80, $0x38;
	[tilespmem:$0xE220] =	vst v63  }
0xeb: {  	_ =	swait.ge [sflag:s17], $0x80  }
0xec: {  	s11 =	simm.s32 $0x100;
	[sflag:s17] =	ssyncset.done $0x0  }
0xed: {  	[sflag:s17] =	ssyncadd.s32 $0xFFFFFF80  }
0xee: {  	[tilespmem:s18], [sflag:$0xA] =	stream.indirect.gather [hbm4b:s1+s0], $0x40, s0, s0, $0xb8;
	[tilespmem:$0xE220] =	vst v63  }
0xef: {  	_ =	swait.ge [sflag:s19], $0x2000  }
0xf0: {  	[sflag:s19] =	ssyncset.done $0x0  }
0xf1: {  	[sflag:s19] =	ssyncadd.s32 $0xFFFFE000  }
0xf2: {  	_ =	swait.ge [sflag:s20], $0x80  }
0xf3: {  	[sflag:s20] =	ssyncset.done $0x0  }
0xf4: {  	[sflag:s20] =	ssyncadd.s32 $0xFFFFFF80  }
0xf5: {  	[spmem:s2] =	stream.indirect.scatter.add.f32 [tilespmem:s29], [sflag:$0xB], $0x40, s31, s0, $0xb8;
	[tilespmem:$0xE220] =	vst v63  }
0xf6: {  	_ =	swait.ge [sflag:s30], $0x2000  }
0xf7: {  	[sflag:s30] =	ssyncset.done $0x0  }
0xf8: {  	[sflag:s30] =	ssyncadd.s32 $0xFFFFE000  }
0xf9: {  	_ =	swait.ge [sflag:s22], $0x2000  }
0xfa: {  	[sflag:s22] =	ssyncset.done $0x0  }
0xfb: {  	[sflag:s22] =	ssyncadd.s32 $0xFFFFE000  }
0xfc: {  	_ =	swait.ge [sflag:s23], $0x80  }
0xfd: {  	[sflag:s23] =	ssyncset.done $0x0  }
0xfe: {  	[sflag:s23] =	ssyncadd.s32 $0xFFFFFF80  }
0xff: {  	[spmem:s2] =	stream.indirect.scatter.add.f32 [tilespmem:s18], [sflag:$0xB], $0x40, s4, s0, $0xb8;
	[tilespmem:$0xE220] =	vst v63  }
0x100: {  	_ =	swait.ge [sflag:s30], $0x2000  }
0x101: {  	[sflag:s30] =	ssyncset.done $0x0  }
0x102: {  	s7 =	simm.s32 $0x400;
	s6 =	rddreg [dreg:$0x1f];
	[sflag:s30] =	ssyncadd.s32 $0xFFFFE000  }
0x103: {  	[tilespmem:s7], [sflag:$0xB] =	stream.linear.gather [hbm4b:s6+s3], $0x10, $0x38;
	[tilespmem:$0xE220] =	vst v63  }
0x104: {  	_ =	swait.ge [sflag:s30], $0x10  }
0x105: {  	s10 =	sld [smem:$0x7FD]  }
0x106: {  	[sflag:s30] =	ssyncset.done $0x0  }
0x107: {  	s8 =	simm.s32 $0x410;
	[sflag:s30] =	ssyncadd.s32 $0xFFFFFFF0  }
0x108: {  	[tilespmem:s8], [sflag:$0xB] =	stream.linear.gather [hbm4b:s10+s3], $0x10, $0x38;
	[tilespmem:$0xE220] =	vst v63  }
0x109: {  	_ =	swait.ge [sflag:s30], $0x10  }
0x10a: {  	[sflag:s30] =	ssyncset.done $0x0  }
0x10b: {  	s12 =	simm.s32 $0x10;
	[sflag:s30] =	ssyncadd.s32 $0xFFFFFFF0  }
0x10c: {  	[tilespmem:s29], [sflag:$0x9] =	stream.indirect.gather [hbm4b:s1+s12], $0x40, s7, s12, $0xb8;
	[tilespmem:$0xE220] =	vst v63  }
0x10d: {  	_ =	swait.ge [sflag:s19], $0x400  }
0x10e: {  	[sflag:s19] =	ssyncset.done $0x0  }
0x10f: {  	[sflag:s19] =	ssyncadd.s32 $0xFFFFFC00  }
0x110: {  	[spmem:s2] =	stream.indirect.scatter.add.f32 [tilespmem:s29], [sflag:$0xB], $0x40, s8, s12, $0xb8;
	[tilespmem:$0xE220] =	vst v63  }
0x111: {  	_ =	swait.ge [sflag:s30], $0x400  }
0x112: {  	[sflag:s30] =	ssyncset.done $0x0  }
0x113: {  	[sflag:s30] =	ssyncadd.s32 $0xFFFFFC00  }
0x114: {  	[bflag:$0x0] =	sbarrier.arrive $0xFFFF  }
0x115: {  	s10 =	rddreg [dreg:$0xb]  }
0x116: {  	[tilespmem:s29], [sflag:$0xB] =	stream.linear.gather [spmem:s10], $0x2000, $0x38;
	[tilespmem:$0xE220] =	vst v63  }
0x117: {  	_ =	swait.ge [sflag:s30], $0x2000  }
0x118: {  	[sflag:s30] =	ssyncset.done $0x0  }
0x119: {  	s25 =	rddreg [dreg:$0x15];
	[sflag:s30] =	ssyncadd.s32 $0xFFFFE000  }
0x11a: {  	[hbm4b:s25+s3] =	stream.linear.scatter [tilespmem:s29], [sflag:$0xB], $0x2000, $0x38;
	[tilespmem:$0xE220] =	vst v63  }
0x11b: {  	_ =	swait.ge [sflag:s30], $0x2000  }
0x11c: {  	[sflag:s30] =	ssyncset.done $0x0  }
0x11d: {  	s7 =	rddreg [dreg:$0xc];
	[sflag:s30] =	ssyncadd.s32 $0xFFFFE000  }
0x11e: {  	[tilespmem:s29], [sflag:$0xB] =	stream.linear.gather [spmem:s7], $0x2000, $0x38;
	[tilespmem:$0xE220] =	vst v63  }
0x11f: {  	_ =	swait.ge [sflag:s30], $0x2000  }
0x120: {  	[sflag:s30] =	ssyncset.done $0x0  }
0x121: {  	s8 =	rddreg [dreg:$0x16];
	[sflag:s30] =	ssyncadd.s32 $0xFFFFE000  }
0x122: {  	[hbm4b:s8+s3] =	stream.linear.scatter [tilespmem:s29], [sflag:$0xB], $0x2000, $0x38;
	[tilespmem:$0xE220] =	vst v63  }
0x123: {  	_ =	swait.ge [sflag:s30], $0x2000  }
0x124: {  	[sflag:s30] =	ssyncset.done $0x0  }
0x125: {  	s9 =	rddreg [dreg:$0xd];
	[sflag:s30] =	ssyncadd.s32 $0xFFFFE000  }
0x126: {  	[tilespmem:s29], [sflag:$0xB] =	stream.linear.gather [spmem:s9], $0x2000, $0x38;
	[tilespmem:$0xE220] =	vst v63  }
0x127: {  	_ =	swait.ge [sflag:s30], $0x2000  }
0x128: {  	[sflag:s30] =	ssyncset.done $0x0  }
0x129: {  	s12 =	rddreg [dreg:$0x17];
	[sflag:s30] =	ssyncadd.s32 $0xFFFFE000  }
0x12a: {  	[hbm4b:s12+s3] =	stream.linear.scatter [tilespmem:s29], [sflag:$0xB], $0x2000, $0x38;
	[tilespmem:$0xE220] =	vst v63  }
0x12b: {  	_ =	swait.ge [sflag:s30], $0x2000  }
0x12c: {  	[sflag:s30] =	ssyncset.done $0x0  }
0x12d: {  	s25 =	rddreg [dreg:$0xe];
	[sflag:s30] =	ssyncadd.s32 $0xFFFFE000  }
0x12e: {  	[tilespmem:s29], [sflag:$0xB] =	stream.linear.gather [spmem:s25], $0x2000, $0x38;
	[tilespmem:$0xE220] =	vst v63  }
0x12f: {  	_ =	swait.ge [sflag:s30], $0x2000  }
0x130: {  	[sflag:s30] =	ssyncset.done $0x0  }
0x131: {  	s7 =	rddreg [dreg:$0x18];
	[sflag:s30] =	ssyncadd.s32 $0xFFFFE000  }
0x132: {  	[hbm4b:s7+s3] =	stream.linear.scatter [tilespmem:s29], [sflag:$0xB], $0x2000, $0x38;
	[tilespmem:$0xE220] =	vst v63  }
0x133: {  	_ =	swait.ge [sflag:s30], $0x2000  }
0x134: {  	[sflag:s30] =	ssyncset.done $0x0  }
0x135: {  	s8 =	rddreg [dreg:$0xf];
	[sflag:s30] =	ssyncadd.s32 $0xFFFFE000  }
0x136: {  	[tilespmem:s29], [sflag:$0xB] =	stream.linear.gather [spmem:s8], $0x1E00, $0x38;
	[tilespmem:$0xE220] =	vst v63  }
0x137: {  	_ =	swait.ge [sflag:s30], $0x1E00  }
0x138: {  	[sflag:s30] =	ssyncset.done $0x0  }
0x139: {  	s9 =	rddreg [dreg:$0x19];
	[sflag:s30] =	ssyncadd.s32 $0xFFFFE200  }
0x13a: {  	[hbm4b:s9+s3] =	stream.linear.scatter [tilespmem:s29], [sflag:$0xB], $0x1E00, $0x38;
	[tilespmem:$0xE220] =	vst v63  }
0x13b: {  	_ =	swait.ge [sflag:s30], $0x1E00  }
0x13c: {  	s12 =	sld [smem:$0x7FC];
	_ =	sdelay $0x2  }
0x13d: {  	s25 =	rddreg [dreg:$0x1d];
	s7 =	sadd.s32 $0x1, s12  }
0x13e: {  	p0 =	sne.s32 s7, s25  }
.Ltmp2:
0x13f: {  	_ = 	snop;
	(pc) =	sbr.rel @p0 .LBB2_1-.Ltmp2, $3  }
0x140: {  	_ =	sdelay $0x1  }
0x141: {  	[sflag:s30] =	ssyncset.done $0x0  }
0x142: {  	[sflag:s30] =	ssyncadd.s32 $0xFFFFE200  }
0x143: {  	_ =	sfence.sel $0x180000  }
0x144: {  	[bflag:$0x0] =	sbarrier.arrive $0xFFFF  }
0x145: {  	_ =	strace $0x9000004D  }
0x146: {  	s0 =	stileid.u32;
	[bflag:$0x2] =	sbarrier.arrive $0xFFFF  }
0x147: {  	p0 =	sne.s32 s0, $0x0;
	s0 =	rddreg [dreg:$0x3]  }
0x148: {  	s0 =	sadd.s32 @!p0 $0x100000, s0  }
0x149: {  	[sflag:s0] =	ssyncadd.tile.s32 @!p0 $0x1;
	_ =	shalt  }
.Lfunc_end2:
_tile_overlayer_lowered:
.L_overlay_start_2:
0x14a: {  	(tag) =	ssettag $0x2  }
0x14b: {  	s0 =	rddreg [dreg:$0x0];
	s2 =	stileid.u32  }
0x14c: {  	s1 =	rddreg [dreg:$0x1];
	p0 =	sne.s32 s2, $0x0  }
0x14d: {  	s3 =	rddreg [dreg:$0x2];
	[bflag:$0x3] =	sbarrier.arrive $0xFFFF;
	s2 =	simm.s32 @!p0 $0x1C0B  }
0x14e: {  	[timem:s3], [sflag:s2] =	dma.local @!p0 [hbm:s0], s1  }
0x14f: {  	s0 =	simm.s32 @!p0 $0xB  }
0x150: {  	_ =	swait.ge @!p0 [sflag:s0], s1  }
0x151: {  	s1 =	ssub.s32 @!p0 $0x0, s1;
	[sflag:s0] =	ssyncset.done @!p0 $0x0  }
0x152: {  	[sflag:s0] =	ssyncadd.s32 @!p0 s1  }
0x153: {  	[bflag:$0x3] =	sbarrier.arrive $0xFFFF  }
0x154: {  	_ =	shalt  }

// kernel: kernel.9.cloned.1.call-start
scs
__scs_entry_jumppad:
0x0: {  	(pc) =	sbr.rel $0x88, $3  }
0x1: {  	(tag) =	ssettag $0x0;
	lr =	simm.s32 $0x1  }
0x2: {  	[smem:$0x3F9B] =	sst lr;
	_ =	strace $0xD0000000  }
0x3: {  	_ = 	snop  }
0x4: {  	_ = 	snop  }
0x5: {  	_ = 	snop  }
0x6: {  	_ = 	snop  }
0x7: {  	_ = 	snop  }
__scs_overlays_trampoline_lowered:
0x8: {  	[smem:$0x3FAA] =	sst s0  }
0x9: {  	[smem:$0x3FAB] =	sst s1  }
0xa: {  	[smem:$0x3FAC] =	sst s2  }
0xb: {  	[smem:$0x3FAD] =	sst s3  }
0xc: {  	[smem:$0x3FAE] =	sst s4  }
0xd: {  	[smem:$0x3FAF] =	sst s5  }
0xe: {  	[smem:$0x3FB0] =	sst s6  }
0xf: {  	[smem:$0x3FB1] =	sst s7  }
0x10: {  	[smem:$0x3FB2] =	sst s8  }
0x11: {  	[smem:$0x3FB3] =	sst s9;
	s0 =	simm.s32 @!p0 $0x0  }
0x12: {  	s1 =	sld [smem:$0x3F99];
	s0 =	simm.s32 @p0 $0x1  }
0x13: {  	[smem:$0x3FB4] =	sst s0;
	s0 =	simm.s32 @!p1 $0x0  }
0x14: {  	s2 =	sld [smem:$0x3F98];
	s0 =	simm.s32 @p1 $0x1  }
0x15: {  	[smem:$0x3FB5] =	sst s0;
	s0 =	simm.s32 @!p2 $0x0  }
0x16: {  	s3 =	sld [smem:$0x3FDB];
	s0 =	simm.s32 @p2 $0x1  }
0x17: {  	s4 =	simm.s32 $0x1BF5;
	[smem:$0x3FB7] =	sst s0  }
0x18: {  	s0 =	sld [smem:$0x3F9A];
	_ =	swait.ge [sflag:s4], $0x0  }
0x19: {  	s7 =	sld [smem:$0x3F9B]  }
0x1a: {  	s8 =	sadd.s32 $0xFFFFE003, lr  }
0x1b: {  	s9 =	sadd.s32 $0xFFFFFEF7, lr;
	s5 =	simm.s32 $0xFFFFFFFF;
	p2 =	slt.u32 s8, $0xFFFFF086  }
0x1c: {  	p1 =	slt.u32 s9, $0xF7A;
	s5 =	simm.s32 @!p2 $0x0  }
0x1d: {  	s5 =	simm.s32 @p1 $0x1;
	p0 =	seq.s32 s7, s2  }
0x1e: {  	s7 =	smul.u32 @!p0 $0xF7A, s2;
	p2 =	seq.s32 @!p0 s5, $0x0  }
0x1f: {  	s9 =	smul.u32 $0xF7A, s1;
	s8 =	simm.s32 @!p0 $0x1BF5;
	p2 =	por !p2, p0  }
0x20: {  	[sflag:s8] =	ssyncset.s32 @!p0 $0xFFFFF086;
	s6 =	sadd.s32 @!p0 s3, s7;
	s7 =	simm.s32 @!p0 $0x108  }
0x21: {  	s3 =	sadd.s32 s3, s9;
	s6 =	sadd.s32 @!p0 $0x88, s6;
	s7 =	simm.s32 @p2 $0x1082  }
0x22: {  	[simem:s7], [sflag:s8] =	dma.local @!p0 [hbm:s6], $0xF7A  }
0x23: {  	s9 =	sor.u32 $0xD0000000, s2;
	s6 =	simm.s32 $0x108;
	_ =	swait.ge @!p0 [sflag:s8], $0x0  }
0x24: {  	s3 =	sadd.s32 $0x88, s3;
	s6 =	simm.s32 @!p1 $0x1082;
	[sflag:s4] =	ssyncset.s32 $0xFFFFF086  }
0x25: {  	[simem:s6], [sflag:s4] =	dma.local [hbm:s3], $0xF7A  }
0x26: {  	[smem:$0x3F9B] =	sst s1;
	(tag) =	ssettag s2;
	_ =	strace s9  }
0x27: {  	s1 =	sld [smem:$0x3FAB]  }
0x28: {  	s2 =	sld [smem:$0x3FAC]  }
0x29: {  	s4 =	sld [smem:$0x3FAE]  }
0x2a: {  	p0 =	seq.s32 s5, $0x0;
	s5 =	sld [smem:$0x3FAF]  }
0x2b: {  	s6 =	sld [smem:$0x3FB0]  }
0x2c: {  	s7 =	sld [smem:$0x3FB1]  }
0x2d: {  	s3 =	simm.s32 $0x108;
	s8 =	sld [smem:$0x3FB2]  }
0x2e: {  	s3 =	simm.s32 @!p0 $0x1082;
	s9 =	sld [smem:$0x3FB3]  }
0x2f: {  	lr =	sadd.s32 s0, s3;
	s0 =	sld [smem:$0x3FAA]  }
0x30: {  	s3 =	sld [smem:$0x3FAD]  }
0x31: {  	[smem:$0x3FB6] =	sst s10  }
0x32: {  	s10 =	sld [smem:$0x3FB4];
	_ =	sdelay $0x3  }
0x33: {  	p0 =	seq.s32 s10, $0x1;
	s10 =	sld [smem:$0x3FB6];
	_ =	sdelay $0x3  }
0x34: {  	[smem:$0x3FB6] =	sst s10  }
0x35: {  	s10 =	sld [smem:$0x3FB5];
	_ =	sdelay $0x3  }
0x36: {  	p1 =	seq.s32 s10, $0x1;
	s10 =	sld [smem:$0x3FB6];
	_ =	sdelay $0x3  }
0x37: {  	[smem:$0x3FB6] =	sst s10  }
0x38: {  	s10 =	sld [smem:$0x3FB7]  }
0x39: {  	_ = 	snop;
	(pc) =	sbr.ind lr, $3  }
0x3a: {  	_ = 	snop  }
0x3b: {  	_ = 	snop  }
0x3c: {  	p2 =	seq.s32 s10, $0x1;
	s10 =	sld [smem:$0x3FB6]  }
0x3d: {  	_ =	shalt  }
0x3e: {  	_ =	shalt  }
0x3f: {  	_ =	shalt  }
0x40: {  	_ =	shalt  }
0x41: {  	_ =	shalt  }
0x42: {  	_ =	shalt  }
0x43: {  	_ =	shalt  }
0x44: {  	_ =	shalt  }
0x45: {  	_ =	shalt  }
0x46: {  	_ =	shalt  }
0x47: {  	_ =	shalt  }
0x48: {  	_ =	shalt  }
0x49: {  	_ =	shalt  }
0x4a: {  	_ =	shalt  }
0x4b: {  	_ =	shalt  }
0x4c: {  	_ =	shalt  }
0x4d: {  	_ =	shalt  }
0x4e: {  	_ =	shalt  }
0x4f: {  	_ =	shalt  }
0x50: {  	_ =	shalt  }
0x51: {  	_ =	shalt  }
0x52: {  	_ =	shalt  }
0x53: {  	_ =	shalt  }
0x54: {  	_ =	shalt  }
0x55: {  	_ =	shalt  }
0x56: {  	_ =	shalt  }
0x57: {  	_ =	shalt  }
0x58: {  	_ =	shalt  }
0x59: {  	_ =	shalt  }
0x5a: {  	_ =	shalt  }
0x5b: {  	_ =	shalt  }
0x5c: {  	_ =	shalt  }
0x5d: {  	_ =	shalt  }
0x5e: {  	_ =	shalt  }
0x5f: {  	_ =	shalt  }
0x60: {  	_ =	shalt  }
0x61: {  	_ =	shalt  }
0x62: {  	_ =	shalt  }
0x63: {  	_ =	shalt  }
0x64: {  	_ =	shalt  }
0x65: {  	_ =	shalt  }
0x66: {  	_ =	shalt  }
0x67: {  	_ =	shalt  }
0x68: {  	_ =	shalt  }
0x69: {  	_ =	shalt  }
0x6a: {  	_ =	shalt  }
0x6b: {  	_ =	shalt  }
0x6c: {  	_ =	shalt  }
0x6d: {  	_ =	shalt  }
0x6e: {  	_ =	shalt  }
0x6f: {  	_ =	shalt  }
0x70: {  	_ =	shalt  }
0x71: {  	_ =	shalt  }
0x72: {  	_ =	shalt  }
0x73: {  	_ =	shalt  }
0x74: {  	_ =	shalt  }
0x75: {  	_ =	shalt  }
0x76: {  	_ =	shalt  }
0x77: {  	_ =	shalt  }
0x78: {  	_ =	shalt  }
0x79: {  	_ =	shalt  }
0x7a: {  	_ =	shalt  }
0x7b: {  	_ =	shalt  }
0x7c: {  	_ =	shalt  }
0x7d: {  	_ =	shalt  }
0x7e: {  	_ =	shalt  }
0x7f: {  	_ =	shalt  }
0x80: {  	_ =	shalt  }
0x81: {  	_ =	shalt  }
0x82: {  	_ =	shalt  }
0x83: {  	_ =	shalt  }
0x84: {  	_ =	shalt  }
0x85: {  	_ =	shalt  }
0x86: {  	_ =	shalt  }
0x87: {  	_ =	shalt  }
.Lfunc_end0:
.L_simem_size_0:
called_computation_lowered:
.L_overlay_start_0:
0x88: {  	s2 =	sld [smem:$0x3FD9]  }
0x89: {  	s3 =	sld [smem:$0x3FFE];
	_ =	sdelay $0x1  }
0x8a: {  	s1 =	srdreg.scid  }
0x8b: {  	s0 =	sand.u32 $0x1, s1  }
0x8c: {  	s17 =	sshll.u32 s0, $0xA;
	s2 =	sadd.s32 s3, s2  }
0x8d: {  	s2 =	sadd.s32 s2, s17  }
0x8e: {  	[smem:$0x3FC2] =	sst s2  }
0x8f: {  	_ = 	snop  }
0x90: {  	s2 =	sld [smem:$0x3FD0];
	(tm) =	ssettm $0x1  }
0x91: {  	s18 =	sld [smem:$0x3FFB];
	_ =	sdelay $0x3  }
0x92: {  	_ =	strace s18  }
0x93: {  	s3 =	sld [smem:$0x3FFC];
	_ =	sdelay $0x3  }
0x94: {  	_ =	strace s3  }
0x95: {  	s3 =	sld [smem:$0x3FFD];
	_ =	sdelay $0x3  }
0x96: {  	_ =	strace s3  }
0x97: {  	_ =	strace $0x8FFFFFFF  }
0x98: {  	s19 =	sld [smem:$0x3FDB];
	_ =	sdelay $0x1  }
0x99: {  	s4 =	simm.s32 $_scs_section_size  }
0x9a: {  	s5 =	simm.s32 $_size__tile_overlayer_lowered;
	s6 =	simm.s32 $_tile_overlayer_lowered  }
0x9b: {  	s22 =	simm.s32 $0x1BFF;
	s21 =	sshll.u32 s6, $0x1;
	s3 =	sadd.s32 s4, s19  }
0x9c: {  	s7 =	simm.s32 $0x0;
	s20 =	sshll.u32 s5, $0x1;
	s5 =	sadd.s32 s21, s3  }
0x9d: {  	[timem:s7], [sflag:s22] =	dma.local [hbm:s5], s20  }
0x9e: {  	_ =	swait.ge [sflag:s22], s20  }
0x9f: {  	s4 =	ssub.s32 $0x0, s20;
	[sflag:s22] =	ssyncset.done $0x0  }
0xa0: {  	[sflag:s22] =	ssyncadd.s32 s4;
	_ =	sdelay $0x1  }
0xa1: {  	s23 =	simm.s32 $0x1B8B  }
0xa2: {  	_ =	swait.ge [sflag:s23], $0x1  }
0xa3: {  	[sflag:s23] =	ssyncset.done $0x0  }
0xa4: {  	s25 =	simm.s32 $0x1B8E;
	s24 =	sld [smem:$0x3FFE];
	[sflag:s23] =	ssyncadd.s32 $0xFFFFFFFF  }
0xa5: {  	s26 =	simm.s32 $execute0_lowered;
	[smem:$0x3FD2] =	sst s25  }
0xa6: {  	s5 =	sshll.u32 s26, $0x1;
	_ =	strace $0x80000046;
	[dreg:$0x1] =	wrdreg $0xFFFFFFFF  }
0xa7: {  	s28 =	simm.s32 $_size_execute0_lowered;
	s3 =	sadd.s32 s3, s5;
	[dreg:$0x0] =	wrdreg $0x0  }
0xa8: {  	s5 =	sshll.u32 s28, $0x1;
	[dreg:$0x2] =	wrdreg s3  }
0xa9: {  	[dreg:$0x3] =	wrdreg s5  }
0xaa: {  	[dreg:$0x4] =	wrdreg $0xC0  }
0xab: {  	_ =	task [dreg:s7], $0x5FFFF  }
0xac: {  	[dreg:$0x1] =	wrdreg $0xFFFFFFFF  }
0xad: {  	[dreg:$0x0] =	wrdreg $0x60  }
0xae: {  	[dreg:$0x2] =	wrdreg s24  }
0xaf: {  	[dreg:$0x3] =	wrdreg s2  }
0xb0: {  	[dreg:$0x4] =	wrdreg $0x53080  }
0xb1: {  	[dreg:$0x5] =	wrdreg $0x9  }
0xb2: {  	_ =	task.clear_ibuf [dreg:s7], $0x6FFFF;
	_ =	strace $0x90000046  }
0xb3: {  	s29 =	simm.s32 $0x9;
	_ =	strace $0x80000048  }
0xb4: {  	_ =	swait.ge [sflag:s29], $0x1  }
0xb5: {  	[sflag:s29] =	ssyncadd.s32 $0xFFFFFFFF  }
0xb6: {  	_ =	strace $0x90000048  }
0xb7: {  	_ =	sfence  }
0xb8: {  	s30 =	sld [smem:$0x0];
	_ =	sdelay $0x2  }
0xb9: {  	s31 =	sshll.u32 s1, $0xD;
	s1 =	sshrl.u32 s1, $0x2  }
0xba: {  	s3 =	sand.u32 $0x4000, s31;
	s1 =	sadd.s32 s1, s30  }
0xbb: {  	s0 =	sor.u32 s3, s0;
	s1 =	sshll.u32 s1, $0x11  }
0xbc: {  	s0 =	sor.u32 s1, s0  }
0xbd: {  	s0 =	sadd.s32 $0x8F2B, s0  }
0xbe: {  	[sflag:s0] =	ssyncadd.remote.s32 $0x1  }
0xbf: {  	_ =	sfence.sel $0xFFFF  }
0xc0: {  	[dreg:$0x0] =	wrdreg $0xFFFFFFFF;
	(pc) =	sbr.abs _section_cstart, $3  }
0xc1: {  	[dreg:$0x1] =	wrdreg $0xFFFFFFFF  }
0xc2: {  	_ =	task.clear_ibuf [dreg:s7], $0x2FFFF;
	_ =	strace $0x9FFFFFFF  }
0xc3: {  	(tm) =	ssettm $0x7FFFFFFF  }
tec
execute0_lowered:
.L_overlay_start_1:
0x0: {  	(tag) =	ssettag $0x1  }
0x1: {  	s0 =	rddreg [dreg:$0x0];
	s1 =	srdreg.scid  }
0x2: {  	s3 =	rddreg [dreg:$0x1];
	s10 =	stileid.u32  }
0x3: {  	s4 =	rddreg [dreg:$0x2];
	s2 =	simm.s32 $0x0;
	s8 =	smul.u32 $0x9E00, s10  }
0x4: {  	s31 =	simm.s32 $0x1;
	s1 =	sand.u32 $0x1, s1;
	s9 =	smul.u32 $0x278, s10  }
0x5: {  	[smem:$0x7FF] =	sst s2;
	s0 =	sadd.s32 $0x2200, s0;
	s23 =	smul.u32 $0x2710, s10  }
0x6: {  	s5 =	sshll.u32 s1, $0x4;
	_ =	strace $0x80000047;
	s20 =	smul.u32 $0x27100, s1  }
0x7: {  	s6 =	ssub.s32 $0x2, s1;
	s1 =	smul.u32 $0x2780, s1;
	s5 =	sor.u32 s10, s5  }
0x8: {  	s7 =	sshrl.u32 s6, $0x1;
	s18 =	sshrl.u32 s8, $0x2;
	s8 =	simm.s32 $0x0  }
0x9: {  	s6 =	ssub.s32 s6, s7;
	s7 =	sadd.s32 s9, s4;
	s4 =	sadd.s32 s18, s4  }
0xa: {  	s5 =	smul.u32 $0x2710, s5;
	s1 =	sadd.s32 s9, s1;
	[dreg:$0x8] =	wrdreg s4  }
0xb: {  	s19 =	sadd.s32 $0x2780, s7;
	s21 =	sadd.s32 $0x4F00, s7;
	s22 =	sadd.s32 $0x7680, s7  }
0xc: {  	s24 =	sadd.s32 $0x9E00, s7;
	s13 =	sadd.s32 $0xC580, s7;
	s14 =	sadd.s32 $0xED00, s7  }
0xd: {  	s4 =	sadd.s32 s23, s20;
	s1 =	sshrl.u32 s1, $0x3;
	[dreg:$0x9] =	wrdreg s19  }
0xe: {  	s18 =	sadd.s32 $0x18B00, s7;
	s28 =	sadd.s32 $0x20180, s7;
	[dreg:$0xa] =	wrdreg s21  }
0xf: {  	s29 =	sadd.s32 $0x22900, s7;
	s30 =	sadd.s32 $0x25080, s7;
	[dreg:$0xb] =	wrdreg s22  }
0x10: {  	s5 =	sshrl.u32 s5, $0x3;
	[dreg:$0xc] =	wrdreg s24;
	s19 =	sadd.s32 s3, s1  }
0x11: {  	s25 =	sadd.s32 $0x4E3E0, s4;
	s26 =	sadd.s32 $0x4E390, s4;
	s24 =	sadd.s32 $0x1B280, s7  }
0x12: {  	s5 =	sadd.s32 s0, s5;
	s1 =	sshrl.u32 s25, $0x3;
	s3 =	sshrl.u32 s26, $0x3  }
0x13: {  	s25 =	smax.u32 s6, $0x1;
	s26 =	sadd.s32 $0x1DA00, s7;
	s15 =	sadd.s32 $0x9C40, s5  }
0x14: {  	s6 =	simm.s32 $0x5;
	s16 =	sadd.s32 $0x9C4A, s5;
	[dreg:$0x4] =	wrdreg s15  }
0x15: {  	s17 =	sadd.s32 $0x9C54, s5;
	s5 =	sadd.s32 $0x9C5E, s5;
	[dreg:$0x5] =	wrdreg s16  }
0x16: {  	s21 =	sadd.s32 s1, s0;
	s22 =	sadd.s32 s3, s0;
	[dreg:$0x6] =	wrdreg s17  }
0x17: {  	s1 =	simm.s32 $0xF0;
	s3 =	simm.s32 $0x2;
	[dreg:$0x7] =	wrdreg s5  }
0x18: {  	s15 =	sadd.s32 $0x11480, s7;
	s5 =	sadd.s32 $0x4E430, s4;
	s4 =	sadd.s32 $0x4E340, s4  }
0x19: {  	s16 =	sadd.s32 $0x13C00, s7;
	s5 =	sshrl.u32 s5, $0x3;
	s4 =	sshrl.u32 s4, $0x3  }
0x1a: {  	s17 =	sadd.s32 $0x16380, s7;
	s20 =	sadd.s32 s5, s0;
	s23 =	sadd.s32 s4, s0  }
0x1b: {  	v0 =	vimm.f32 $1.000000000e+00;
	v1 =	vimm.f32 $0.0e+00;
	s0 =	simm.s32 $0x190;
	s4 =	simm.s32 $0x3;
	s5 =	simm.s32 $0x4  }
.LBB2_1:
0x1c: {  	[tilespmem:$0x140] =	vst v0  }
0x1d: {  	[tilespmem:$0x150] =	vst v0  }
0x1e: {  	[tilespmem:$0x160] =	vst v0  }
0x1f: {  	[tilespmem:$0x170] =	vst v0  }
0x20: {  	[tilespmem:$0x180] =	vst v0;
	s9 =	simm.s32 $0x40;
	s10 =	simm.s32 $0x0  }
.LBB2_2:
0x21: {  	p0 =	sne.s32 s9, $0x9DC0;
	[tilespmem:s10+$0x190] =	vst v1;
	s10 =	smov.u32 s9;
	s9 =	sadd.s32 $0x40, s9  }
.Ltmp0:
0x22: {  	(pc) =	sbr.rel @p0 .LBB2_2-.Ltmp0, $2  }
0x23: {  	_ =	sdelay $0x2  }
0x24: {  	s10 =	sshra.s32 s10, $0x2  }
0x25: {  	[tilespmem:s10+$0x190] =	vst v1;
	s9 =	simm.s32 $0x0;
	s11 =	rddreg [dreg:$0x4]  }
0x26: {  	[tilespmem:s9], [sflag:$0x1] =	stream.linear.gather [hbm4b:s11+s9], $0x50, $0x38;
	[tilespmem:$0x7A88] =	vst v63  }
0x27: {  	s12 =	rddreg [dreg:$0x5];
	s11 =	simm.s32 $0x50  }
0x28: {  	[tilespmem:s11], [sflag:$0x2] =	stream.linear.gather [hbm4b:s12+s9], $0x50, $0x38;
	[tilespmem:$0x7A88] =	vst v63  }
0x29: {  	s11 =	rddreg [dreg:$0x6];
	s12 =	simm.s32 $0xA0  }
0x2a: {  	[tilespmem:s12], [sflag:$0x3] =	stream.linear.gather [hbm4b:s11+s9], $0x50, $0x38;
	[tilespmem:$0x7A88] =	vst v63  }
0x2b: {  	s12 =	rddreg [dreg:$0x7]  }
0x2c: {  	[tilespmem:s1], [sflag:$0x4] =	stream.linear.gather [hbm4b:s12+s9], $0x50, $0x38;
	[tilespmem:$0x7A88] =	vst v63  }
.LBB2_4:
0x2d: {  	_ =	swait.ge [sflag:s31], $0x50  }
0x2e: {  	[sflag:s31] =	ssyncset.done $0x0  }
0x2f: {  	[sflag:s31] =	ssyncadd.s32 $0xFFFFFFB0  }
0x30: {  	v2 =	vld [tilespmem:$0x0];
	_ =	sdelay $0x7  }
0x31: {  	[tilespmem:v2+s0+$0x0] =	vst.idx.add.f32.msk $0xffff, v0  }
0x32: {  	v2 =	vld [tilespmem:$0x10];
	_ =	sdelay $0x7  }
0x33: {  	[tilespmem:v2+s0+$0x0] =	vst.idx.add.f32.msk $0xffff, v0  }
0x34: {  	v2 =	vld [tilespmem:$0x20];
	_ =	sdelay $0x7  }
0x35: {  	[tilespmem:v2+s0+$0x0] =	vst.idx.add.f32.msk $0xffff, v0  }
0x36: {  	v2 =	vld [tilespmem:$0x30];
	_ =	sdelay $0x7  }
0x37: {  	[tilespmem:v2+s0+$0x0] =	vst.idx.add.f32.msk $0xffff, v0  }
0x38: {  	v2 =	vld [tilespmem:$0x40];
	_ =	sdelay $0x7  }
0x39: {  	s10 =	sadd.s32 s9, s23;
	[tilespmem:v2+s0+$0x0] =	vst.idx.add.f32.msk $0xffff, v0  }
0x3a: {  	[tilespmem:s2], [sflag:$0x1] =	stream.linear.gather [hbm4b:s10+s2], $0x50, $0x38;
	[tilespmem:$0x7A88] =	vst v63  }
0x3b: {  	_ =	swait.ge [sflag:s3], $0x50  }
0x3c: {  	[sflag:s3] =	ssyncset.done $0x0  }
0x3d: {  	[sflag:s3] =	ssyncadd.s32 $0xFFFFFFB0  }
0x3e: {  	v2 =	vld [tilespmem:$0x50];
	_ =	sdelay $0x7  }
0x3f: {  	[tilespmem:v2+s0+$0x0] =	vst.idx.add.f32.msk $0xffff, v0  }
0x40: {  	v2 =	vld [tilespmem:$0x60];
	_ =	sdelay $0x7  }
0x41: {  	[tilespmem:v2+s0+$0x0] =	vst.idx.add.f32.msk $0xffff, v0  }
0x42: {  	v2 =	vld [tilespmem:$0x70];
	_ =	sdelay $0x7  }
0x43: {  	[tilespmem:v2+s0+$0x0] =	vst.idx.add.f32.msk $0xffff, v0  }
0x44: {  	v2 =	vld [tilespmem:$0x80];
	_ =	sdelay $0x7  }
0x45: {  	[tilespmem:v2+s0+$0x0] =	vst.idx.add.f32.msk $0xffff, v0  }
0x46: {  	v2 =	vld [tilespmem:$0x90];
	_ =	sdelay $0x6  }
0x47: {  	p0 =	seq.s32 s9, $0x4B0  }
0x48: {  	s11 =	simm.s32 @!p0 $0x0;
	s12 =	simm.s32 @!p0 $0x50;
	s10 =	sadd.s32 @!p0 s9, s22;
	[tilespmem:v2+s0+$0x0] =	vst.idx.add.f32.msk $0xffff, v0  }
0x49: {  	[tilespmem:s12], [sflag:$0x2] =	stream.linear.gather @!p0 [hbm4b:s10+s11], $0x50, $0x38;
	[tilespmem:$0x7A88] =	vst v63  }
0x4a: {  	_ =	swait.ge [sflag:s4], $0x50  }
0x4b: {  	[sflag:s4] =	ssyncset.done $0x0  }
0x4c: {  	[sflag:s4] =	ssyncadd.s32 $0xFFFFFFB0  }
0x4d: {  	v2 =	vld [tilespmem:$0xA0];
	_ =	sdelay $0x7  }
0x4e: {  	[tilespmem:v2+s0+$0x0] =	vst.idx.add.f32.msk $0xffff, v0  }
0x4f: {  	v2 =	vld [tilespmem:$0xB0];
	_ =	sdelay $0x7  }
0x50: {  	[tilespmem:v2+s0+$0x0] =	vst.idx.add.f32.msk $0xffff, v0  }
0x51: {  	v2 =	vld [tilespmem:$0xC0];
	_ =	sdelay $0x7  }
0x52: {  	[tilespmem:v2+s0+$0x0] =	vst.idx.add.f32.msk $0xffff, v0  }
0x53: {  	v2 =	vld [tilespmem:$0xD0];
	_ =	sdelay $0x7  }
0x54: {  	[tilespmem:v2+s0+$0x0] =	vst.idx.add.f32.msk $0xffff, v0  }
0x55: {  	v2 =	vld [tilespmem:$0xE0];
	_ =	sdelay $0x7  }
0x56: {  	s10 =	sadd.s32 @!p0 s9, s21;
	s12 =	simm.s32 @!p0 $0xA0;
	[tilespmem:v2+s0+$0x0] =	vst.idx.add.f32.msk $0xffff, v0  }
0x57: {  	[tilespmem:s12], [sflag:$0x3] =	stream.linear.gather @!p0 [hbm4b:s10+s11], $0x50, $0x38;
	[tilespmem:$0x7A88] =	vst v63  }
0x58: {  	_ =	swait.ge [sflag:s5], $0x50  }
0x59: {  	[sflag:s5] =	ssyncset.done $0x0  }
0x5a: {  	[sflag:s5] =	ssyncadd.s32 $0xFFFFFFB0  }
0x5b: {  	v2 =	vld [tilespmem:$0xF0];
	_ =	sdelay $0x7  }
0x5c: {  	[tilespmem:v2+s0+$0x0] =	vst.idx.add.f32.msk $0xffff, v0  }
0x5d: {  	v2 =	vld [tilespmem:$0x100];
	_ =	sdelay $0x7  }
0x5e: {  	[tilespmem:v2+s0+$0x0] =	vst.idx.add.f32.msk $0xffff, v0  }
0x5f: {  	v2 =	vld [tilespmem:$0x110];
	_ =	sdelay $0x7  }
0x60: {  	[tilespmem:v2+s0+$0x0] =	vst.idx.add.f32.msk $0xffff, v0  }
0x61: {  	v2 =	vld [tilespmem:$0x120];
	_ =	sdelay $0x7  }
0x62: {  	[tilespmem:v2+s0+$0x0] =	vst.idx.add.f32.msk $0xffff, v0  }
0x63: {  	v2 =	vld [tilespmem:$0x130];
	_ =	sdelay $0x3  }
.Ltmp1:
0x64: {  	_ = 	snop;
	(pc) =	sbr.rel @p0 .LBB2_6-.Ltmp1, $2  }
0x65: {  	_ =	sdelay $0x2  }
0x66: {  	[tilespmem:v2+s0+$0x0] =	vst.idx.add.f32.msk $0xffff, v0  }
.Ltmp2:
0x67: {  	(pc) =	sbr.rel .LBB2_4-.Ltmp2, $3  }
0x68: {  	_ =	sdelay $0x1  }
0x69: {  	s10 =	sadd.s32 s9, s20;
	s9 =	sadd.s32 $0x28, s9  }
0x6a: {  	[tilespmem:s1], [sflag:$0x4] =	stream.linear.gather [hbm4b:s10+s2], $0x50, $0x38;
	[tilespmem:$0x7A88] =	vst v63  }
.LBB2_6:
0x6b: {  	_ =	swait.ge [sflag:s31], $0x50  }
0x6c: {  	[sflag:s31] =	ssyncset.done $0x0  }
0x6d: {  	[sflag:s31] =	ssyncadd.s32 $0xFFFFFFB0  }
0x6e: {  	v2 =	vld [tilespmem:$0x0];
	_ =	sdelay $0x7  }
0x6f: {  	[tilespmem:v2+s0+$0x0] =	vst.idx.add.f32.msk $0xffff, v0  }
0x70: {  	v2 =	vld [tilespmem:$0x10];
	_ =	sdelay $0x7  }
0x71: {  	[tilespmem:v2+s0+$0x0] =	vst.idx.add.f32.msk $0xffff, v0  }
0x72: {  	v2 =	vld [tilespmem:$0x20];
	_ =	sdelay $0x7  }
0x73: {  	[tilespmem:v2+s0+$0x0] =	vst.idx.add.f32.msk $0xffff, v0  }
0x74: {  	v2 =	vld [tilespmem:$0x30];
	_ =	sdelay $0x7  }
0x75: {  	[tilespmem:v2+s0+$0x0] =	vst.idx.add.f32.msk $0xffff, v0  }
0x76: {  	v2 =	vld [tilespmem:$0x40];
	_ =	sdelay $0x7  }
0x77: {  	s9 =	rddreg [dreg:$0x8];
	[tilespmem:v2+s0+$0x0] =	vst.idx.add.f32.msk $0xffff, v0  }
0x78: {  	[spmem:s9] =	stream.linear.scatter [tilespmem:s0], [sflag:$0x5], $0x2780, $0x38;
	[tilespmem:$0x7A88] =	vst v63  }
0x79: {  	_ =	swait.ge [sflag:s6], $0x2780  }
0x7a: {  	[sflag:s6] =	ssyncset.done $0x0  }
0x7b: {  	[sflag:s6] =	ssyncadd.s32 $0xFFFFD880  }
0x7c: {  	s11 =	simm.s32 $0x2910;
	[bflag:$0x0] =	sbarrier.arrive $0xFFFF  }
0x7d: {  	[tilespmem:s11], [sflag:$0x5] =	stream.linear.gather [spmem:s7], $0x278, $0x38;
	[tilespmem:$0x7A88] =	vst v63  }
0x7e: {  	_ =	swait.ge [sflag:s6], $0x278  }
0x7f: {  	[sflag:s6] =	ssyncset.done $0x0  }
0x80: {  	s10 =	simm.s32 $0x2B88;
	s12 =	rddreg [dreg:$0x9];
	[sflag:s6] =	ssyncadd.s32 $0xFFFFFD88  }
0x81: {  	[tilespmem:s10], [sflag:$0x5] =	stream.linear.gather [spmem:s12], $0x278, $0x38;
	[tilespmem:$0x7A88] =	vst v63  }
0x82: {  	_ =	swait.ge [sflag:s6], $0x278  }
0x83: {  	[sflag:s6] =	ssyncset.done $0x0  }
0x84: {  	s12 =	simm.s32 $0x2E00;
	s11 =	rddreg [dreg:$0xa];
	[sflag:s6] =	ssyncadd.s32 $0xFFFFFD88  }
0x85: {  	[tilespmem:s12], [sflag:$0x5] =	stream.linear.gather [spmem:s11], $0x278, $0x38;
	[tilespmem:$0x7A88] =	vst v63  }
0x86: {  	_ =	swait.ge [sflag:s6], $0x278  }
0x87: {  	[sflag:s6] =	ssyncset.done $0x0  }
0x88: {  	s12 =	simm.s32 $0x3078;
	s11 =	rddreg [dreg:$0xb];
	[sflag:s6] =	ssyncadd.s32 $0xFFFFFD88  }
0x89: {  	[tilespmem:s12], [sflag:$0x5] =	stream.linear.gather [spmem:s11], $0x278, $0x38;
	[tilespmem:$0x7A88] =	vst v63  }
0x8a: {  	_ =	swait.ge [sflag:s6], $0x278  }
0x8b: {  	[sflag:s6] =	ssyncset.done $0x0  }
0x8c: {  	s12 =	simm.s32 $0x32F0;
	s11 =	rddreg [dreg:$0xc];
	[sflag:s6] =	ssyncadd.s32 $0xFFFFFD88  }
0x8d: {  	[tilespmem:s12], [sflag:$0x5] =	stream.linear.gather [spmem:s11], $0x278, $0x38;
	[tilespmem:$0x7A88] =	vst v63  }
0x8e: {  	_ =	swait.ge [sflag:s6], $0x278  }
0x8f: {  	[sflag:s6] =	ssyncset.done $0x0  }
0x90: {  	s11 =	simm.s32 $0x3568;
	[sflag:s6] =	ssyncadd.s32 $0xFFFFFD88  }
0x91: {  	[tilespmem:s11], [sflag:$0x5] =	stream.linear.gather [spmem:s13], $0x278, $0x38;
	[tilespmem:$0x7A88] =	vst v63  }
0x92: {  	_ =	swait.ge [sflag:s6], $0x278  }
0x93: {  	[sflag:s6] =	ssyncset.done $0x0  }
0x94: {  	s12 =	simm.s32 $0x37E0;
	[sflag:s6] =	ssyncadd.s32 $0xFFFFFD88  }
0x95: {  	[tilespmem:s12], [sflag:$0x5] =	stream.linear.gather [spmem:s14], $0x278, $0x38;
	[tilespmem:$0x7A88] =	vst v63  }
0x96: {  	_ =	swait.ge [sflag:s6], $0x278  }
0x97: {  	[sflag:s6] =	ssyncset.done $0x0  }
0x98: {  	s10 =	simm.s32 $0x3A58;
	[sflag:s6] =	ssyncadd.s32 $0xFFFFFD88  }
0x99: {  	[tilespmem:s10], [sflag:$0x5] =	stream.linear.gather [spmem:s15], $0x278, $0x38;
	[tilespmem:$0x7A88] =	vst v63  }
0x9a: {  	_ =	swait.ge [sflag:s6], $0x278  }
0x9b: {  	[sflag:s6] =	ssyncset.done $0x0  }
0x9c: {  	s11 =	simm.s32 $0x3CD0;
	[sflag:s6] =	ssyncadd.s32 $0xFFFFFD88  }
0x9d: {  	[tilespmem:s11], [sflag:$0x5] =	stream.linear.gather [spmem:s16], $0x278, $0x38;
	[tilespmem:$0x7A88] =	vst v63  }
0x9e: {  	_ =	swait.ge [sflag:s6], $0x278  }
0x9f: {  	[sflag:s6] =	ssyncset.done $0x0  }
0xa0: {  	s12 =	simm.s32 $0x3F48;
	[sflag:s6] =	ssyncadd.s32 $0xFFFFFD88  }
0xa1: {  	[tilespmem:s12], [sflag:$0x5] =	stream.linear.gather [spmem:s17], $0x278, $0x38;
	[tilespmem:$0x7A88] =	vst v63  }
0xa2: {  	_ =	swait.ge [sflag:s6], $0x278  }
0xa3: {  	[sflag:s6] =	ssyncset.done $0x0  }
0xa4: {  	s10 =	simm.s32 $0x41C0;
	[sflag:s6] =	ssyncadd.s32 $0xFFFFFD88  }
0xa5: {  	[tilespmem:s10], [sflag:$0x5] =	stream.linear.gather [spmem:s18], $0x278, $0x38;
	[tilespmem:$0x7A88] =	vst v63  }
0xa6: {  	_ =	swait.ge [sflag:s6], $0x278  }
0xa7: {  	[sflag:s6] =	ssyncset.done $0x0  }
0xa8: {  	s11 =	simm.s32 $0x4438;
	[sflag:s6] =	ssyncadd.s32 $0xFFFFFD88  }
0xa9: {  	[tilespmem:s11], [sflag:$0x5] =	stream.linear.gather [spmem:s24], $0x278, $0x38;
	[tilespmem:$0x7A88] =	vst v63  }
0xaa: {  	_ =	swait.ge [sflag:s6], $0x278  }
0xab: {  	[sflag:s6] =	ssyncset.done $0x0  }
0xac: {  	s12 =	simm.s32 $0x46B0;
	[sflag:s6] =	ssyncadd.s32 $0xFFFFFD88  }
0xad: {  	[tilespmem:s12], [sflag:$0x5] =	stream.linear.gather [spmem:s26], $0x278, $0x38;
	[tilespmem:$0x7A88] =	vst v63  }
0xae: {  	_ =	swait.ge [sflag:s6], $0x278  }
0xaf: {  	[sflag:s6] =	ssyncset.done $0x0  }
0xb0: {  	s10 =	simm.s32 $0x4928;
	[sflag:s6] =	ssyncadd.s32 $0xFFFFFD88  }
0xb1: {  	[tilespmem:s10], [sflag:$0x5] =	stream.linear.gather [spmem:s28], $0x278, $0x38;
	[tilespmem:$0x7A88] =	vst v63  }
0xb2: {  	_ =	swait.ge [sflag:s6], $0x278  }
0xb3: {  	[sflag:s6] =	ssyncset.done $0x0  }
0xb4: {  	s11 =	simm.s32 $0x4BA0;
	[sflag:s6] =	ssyncadd.s32 $0xFFFFFD88  }
0xb5: {  	[tilespmem:s11], [sflag:$0x5] =	stream.linear.gather [spmem:s29], $0x278, $0x38;
	[tilespmem:$0x7A88] =	vst v63  }
0xb6: {  	_ =	swait.ge [sflag:s6], $0x278  }
0xb7: {  	[sflag:s6] =	ssyncset.done $0x0  }
0xb8: {  	s12 =	simm.s32 $0x4E18;
	[sflag:s6] =	ssyncadd.s32 $0xFFFFFD88  }
0xb9: {  	[tilespmem:s12], [sflag:$0x5] =	stream.linear.gather [spmem:s30], $0x278, $0x38;
	[tilespmem:$0x7A88] =	vst v63  }
0xba: {  	_ =	swait.ge [sflag:s6], $0x278  }
0xbb: {  	[sflag:s6] =	ssyncset.done $0x0  }
0xbc: {  	s10 =	simm.s32 $0x0;
	[sflag:s6] =	ssyncadd.s32 $0xFFFFFD88  }
0xbd: {  	v2 =	vld [tilespmem:s10+$0x2910]  }
0xbe: {  	v3 =	vld [tilespmem:s10+$0x2B88];
	_ =	sdelay $0x1  }
0xbf: {  	v4 =	vld [tilespmem:s10+$0x2E00];
	_ =	sdelay $0x1  }
0xc0: {  	v5 =	vld [tilespmem:s10+$0x3078]  }
0xc1: {  	v2 =	vadd.f32 v3, v2  }
0xc2: {  	v3 =	vld [tilespmem:s10+$0x32F0]  }
0xc3: {  	v2 =	vadd.f32 v4, v2  }
0xc4: {  	v4 =	vld [tilespmem:s10+$0x3568]  }
0xc5: {  	v2 =	vadd.f32 v5, v2  }
0xc6: {  	v5 =	vld [tilespmem:s10+$0x37E0]  }
0xc7: {  	v2 =	vadd.f32 v3, v2  }
0xc8: {  	v3 =	vld [tilespmem:s10+$0x3A58]  }
0xc9: {  	s9 =	simm.s32 $0x10;
	v6 =	vld [tilespmem:s10+$0x3CD0];
	v2 =	vadd.f32 v4, v2  }
0xca: {  	v7 =	vld [tilespmem:s9+$0x2910]  }
0xcb: {  	v4 =	vld [tilespmem:s10+$0x3F48];
	v2 =	vadd.f32 v5, v2  }
0xcc: {  	v5 =	vld [tilespmem:s9+$0x2B88]  }
0xcd: {  	v8 =	vld [tilespmem:s9+$0x2E00];
	v2 =	vadd.f32 v3, v2  }
0xce: {  	v3 =	vld [tilespmem:s10+$0x41C0]  }
0xcf: {  	v9 =	vld [tilespmem:s9+$0x3078];
	v2 =	vadd.f32 v6, v2  }
0xd0: {  	v6 =	vld [tilespmem:s10+$0x4438]  }
0xd1: {  	v5 =	vadd.f32 v5, v7;
	v7 =	vld [tilespmem:s9+$0x32F0];
	v2 =	vadd.f32 v4, v2  }
0xd2: {  	v4 =	vld [tilespmem:s10+$0x46B0]  }
0xd3: {  	v5 =	vadd.f32 v8, v5;
	v8 =	vld [tilespmem:s9+$0x3568];
	v2 =	vadd.f32 v3, v2  }
0xd4: {  	v3 =	vld [tilespmem:s10+$0x4928]  }
0xd5: {  	v10 =	vld [tilespmem:s9+$0x37E0];
	v5 =	vadd.f32 v9, v5;
	v2 =	vadd.f32 v6, v2  }
0xd6: {  	v9 =	vld [tilespmem:s10+$0x4BA0]  }
0xd7: {  	v6 =	vadd.f32 v7, v5;
	v5 =	vld [tilespmem:s9+$0x3A58];
	v7 =	vadd.f32 v4, v2  }
0xd8: {  	v4 =	vld [tilespmem:s10+$0x4E18]  }
0xd9: {  	v2 =	vld [tilespmem:s9+$0x3F48];
	v8 =	vadd.f32 v8, v6;
	v11 =	vadd.f32 v3, v7  }
0xda: {  	s11 =	simm.s32 $0x20;
	v6 =	vld [tilespmem:s9+$0x3CD0]  }
0xdb: {  	s12 =	simm.s32 $0xC0;
	v3 =	vld [tilespmem:s11+$0x2910];
	v7 =	vadd.f32 v10, v8;
	v8 =	vadd.f32 v9, v11  }
.LBB2_7:
0xdc: {  	p0 =	sne.s32 s12, $0x980;
	v9 =	vld [tilespmem:s11+$0x2B88]  }
0xdd: {  	v5 =	vadd.f32 v5, v7;
	v7 =	vld [tilespmem:s9+$0x41C0];
	v4 =	vadd.f32 v4, v8  }
0xde: {  	v8 =	vld [tilespmem:s11+$0x2E00]  }
0xdf: {  	v5 =	vadd.f32 v6, v5;
	v6 =	vld [tilespmem:s9+$0x4438];
	[tilespmem:s10+$0x5090] =	vst v4;
	s10 =	smov.u32 s9;
	s9 =	smov.u32 s11  }
0xe0: {  	v4 =	vld [tilespmem:s9+$0x3078]  }
0xe1: {  	v3 =	vadd.f32 v9, v3;
	v2 =	vadd.f32 v2, v5;
	v5 =	vld [tilespmem:s10+$0x46B0]  }
0xe2: {  	v9 =	vld [tilespmem:s9+$0x32F0]  }
0xe3: {  	v3 =	vadd.f32 v8, v3;
	v2 =	vadd.f32 v7, v2;
	v7 =	vld [tilespmem:s10+$0x4928]  }
0xe4: {  	v8 =	vld [tilespmem:s9+$0x3568]  }
0xe5: {  	v3 =	vadd.f32 v4, v3;
	v2 =	vadd.f32 v6, v2;
	v10 =	vld [tilespmem:s10+$0x4BA0]  }
0xe6: {  	v11 =	vld [tilespmem:s9+$0x37E0]  }
.Ltmp3:
0xe7: {  	v3 =	vadd.f32 v9, v3;
	v6 =	vadd.f32 v5, v2;
	v4 =	vld [tilespmem:s10+$0x4E18];
	(pc) =	sbr.rel @p0 .LBB2_7-.Ltmp3, $4  }
0xe8: {  	v5 =	vld [tilespmem:s9+$0x3A58]  }
0xe9: {  	v8 =	vadd.f32 v8, v3;
	v2 =	vld [tilespmem:s9+$0x3F48];
	v9 =	vadd.f32 v7, v6  }
0xea: {  	s11 =	sshra.s32 s12, $0x2;
	v6 =	vld [tilespmem:s9+$0x3CD0]  }
0xeb: {  	s12 =	sadd.s32 $0x40, s12;
	v3 =	vld [tilespmem:s11+$0x2910];
	v7 =	vadd.f32 v11, v8;
	v8 =	vadd.f32 v10, v9  }
0xec: {  	v9 =	vld [tilespmem:s11+$0x2B88]  }
0xed: {  	v10 =	vld [tilespmem:s9+$0x41C0];
	v4 =	vadd.f32 v4, v8  }
0xee: {  	v39 =	vld [tilespmem:s11+$0x2E00]  }
0xef: {  	v11 =	vld [tilespmem:s9+$0x4438];
	v5 =	vadd.f32 v5, v7;
	[tilespmem:s10+$0x5090] =	vst v4  }
0xf0: {  	v4 =	vld [tilespmem:s11+$0x3078]  }
0xf1: {  	v5 =	vadd.f32 v6, v5;
	v3 =	vadd.f32 v9, v3  }
0xf2: {  	v40 =	vld [tilespmem:s11+$0x32F0]  }
0xf3: {  	v41 =	vld [tilespmem:s9+$0x46B0];
	v2 =	vadd.f32 v2, v5;
	v3 =	vadd.f32 v39, v3  }
0xf4: {  	v42 =	vld [tilespmem:s11+$0x3568]  }
0xf5: {  	v43 =	vld [tilespmem:s9+$0x4928];
	v2 =	vadd.f32 v10, v2;
	v3 =	vadd.f32 v4, v3  }
0xf6: {  	v44 =	vld [tilespmem:s11+$0x37E0]  }
0xf7: {  	v45 =	vld [tilespmem:s9+$0x4BA0];
	v2 =	vadd.f32 v11, v2;
	v3 =	vadd.f32 v40, v3  }
0xf8: {  	v46 =	vld [tilespmem:s11+$0x3A58]  }
0xf9: {  	v47 =	vld [tilespmem:s9+$0x4E18];
	v2 =	vadd.f32 v41, v2;
	v3 =	vadd.f32 v42, v3  }
0xfa: {  	v48 =	vld [tilespmem:s11+$0x3CD0]  }
0xfb: {  	v2 =	vadd.f32 v43, v2;
	v3 =	vadd.f32 v44, v3  }
0xfc: {  	v49 =	vld [tilespmem:s11+$0x3F48]  }
0xfd: {  	v2 =	vadd.f32 v45, v2;
	v3 =	vadd.f32 v46, v3  }
0xfe: {  	v50 =	vld [tilespmem:s11+$0x41C0]  }
0xff: {  	v2 =	vadd.f32 v47, v2;
	v3 =	vadd.f32 v48, v3  }
0x100: {  	v51 =	vld [tilespmem:s11+$0x4438]  }
0x101: {  	[tilespmem:s9+$0x5090] =	vst v2;
	v2 =	vadd.f32 v49, v3  }
0x102: {  	v3 =	vld [tilespmem:s11+$0x46B0]  }
0x103: {  	v2 =	vadd.f32 v50, v2  }
0x104: {  	v52 =	vld [tilespmem:s11+$0x4928]  }
0x105: {  	v2 =	vadd.f32 v51, v2  }
0x106: {  	v53 =	vld [tilespmem:s11+$0x4BA0]  }
0x107: {  	v2 =	vadd.f32 v3, v2  }
0x108: {  	v3 =	vld [tilespmem:s11+$0x4E18]  }
0x109: {  	v2 =	vadd.f32 v52, v2;
	_ =	sdelay $0x1  }
0x10a: {  	v2 =	vadd.f32 v53, v2;
	_ =	sdelay $0x1  }
0x10b: {  	v2 =	vadd.f32 v3, v2;
	_ =	sdelay $0x1  }
0x10c: {  	[tilespmem:s11+$0x5090] =	vst v2  }
0x10d: {  	v2 =	vld [tilespmem:$0x2B78]  }
0x10e: {  	v3 =	vld [tilespmem:$0x2DF0];
	_ =	sdelay $0x1  }
0x10f: {  	v54 =	vld [tilespmem:$0x3068];
	_ =	sdelay $0x1  }
0x110: {  	v55 =	vld [tilespmem:$0x32E0]  }
0x111: {  	v2 =	vadd.f32 v3, v2  }
0x112: {  	v3 =	vld [tilespmem:$0x3558]  }
0x113: {  	v2 =	vadd.f32 v54, v2  }
0x114: {  	v56 =	vld [tilespmem:$0x37D0]  }
0x115: {  	v2 =	vadd.f32 v55, v2  }
0x116: {  	v57 =	vld [tilespmem:$0x3A48]  }
0x117: {  	v2 =	vadd.f32 v3, v2  }
0x118: {  	v3 =	vld [tilespmem:$0x3CC0]  }
0x119: {  	v2 =	vadd.f32 v56, v2  }
0x11a: {  	v58 =	vld [tilespmem:$0x3F38]  }
0x11b: {  	v2 =	vadd.f32 v57, v2  }
0x11c: {  	v59 =	vld [tilespmem:$0x41B0]  }
0x11d: {  	v2 =	vadd.f32 v3, v2  }
0x11e: {  	v3 =	vld [tilespmem:$0x4428]  }
0x11f: {  	v2 =	vadd.f32 v58, v2  }
0x120: {  	v60 =	vld [tilespmem:$0x46A0]  }
0x121: {  	v2 =	vadd.f32 v59, v2  }
0x122: {  	v61 =	vld [tilespmem:$0x4918]  }
0x123: {  	v2 =	vadd.f32 v3, v2  }
0x124: {  	v3 =	vld [tilespmem:$0x4B90]  }
0x125: {  	v2 =	vadd.f32 v60, v2  }
0x126: {  	v62 =	vld [tilespmem:$0x4E08]  }
0x127: {  	v2 =	vadd.f32 v61, v2  }
0x128: {  	v63 =	vld [tilespmem:$0x5080]  }
0x129: {  	v2 =	vadd.f32 v3, v2;
	_ =	sdelay $0x1  }
0x12a: {  	v2 =	vadd.f32 v62, v2;
	_ =	sdelay $0x1  }
0x12b: {  	s8 =	sadd.s32 $0x1, s8;
	v2 =	vadd.f32 v63, v2  }
0x12c: {  	p0 =	sne.s32 s8, s25  }
.Ltmp4:
0x12d: {  	s12 =	simm.s32 $0x5090;
	[tilespmem:$0x52F8] =	vst v2;
	(pc) =	sbr.rel @p0 .LBB2_1-.Ltmp4, $4  }
0x12e: {  	[hbm4b:s19+s2] =	stream.linear.scatter [tilespmem:s12], [sflag:$0x5], $0x278, $0x38;
	[tilespmem:$0x7A88] =	vst v63  }
0x12f: {  	_ =	swait.ge [sflag:s6], $0x278  }
0x130: {  	[sflag:s6] =	ssyncset.done $0x0  }
0x131: {  	[sflag:s6] =	ssyncadd.s32 $0xFFFFFD88  }
0x132: {  	_ =	sfence.sel $0x180000  }
0x133: {  	[bflag:$0x0] =	sbarrier.arrive $0xFFFF  }
0x134: {  	_ =	strace $0x90000047  }
0x135: {  	s0 =	stileid.u32;
	[bflag:$0x2] =	sbarrier.arrive $0xFFFF  }
0x136: {  	p0 =	sne.s32 s0, $0x0;
	s0 =	rddreg [dreg:$0x3]  }
0x137: {  	s0 =	sadd.s32 @!p0 $0x100000, s0  }
0x138: {  	[sflag:s0] =	ssyncadd.tile.s32 @!p0 $0x1;
	_ =	shalt  }
.Lfunc_end2:
_tile_overlayer_lowered:
.L_overlay_start_2:
0x139: {  	(tag) =	ssettag $0x2  }
0x13a: {  	s0 =	rddreg [dreg:$0x0];
	s2 =	stileid.u32  }
0x13b: {  	s1 =	rddreg [dreg:$0x1];
	p0 =	sne.s32 s2, $0x0  }
0x13c: {  	s3 =	rddreg [dreg:$0x2];
	[bflag:$0x3] =	sbarrier.arrive $0xFFFF;
	s2 =	simm.s32 @!p0 $0x1C05  }
0x13d: {  	[timem:s3], [sflag:s2] =	dma.local @!p0 [hbm:s0], s1  }
0x13e: {  	s0 =	simm.s32 @!p0 $0x5  }
0x13f: {  	_ =	swait.ge @!p0 [sflag:s0], s1  }
0x140: {  	s1 =	ssub.s32 @!p0 $0x0, s1;
	[sflag:s0] =	ssyncset.done @!p0 $0x0  }
0x141: {  	[sflag:s0] =	ssyncadd.s32 @!p0 s1  }
0x142: {  	[bflag:$0x3] =	sbarrier.arrive $0xFFFF  }
0x143: {  	_ =	shalt  }

</sc_bundles>
